<compile_context>
chip_gen: v7x
topology: tpu7x:2x2x1
jax: 0.10.2.dev20260603
libtpu: 0.0.44.dev20260713+nightly
codegen_flags: <defaults>
</compile_context>

<pallas_src>
import functools

import jax
import jax.numpy as jnp
from jax import lax
from jax.experimental import pallas as pl
from jax.experimental.pallas import tpu as pltpu
from jax.experimental.pallas import tpu_sc as plsc

_NUM_CORES = 2
_NUM_SUBCORES = 16
_NUM_WORKERS = _NUM_CORES * _NUM_SUBCORES
_RPC = 4
_SLOTS = 4


def kernel(token_ids, weights):
    batch, seq = token_ids.shape
    num_idx = batch * seq
    num_rows, dim = weights.shape

    idx = token_ids.reshape(num_idx)
    half = lax.shift_right_logical(idx, 1)
    wpair = weights.reshape(num_rows // 2, 2 * dim)

    rows_per_w = batch // _NUM_WORKERS
    n_chunks = rows_per_w // _RPC
    chunk_idx = _RPC * seq
    na = 128
    nb = chunk_idx - na

    mesh = plsc.VectorSubcoreMesh(core_axis_name="c", subcore_axis_name="s")

    scratch = (
        [pltpu.VMEM((chunk_idx + 8, 2 * dim), jnp.float32) for _ in range(_SLOTS)]
        + [pltpu.VMEM((na,), jnp.int32) for _ in range(_SLOTS)]
        + [pltpu.VMEM((nb,), jnp.int32) for _ in range(_SLOTS)]
        + [pltpu.SemaphoreType.DMA for _ in range(3 * _SLOTS)]
    )

    @functools.partial(
        pl.kernel,
        mesh=mesh,
        out_type=jax.ShapeDtypeStruct((batch, 56, 2 * dim), weights.dtype),
        scratch_types=scratch,
    )
    def gather_kernel(table_hbm, ih_hbm, out_hbm, *scr):
        rvs = scr[0:4]
        iva = scr[4:8]
        ivb = scr[8:12]
        isem = scr[12:16]
        gsem = scr[16:20]
        ssem = scr[20:24]

        wid = lax.axis_index("s") * _NUM_CORES + lax.axis_index("c")
        row_base = wid * rows_per_w

        def idx_copies(t, s):
            off = (row_base + t * _RPC) * seq
            return (
                pltpu.make_async_copy(ih_hbm.at[pl.ds(off, na)], iva[s], isem[s]),
                pltpu.make_async_copy(
                    ih_hbm.at[pl.ds(off + na, nb)], ivb[s], isem[s]
                ),
            )

        def gather_copies(t, s):
            return (
                pltpu.make_async_copy(
                    table_hbm.at[iva[s]], rvs[s].at[pl.ds(0, na)], gsem[s]
                ),
                pltpu.make_async_copy(
                    table_hbm.at[ivb[s]], rvs[s].at[pl.ds(na, nb)], gsem[s]
                ),
            )

        def store_copies(t, s):
            row0 = row_base + t * _RPC
            return tuple(
                pltpu.make_async_copy(
                    rvs[s].at[pl.ds(r * seq, 56)], out_hbm.at[row0 + r], ssem[s]
                )
                for r in range(_RPC)
            )

        def start(cs):
            for c in cs:
                c.start()

        def wait(cs):
            for c in cs:
                c.wait()

        start(idx_copies(0, 0))
        for t in range(_SLOTS):
            s = t
            wait(idx_copies(t, s))
            start(gather_copies(t, s))
            start(idx_copies(t + 1, (t + 1) % _SLOTS))
            if t >= 1:
                wait(gather_copies(t - 1, s - 1))
                start(store_copies(t - 1, s - 1))

        @pl.loop(1, n_chunks // _SLOTS - 1)
        def _(k):
            t0 = k * _SLOTS
            for j in range(_SLOTS):
                t = t0 + j
                s = j
                pj = (j - 1) % _SLOTS
                wait(idx_copies(t, s))
                wait(store_copies(t - _SLOTS, s))
                start(gather_copies(t, s))
                start(idx_copies(t + 1, (j + 1) % _SLOTS))
                wait(gather_copies(t - 1, pj))
                start(store_copies(t - 1, pj))

        for j in range(_SLOTS):
            t = n_chunks - _SLOTS + j
            s = j
            pj = (j - 1) % _SLOTS
            wait(idx_copies(t, s))
            wait(store_copies(t - _SLOTS, s))
            start(gather_copies(t, s))
            if t + 1 < n_chunks:
                start(idx_copies(t + 1, (j + 1) % _SLOTS))
            wait(gather_copies(t - 1, pj))
            start(store_copies(t - 1, pj))

        wait(gather_copies(n_chunks - 1, _SLOTS - 1))
        start(store_copies(n_chunks - 1, _SLOTS - 1))
        for j in range(_SLOTS):
            wait(store_copies(n_chunks - _SLOTS + j, j))

    pairs = gather_kernel(wpair, half)[:, :seq, :]
    odd = lax.bitwise_and(token_ids, 1)[..., None] == 1
    return jnp.where(odd, pairs[..., dim:], pairs[..., :dim])

# --- scband reference (transcript-rebuilt; emitter-appended) ---
"""Pipeline reference for scband-embedding-19610820673858 (READ-ONLY COPY).

The authoritative reference and input builder live on the scoring server;
editing this copy changes nothing except your own understanding.
"""

import jax, jax.numpy as jnp
import numpy as np

NUM_EMBEDDINGS = 1000000
EMBEDDING_DIM = 64

def setup_inputs(seed: int = 0) -> dict:
    key = jax.random.key(seed)
    k1, k2 = jax.random.split(key)
    token_ids = jax.random.randint(k1, (16384, 50), 0, NUM_EMBEDDINGS, dtype=jnp.int64 if jax.config.jax_enable_x64 else jnp.int32)
    # trunc_normal(mean=0, std=1, a=-3, b=3) approximated by clipped normal
    weights = jnp.clip(jax.random.normal(k2, (NUM_EMBEDDINGS, EMBEDDING_DIM), dtype=jnp.float32), -3.0, 3.0)
    return {"token_ids": token_ids, "weights": weights}

def reference(token_ids, weights):
    # Embedding lookup: weights[token_ids]
    return jnp.take(weights, token_ids, axis=0)

if __name__ == "__main__":
    import jax
    _d = setup_inputs()
    print(jax.jit(kernel)(*tuple(_d.values())))

</pallas_src>

<mosaic_0001>
#map = affine_map<(d0, d1) -> (0, 0)>
#map1 = affine_map<(d0, d1) -> (0)>
#map2 = affine_map<(d0, d1) -> (0, 0, 0)>
module attributes {stable_mosaic.version = 14 : i64} {
  func.func @gather_kernel(%arg0: i32, %arg1: i32, %arg2: memref<500000x128xf32, #tpu.memory_space<hbm>>, %arg3: memref<819200xi32, #tpu.memory_space<hbm>>, %arg4: memref<16384x56x128xf32, #tpu.memory_space<hbm>>, %arg5: memref<208x128xf32, #tpu.memory_space<vmem>>, %arg6: memref<208x128xf32, #tpu.memory_space<vmem>>, %arg7: memref<208x128xf32, #tpu.memory_space<vmem>>, %arg8: memref<208x128xf32, #tpu.memory_space<vmem>>, %arg9: memref<128xi32, #tpu.memory_space<vmem>>, %arg10: memref<128xi32, #tpu.memory_space<vmem>>, %arg11: memref<128xi32, #tpu.memory_space<vmem>>, %arg12: memref<128xi32, #tpu.memory_space<vmem>>, %arg13: memref<72xi32, #tpu.memory_space<vmem>>, %arg14: memref<72xi32, #tpu.memory_space<vmem>>, %arg15: memref<72xi32, #tpu.memory_space<vmem>>, %arg16: memref<72xi32, #tpu.memory_space<vmem>>, %arg17: memref<!tpu.dma_semaphore, #tpu.memory_space<semaphore_mem>>, %arg18: memref<!tpu.dma_semaphore, #tpu.memory_space<semaphore_mem>>, %arg19: memref<!tpu.dma_semaphore, #tpu.memory_space<semaphore_mem>>, %arg20: memref<!tpu.dma_semaphore, #tpu.memory_space<semaphore_mem>>, %arg21: memref<!tpu.dma_semaphore, #tpu.memory_space<semaphore_mem>>, %arg22: memref<!tpu.dma_semaphore, #tpu.memory_space<semaphore_mem>>, %arg23: memref<!tpu.dma_semaphore, #tpu.memory_space<semaphore_mem>>, %arg24: memref<!tpu.dma_semaphore, #tpu.memory_space<semaphore_mem>>, %arg25: memref<!tpu.dma_semaphore, #tpu.memory_space<semaphore_mem>>, %arg26: memref<!tpu.dma_semaphore, #tpu.memory_space<semaphore_mem>>, %arg27: memref<!tpu.dma_semaphore, #tpu.memory_space<semaphore_mem>>, %arg28: memref<!tpu.dma_semaphore, #tpu.memory_space<semaphore_mem>>) attributes {dimension_semantics = [#tpu.dimension_semantics<core_parallel>, #tpu.dimension_semantics<subcore_parallel>], iteration_bounds = array<i64: 2, 16>, scalar_prefetch = 0 : i64, scratch_operands = 24 : i64, tpu.core_type = #tpu.core_type<sc_vector_subcore>, window_params = [{transform_indices = #map}, {transform_indices = #map1}, {transform_indices = #map2}]} {
    %mul3A = arith.constant 2 : i32
    %mul3A_0 = arith.muli %arg1, %mul3A : i32
    %add3A = arith.addi %mul3A_0, %arg0 : i32
    %mul3A_1 = arith.constant 512 : i32
    %mul3A_2 = arith.muli %add3A, %mul3A_1 : i32
    %add3A_3 = arith.constant 0 : i32
    %add3A_4 = arith.addi %mul3A_2, %add3A_3 : i32
    %mul3A_5 = arith.constant 50 : i32
    %mul3A_6 = arith.muli %add3A_4, %mul3A_5 : i32
    %add3A_7 = arith.constant 128 : i32
    %add3A_8 = arith.addi %mul3A_6, %add3A_7 : i32
    %dma_start3A = tpu.memref_slice %arg3[%mul3A_6] : memref<819200xi32, #tpu.memory_space<hbm>> -> memref<128xi32, #tpu.memory_space<hbm>>
    %dma_start3A_9 = tpu.memref_slice %arg3[%mul3A_6] : memref<819200xi32, #tpu.memory_space<hbm>> -> memref<128xi32, #tpu.memory_space<hbm>>
    tpu.enqueue_dma source(%dma_start3A_9 : memref<128xi32, #tpu.memory_space<hbm>>) target(%arg9 : memref<128xi32, #tpu.memory_space<vmem>>) target_semaphore(%arg17 : memref<!tpu.dma_semaphore, #tpu.memory_space<semaphore_mem>>)
    %dma_start3A_10 = tpu.memref_slice %arg3[%add3A_8] : memref<819200xi32, #tpu.memory_space<hbm>> -> memref<72xi32, #tpu.memory_space<hbm>>
    %dma_start3A_11 = tpu.memref_slice %arg3[%add3A_8] : memref<819200xi32, #tpu.memory_space<hbm>> -> memref<72xi32, #tpu.memory_space<hbm>>
    tpu.enqueue_dma source(%dma_start3A_11 : memref<72xi32, #tpu.memory_space<hbm>>) target(%arg13 : memref<72xi32, #tpu.memory_space<vmem>>) target_semaphore(%arg17 : memref<!tpu.dma_semaphore, #tpu.memory_space<semaphore_mem>>)
    %add3A_12 = arith.constant 0 : i32
    %add3A_13 = arith.addi %mul3A_2, %add3A_12 : i32
    %mul3A_14 = arith.constant 50 : i32
    %mul3A_15 = arith.muli %add3A_13, %mul3A_14 : i32
    %add3A_16 = arith.constant 128 : i32
    %add3A_17 = arith.addi %mul3A_15, %add3A_16 : i32
    %dma_wait3A = tpu.memref_slice %arg3[%mul3A_15] : memref<819200xi32, #tpu.memory_space<hbm>> -> memref<128xi32, #tpu.memory_space<hbm>>
    %dma_wait3A_18 = tpu.memref_slice %arg3[%mul3A_15] : memref<819200xi32, #tpu.memory_space<hbm>> -> memref<128xi32, #tpu.memory_space<hbm>>
    tpu.wait_dma2 semaphore(%arg17 : memref<!tpu.dma_semaphore, #tpu.memory_space<semaphore_mem>>) src(%dma_wait3A_18 : memref<128xi32, #tpu.memory_space<hbm>>) dst(%arg9 : memref<128xi32, #tpu.memory_space<vmem>>)
    %dma_wait3A_19 = tpu.memref_slice %arg3[%add3A_17] : memref<819200xi32, #tpu.memory_space<hbm>> -> memref<72xi32, #tpu.memory_space<hbm>>
    %dma_wait3A_20 = tpu.memref_slice %arg3[%add3A_17] : memref<819200xi32, #tpu.memory_space<hbm>> -> memref<72xi32, #tpu.memory_space<hbm>>
    tpu.wait_dma2 semaphore(%arg17 : memref<!tpu.dma_semaphore, #tpu.memory_space<semaphore_mem>>) src(%dma_wait3A_20 : memref<72xi32, #tpu.memory_space<hbm>>) dst(%arg13 : memref<72xi32, #tpu.memory_space<vmem>>)
    %dma_start3A_21 = arith.constant 0 : i32
    %dma_start3A_22 = arith.constant 0 : i32
    %dma_start3A_23 = tpu.memref_slice %arg5[%dma_start3A_21, %dma_start3A_22] : memref<208x128xf32, #tpu.memory_space<vmem>> -> memref<128x128xf32, #tpu.memory_space<vmem>>
    %dma_start3A_24 = arith.constant 0 : i32
    %dma_start3A_25 = arith.constant 0 : i32
    %dma_start3A_26 = tpu.memref_slice %arg2[%dma_start3A_24, %dma_start3A_25] : memref<500000x128xf32, #tpu.memory_space<hbm>> -> memref<500000x128xf32, #tpu.memory_space<hbm>>
    tpu.enqueue_indirect_dma source(%dma_start3A_26 : memref<500000x128xf32, #tpu.memory_space<hbm>>) target(%dma_start3A_23 : memref<128x128xf32, #tpu.memory_space<vmem>>) offsets(%arg9 : memref<128xi32, #tpu.memory_space<vmem>>) semaphore(%arg21 : memref<!tpu.dma_semaphore, #tpu.memory_space<semaphore_mem>>)
    %dma_start3A_27 = arith.constant 128 : i32
    %dma_start3A_28 = arith.constant 0 : i32
    %dma_start3A_29 = tpu.memref_slice %arg5[%dma_start3A_27, %dma_start3A_28] : memref<208x128xf32, #tpu.memory_space<vmem>> -> memref<72x128xf32, #tpu.memory_space<vmem>>
    %dma_start3A_30 = arith.constant 0 : i32
    %dma_start3A_31 = arith.constant 0 : i32
    %dma_start3A_32 = tpu.memref_slice %arg2[%dma_start3A_30, %dma_start3A_31] : memref<500000x128xf32, #tpu.memory_space<hbm>> -> memref<500000x128xf32, #tpu.memory_space<hbm>>
    tpu.enqueue_indirect_dma source(%dma_start3A_32 : memref<500000x128xf32, #tpu.memory_space<hbm>>) target(%dma_start3A_29 : memref<72x128xf32, #tpu.memory_space<vmem>>) offsets(%arg13 : memref<72xi32, #tpu.memory_space<vmem>>) semaphore(%arg21 : memref<!tpu.dma_semaphore, #tpu.memory_space<semaphore_mem>>)
    %add3A_33 = arith.constant 4 : i32
    %add3A_34 = arith.addi %mul3A_2, %add3A_33 : i32
    %mul3A_35 = arith.constant 50 : i32
    %mul3A_36 = arith.muli %add3A_34, %mul3A_35 : i32
    %add3A_37 = arith.constant 128 : i32
    %add3A_38 = arith.addi %mul3A_36, %add3A_37 : i32
    %dma_start3A_39 = tpu.memref_slice %arg3[%mul3A_36] : memref<819200xi32, #tpu.memory_space<hbm>> -> memref<128xi32, #tpu.memory_space<hbm>>
    %dma_start3A_40 = tpu.memref_slice %arg3[%mul3A_36] : memref<819200xi32, #tpu.memory_space<hbm>> -> memref<128xi32, #tpu.memory_space<hbm>>
    tpu.enqueue_dma source(%dma_start3A_40 : memref<128xi32, #tpu.memory_space<hbm>>) target(%arg10 : memref<128xi32, #tpu.memory_space<vmem>>) target_semaphore(%arg18 : memref<!tpu.dma_semaphore, #tpu.memory_space<semaphore_mem>>)
    %dma_start3A_41 = tpu.memref_slice %arg3[%add3A_38] : memref<819200xi32, #tpu.memory_space<hbm>> -> memref<72xi32, #tpu.memory_space<hbm>>
    %dma_start3A_42 = tpu.memref_slice %arg3[%add3A_38] : memref<819200xi32, #tpu.memory_space<hbm>> -> memref<72xi32, #tpu.memory_space<hbm>>
    tpu.enqueue_dma source(%dma_start3A_42 : memref<72xi32, #tpu.memory_space<hbm>>) target(%arg14 : memref<72xi32, #tpu.memory_space<vmem>>) target_semaphore(%arg18 : memref<!tpu.dma_semaphore, #tpu.memory_space<semaphore_mem>>)
    %add3A_43 = arith.constant 4 : i32
    %add3A_44 = arith.addi %mul3A_2, %add3A_43 : i32
    %mul3A_45 = arith.constant 50 : i32
    %mul3A_46 = arith.muli %add3A_44, %mul3A_45 : i32
    %add3A_47 = arith.constant 128 : i32
    %add3A_48 = arith.addi %mul3A_46, %add3A_47 : i32
    %dma_wait3A_49 = tpu.memref_slice %arg3[%mul3A_46] : memref<819200xi32, #tpu.memory_space<hbm>> -> memref<128xi32, #tpu.memory_space<hbm>>
    %dma_wait3A_50 = tpu.memref_slice %arg3[%mul3A_46] : memref<819200xi32, #tpu.memory_space<hbm>> -> memref<128xi32, #tpu.memory_space<hbm>>
    tpu.wait_dma2 semaphore(%arg18 : memref<!tpu.dma_semaphore, #tpu.memory_space<semaphore_mem>>) src(%dma_wait3A_50 : memref<128xi32, #tpu.memory_space<hbm>>) dst(%arg10 : memref<128xi32, #tpu.memory_space<vmem>>)
    %dma_wait3A_51 = tpu.memref_slice %arg3[%add3A_48] : memref<819200xi32, #tpu.memory_space<hbm>> -> memref<72xi32, #tpu.memory_space<hbm>>
    %dma_wait3A_52 = tpu.memref_slice %arg3[%add3A_48] : memref<819200xi32, #tpu.memory_space<hbm>> -> memref<72xi32, #tpu.memory_space<hbm>>
    tpu.wait_dma2 semaphore(%arg18 : memref<!tpu.dma_semaphore, #tpu.memory_space<semaphore_mem>>) src(%dma_wait3A_52 : memref<72xi32, #tpu.memory_space<hbm>>) dst(%arg14 : memref<72xi32, #tpu.memory_space<vmem>>)
    %dma_start3A_53 = arith.constant 0 : i32
    %dma_start3A_54 = arith.constant 0 : i32
    %dma_start3A_55 = tpu.memref_slice %arg6[%dma_start3A_53, %dma_start3A_54] : memref<208x128xf32, #tpu.memory_space<vmem>> -> memref<128x128xf32, #tpu.memory_space<vmem>>
    %dma_start3A_56 = arith.constant 0 : i32
    %dma_start3A_57 = arith.constant 0 : i32
    %dma_start3A_58 = tpu.memref_slice %arg2[%dma_start3A_56, %dma_start3A_57] : memref<500000x128xf32, #tpu.memory_space<hbm>> -> memref<500000x128xf32, #tpu.memory_space<hbm>>
    tpu.enqueue_indirect_dma source(%dma_start3A_58 : memref<500000x128xf32, #tpu.memory_space<hbm>>) target(%dma_start3A_55 : memref<128x128xf32, #tpu.memory_space<vmem>>) offsets(%arg10 : memref<128xi32, #tpu.memory_space<vmem>>) semaphore(%arg22 : memref<!tpu.dma_semaphore, #tpu.memory_space<semaphore_mem>>)
    %dma_start3A_59 = arith.constant 128 : i32
    %dma_start3A_60 = arith.constant 0 : i32
    %dma_start3A_61 = tpu.memref_slice %arg6[%dma_start3A_59, %dma_start3A_60] : memref<208x128xf32, #tpu.memory_space<vmem>> -> memref<72x128xf32, #tpu.memory_space<vmem>>
    %dma_start3A_62 = arith.constant 0 : i32
    %dma_start3A_63 = arith.constant 0 : i32
    %dma_start3A_64 = tpu.memref_slice %arg2[%dma_start3A_62, %dma_start3A_63] : memref<500000x128xf32, #tpu.memory_space<hbm>> -> memref<500000x128xf32, #tpu.memory_space<hbm>>
    tpu.enqueue_indirect_dma source(%dma_start3A_64 : memref<500000x128xf32, #tpu.memory_space<hbm>>) target(%dma_start3A_61 : memref<72x128xf32, #tpu.memory_space<vmem>>) offsets(%arg14 : memref<72xi32, #tpu.memory_space<vmem>>) semaphore(%arg22 : memref<!tpu.dma_semaphore, #tpu.memory_space<semaphore_mem>>)
    %add3A_65 = arith.constant 8 : i32
    %add3A_66 = arith.addi %mul3A_2, %add3A_65 : i32
    %mul3A_67 = arith.constant 50 : i32
    %mul3A_68 = arith.muli %add3A_66, %mul3A_67 : i32
    %add3A_69 = arith.constant 128 : i32
    %add3A_70 = arith.addi %mul3A_68, %add3A_69 : i32
    %dma_start3A_71 = tpu.memref_slice %arg3[%mul3A_68] : memref<819200xi32, #tpu.memory_space<hbm>> -> memref<128xi32, #tpu.memory_space<hbm>>
    %dma_start3A_72 = tpu.memref_slice %arg3[%mul3A_68] : memref<819200xi32, #tpu.memory_space<hbm>> -> memref<128xi32, #tpu.memory_space<hbm>>
    tpu.enqueue_dma source(%dma_start3A_72 : memref<128xi32, #tpu.memory_space<hbm>>) target(%arg11 : memref<128xi32, #tpu.memory_space<vmem>>) target_semaphore(%arg19 : memref<!tpu.dma_semaphore, #tpu.memory_space<semaphore_mem>>)
    %dma_start3A_73 = tpu.memref_slice %arg3[%add3A_70] : memref<819200xi32, #tpu.memory_space<hbm>> -> memref<72xi32, #tpu.memory_space<hbm>>
    %dma_start3A_74 = tpu.memref_slice %arg3[%add3A_70] : memref<819200xi32, #tpu.memory_space<hbm>> -> memref<72xi32, #tpu.memory_space<hbm>>
    tpu.enqueue_dma source(%dma_start3A_74 : memref<72xi32, #tpu.memory_space<hbm>>) target(%arg15 : memref<72xi32, #tpu.memory_space<vmem>>) target_semaphore(%arg19 : memref<!tpu.dma_semaphore, #tpu.memory_space<semaphore_mem>>)
    %dma_wait3A_75 = arith.constant 0 : i32
    %dma_wait3A_76 = arith.constant 0 : i32
    %dma_wait3A_77 = tpu.memref_slice %arg5[%dma_wait3A_75, %dma_wait3A_76] : memref<208x128xf32, #tpu.memory_space<vmem>> -> memref<128x128xf32, #tpu.memory_space<vmem>>
    %dma_wait3A_78 = arith.constant 0 : i32
    %dma_wait3A_79 = arith.constant 0 : i32
    %dma_wait3A_80 = tpu.memref_slice %arg2[%dma_wait3A_78, %dma_wait3A_79] : memref<500000x128xf32, #tpu.memory_space<hbm>> -> memref<500000x128xf32, #tpu.memory_space<hbm>>
    tpu.wait_indirect_dma semaphore(%arg21 : memref<!tpu.dma_semaphore, #tpu.memory_space<semaphore_mem>>) src(%dma_wait3A_80 : memref<500000x128xf32, #tpu.memory_space<hbm>>) dst(%dma_wait3A_77 : memref<128x128xf32, #tpu.memory_space<vmem>>)
    %dma_wait3A_81 = arith.constant 128 : i32
    %dma_wait3A_82 = arith.constant 0 : i32
    %dma_wait3A_83 = tpu.memref_slice %arg5[%dma_wait3A_81, %dma_wait3A_82] : memref<208x128xf32, #tpu.memory_space<vmem>> -> memref<72x128xf32, #tpu.memory_space<vmem>>
    %dma_wait3A_84 = arith.constant 0 : i32
    %dma_wait3A_85 = arith.constant 0 : i32
    %dma_wait3A_86 = tpu.memref_slice %arg2[%dma_wait3A_84, %dma_wait3A_85] : memref<500000x128xf32, #tpu.memory_space<hbm>> -> memref<500000x128xf32, #tpu.memory_space<hbm>>
    tpu.wait_indirect_dma semaphore(%arg21 : memref<!tpu.dma_semaphore, #tpu.memory_space<semaphore_mem>>) src(%dma_wait3A_86 : memref<500000x128xf32, #tpu.memory_space<hbm>>) dst(%dma_wait3A_83 : memref<72x128xf32, #tpu.memory_space<vmem>>)
    %add3A_87 = arith.constant 0 : i32
    %add3A_88 = arith.addi %mul3A_2, %add3A_87 : i32
    %add3A_89 = arith.constant 0 : i32
    %add3A_90 = arith.addi %add3A_88, %add3A_89 : i32
    %add3A_91 = arith.constant 1 : i32
    %add3A_92 = arith.addi %add3A_88, %add3A_91 : i32
    %add3A_93 = arith.constant 2 : i32
    %add3A_94 = arith.addi %add3A_88, %add3A_93 : i32
    %add3A_95 = arith.constant 3 : i32
    %add3A_96 = arith.addi %add3A_88, %add3A_95 : i32
    %dma_start3A_97 = arith.constant 0 : i32
    %dma_start3A_98 = arith.constant 0 : i32
    %dma_start3A_99 = tpu.memref_slice %arg5[%dma_start3A_97, %dma_start3A_98] : memref<208x128xf32, #tpu.memory_space<vmem>> -> memref<56x128xf32, #tpu.memory_space<vmem>>
    %dma_start3A_100 = arith.constant 0 : i32
    %dma_start3A_101 = arith.constant 0 : i32
    %dma_start3A_102 = tpu.memref_slice %arg4[%add3A_90, %dma_start3A_100, %dma_start3A_101] : memref<16384x56x128xf32, #tpu.memory_space<hbm>> -> memref<1x56x128xf32, #tpu.memory_space<hbm>>
    %dma_start3A_103 = tpu.memref_squeeze %dma_start3A_102 : memref<1x56x128xf32, #tpu.memory_space<hbm>> -> memref<56x128xf32, #tpu.memory_space<hbm>>
    %dma_start3A_104 = arith.constant 0 : i32
    %dma_start3A_105 = arith.constant 0 : i32
    %dma_start3A_106 = tpu.memref_slice %arg4[%add3A_90, %dma_start3A_104, %dma_start3A_105] : memref<16384x56x128xf32, #tpu.memory_space<hbm>> -> memref<1x56x128xf32, #tpu.memory_space<hbm>>
    %dma_start3A_107 = tpu.memref_squeeze %dma_start3A_106 : memref<1x56x128xf32, #tpu.memory_space<hbm>> -> memref<56x128xf32, #tpu.memory_space<hbm>>
    %dma_start3A_108 = arith.constant 0 : i32
    %dma_start3A_109 = arith.constant 0 : i32
    %dma_start3A_110 = tpu.memref_slice %arg5[%dma_start3A_108, %dma_start3A_109] : memref<208x128xf32, #tpu.memory_space<vmem>> -> memref<56x128xf32, #tpu.memory_space<vmem>>
    tpu.enqueue_dma source(%dma_start3A_110 : memref<56x128xf32, #tpu.memory_space<vmem>>) target(%dma_start3A_107 : memref<56x128xf32, #tpu.memory_space<hbm>>) target_semaphore(%arg25 : memref<!tpu.dma_semaphore, #tpu.memory_space<semaphore_mem>>)
    %dma_start3A_111 = arith.constant 50 : i32
    %dma_start3A_112 = arith.constant 0 : i32
    %dma_start3A_113 = tpu.memref_slice %arg5[%dma_start3A_111, %dma_start3A_112] : memref<208x128xf32, #tpu.memory_space<vmem>> -> memref<56x128xf32, #tpu.memory_space<vmem>>
    %dma_start3A_114 = arith.constant 0 : i32
    %dma_start3A_115 = arith.constant 0 : i32
    %dma_start3A_116 = tpu.memref_slice %arg4[%add3A_92, %dma_start3A_114, %dma_start3A_115] : memref<16384x56x128xf32, #tpu.memory_space<hbm>> -> memref<1x56x128xf32, #tpu.memory_space<hbm>>
    %dma_start3A_117 = tpu.memref_squeeze %dma_start3A_116 : memref<1x56x128xf32, #tpu.memory_space<hbm>> -> memref<56x128xf32, #tpu.memory_space<hbm>>
    %dma_start3A_118 = arith.constant 0 : i32
    %dma_start3A_119 = arith.constant 0 : i32
    %dma_start3A_120 = tpu.memref_slice %arg4[%add3A_92, %dma_start3A_118, %dma_start3A_119] : memref<16384x56x128xf32, #tpu.memory_space<hbm>> -> memref<1x56x128xf32, #tpu.memory_space<hbm>>
    %dma_start3A_121 = tpu.memref_squeeze %dma_start3A_120 : memref<1x56x128xf32, #tpu.memory_space<hbm>> -> memref<56x128xf32, #tpu.memory_space<hbm>>
    %dma_start3A_122 = arith.constant 50 : i32
    %dma_start3A_123 = arith.constant 0 : i32
    %dma_start3A_124 = tpu.memref_slice %arg5[%dma_start3A_122, %dma_start3A_123] : memref<208x128xf32, #tpu.memory_space<vmem>> -> memref<56x128xf32, #tpu.memory_space<vmem>>
    tpu.enqueue_dma source(%dma_start3A_124 : memref<56x128xf32, #tpu.memory_space<vmem>>) target(%dma_start3A_121 : memref<56x128xf32, #tpu.memory_space<hbm>>) target_semaphore(%arg25 : memref<!tpu.dma_semaphore, #tpu.memory_space<semaphore_mem>>)
    %dma_start3A_125 = arith.constant 100 : i32
    %dma_start3A_126 = arith.constant 0 : i32
    %dma_start3A_127 = tpu.memref_slice %arg5[%dma_start3A_125, %dma_start3A_126] : memref<208x128xf32, #tpu.memory_space<vmem>> -> memref<56x128xf32, #tpu.memory_space<vmem>>
    %dma_start3A_128 = arith.constant 0 : i32
    %dma_start3A_129 = arith.constant 0 : i32
    %dma_start3A_130 = tpu.memref_slice %arg4[%add3A_94, %dma_start3A_128, %dma_start3A_129] : memref<16384x56x128xf32, #tpu.memory_space<hbm>> -> memref<1x56x128xf32, #tpu.memory_space<hbm>>
    %dma_start3A_131 = tpu.memref_squeeze %dma_start3A_130 : memref<1x56x128xf32, #tpu.memory_space<hbm>> -> memref<56x128xf32, #tpu.memory_space<hbm>>
    %dma_start3A_132 = arith.constant 0 : i32
    %dma_start3A_133 = arith.constant 0 : i32
    %dma_start3A_134 = tpu.memref_slice %arg4[%add3A_94, %dma_start3A_132, %dma_start3A_133] : memref<16384x56x128xf32, #tpu.memory_space<hbm>> -> memref<1x56x128xf32, #tpu.memory_space<hbm>>
    %dma_start3A_135 = tpu.memref_squeeze %dma_start3A_134 : memref<1x56x128xf32, #tpu.memory_space<hbm>> -> memref<56x128xf32, #tpu.memory_space<hbm>>
    %dma_start3A_136 = arith.constant 100 : i32
    %dma_start3A_137 = arith.constant 0 : i32
    %dma_start3A_138 = tpu.memref_slice %arg5[%dma_start3A_136, %dma_start3A_137] : memref<208x128xf32, #tpu.memory_space<vmem>> -> memref<56x128xf32, #tpu.memory_space<vmem>>
    tpu.enqueue_dma source(%dma_start3A_138 : memref<56x128xf32, #tpu.memory_space<vmem>>) target(%dma_start3A_135 : memref<56x128xf32, #tpu.memory_space<hbm>>) target_semaphore(%arg25 : memref<!tpu.dma_semaphore, #tpu.memory_space<semaphore_mem>>)
    %dma_start3A_139 = arith.constant 150 : i32
    %dma_start3A_140 = arith.constant 0 : i32
    %dma_start3A_141 = tpu.memref_slice %arg5[%dma_start3A_139, %dma_start3A_140] : memref<208x128xf32, #tpu.memory_space<vmem>> -> memref<56x128xf32, #tpu.memory_space<vmem>>
    %dma_start3A_142 = arith.constant 0 : i32
    %dma_start3A_143 = arith.constant 0 : i32
    %dma_start3A_144 = tpu.memref_slice %arg4[%add3A_96, %dma_start3A_142, %dma_start3A_143] : memref<16384x56x128xf32, #tpu.memory_space<hbm>> -> memref<1x56x128xf32, #tpu.memory_space<hbm>>
    %dma_start3A_145 = tpu.memref_squeeze %dma_start3A_144 : memref<1x56x128xf32, #tpu.memory_space<hbm>> -> memref<56x128xf32, #tpu.memory_space<hbm>>
    %dma_start3A_146 = arith.constant 0 : i32
    %dma_start3A_147 = arith.constant 0 : i32
    %dma_start3A_148 = tpu.memref_slice %arg4[%add3A_96, %dma_start3A_146, %dma_start3A_147] : memref<16384x56x128xf32, #tpu.memory_space<hbm>> -> memref<1x56x128xf32, #tpu.memory_space<hbm>>
    %dma_start3A_149 = tpu.memref_squeeze %dma_start3A_148 : memref<1x56x128xf32, #tpu.memory_space<hbm>> -> memref<56x128xf32, #tpu.memory_space<hbm>>
    %dma_start3A_150 = arith.constant 150 : i32
    %dma_start3A_151 = arith.constant 0 : i32
    %dma_start3A_152 = tpu.memref_slice %arg5[%dma_start3A_150, %dma_start3A_151] : memref<208x128xf32, #tpu.memory_space<vmem>> -> memref<56x128xf32, #tpu.memory_space<vmem>>
    tpu.enqueue_dma source(%dma_start3A_152 : memref<56x128xf32, #tpu.memory_space<vmem>>) target(%dma_start3A_149 : memref<56x128xf32, #tpu.memory_space<hbm>>) target_semaphore(%arg25 : memref<!tpu.dma_semaphore, #tpu.memory_space<semaphore_mem>>)
    %add3A_153 = arith.constant 8 : i32
    %add3A_154 = arith.addi %mul3A_2, %add3A_153 : i32
    %mul3A_155 = arith.constant 50 : i32
    %mul3A_156 = arith.muli %add3A_154, %mul3A_155 : i32
    %add3A_157 = arith.constant 128 : i32
    %add3A_158 = arith.addi %mul3A_156, %add3A_157 : i32
    %dma_wait3A_159 = tpu.memref_slice %arg3[%mul3A_156] : memref<819200xi32, #tpu.memory_space<hbm>> -> memref<128xi32, #tpu.memory_space<hbm>>
    %dma_wait3A_160 = tpu.memref_slice %arg3[%mul3A_156] : memref<819200xi32, #tpu.memory_space<hbm>> -> memref<128xi32, #tpu.memory_space<hbm>>
    tpu.wait_dma2 semaphore(%arg19 : memref<!tpu.dma_semaphore, #tpu.memory_space<semaphore_mem>>) src(%dma_wait3A_160 : memref<128xi32, #tpu.memory_space<hbm>>) dst(%arg11 : memref<128xi32, #tpu.memory_space<vmem>>)
    %dma_wait3A_161 = tpu.memref_slice %arg3[%add3A_158] : memref<819200xi32, #tpu.memory_space<hbm>> -> memref<72xi32, #tpu.memory_space<hbm>>
    %dma_wait3A_162 = tpu.memref_slice %arg3[%add3A_158] : memref<819200xi32, #tpu.memory_space<hbm>> -> memref<72xi32, #tpu.memory_space<hbm>>
    tpu.wait_dma2 semaphore(%arg19 : memref<!tpu.dma_semaphore, #tpu.memory_space<semaphore_mem>>) src(%dma_wait3A_162 : memref<72xi32, #tpu.memory_space<hbm>>) dst(%arg15 : memref<72xi32, #tpu.memory_space<vmem>>)
    %dma_start3A_163 = arith.constant 0 : i32
    %dma_start3A_164 = arith.constant 0 : i32
    %dma_start3A_165 = tpu.memref_slice %arg7[%dma_start3A_163, %dma_start3A_164] : memref<208x128xf32, #tpu.memory_space<vmem>> -> memref<128x128xf32, #tpu.memory_space<vmem>>
    %dma_start3A_166 = arith.constant 0 : i32
    %dma_start3A_167 = arith.constant 0 : i32
    %dma_start3A_168 = tpu.memref_slice %arg2[%dma_start3A_166, %dma_start3A_167] : memref<500000x128xf32, #tpu.memory_space<hbm>> -> memref<500000x128xf32, #tpu.memory_space<hbm>>
    tpu.enqueue_indirect_dma source(%dma_start3A_168 : memref<500000x128xf32, #tpu.memory_space<hbm>>) target(%dma_start3A_165 : memref<128x128xf32, #tpu.memory_space<vmem>>) offsets(%arg11 : memref<128xi32, #tpu.memory_space<vmem>>) semaphore(%arg23 : memref<!tpu.dma_semaphore, #tpu.memory_space<semaphore_mem>>)
    %dma_start3A_169 = arith.constant 128 : i32
    %dma_start3A_170 = arith.constant 0 : i32
    %dma_start3A_171 = tpu.memref_slice %arg7[%dma_start3A_169, %dma_start3A_170] : memref<208x128xf32, #tpu.memory_space<vmem>> -> memref<72x128xf32, #tpu.memory_space<vmem>>
    %dma_start3A_172 = arith.constant 0 : i32
    %dma_start3A_173 = arith.constant 0 : i32
    %dma_start3A_174 = tpu.memref_slice %arg2[%dma_start3A_172, %dma_start3A_173] : memref<500000x128xf32, #tpu.memory_space<hbm>> -> memref<500000x128xf32, #tpu.memory_space<hbm>>
    tpu.enqueue_indirect_dma source(%dma_start3A_174 : memref<500000x128xf32, #tpu.memory_space<hbm>>) target(%dma_start3A_171 : memref<72x128xf32, #tpu.memory_space<vmem>>) offsets(%arg15 : memref<72xi32, #tpu.memory_space<vmem>>) semaphore(%arg23 : memref<!tpu.dma_semaphore, #tpu.memory_space<semaphore_mem>>)
    %add3A_175 = arith.constant 12 : i32
    %add3A_176 = arith.addi %mul3A_2, %add3A_175 : i32
    %mul3A_177 = arith.constant 50 : i32
    %mul3A_178 = arith.muli %add3A_176, %mul3A_177 : i32
    %add3A_179 = arith.constant 128 : i32
    %add3A_180 = arith.addi %mul3A_178, %add3A_179 : i32
    %dma_start3A_181 = tpu.memref_slice %arg3[%mul3A_178] : memref<819200xi32, #tpu.memory_space<hbm>> -> memref<128xi32, #tpu.memory_space<hbm>>
    %dma_start3A_182 = tpu.memref_slice %arg3[%mul3A_178] : memref<819200xi32, #tpu.memory_space<hbm>> -> memref<128xi32, #tpu.memory_space<hbm>>
    tpu.enqueue_dma source(%dma_start3A_182 : memref<128xi32, #tpu.memory_space<hbm>>) target(%arg12 : memref<128xi32, #tpu.memory_space<vmem>>) target_semaphore(%arg20 : memref<!tpu.dma_semaphore, #tpu.memory_space<semaphore_mem>>)
    %dma_start3A_183 = tpu.memref_slice %arg3[%add3A_180] : memref<819200xi32, #tpu.memory_space<hbm>> -> memref<72xi32, #tpu.memory_space<hbm>>
    %dma_start3A_184 = tpu.memref_slice %arg3[%add3A_180] : memref<819200xi32, #tpu.memory_space<hbm>> -> memref<72xi32, #tpu.memory_space<hbm>>
    tpu.enqueue_dma source(%dma_start3A_184 : memref<72xi32, #tpu.memory_space<hbm>>) target(%arg16 : memref<72xi32, #tpu.memory_space<vmem>>) target_semaphore(%arg20 : memref<!tpu.dma_semaphore, #tpu.memory_space<semaphore_mem>>)
    %dma_wait3A_185 = arith.constant 0 : i32
    %dma_wait3A_186 = arith.constant 0 : i32
    %dma_wait3A_187 = tpu.memref_slice %arg6[%dma_wait3A_185, %dma_wait3A_186] : memref<208x128xf32, #tpu.memory_space<vmem>> -> memref<128x128xf32, #tpu.memory_space<vmem>>
    %dma_wait3A_188 = arith.constant 0 : i32
    %dma_wait3A_189 = arith.constant 0 : i32
    %dma_wait3A_190 = tpu.memref_slice %arg2[%dma_wait3A_188, %dma_wait3A_189] : memref<500000x128xf32, #tpu.memory_space<hbm>> -> memref<500000x128xf32, #tpu.memory_space<hbm>>
    tpu.wait_indirect_dma semaphore(%arg22 : memref<!tpu.dma_semaphore, #tpu.memory_space<semaphore_mem>>) src(%dma_wait3A_190 : memref<500000x128xf32, #tpu.memory_space<hbm>>) dst(%dma_wait3A_187 : memref<128x128xf32, #tpu.memory_space<vmem>>)
    %dma_wait3A_191 = arith.constant 128 : i32
    %dma_wait3A_192 = arith.constant 0 : i32
    %dma_wait3A_193 = tpu.memref_slice %arg6[%dma_wait3A_191, %dma_wait3A_192] : memref<208x128xf32, #tpu.memory_space<vmem>> -> memref<72x128xf32, #tpu.memory_space<vmem>>
    %dma_wait3A_194 = arith.constant 0 : i32
    %dma_wait3A_195 = arith.constant 0 : i32
    %dma_wait3A_196 = tpu.memref_slice %arg2[%dma_wait3A_194, %dma_wait3A_195] : memref<500000x128xf32, #tpu.memory_space<hbm>> -> memref<500000x128xf32, #tpu.memory_space<hbm>>
    tpu.wait_indirect_dma semaphore(%arg22 : memref<!tpu.dma_semaphore, #tpu.memory_space<semaphore_mem>>) src(%dma_wait3A_196 : memref<500000x128xf32, #tpu.memory_space<hbm>>) dst(%dma_wait3A_193 : memref<72x128xf32, #tpu.memory_space<vmem>>)
    %add3A_197 = arith.constant 4 : i32
    %add3A_198 = arith.addi %mul3A_2, %add3A_197 : i32
    %add3A_199 = arith.constant 0 : i32
    %add3A_200 = arith.addi %add3A_198, %add3A_199 : i32
    %add3A_201 = arith.constant 1 : i32
    %add3A_202 = arith.addi %add3A_198, %add3A_201 : i32
    %add3A_203 = arith.constant 2 : i32
    %add3A_204 = arith.addi %add3A_198, %add3A_203 : i32
    %add3A_205 = arith.constant 3 : i32
    %add3A_206 = arith.addi %add3A_198, %add3A_205 : i32
    %dma_start3A_207 = arith.constant 0 : i32
    %dma_start3A_208 = arith.constant 0 : i32
    %dma_start3A_209 = tpu.memref_slice %arg6[%dma_start3A_207, %dma_start3A_208] : memref<208x128xf32, #tpu.memory_space<vmem>> -> memref<56x128xf32, #tpu.memory_space<vmem>>
    %dma_start3A_210 = arith.constant 0 : i32
    %dma_start3A_211 = arith.constant 0 : i32
    %dma_start3A_212 = tpu.memref_slice %arg4[%add3A_200, %dma_start3A_210, %dma_start3A_211] : memref<16384x56x128xf32, #tpu.memory_space<hbm>> -> memref<1x56x128xf32, #tpu.memory_space<hbm>>
    %dma_start3A_213 = tpu.memref_squeeze %dma_start3A_212 : memref<1x56x128xf32, #tpu.memory_space<hbm>> -> memref<56x128xf32, #tpu.memory_space<hbm>>
    %dma_start3A_214 = arith.constant 0 : i32
    %dma_start3A_215 = arith.constant 0 : i32
    %dma_start3A_216 = tpu.memref_slice %arg4[%add3A_200, %dma_start3A_214, %dma_start3A_215] : memref<16384x56x128xf32, #tpu.memory_space<hbm>> -> memref<1x56x128xf32, #tpu.memory_space<hbm>>
    %dma_start3A_217 = tpu.memref_squeeze %dma_start3A_216 : memref<1x56x128xf32, #tpu.memory_space<hbm>> -> memref<56x128xf32, #tpu.memory_space<hbm>>
    %dma_start3A_218 = arith.constant 0 : i32
    %dma_start3A_219 = arith.constant 0 : i32
    %dma_start3A_220 = tpu.memref_slice %arg6[%dma_start3A_218, %dma_start3A_219] : memref<208x128xf32, #tpu.memory_space<vmem>> -> memref<56x128xf32, #tpu.memory_space<vmem>>
    tpu.enqueue_dma source(%dma_start3A_220 : memref<56x128xf32, #tpu.memory_space<vmem>>) target(%dma_start3A_217 : memref<56x128xf32, #tpu.memory_space<hbm>>) target_semaphore(%arg26 : memref<!tpu.dma_semaphore, #tpu.memory_space<semaphore_mem>>)
    %dma_start3A_221 = arith.constant 50 : i32
    %dma_start3A_222 = arith.constant 0 : i32
    %dma_start3A_223 = tpu.memref_slice %arg6[%dma_start3A_221, %dma_start3A_222] : memref<208x128xf32, #tpu.memory_space<vmem>> -> memref<56x128xf32, #tpu.memory_space<vmem>>
    %dma_start3A_224 = arith.constant 0 : i32
    %dma_start3A_225 = arith.constant 0 : i32
    %dma_start3A_226 = tpu.memref_slice %arg4[%add3A_202, %dma_start3A_224, %dma_start3A_225] : memref<16384x56x128xf32, #tpu.memory_space<hbm>> -> memref<1x56x128xf32, #tpu.memory_space<hbm>>
    %dma_start3A_227 = tpu.memref_squeeze %dma_start3A_226 : memref<1x56x128xf32, #tpu.memory_space<hbm>> -> memref<56x128xf32, #tpu.memory_space<hbm>>
    %dma_start3A_228 = arith.constant 0 : i32
    %dma_start3A_229 = arith.constant 0 : i32
    %dma_start3A_230 = tpu.memref_slice %arg4[%add3A_202, %dma_start3A_228, %dma_start3A_229] : memref<16384x56x128xf32, #tpu.memory_space<hbm>> -> memref<1x56x128xf32, #tpu.memory_space<hbm>>
    %dma_start3A_231 = tpu.memref_squeeze %dma_start3A_230 : memref<1x56x128xf32, #tpu.memory_space<hbm>> -> memref<56x128xf32, #tpu.memory_space<hbm>>
    %dma_start3A_232 = arith.constant 50 : i32
    %dma_start3A_233 = arith.constant 0 : i32
    %dma_start3A_234 = tpu.memref_slice %arg6[%dma_start3A_232, %dma_start3A_233] : memref<208x128xf32, #tpu.memory_space<vmem>> -> memref<56x128xf32, #tpu.memory_space<vmem>>
    tpu.enqueue_dma source(%dma_start3A_234 : memref<56x128xf32, #tpu.memory_space<vmem>>) target(%dma_start3A_231 : memref<56x128xf32, #tpu.memory_space<hbm>>) target_semaphore(%arg26 : memref<!tpu.dma_semaphore, #tpu.memory_space<semaphore_mem>>)
    %dma_start3A_235 = arith.constant 100 : i32
    %dma_start3A_236 = arith.constant 0 : i32
    %dma_start3A_237 = tpu.memref_slice %arg6[%dma_start3A_235, %dma_start3A_236] : memref<208x128xf32, #tpu.memory_space<vmem>> -> memref<56x128xf32, #tpu.memory_space<vmem>>
    %dma_start3A_238 = arith.constant 0 : i32
    %dma_start3A_239 = arith.constant 0 : i32
    %dma_start3A_240 = tpu.memref_slice %arg4[%add3A_204, %dma_start3A_238, %dma_start3A_239] : memref<16384x56x128xf32, #tpu.memory_space<hbm>> -> memref<1x56x128xf32, #tpu.memory_space<hbm>>
    %dma_start3A_241 = tpu.memref_squeeze %dma_start3A_240 : memref<1x56x128xf32, #tpu.memory_space<hbm>> -> memref<56x128xf32, #tpu.memory_space<hbm>>
    %dma_start3A_242 = arith.constant 0 : i32
    %dma_start3A_243 = arith.constant 0 : i32
    %dma_start3A_244 = tpu.memref_slice %arg4[%add3A_204, %dma_start3A_242, %dma_start3A_243] : memref<16384x56x128xf32, #tpu.memory_space<hbm>> -> memref<1x56x128xf32, #tpu.memory_space<hbm>>
    %dma_start3A_245 = tpu.memref_squeeze %dma_start3A_244 : memref<1x56x128xf32, #tpu.memory_space<hbm>> -> memref<56x128xf32, #tpu.memory_space<hbm>>
    %dma_start3A_246 = arith.constant 100 : i32
    %dma_start3A_247 = arith.constant 0 : i32
    %dma_start3A_248 = tpu.memref_slice %arg6[%dma_start3A_246, %dma_start3A_247] : memref<208x128xf32, #tpu.memory_space<vmem>> -> memref<56x128xf32, #tpu.memory_space<vmem>>
    tpu.enqueue_dma source(%dma_start3A_248 : memref<56x128xf32, #tpu.memory_space<vmem>>) target(%dma_start3A_245 : memref<56x128xf32, #tpu.memory_space<hbm>>) target_semaphore(%arg26 : memref<!tpu.dma_semaphore, #tpu.memory_space<semaphore_mem>>)
    %dma_start3A_249 = arith.constant 150 : i32
    %dma_start3A_250 = arith.constant 0 : i32
    %dma_start3A_251 = tpu.memref_slice %arg6[%dma_start3A_249, %dma_start3A_250] : memref<208x128xf32, #tpu.memory_space<vmem>> -> memref<56x128xf32, #tpu.memory_space<vmem>>
    %dma_start3A_252 = arith.constant 0 : i32
    %dma_start3A_253 = arith.constant 0 : i32
    %dma_start3A_254 = tpu.memref_slice %arg4[%add3A_206, %dma_start3A_252, %dma_start3A_253] : memref<16384x56x128xf32, #tpu.memory_space<hbm>> -> memref<1x56x128xf32, #tpu.memory_space<hbm>>
    %dma_start3A_255 = tpu.memref_squeeze %dma_start3A_254 : memref<1x56x128xf32, #tpu.memory_space<hbm>> -> memref<56x128xf32, #tpu.memory_space<hbm>>
    %dma_start3A_256 = arith.constant 0 : i32
    %dma_start3A_257 = arith.constant 0 : i32
    %dma_start3A_258 = tpu.memref_slice %arg4[%add3A_206, %dma_start3A_256, %dma_start3A_257] : memref<16384x56x128xf32, #tpu.memory_space<hbm>> -> memref<1x56x128xf32, #tpu.memory_space<hbm>>
    %dma_start3A_259 = tpu.memref_squeeze %dma_start3A_258 : memref<1x56x128xf32, #tpu.memory_space<hbm>> -> memref<56x128xf32, #tpu.memory_space<hbm>>
    %dma_start3A_260 = arith.constant 150 : i32
    %dma_start3A_261 = arith.constant 0 : i32
    %dma_start3A_262 = tpu.memref_slice %arg6[%dma_start3A_260, %dma_start3A_261] : memref<208x128xf32, #tpu.memory_space<vmem>> -> memref<56x128xf32, #tpu.memory_space<vmem>>
    tpu.enqueue_dma source(%dma_start3A_262 : memref<56x128xf32, #tpu.memory_space<vmem>>) target(%dma_start3A_259 : memref<56x128xf32, #tpu.memory_space<hbm>>) target_semaphore(%arg26 : memref<!tpu.dma_semaphore, #tpu.memory_space<semaphore_mem>>)
    %add3A_263 = arith.constant 12 : i32
    %add3A_264 = arith.addi %mul3A_2, %add3A_263 : i32
    %mul3A_265 = arith.constant 50 : i32
    %mul3A_266 = arith.muli %add3A_264, %mul3A_265 : i32
    %add3A_267 = arith.constant 128 : i32
    %add3A_268 = arith.addi %mul3A_266, %add3A_267 : i32
    %dma_wait3A_269 = tpu.memref_slice %arg3[%mul3A_266] : memref<819200xi32, #tpu.memory_space<hbm>> -> memref<128xi32, #tpu.memory_space<hbm>>
    %dma_wait3A_270 = tpu.memref_slice %arg3[%mul3A_266] : memref<819200xi32, #tpu.memory_space<hbm>> -> memref<128xi32, #tpu.memory_space<hbm>>
    tpu.wait_dma2 semaphore(%arg20 : memref<!tpu.dma_semaphore, #tpu.memory_space<semaphore_mem>>) src(%dma_wait3A_270 : memref<128xi32, #tpu.memory_space<hbm>>) dst(%arg12 : memref<128xi32, #tpu.memory_space<vmem>>)
    %dma_wait3A_271 = tpu.memref_slice %arg3[%add3A_268] : memref<819200xi32, #tpu.memory_space<hbm>> -> memref<72xi32, #tpu.memory_space<hbm>>
    %dma_wait3A_272 = tpu.memref_slice %arg3[%add3A_268] : memref<819200xi32, #tpu.memory_space<hbm>> -> memref<72xi32, #tpu.memory_space<hbm>>
    tpu.wait_dma2 semaphore(%arg20 : memref<!tpu.dma_semaphore, #tpu.memory_space<semaphore_mem>>) src(%dma_wait3A_272 : memref<72xi32, #tpu.memory_space<hbm>>) dst(%arg16 : memref<72xi32, #tpu.memory_space<vmem>>)
    %dma_start3A_273 = arith.constant 0 : i32
    %dma_start3A_274 = arith.constant 0 : i32
    %dma_start3A_275 = tpu.memref_slice %arg8[%dma_start3A_273, %dma_start3A_274] : memref<208x128xf32, #tpu.memory_space<vmem>> -> memref<128x128xf32, #tpu.memory_space<vmem>>
    %dma_start3A_276 = arith.constant 0 : i32
    %dma_start3A_277 = arith.constant 0 : i32
    %dma_start3A_278 = tpu.memref_slice %arg2[%dma_start3A_276, %dma_start3A_277] : memref<500000x128xf32, #tpu.memory_space<hbm>> -> memref<500000x128xf32, #tpu.memory_space<hbm>>
    tpu.enqueue_indirect_dma source(%dma_start3A_278 : memref<500000x128xf32, #tpu.memory_space<hbm>>) target(%dma_start3A_275 : memref<128x128xf32, #tpu.memory_space<vmem>>) offsets(%arg12 : memref<128xi32, #tpu.memory_space<vmem>>) semaphore(%arg24 : memref<!tpu.dma_semaphore, #tpu.memory_space<semaphore_mem>>)
    %dma_start3A_279 = arith.constant 128 : i32
    %dma_start3A_280 = arith.constant 0 : i32
    %dma_start3A_281 = tpu.memref_slice %arg8[%dma_start3A_279, %dma_start3A_280] : memref<208x128xf32, #tpu.memory_space<vmem>> -> memref<72x128xf32, #tpu.memory_space<vmem>>
    %dma_start3A_282 = arith.constant 0 : i32
    %dma_start3A_283 = arith.constant 0 : i32
    %dma_start3A_284 = tpu.memref_slice %arg2[%dma_start3A_282, %dma_start3A_283] : memref<500000x128xf32, #tpu.memory_space<hbm>> -> memref<500000x128xf32, #tpu.memory_space<hbm>>
    tpu.enqueue_indirect_dma source(%dma_start3A_284 : memref<500000x128xf32, #tpu.memory_space<hbm>>) target(%dma_start3A_281 : memref<72x128xf32, #tpu.memory_space<vmem>>) offsets(%arg16 : memref<72xi32, #tpu.memory_space<vmem>>) semaphore(%arg24 : memref<!tpu.dma_semaphore, #tpu.memory_space<semaphore_mem>>)
    %add3A_285 = arith.constant 16 : i32
    %add3A_286 = arith.addi %mul3A_2, %add3A_285 : i32
    %mul3A_287 = arith.constant 50 : i32
    %mul3A_288 = arith.muli %add3A_286, %mul3A_287 : i32
    %add3A_289 = arith.constant 128 : i32
    %add3A_290 = arith.addi %mul3A_288, %add3A_289 : i32
    %dma_start3A_291 = tpu.memref_slice %arg3[%mul3A_288] : memref<819200xi32, #tpu.memory_space<hbm>> -> memref<128xi32, #tpu.memory_space<hbm>>
    %dma_start3A_292 = tpu.memref_slice %arg3[%mul3A_288] : memref<819200xi32, #tpu.memory_space<hbm>> -> memref<128xi32, #tpu.memory_space<hbm>>
    tpu.enqueue_dma source(%dma_start3A_292 : memref<128xi32, #tpu.memory_space<hbm>>) target(%arg9 : memref<128xi32, #tpu.memory_space<vmem>>) target_semaphore(%arg17 : memref<!tpu.dma_semaphore, #tpu.memory_space<semaphore_mem>>)
    %dma_start3A_293 = tpu.memref_slice %arg3[%add3A_290] : memref<819200xi32, #tpu.memory_space<hbm>> -> memref<72xi32, #tpu.memory_space<hbm>>
    %dma_start3A_294 = tpu.memref_slice %arg3[%add3A_290] : memref<819200xi32, #tpu.memory_space<hbm>> -> memref<72xi32, #tpu.memory_space<hbm>>
    tpu.enqueue_dma source(%dma_start3A_294 : memref<72xi32, #tpu.memory_space<hbm>>) target(%arg13 : memref<72xi32, #tpu.memory_space<vmem>>) target_semaphore(%arg17 : memref<!tpu.dma_semaphore, #tpu.memory_space<semaphore_mem>>)
    %dma_wait3A_295 = arith.constant 0 : i32
    %dma_wait3A_296 = arith.constant 0 : i32
    %dma_wait3A_297 = tpu.memref_slice %arg7[%dma_wait3A_295, %dma_wait3A_296] : memref<208x128xf32, #tpu.memory_space<vmem>> -> memref<128x128xf32, #tpu.memory_space<vmem>>
    %dma_wait3A_298 = arith.constant 0 : i32
    %dma_wait3A_299 = arith.constant 0 : i32
    %dma_wait3A_300 = tpu.memref_slice %arg2[%dma_wait3A_298, %dma_wait3A_299] : memref<500000x128xf32, #tpu.memory_space<hbm>> -> memref<500000x128xf32, #tpu.memory_space<hbm>>
    tpu.wait_indirect_dma semaphore(%arg23 : memref<!tpu.dma_semaphore, #tpu.memory_space<semaphore_mem>>) src(%dma_wait3A_300 : memref<500000x128xf32, #tpu.memory_space<hbm>>) dst(%dma_wait3A_297 : memref<128x128xf32, #tpu.memory_space<vmem>>)
    %dma_wait3A_301 = arith.constant 128 : i32
    %dma_wait3A_302 = arith.constant 0 : i32
    %dma_wait3A_303 = tpu.memref_slice %arg7[%dma_wait3A_301, %dma_wait3A_302] : memref<208x128xf32, #tpu.memory_space<vmem>> -> memref<72x128xf32, #tpu.memory_space<vmem>>
    %dma_wait3A_304 = arith.constant 0 : i32
    %dma_wait3A_305 = arith.constant 0 : i32
    %dma_wait3A_306 = tpu.memref_slice %arg2[%dma_wait3A_304, %dma_wait3A_305] : memref<500000x128xf32, #tpu.memory_space<hbm>> -> memref<500000x128xf32, #tpu.memory_space<hbm>>
    tpu.wait_indirect_dma semaphore(%arg23 : memref<!tpu.dma_semaphore, #tpu.memory_space<semaphore_mem>>) src(%dma_wait3A_306 : memref<500000x128xf32, #tpu.memory_space<hbm>>) dst(%dma_wait3A_303 : memref<72x128xf32, #tpu.memory_space<vmem>>)
    %add3A_307 = arith.constant 8 : i32
    %add3A_308 = arith.addi %mul3A_2, %add3A_307 : i32
    %add3A_309 = arith.constant 0 : i32
    %add3A_310 = arith.addi %add3A_308, %add3A_309 : i32
    %add3A_311 = arith.constant 1 : i32
    %add3A_312 = arith.addi %add3A_308, %add3A_311 : i32
    %add3A_313 = arith.constant 2 : i32
    %add3A_314 = arith.addi %add3A_308, %add3A_313 : i32
    %add3A_315 = arith.constant 3 : i32
    %add3A_316 = arith.addi %add3A_308, %add3A_315 : i32
    %dma_start3A_317 = arith.constant 0 : i32
    %dma_start3A_318 = arith.constant 0 : i32
    %dma_start3A_319 = tpu.memref_slice %arg7[%dma_start3A_317, %dma_start3A_318] : memref<208x128xf32, #tpu.memory_space<vmem>> -> memref<56x128xf32, #tpu.memory_space<vmem>>
    %dma_start3A_320 = arith.constant 0 : i32
    %dma_start3A_321 = arith.constant 0 : i32
    %dma_start3A_322 = tpu.memref_slice %arg4[%add3A_310, %dma_start3A_320, %dma_start3A_321] : memref<16384x56x128xf32, #tpu.memory_space<hbm>> -> memref<1x56x128xf32, #tpu.memory_space<hbm>>
    %dma_start3A_323 = tpu.memref_squeeze %dma_start3A_322 : memref<1x56x128xf32, #tpu.memory_space<hbm>> -> memref<56x128xf32, #tpu.memory_space<hbm>>
    %dma_start3A_324 = arith.constant 0 : i32
    %dma_start3A_325 = arith.constant 0 : i32
    %dma_start3A_326 = tpu.memref_slice %arg4[%add3A_310, %dma_start3A_324, %dma_start3A_325] : memref<16384x56x128xf32, #tpu.memory_space<hbm>> -> memref<1x56x128xf32, #tpu.memory_space<hbm>>
    %dma_start3A_327 = tpu.memref_squeeze %dma_start3A_326 : memref<1x56x128xf32, #tpu.memory_space<hbm>> -> memref<56x128xf32, #tpu.memory_space<hbm>>
    %dma_start3A_328 = arith.constant 0 : i32
    %dma_start3A_329 = arith.constant 0 : i32
    %dma_start3A_330 = tpu.memref_slice %arg7[%dma_start3A_328, %dma_start3A_329] : memref<208x128xf32, #tpu.memory_space<vmem>> -> memref<56x128xf32, #tpu.memory_space<vmem>>
    tpu.enqueue_dma source(%dma_start3A_330 : memref<56x128xf32, #tpu.memory_space<vmem>>) target(%dma_start3A_327 : memref<56x128xf32, #tpu.memory_space<hbm>>) target_semaphore(%arg27 : memref<!tpu.dma_semaphore, #tpu.memory_space<semaphore_mem>>)
    %dma_start3A_331 = arith.constant 50 : i32
    %dma_start3A_332 = arith.constant 0 : i32
    %dma_start3A_333 = tpu.memref_slice %arg7[%dma_start3A_331, %dma_start3A_332] : memref<208x128xf32, #tpu.memory_space<vmem>> -> memref<56x128xf32, #tpu.memory_space<vmem>>
    %dma_start3A_334 = arith.constant 0 : i32
    %dma_start3A_335 = arith.constant 0 : i32
    %dma_start3A_336 = tpu.memref_slice %arg4[%add3A_312, %dma_start3A_334, %dma_start3A_335] : memref<16384x56x128xf32, #tpu.memory_space<hbm>> -> memref<1x56x128xf32, #tpu.memory_space<hbm>>
    %dma_start3A_337 = tpu.memref_squeeze %dma_start3A_336 : memref<1x56x128xf32, #tpu.memory_space<hbm>> -> memref<56x128xf32, #tpu.memory_space<hbm>>
    %dma_start3A_338 = arith.constant 0 : i32
    %dma_start3A_339 = arith.constant 0 : i32
    %dma_start3A_340 = tpu.memref_slice %arg4[%add3A_312, %dma_start3A_338, %dma_start3A_339] : memref<16384x56x128xf32, #tpu.memory_space<hbm>> -> memref<1x56x128xf32, #tpu.memory_space<hbm>>
    %dma_start3A_341 = tpu.memref_squeeze %dma_start3A_340 : memref<1x56x128xf32, #tpu.memory_space<hbm>> -> memref<56x128xf32, #tpu.memory_space<hbm>>
    %dma_start3A_342 = arith.constant 50 : i32
    %dma_start3A_343 = arith.constant 0 : i32
    %dma_start3A_344 = tpu.memref_slice %arg7[%dma_start3A_342, %dma_start3A_343] : memref<208x128xf32, #tpu.memory_space<vmem>> -> memref<56x128xf32, #tpu.memory_space<vmem>>
    tpu.enqueue_dma source(%dma_start3A_344 : memref<56x128xf32, #tpu.memory_space<vmem>>) target(%dma_start3A_341 : memref<56x128xf32, #tpu.memory_space<hbm>>) target_semaphore(%arg27 : memref<!tpu.dma_semaphore, #tpu.memory_space<semaphore_mem>>)
    %dma_start3A_345 = arith.constant 100 : i32
    %dma_start3A_346 = arith.constant 0 : i32
    %dma_start3A_347 = tpu.memref_slice %arg7[%dma_start3A_345, %dma_start3A_346] : memref<208x128xf32, #tpu.memory_space<vmem>> -> memref<56x128xf32, #tpu.memory_space<vmem>>
    %dma_start3A_348 = arith.constant 0 : i32
    %dma_start3A_349 = arith.constant 0 : i32
    %dma_start3A_350 = tpu.memref_slice %arg4[%add3A_314, %dma_start3A_348, %dma_start3A_349] : memref<16384x56x128xf32, #tpu.memory_space<hbm>> -> memref<1x56x128xf32, #tpu.memory_space<hbm>>
    %dma_start3A_351 = tpu.memref_squeeze %dma_start3A_350 : memref<1x56x128xf32, #tpu.memory_space<hbm>> -> memref<56x128xf32, #tpu.memory_space<hbm>>
    %dma_start3A_352 = arith.constant 0 : i32
    %dma_start3A_353 = arith.constant 0 : i32
    %dma_start3A_354 = tpu.memref_slice %arg4[%add3A_314, %dma_start3A_352, %dma_start3A_353] : memref<16384x56x128xf32, #tpu.memory_space<hbm>> -> memref<1x56x128xf32, #tpu.memory_space<hbm>>
    %dma_start3A_355 = tpu.memref_squeeze %dma_start3A_354 : memref<1x56x128xf32, #tpu.memory_space<hbm>> -> memref<56x128xf32, #tpu.memory_space<hbm>>
    %dma_start3A_356 = arith.constant 100 : i32
    %dma_start3A_357 = arith.constant 0 : i32
    %dma_start3A_358 = tpu.memref_slice %arg7[%dma_start3A_356, %dma_start3A_357] : memref<208x128xf32, #tpu.memory_space<vmem>> -> memref<56x128xf32, #tpu.memory_space<vmem>>
    tpu.enqueue_dma source(%dma_start3A_358 : memref<56x128xf32, #tpu.memory_space<vmem>>) target(%dma_start3A_355 : memref<56x128xf32, #tpu.memory_space<hbm>>) target_semaphore(%arg27 : memref<!tpu.dma_semaphore, #tpu.memory_space<semaphore_mem>>)
    %dma_start3A_359 = arith.constant 150 : i32
    %dma_start3A_360 = arith.constant 0 : i32
    %dma_start3A_361 = tpu.memref_slice %arg7[%dma_start3A_359, %dma_start3A_360] : memref<208x128xf32, #tpu.memory_space<vmem>> -> memref<56x128xf32, #tpu.memory_space<vmem>>
    %dma_start3A_362 = arith.constant 0 : i32
    %dma_start3A_363 = arith.constant 0 : i32
    %dma_start3A_364 = tpu.memref_slice %arg4[%add3A_316, %dma_start3A_362, %dma_start3A_363] : memref<16384x56x128xf32, #tpu.memory_space<hbm>> -> memref<1x56x128xf32, #tpu.memory_space<hbm>>
    %dma_start3A_365 = tpu.memref_squeeze %dma_start3A_364 : memref<1x56x128xf32, #tpu.memory_space<hbm>> -> memref<56x128xf32, #tpu.memory_space<hbm>>
    %dma_start3A_366 = arith.constant 0 : i32
    %dma_start3A_367 = arith.constant 0 : i32
    %dma_start3A_368 = tpu.memref_slice %arg4[%add3A_316, %dma_start3A_366, %dma_start3A_367] : memref<16384x56x128xf32, #tpu.memory_space<hbm>> -> memref<1x56x128xf32, #tpu.memory_space<hbm>>
    %dma_start3A_369 = tpu.memref_squeeze %dma_start3A_368 : memref<1x56x128xf32, #tpu.memory_space<hbm>> -> memref<56x128xf32, #tpu.memory_space<hbm>>
    %dma_start3A_370 = arith.constant 150 : i32
    %dma_start3A_371 = arith.constant 0 : i32
    %dma_start3A_372 = tpu.memref_slice %arg7[%dma_start3A_370, %dma_start3A_371] : memref<208x128xf32, #tpu.memory_space<vmem>> -> memref<56x128xf32, #tpu.memory_space<vmem>>
    tpu.enqueue_dma source(%dma_start3A_372 : memref<56x128xf32, #tpu.memory_space<vmem>>) target(%dma_start3A_369 : memref<56x128xf32, #tpu.memory_space<hbm>>) target_semaphore(%arg27 : memref<!tpu.dma_semaphore, #tpu.memory_space<semaphore_mem>>)
    %scan3A = arith.constant 0 : i32
    %scan3A_373 = arith.constant 30 : i32
    %scan3A_374 = arith.addi %scan3A, %scan3A_373 : i32
    %scan3A_375 = arith.constant 1 : i32
    scf.for %scan3A_1413 = %scan3A to %scan3A_374 step %scan3A_375  : i32 {
      %mul3A_1414 = arith.constant 1 : i32
      %mul3A_1415 = arith.muli %scan3A_1413, %mul3A_1414 : i32
      %add3A_1416 = arith.constant 1 : i32
      %add3A_1417 = arith.addi %add3A_1416, %mul3A_1415 : i32
      %mul3A_1418 = arith.constant 4 : i32
      %mul3A_1419 = arith.muli %add3A_1417, %mul3A_1418 : i32
      %add3A_1420 = arith.constant 0 : i32
      %add3A_1421 = arith.addi %mul3A_1419, %add3A_1420 : i32
      %mul3A_1422 = arith.constant 4 : i32
      %mul3A_1423 = arith.muli %add3A_1421, %mul3A_1422 : i32
      %add3A_1424 = arith.addi %mul3A_2, %mul3A_1423 : i32
      %mul3A_1425 = arith.constant 50 : i32
      %mul3A_1426 = arith.muli %add3A_1424, %mul3A_1425 : i32
      %add3A_1427 = arith.constant 128 : i32
      %add3A_1428 = arith.addi %mul3A_1426, %add3A_1427 : i32
      %dma_wait3A_1429 = tpu.memref_slice %arg3[%mul3A_1426] : memref<819200xi32, #tpu.memory_space<hbm>> -> memref<128xi32, #tpu.memory_space<hbm>>
      %dma_wait3A_1430 = tpu.memref_slice %arg3[%mul3A_1426] : memref<819200xi32, #tpu.memory_space<hbm>> -> memref<128xi32, #tpu.memory_space<hbm>>
      tpu.wait_dma2 semaphore(%arg17 : memref<!tpu.dma_semaphore, #tpu.memory_space<semaphore_mem>>) src(%dma_wait3A_1430 : memref<128xi32, #tpu.memory_space<hbm>>) dst(%arg9 : memref<128xi32, #tpu.memory_space<vmem>>)
      %dma_wait3A_1431 = tpu.memref_slice %arg3[%add3A_1428] : memref<819200xi32, #tpu.memory_space<hbm>> -> memref<72xi32, #tpu.memory_space<hbm>>
      %dma_wait3A_1432 = tpu.memref_slice %arg3[%add3A_1428] : memref<819200xi32, #tpu.memory_space<hbm>> -> memref<72xi32, #tpu.memory_space<hbm>>
      tpu.wait_dma2 semaphore(%arg17 : memref<!tpu.dma_semaphore, #tpu.memory_space<semaphore_mem>>) src(%dma_wait3A_1432 : memref<72xi32, #tpu.memory_space<hbm>>) dst(%arg13 : memref<72xi32, #tpu.memory_space<vmem>>)
      %sub3A = arith.constant 4 : i32
      %sub3A_1433 = arith.subi %add3A_1421, %sub3A : i32
      %mul3A_1434 = arith.constant 4 : i32
      %mul3A_1435 = arith.muli %sub3A_1433, %mul3A_1434 : i32
      %add3A_1436 = arith.addi %mul3A_2, %mul3A_1435 : i32
      %add3A_1437 = arith.constant 0 : i32
      %add3A_1438 = arith.addi %add3A_1436, %add3A_1437 : i32
      %add3A_1439 = arith.constant 1 : i32
      %add3A_1440 = arith.addi %add3A_1436, %add3A_1439 : i32
      %add3A_1441 = arith.constant 2 : i32
      %add3A_1442 = arith.addi %add3A_1436, %add3A_1441 : i32
      %add3A_1443 = arith.constant 3 : i32
      %add3A_1444 = arith.addi %add3A_1436, %add3A_1443 : i32
      %dma_wait3A_1445 = arith.constant 0 : i32
      %dma_wait3A_1446 = arith.constant 0 : i32
      %dma_wait3A_1447 = tpu.memref_slice %arg5[%dma_wait3A_1445, %dma_wait3A_1446] : memref<208x128xf32, #tpu.memory_space<vmem>> -> memref<56x128xf32, #tpu.memory_space<vmem>>
      %dma_wait3A_1448 = arith.constant 0 : i32
      %dma_wait3A_1449 = arith.constant 0 : i32
      %dma_wait3A_1450 = tpu.memref_slice %arg4[%add3A_1438, %dma_wait3A_1448, %dma_wait3A_1449] : memref<16384x56x128xf32, #tpu.memory_space<hbm>> -> memref<1x56x128xf32, #tpu.memory_space<hbm>>
      %dma_wait3A_1451 = tpu.memref_squeeze %dma_wait3A_1450 : memref<1x56x128xf32, #tpu.memory_space<hbm>> -> memref<56x128xf32, #tpu.memory_space<hbm>>
      %dma_wait3A_1452 = arith.constant 0 : i32
      %dma_wait3A_1453 = arith.constant 0 : i32
      %dma_wait3A_1454 = tpu.memref_slice %arg4[%add3A_1438, %dma_wait3A_1452, %dma_wait3A_1453] : memref<16384x56x128xf32, #tpu.memory_space<hbm>> -> memref<1x56x128xf32, #tpu.memory_space<hbm>>
      %dma_wait3A_1455 = tpu.memref_squeeze %dma_wait3A_1454 : memref<1x56x128xf32, #tpu.memory_space<hbm>> -> memref<56x128xf32, #tpu.memory_space<hbm>>
      %dma_wait3A_1456 = arith.constant 0 : i32
      %dma_wait3A_1457 = arith.constant 0 : i32
      %dma_wait3A_1458 = tpu.memref_slice %arg5[%dma_wait3A_1456, %dma_wait3A_1457] : memref<208x128xf32, #tpu.memory_space<vmem>> -> memref<56x128xf32, #tpu.memory_space<vmem>>
      tpu.wait_dma2 semaphore(%arg25 : memref<!tpu.dma_semaphore, #tpu.memory_space<semaphore_mem>>) src(%dma_wait3A_1458 : memref<56x128xf32, #tpu.memory_space<vmem>>) dst(%dma_wait3A_1455 : memref<56x128xf32, #tpu.memory_space<hbm>>)
      %dma_wait3A_1459 = arith.constant 50 : i32
      %dma_wait3A_1460 = arith.constant 0 : i32
      %dma_wait3A_1461 = tpu.memref_slice %arg5[%dma_wait3A_1459, %dma_wait3A_1460] : memref<208x128xf32, #tpu.memory_space<vmem>> -> memref<56x128xf32, #tpu.memory_space<vmem>>
      %dma_wait3A_1462 = arith.constant 0 : i32
      %dma_wait3A_1463 = arith.constant 0 : i32
      %dma_wait3A_1464 = tpu.memref_slice %arg4[%add3A_1440, %dma_wait3A_1462, %dma_wait3A_1463] : memref<16384x56x128xf32, #tpu.memory_space<hbm>> -> memref<1x56x128xf32, #tpu.memory_space<hbm>>
      %dma_wait3A_1465 = tpu.memref_squeeze %dma_wait3A_1464 : memref<1x56x128xf32, #tpu.memory_space<hbm>> -> memref<56x128xf32, #tpu.memory_space<hbm>>
      %dma_wait3A_1466 = arith.constant 0 : i32
      %dma_wait3A_1467 = arith.constant 0 : i32
      %dma_wait3A_1468 = tpu.memref_slice %arg4[%add3A_1440, %dma_wait3A_1466, %dma_wait3A_1467] : memref<16384x56x128xf32, #tpu.memory_space<hbm>> -> memref<1x56x128xf32, #tpu.memory_space<hbm>>
      %dma_wait3A_1469 = tpu.memref_squeeze %dma_wait3A_1468 : memref<1x56x128xf32, #tpu.memory_space<hbm>> -> memref<56x128xf32, #tpu.memory_space<hbm>>
      %dma_wait3A_1470 = arith.constant 50 : i32
      %dma_wait3A_1471 = arith.constant 0 : i32
      %dma_wait3A_1472 = tpu.memref_slice %arg5[%dma_wait3A_1470, %dma_wait3A_1471] : memref<208x128xf32, #tpu.memory_space<vmem>> -> memref<56x128xf32, #tpu.memory_space<vmem>>
      tpu.wait_dma2 semaphore(%arg25 : memref<!tpu.dma_semaphore, #tpu.memory_space<semaphore_mem>>) src(%dma_wait3A_1472 : memref<56x128xf32, #tpu.memory_space<vmem>>) dst(%dma_wait3A_1469 : memref<56x128xf32, #tpu.memory_space<hbm>>)
      %dma_wait3A_1473 = arith.constant 100 : i32
      %dma_wait3A_1474 = arith.constant 0 : i32
      %dma_wait3A_1475 = tpu.memref_slice %arg5[%dma_wait3A_1473, %dma_wait3A_1474] : memref<208x128xf32, #tpu.memory_space<vmem>> -> memref<56x128xf32, #tpu.memory_space<vmem>>
      %dma_wait3A_1476 = arith.constant 0 : i32
      %dma_wait3A_1477 = arith.constant 0 : i32
      %dma_wait3A_1478 = tpu.memref_slice %arg4[%add3A_1442, %dma_wait3A_1476, %dma_wait3A_1477] : memref<16384x56x128xf32, #tpu.memory_space<hbm>> -> memref<1x56x128xf32, #tpu.memory_space<hbm>>
      %dma_wait3A_1479 = tpu.memref_squeeze %dma_wait3A_1478 : memref<1x56x128xf32, #tpu.memory_space<hbm>> -> memref<56x128xf32, #tpu.memory_space<hbm>>
      %dma_wait3A_1480 = arith.constant 0 : i32
      %dma_wait3A_1481 = arith.constant 0 : i32
      %dma_wait3A_1482 = tpu.memref_slice %arg4[%add3A_1442, %dma_wait3A_1480, %dma_wait3A_1481] : memref<16384x56x128xf32, #tpu.memory_space<hbm>> -> memref<1x56x128xf32, #tpu.memory_space<hbm>>
      %dma_wait3A_1483 = tpu.memref_squeeze %dma_wait3A_1482 : memref<1x56x128xf32, #tpu.memory_space<hbm>> -> memref<56x128xf32, #tpu.memory_space<hbm>>
      %dma_wait3A_1484 = arith.constant 100 : i32
      %dma_wait3A_1485 = arith.constant 0 : i32
      %dma_wait3A_1486 = tpu.memref_slice %arg5[%dma_wait3A_1484, %dma_wait3A_1485] : memref<208x128xf32, #tpu.memory_space<vmem>> -> memref<56x128xf32, #tpu.memory_space<vmem>>
      tpu.wait_dma2 semaphore(%arg25 : memref<!tpu.dma_semaphore, #tpu.memory_space<semaphore_mem>>) src(%dma_wait3A_1486 : memref<56x128xf32, #tpu.memory_space<vmem>>) dst(%dma_wait3A_1483 : memref<56x128xf32, #tpu.memory_space<hbm>>)
      %dma_wait3A_1487 = arith.constant 150 : i32
      %dma_wait3A_1488 = arith.constant 0 : i32
      %dma_wait3A_1489 = tpu.memref_slice %arg5[%dma_wait3A_1487, %dma_wait3A_1488] : memref<208x128xf32, #tpu.memory_space<vmem>> -> memref<56x128xf32, #tpu.memory_space<vmem>>
      %dma_wait3A_1490 = arith.constant 0 : i32
      %dma_wait3A_1491 = arith.constant 0 : i32
      %dma_wait3A_1492 = tpu.memref_slice %arg4[%add3A_1444, %dma_wait3A_1490, %dma_wait3A_1491] : memref<16384x56x128xf32, #tpu.memory_space<hbm>> -> memref<1x56x128xf32, #tpu.memory_space<hbm>>
      %dma_wait3A_1493 = tpu.memref_squeeze %dma_wait3A_1492 : memref<1x56x128xf32, #tpu.memory_space<hbm>> -> memref<56x128xf32, #tpu.memory_space<hbm>>
      %dma_wait3A_1494 = arith.constant 0 : i32
      %dma_wait3A_1495 = arith.constant 0 : i32
      %dma_wait3A_1496 = tpu.memref_slice %arg4[%add3A_1444, %dma_wait3A_1494, %dma_wait3A_1495] : memref<16384x56x128xf32, #tpu.memory_space<hbm>> -> memref<1x56x128xf32, #tpu.memory_space<hbm>>
      %dma_wait3A_1497 = tpu.memref_squeeze %dma_wait3A_1496 : memref<1x56x128xf32, #tpu.memory_space<hbm>> -> memref<56x128xf32, #tpu.memory_space<hbm>>
      %dma_wait3A_1498 = arith.constant 150 : i32
      %dma_wait3A_1499 = arith.constant 0 : i32
      %dma_wait3A_1500 = tpu.memref_slice %arg5[%dma_wait3A_1498, %dma_wait3A_1499] : memref<208x128xf32, #tpu.memory_space<vmem>> -> memref<56x128xf32, #tpu.memory_space<vmem>>
      tpu.wait_dma2 semaphore(%arg25 : memref<!tpu.dma_semaphore, #tpu.memory_space<semaphore_mem>>) src(%dma_wait3A_1500 : memref<56x128xf32, #tpu.memory_space<vmem>>) dst(%dma_wait3A_1497 : memref<56x128xf32, #tpu.memory_space<hbm>>)
      %dma_start3A_1501 = arith.constant 0 : i32
      %dma_start3A_1502 = arith.constant 0 : i32
      %dma_start3A_1503 = tpu.memref_slice %arg5[%dma_start3A_1501, %dma_start3A_1502] : memref<208x128xf32, #tpu.memory_space<vmem>> -> memref<128x128xf32, #tpu.memory_space<vmem>>
      %dma_start3A_1504 = arith.constant 0 : i32
      %dma_start3A_1505 = arith.constant 0 : i32
      %dma_start3A_1506 = tpu.memref_slice %arg2[%dma_start3A_1504, %dma_start3A_1505] : memref<500000x128xf32, #tpu.memory_space<hbm>> -> memref<500000x128xf32, #tpu.memory_space<hbm>>
      tpu.enqueue_indirect_dma source(%dma_start3A_1506 : memref<500000x128xf32, #tpu.memory_space<hbm>>) target(%dma_start3A_1503 : memref<128x128xf32, #tpu.memory_space<vmem>>) offsets(%arg9 : memref<128xi32, #tpu.memory_space<vmem>>) semaphore(%arg21 : memref<!tpu.dma_semaphore, #tpu.memory_space<semaphore_mem>>)
      %dma_start3A_1507 = arith.constant 128 : i32
      %dma_start3A_1508 = arith.constant 0 : i32
      %dma_start3A_1509 = tpu.memref_slice %arg5[%dma_start3A_1507, %dma_start3A_1508] : memref<208x128xf32, #tpu.memory_space<vmem>> -> memref<72x128xf32, #tpu.memory_space<vmem>>
      %dma_start3A_1510 = arith.constant 0 : i32
      %dma_start3A_1511 = arith.constant 0 : i32
      %dma_start3A_1512 = tpu.memref_slice %arg2[%dma_start3A_1510, %dma_start3A_1511] : memref<500000x128xf32, #tpu.memory_space<hbm>> -> memref<500000x128xf32, #tpu.memory_space<hbm>>
      tpu.enqueue_indirect_dma source(%dma_start3A_1512 : memref<500000x128xf32, #tpu.memory_space<hbm>>) target(%dma_start3A_1509 : memref<72x128xf32, #tpu.memory_space<vmem>>) offsets(%arg13 : memref<72xi32, #tpu.memory_space<vmem>>) semaphore(%arg21 : memref<!tpu.dma_semaphore, #tpu.memory_space<semaphore_mem>>)
      %add3A_1513 = arith.constant 1 : i32
      %add3A_1514 = arith.addi %add3A_1421, %add3A_1513 : i32
      %mul3A_1515 = arith.constant 4 : i32
      %mul3A_1516 = arith.muli %add3A_1514, %mul3A_1515 : i32
      %add3A_1517 = arith.addi %mul3A_2, %mul3A_1516 : i32
      %mul3A_1518 = arith.constant 50 : i32
      %mul3A_1519 = arith.muli %add3A_1517, %mul3A_1518 : i32
      %add3A_1520 = arith.constant 128 : i32
      %add3A_1521 = arith.addi %mul3A_1519, %add3A_1520 : i32
      %dma_start3A_1522 = tpu.memref_slice %arg3[%mul3A_1519] : memref<819200xi32, #tpu.memory_space<hbm>> -> memref<128xi32, #tpu.memory_space<hbm>>
      %dma_start3A_1523 = tpu.memref_slice %arg3[%mul3A_1519] : memref<819200xi32, #tpu.memory_space<hbm>> -> memref<128xi32, #tpu.memory_space<hbm>>
      tpu.enqueue_dma source(%dma_start3A_1523 : memref<128xi32, #tpu.memory_space<hbm>>) target(%arg10 : memref<128xi32, #tpu.memory_space<vmem>>) target_semaphore(%arg18 : memref<!tpu.dma_semaphore, #tpu.memory_space<semaphore_mem>>)
      %dma_start3A_1524 = tpu.memref_slice %arg3[%add3A_1521] : memref<819200xi32, #tpu.memory_space<hbm>> -> memref<72xi32, #tpu.memory_space<hbm>>
      %dma_start3A_1525 = tpu.memref_slice %arg3[%add3A_1521] : memref<819200xi32, #tpu.memory_space<hbm>> -> memref<72xi32, #tpu.memory_space<hbm>>
      tpu.enqueue_dma source(%dma_start3A_1525 : memref<72xi32, #tpu.memory_space<hbm>>) target(%arg14 : memref<72xi32, #tpu.memory_space<vmem>>) target_semaphore(%arg18 : memref<!tpu.dma_semaphore, #tpu.memory_space<semaphore_mem>>)
      %sub3A_1526 = arith.constant 1 : i32
      %sub3A_1527 = arith.subi %add3A_1421, %sub3A_1526 : i32
      %dma_wait3A_1528 = arith.constant 0 : i32
      %dma_wait3A_1529 = arith.constant 0 : i32
      %dma_wait3A_1530 = tpu.memref_slice %arg8[%dma_wait3A_1528, %dma_wait3A_1529] : memref<208x128xf32, #tpu.memory_space<vmem>> -> memref<128x128xf32, #tpu.memory_space<vmem>>
      %dma_wait3A_1531 = arith.constant 0 : i32
      %dma_wait3A_1532 = arith.constant 0 : i32
      %dma_wait3A_1533 = tpu.memref_slice %arg2[%dma_wait3A_1531, %dma_wait3A_1532] : memref<500000x128xf32, #tpu.memory_space<hbm>> -> memref<500000x128xf32, #tpu.memory_space<hbm>>
      tpu.wait_indirect_dma semaphore(%arg24 : memref<!tpu.dma_semaphore, #tpu.memory_space<semaphore_mem>>) src(%dma_wait3A_1533 : memref<500000x128xf32, #tpu.memory_space<hbm>>) dst(%dma_wait3A_1530 : memref<128x128xf32, #tpu.memory_space<vmem>>)
      %dma_wait3A_1534 = arith.constant 128 : i32
      %dma_wait3A_1535 = arith.constant 0 : i32
      %dma_wait3A_1536 = tpu.memref_slice %arg8[%dma_wait3A_1534, %dma_wait3A_1535] : memref<208x128xf32, #tpu.memory_space<vmem>> -> memref<72x128xf32, #tpu.memory_space<vmem>>
      %dma_wait3A_1537 = arith.constant 0 : i32
      %dma_wait3A_1538 = arith.constant 0 : i32
      %dma_wait3A_1539 = tpu.memref_slice %arg2[%dma_wait3A_1537, %dma_wait3A_1538] : memref<500000x128xf32, #tpu.memory_space<hbm>> -> memref<500000x128xf32, #tpu.memory_space<hbm>>
      tpu.wait_indirect_dma semaphore(%arg24 : memref<!tpu.dma_semaphore, #tpu.memory_space<semaphore_mem>>) src(%dma_wait3A_1539 : memref<500000x128xf32, #tpu.memory_space<hbm>>) dst(%dma_wait3A_1536 : memref<72x128xf32, #tpu.memory_space<vmem>>)
      %sub3A_1540 = arith.constant 1 : i32
      %sub3A_1541 = arith.subi %add3A_1421, %sub3A_1540 : i32
      %mul3A_1542 = arith.constant 4 : i32
      %mul3A_1543 = arith.muli %sub3A_1541, %mul3A_1542 : i32
      %add3A_1544 = arith.addi %mul3A_2, %mul3A_1543 : i32
      %add3A_1545 = arith.constant 0 : i32
      %add3A_1546 = arith.addi %add3A_1544, %add3A_1545 : i32
      %add3A_1547 = arith.constant 1 : i32
      %add3A_1548 = arith.addi %add3A_1544, %add3A_1547 : i32
      %add3A_1549 = arith.constant 2 : i32
      %add3A_1550 = arith.addi %add3A_1544, %add3A_1549 : i32
      %add3A_1551 = arith.constant 3 : i32
      %add3A_1552 = arith.addi %add3A_1544, %add3A_1551 : i32
      %dma_start3A_1553 = arith.constant 0 : i32
      %dma_start3A_1554 = arith.constant 0 : i32
      %dma_start3A_1555 = tpu.memref_slice %arg8[%dma_start3A_1553, %dma_start3A_1554] : memref<208x128xf32, #tpu.memory_space<vmem>> -> memref<56x128xf32, #tpu.memory_space<vmem>>
      %dma_start3A_1556 = arith.constant 0 : i32
      %dma_start3A_1557 = arith.constant 0 : i32
      %dma_start3A_1558 = tpu.memref_slice %arg4[%add3A_1546, %dma_start3A_1556, %dma_start3A_1557] : memref<16384x56x128xf32, #tpu.memory_space<hbm>> -> memref<1x56x128xf32, #tpu.memory_space<hbm>>
      %dma_start3A_1559 = tpu.memref_squeeze %dma_start3A_1558 : memref<1x56x128xf32, #tpu.memory_space<hbm>> -> memref<56x128xf32, #tpu.memory_space<hbm>>
      %dma_start3A_1560 = arith.constant 0 : i32
      %dma_start3A_1561 = arith.constant 0 : i32
      %dma_start3A_1562 = tpu.memref_slice %arg4[%add3A_1546, %dma_start3A_1560, %dma_start3A_1561] : memref<16384x56x128xf32, #tpu.memory_space<hbm>> -> memref<1x56x128xf32, #tpu.memory_space<hbm>>
      %dma_start3A_1563 = tpu.memref_squeeze %dma_start3A_1562 : memref<1x56x128xf32, #tpu.memory_space<hbm>> -> memref<56x128xf32, #tpu.memory_space<hbm>>
      %dma_start3A_1564 = arith.constant 0 : i32
      %dma_start3A_1565 = arith.constant 0 : i32
      %dma_start3A_1566 = tpu.memref_slice %arg8[%dma_start3A_1564, %dma_start3A_1565] : memref<208x128xf32, #tpu.memory_space<vmem>> -> memref<56x128xf32, #tpu.memory_space<vmem>>
      tpu.enqueue_dma source(%dma_start3A_1566 : memref<56x128xf32, #tpu.memory_space<vmem>>) target(%dma_start3A_1563 : memref<56x128xf32, #tpu.memory_space<hbm>>) target_semaphore(%arg28 : memref<!tpu.dma_semaphore, #tpu.memory_space<semaphore_mem>>)
      %dma_start3A_1567 = arith.constant 50 : i32
      %dma_start3A_1568 = arith.constant 0 : i32
      %dma_start3A_1569 = tpu.memref_slice %arg8[%dma_start3A_1567, %dma_start3A_1568] : memref<208x128xf32, #tpu.memory_space<vmem>> -> memref<56x128xf32, #tpu.memory_space<vmem>>
      %dma_start3A_1570 = arith.constant 0 : i32
      %dma_start3A_1571 = arith.constant 0 : i32
      %dma_start3A_1572 = tpu.memref_slice %arg4[%add3A_1548, %dma_start3A_1570, %dma_start3A_1571] : memref<16384x56x128xf32, #tpu.memory_space<hbm>> -> memref<1x56x128xf32, #tpu.memory_space<hbm>>
      %dma_start3A_1573 = tpu.memref_squeeze %dma_start3A_1572 : memref<1x56x128xf32, #tpu.memory_space<hbm>> -> memref<56x128xf32, #tpu.memory_space<hbm>>
      %dma_start3A_1574 = arith.constant 0 : i32
      %dma_start3A_1575 = arith.constant 0 : i32
      %dma_start3A_1576 = tpu.memref_slice %arg4[%add3A_1548, %dma_start3A_1574, %dma_start3A_1575] : memref<16384x56x128xf32, #tpu.memory_space<hbm>> -> memref<1x56x128xf32, #tpu.memory_space<hbm>>
      %dma_start3A_1577 = tpu.memref_squeeze %dma_start3A_1576 : memref<1x56x128xf32, #tpu.memory_space<hbm>> -> memref<56x128xf32, #tpu.memory_space<hbm>>
      %dma_start3A_1578 = arith.constant 50 : i32
      %dma_start3A_1579 = arith.constant 0 : i32
      %dma_start3A_1580 = tpu.memref_slice %arg8[%dma_start3A_1578, %dma_start3A_1579] : memref<208x128xf32, #tpu.memory_space<vmem>> -> memref<56x128xf32, #tpu.memory_space<vmem>>
      tpu.enqueue_dma source(%dma_start3A_1580 : memref<56x128xf32, #tpu.memory_space<vmem>>) target(%dma_start3A_1577 : memref<56x128xf32, #tpu.memory_space<hbm>>) target_semaphore(%arg28 : memref<!tpu.dma_semaphore, #tpu.memory_space<semaphore_mem>>)
      %dma_start3A_1581 = arith.constant 100 : i32
      %dma_start3A_1582 = arith.constant 0 : i32
      %dma_start3A_1583 = tpu.memref_slice %arg8[%dma_start3A_1581, %dma_start3A_1582] : memref<208x128xf32, #tpu.memory_space<vmem>> -> memref<56x128xf32, #tpu.memory_space<vmem>>
      %dma_start3A_1584 = arith.constant 0 : i32
      %dma_start3A_1585 = arith.constant 0 : i32
      %dma_start3A_1586 = tpu.memref_slice %arg4[%add3A_1550, %dma_start3A_1584, %dma_start3A_1585] : memref<16384x56x128xf32, #tpu.memory_space<hbm>> -> memref<1x56x128xf32, #tpu.memory_space<hbm>>
      %dma_start3A_1587 = tpu.memref_squeeze %dma_start3A_1586 : memref<1x56x128xf32, #tpu.memory_space<hbm>> -> memref<56x128xf32, #tpu.memory_space<hbm>>
      %dma_start3A_1588 = arith.constant 0 : i32
      %dma_start3A_1589 = arith.constant 0 : i32
      %dma_start3A_1590 = tpu.memref_slice %arg4[%add3A_1550, %dma_start3A_1588, %dma_start3A_1589] : memref<16384x56x128xf32, #tpu.memory_space<hbm>> -> memref<1x56x128xf32, #tpu.memory_space<hbm>>
      %dma_start3A_1591 = tpu.memref_squeeze %dma_start3A_1590 : memref<1x56x128xf32, #tpu.memory_space<hbm>> -> memref<56x128xf32, #tpu.memory_space<hbm>>
      %dma_start3A_1592 = arith.constant 100 : i32
      %dma_start3A_1593 = arith.constant 0 : i32
      %dma_start3A_1594 = tpu.memref_slice %arg8[%dma_start3A_1592, %dma_start3A_1593] : memref<208x128xf32, #tpu.memory_space<vmem>> -> memref<56x128xf32, #tpu.memory_space<vmem>>
      tpu.enqueue_dma source(%dma_start3A_1594 : memref<56x128xf32, #tpu.memory_space<vmem>>) target(%dma_start3A_1591 : memref<56x128xf32, #tpu.memory_space<hbm>>) target_semaphore(%arg28 : memref<!tpu.dma_semaphore, #tpu.memory_space<semaphore_mem>>)
      %dma_start3A_1595 = arith.constant 150 : i32
      %dma_start3A_1596 = arith.constant 0 : i32
      %dma_start3A_1597 = tpu.memref_slice %arg8[%dma_start3A_1595, %dma_start3A_1596] : memref<208x128xf32, #tpu.memory_space<vmem>> -> memref<56x128xf32, #tpu.memory_space<vmem>>
      %dma_start3A_1598 = arith.constant 0 : i32
      %dma_start3A_1599 = arith.constant 0 : i32
      %dma_start3A_1600 = tpu.memref_slice %arg4[%add3A_1552, %dma_start3A_1598, %dma_start3A_1599] : memref<16384x56x128xf32, #tpu.memory_space<hbm>> -> memref<1x56x128xf32, #tpu.memory_space<hbm>>
      %dma_start3A_1601 = tpu.memref_squeeze %dma_start3A_1600 : memref<1x56x128xf32, #tpu.memory_space<hbm>> -> memref<56x128xf32, #tpu.memory_space<hbm>>
      %dma_start3A_1602 = arith.constant 0 : i32
      %dma_start3A_1603 = arith.constant 0 : i32
      %dma_start3A_1604 = tpu.memref_slice %arg4[%add3A_1552, %dma_start3A_1602, %dma_start3A_1603] : memref<16384x56x128xf32, #tpu.memory_space<hbm>> -> memref<1x56x128xf32, #tpu.memory_space<hbm>>
      %dma_start3A_1605 = tpu.memref_squeeze %dma_start3A_1604 : memref<1x56x128xf32, #tpu.memory_space<hbm>> -> memref<56x128xf32, #tpu.memory_space<hbm>>
      %dma_start3A_1606 = arith.constant 150 : i32
      %dma_start3A_1607 = arith.constant 0 : i32
      %dma_start3A_1608 = tpu.memref_slice %arg8[%dma_start3A_1606, %dma_start3A_1607] : memref<208x128xf32, #tpu.memory_space<vmem>> -> memref<56x128xf32, #tpu.memory_space<vmem>>
      tpu.enqueue_dma source(%dma_start3A_1608 : memref<56x128xf32, #tpu.memory_space<vmem>>) target(%dma_start3A_1605 : memref<56x128xf32, #tpu.memory_space<hbm>>) target_semaphore(%arg28 : memref<!tpu.dma_semaphore, #tpu.memory_space<semaphore_mem>>)
      %add3A_1609 = arith.constant 1 : i32
      %add3A_1610 = arith.addi %mul3A_1419, %add3A_1609 : i32
      %mul3A_1611 = arith.constant 4 : i32
      %mul3A_1612 = arith.muli %add3A_1610, %mul3A_1611 : i32
      %add3A_1613 = arith.addi %mul3A_2, %mul3A_1612 : i32
      %mul3A_1614 = arith.constant 50 : i32
      %mul3A_1615 = arith.muli %add3A_1613, %mul3A_1614 : i32
      %add3A_1616 = arith.constant 128 : i32
      %add3A_1617 = arith.addi %mul3A_1615, %add3A_1616 : i32
      %dma_wait3A_1618 = tpu.memref_slice %arg3[%mul3A_1615] : memref<819200xi32, #tpu.memory_space<hbm>> -> memref<128xi32, #tpu.memory_space<hbm>>
      %dma_wait3A_1619 = tpu.memref_slice %arg3[%mul3A_1615] : memref<819200xi32, #tpu.memory_space<hbm>> -> memref<128xi32, #tpu.memory_space<hbm>>
      tpu.wait_dma2 semaphore(%arg18 : memref<!tpu.dma_semaphore, #tpu.memory_space<semaphore_mem>>) src(%dma_wait3A_1619 : memref<128xi32, #tpu.memory_space<hbm>>) dst(%arg10 : memref<128xi32, #tpu.memory_space<vmem>>)
      %dma_wait3A_1620 = tpu.memref_slice %arg3[%add3A_1617] : memref<819200xi32, #tpu.memory_space<hbm>> -> memref<72xi32, #tpu.memory_space<hbm>>
      %dma_wait3A_1621 = tpu.memref_slice %arg3[%add3A_1617] : memref<819200xi32, #tpu.memory_space<hbm>> -> memref<72xi32, #tpu.memory_space<hbm>>
      tpu.wait_dma2 semaphore(%arg18 : memref<!tpu.dma_semaphore, #tpu.memory_space<semaphore_mem>>) src(%dma_wait3A_1621 : memref<72xi32, #tpu.memory_space<hbm>>) dst(%arg14 : memref<72xi32, #tpu.memory_space<vmem>>)
      %sub3A_1622 = arith.constant 4 : i32
      %sub3A_1623 = arith.subi %add3A_1610, %sub3A_1622 : i32
      %mul3A_1624 = arith.constant 4 : i32
      %mul3A_1625 = arith.muli %sub3A_1623, %mul3A_1624 : i32
      %add3A_1626 = arith.addi %mul3A_2, %mul3A_1625 : i32
      %add3A_1627 = arith.constant 0 : i32
      %add3A_1628 = arith.addi %add3A_1626, %add3A_1627 : i32
      %add3A_1629 = arith.constant 1 : i32
      %add3A_1630 = arith.addi %add3A_1626, %add3A_1629 : i32
      %add3A_1631 = arith.constant 2 : i32
      %add3A_1632 = arith.addi %add3A_1626, %add3A_1631 : i32
      %add3A_1633 = arith.constant 3 : i32
      %add3A_1634 = arith.addi %add3A_1626, %add3A_1633 : i32
      %dma_wait3A_1635 = arith.constant 0 : i32
      %dma_wait3A_1636 = arith.constant 0 : i32
      %dma_wait3A_1637 = tpu.memref_slice %arg6[%dma_wait3A_1635, %dma_wait3A_1636] : memref<208x128xf32, #tpu.memory_space<vmem>> -> memref<56x128xf32, #tpu.memory_space<vmem>>
      %dma_wait3A_1638 = arith.constant 0 : i32
      %dma_wait3A_1639 = arith.constant 0 : i32
      %dma_wait3A_1640 = tpu.memref_slice %arg4[%add3A_1628, %dma_wait3A_1638, %dma_wait3A_1639] : memref<16384x56x128xf32, #tpu.memory_space<hbm>> -> memref<1x56x128xf32, #tpu.memory_space<hbm>>
      %dma_wait3A_1641 = tpu.memref_squeeze %dma_wait3A_1640 : memref<1x56x128xf32, #tpu.memory_space<hbm>> -> memref<56x128xf32, #tpu.memory_space<hbm>>
      %dma_wait3A_1642 = arith.constant 0 : i32
      %dma_wait3A_1643 = arith.constant 0 : i32
      %dma_wait3A_1644 = tpu.memref_slice %arg4[%add3A_1628, %dma_wait3A_1642, %dma_wait3A_1643] : memref<16384x56x128xf32, #tpu.memory_space<hbm>> -> memref<1x56x128xf32, #tpu.memory_space<hbm>>
      %dma_wait3A_1645 = tpu.memref_squeeze %dma_wait3A_1644 : memref<1x56x128xf32, #tpu.memory_space<hbm>> -> memref<56x128xf32, #tpu.memory_space<hbm>>
      %dma_wait3A_1646 = arith.constant 0 : i32
      %dma_wait3A_1647 = arith.constant 0 : i32
      %dma_wait3A_1648 = tpu.memref_slice %arg6[%dma_wait3A_1646, %dma_wait3A_1647] : memref<208x128xf32, #tpu.memory_space<vmem>> -> memref<56x128xf32, #tpu.memory_space<vmem>>
      tpu.wait_dma2 semaphore(%arg26 : memref<!tpu.dma_semaphore, #tpu.memory_space<semaphore_mem>>) src(%dma_wait3A_1648 : memref<56x128xf32, #tpu.memory_space<vmem>>) dst(%dma_wait3A_1645 : memref<56x128xf32, #tpu.memory_space<hbm>>)
      %dma_wait3A_1649 = arith.constant 50 : i32
      %dma_wait3A_1650 = arith.constant 0 : i32
      %dma_wait3A_1651 = tpu.memref_slice %arg6[%dma_wait3A_1649, %dma_wait3A_1650] : memref<208x128xf32, #tpu.memory_space<vmem>> -> memref<56x128xf32, #tpu.memory_space<vmem>>
      %dma_wait3A_1652 = arith.constant 0 : i32
      %dma_wait3A_1653 = arith.constant 0 : i32
      %dma_wait3A_1654 = tpu.memref_slice %arg4[%add3A_1630, %dma_wait3A_1652, %dma_wait3A_1653] : memref<16384x56x128xf32, #tpu.memory_space<hbm>> -> memref<1x56x128xf32, #tpu.memory_space<hbm>>
      %dma_wait3A_1655 = tpu.memref_squeeze %dma_wait3A_1654 : memref<1x56x128xf32, #tpu.memory_space<hbm>> -> memref<56x128xf32, #tpu.memory_space<hbm>>
      %dma_wait3A_1656 = arith.constant 0 : i32
      %dma_wait3A_1657 = arith.constant 0 : i32
      %dma_wait3A_1658 = tpu.memref_slice %arg4[%add3A_1630, %dma_wait3A_1656, %dma_wait3A_1657] : memref<16384x56x128xf32, #tpu.memory_space<hbm>> -> memref<1x56x128xf32, #tpu.memory_space<hbm>>
      %dma_wait3A_1659 = tpu.memref_squeeze %dma_wait3A_1658 : memref<1x56x128xf32, #tpu.memory_space<hbm>> -> memref<56x128xf32, #tpu.memory_space<hbm>>
      %dma_wait3A_1660 = arith.constant 50 : i32
      %dma_wait3A_1661 = arith.constant 0 : i32
      %dma_wait3A_1662 = tpu.memref_slice %arg6[%dma_wait3A_1660, %dma_wait3A_1661] : memref<208x128xf32, #tpu.memory_space<vmem>> -> memref<56x128xf32, #tpu.memory_space<vmem>>
      tpu.wait_dma2 semaphore(%arg26 : memref<!tpu.dma_semaphore, #tpu.memory_space<semaphore_mem>>) src(%dma_wait3A_1662 : memref<56x128xf32, #tpu.memory_space<vmem>>) dst(%dma_wait3A_1659 : memref<56x128xf32, #tpu.memory_space<hbm>>)
      %dma_wait3A_1663 = arith.constant 100 : i32
      %dma_wait3A_1664 = arith.constant 0 : i32
      %dma_wait3A_1665 = tpu.memref_slice %arg6[%dma_wait3A_1663, %dma_wait3A_1664] : memref<208x128xf32, #tpu.memory_space<vmem>> -> memref<56x128xf32, #tpu.memory_space<vmem>>
      %dma_wait3A_1666 = arith.constant 0 : i32
      %dma_wait3A_1667 = arith.constant 0 : i32
      %dma_wait3A_1668 = tpu.memref_slice %arg4[%add3A_1632, %dma_wait3A_1666, %dma_wait3A_1667] : memref<16384x56x128xf32, #tpu.memory_space<hbm>> -> memref<1x56x128xf32, #tpu.memory_space<hbm>>
      %dma_wait3A_1669 = tpu.memref_squeeze %dma_wait3A_1668 : memref<1x56x128xf32, #tpu.memory_space<hbm>> -> memref<56x128xf32, #tpu.memory_space<hbm>>
      %dma_wait3A_1670 = arith.constant 0 : i32
      %dma_wait3A_1671 = arith.constant 0 : i32
      %dma_wait3A_1672 = tpu.memref_slice %arg4[%add3A_1632, %dma_wait3A_1670, %dma_wait3A_1671] : memref<16384x56x128xf32, #tpu.memory_space<hbm>> -> memref<1x56x128xf32, #tpu.memory_space<hbm>>
      %dma_wait3A_1673 = tpu.memref_squeeze %dma_wait3A_1672 : memref<1x56x128xf32, #tpu.memory_space<hbm>> -> memref<56x128xf32, #tpu.memory_space<hbm>>
      %dma_wait3A_1674 = arith.constant 100 : i32
      %dma_wait3A_1675 = arith.constant 0 : i32
      %dma_wait3A_1676 = tpu.memref_slice %arg6[%dma_wait3A_1674, %dma_wait3A_1675] : memref<208x128xf32, #tpu.memory_space<vmem>> -> memref<56x128xf32, #tpu.memory_space<vmem>>
      tpu.wait_dma2 semaphore(%arg26 : memref<!tpu.dma_semaphore, #tpu.memory_space<semaphore_mem>>) src(%dma_wait3A_1676 : memref<56x128xf32, #tpu.memory_space<vmem>>) dst(%dma_wait3A_1673 : memref<56x128xf32, #tpu.memory_space<hbm>>)
      %dma_wait3A_1677 = arith.constant 150 : i32
      %dma_wait3A_1678 = arith.constant 0 : i32
      %dma_wait3A_1679 = tpu.memref_slice %arg6[%dma_wait3A_1677, %dma_wait3A_1678] : memref<208x128xf32, #tpu.memory_space<vmem>> -> memref<56x128xf32, #tpu.memory_space<vmem>>
      %dma_wait3A_1680 = arith.constant 0 : i32
      %dma_wait3A_1681 = arith.constant 0 : i32
      %dma_wait3A_1682 = tpu.memref_slice %arg4[%add3A_1634, %dma_wait3A_1680, %dma_wait3A_1681] : memref<16384x56x128xf32, #tpu.memory_space<hbm>> -> memref<1x56x128xf32, #tpu.memory_space<hbm>>
      %dma_wait3A_1683 = tpu.memref_squeeze %dma_wait3A_1682 : memref<1x56x128xf32, #tpu.memory_space<hbm>> -> memref<56x128xf32, #tpu.memory_space<hbm>>
      %dma_wait3A_1684 = arith.constant 0 : i32
      %dma_wait3A_1685 = arith.constant 0 : i32
      %dma_wait3A_1686 = tpu.memref_slice %arg4[%add3A_1634, %dma_wait3A_1684, %dma_wait3A_1685] : memref<16384x56x128xf32, #tpu.memory_space<hbm>> -> memref<1x56x128xf32, #tpu.memory_space<hbm>>
      %dma_wait3A_1687 = tpu.memref_squeeze %dma_wait3A_1686 : memref<1x56x128xf32, #tpu.memory_space<hbm>> -> memref<56x128xf32, #tpu.memory_space<hbm>>
      %dma_wait3A_1688 = arith.constant 150 : i32
      %dma_wait3A_1689 = arith.constant 0 : i32
      %dma_wait3A_1690 = tpu.memref_slice %arg6[%dma_wait3A_1688, %dma_wait3A_1689] : memref<208x128xf32, #tpu.memory_space<vmem>> -> memref<56x128xf32, #tpu.memory_space<vmem>>
      tpu.wait_dma2 semaphore(%arg26 : memref<!tpu.dma_semaphore, #tpu.memory_space<semaphore_mem>>) src(%dma_wait3A_1690 : memref<56x128xf32, #tpu.memory_space<vmem>>) dst(%dma_wait3A_1687 : memref<56x128xf32, #tpu.memory_space<hbm>>)
      %dma_start3A_1691 = arith.constant 0 : i32
      %dma_start3A_1692 = arith.constant 0 : i32
      %dma_start3A_1693 = tpu.memref_slice %arg6[%dma_start3A_1691, %dma_start3A_1692] : memref<208x128xf32, #tpu.memory_space<vmem>> -> memref<128x128xf32, #tpu.memory_space<vmem>>
      %dma_start3A_1694 = arith.constant 0 : i32
      %dma_start3A_1695 = arith.constant 0 : i32
      %dma_start3A_1696 = tpu.memref_slice %arg2[%dma_start3A_1694, %dma_start3A_1695] : memref<500000x128xf32, #tpu.memory_space<hbm>> -> memref<500000x128xf32, #tpu.memory_space<hbm>>
      tpu.enqueue_indirect_dma source(%dma_start3A_1696 : memref<500000x128xf32, #tpu.memory_space<hbm>>) target(%dma_start3A_1693 : memref<128x128xf32, #tpu.memory_space<vmem>>) offsets(%arg10 : memref<128xi32, #tpu.memory_space<vmem>>) semaphore(%arg22 : memref<!tpu.dma_semaphore, #tpu.memory_space<semaphore_mem>>)
      %dma_start3A_1697 = arith.constant 128 : i32
      %dma_start3A_1698 = arith.constant 0 : i32
      %dma_start3A_1699 = tpu.memref_slice %arg6[%dma_start3A_1697, %dma_start3A_1698] : memref<208x128xf32, #tpu.memory_space<vmem>> -> memref<72x128xf32, #tpu.memory_space<vmem>>
      %dma_start3A_1700 = arith.constant 0 : i32
      %dma_start3A_1701 = arith.constant 0 : i32
      %dma_start3A_1702 = tpu.memref_slice %arg2[%dma_start3A_1700, %dma_start3A_1701] : memref<500000x128xf32, #tpu.memory_space<hbm>> -> memref<500000x128xf32, #tpu.memory_space<hbm>>
      tpu.enqueue_indirect_dma source(%dma_start3A_1702 : memref<500000x128xf32, #tpu.memory_space<hbm>>) target(%dma_start3A_1699 : memref<72x128xf32, #tpu.memory_space<vmem>>) offsets(%arg14 : memref<72xi32, #tpu.memory_space<vmem>>) semaphore(%arg22 : memref<!tpu.dma_semaphore, #tpu.memory_space<semaphore_mem>>)
      %add3A_1703 = arith.constant 1 : i32
      %add3A_1704 = arith.addi %add3A_1610, %add3A_1703 : i32
      %mul3A_1705 = arith.constant 4 : i32
      %mul3A_1706 = arith.muli %add3A_1704, %mul3A_1705 : i32
      %add3A_1707 = arith.addi %mul3A_2, %mul3A_1706 : i32
      %mul3A_1708 = arith.constant 50 : i32
      %mul3A_1709 = arith.muli %add3A_1707, %mul3A_1708 : i32
      %add3A_1710 = arith.constant 128 : i32
      %add3A_1711 = arith.addi %mul3A_1709, %add3A_1710 : i32
      %dma_start3A_1712 = tpu.memref_slice %arg3[%mul3A_1709] : memref<819200xi32, #tpu.memory_space<hbm>> -> memref<128xi32, #tpu.memory_space<hbm>>
      %dma_start3A_1713 = tpu.memref_slice %arg3[%mul3A_1709] : memref<819200xi32, #tpu.memory_space<hbm>> -> memref<128xi32, #tpu.memory_space<hbm>>
      tpu.enqueue_dma source(%dma_start3A_1713 : memref<128xi32, #tpu.memory_space<hbm>>) target(%arg11 : memref<128xi32, #tpu.memory_space<vmem>>) target_semaphore(%arg19 : memref<!tpu.dma_semaphore, #tpu.memory_space<semaphore_mem>>)
      %dma_start3A_1714 = tpu.memref_slice %arg3[%add3A_1711] : memref<819200xi32, #tpu.memory_space<hbm>> -> memref<72xi32, #tpu.memory_space<hbm>>
      %dma_start3A_1715 = tpu.memref_slice %arg3[%add3A_1711] : memref<819200xi32, #tpu.memory_space<hbm>> -> memref<72xi32, #tpu.memory_space<hbm>>
      tpu.enqueue_dma source(%dma_start3A_1715 : memref<72xi32, #tpu.memory_space<hbm>>) target(%arg15 : memref<72xi32, #tpu.memory_space<vmem>>) target_semaphore(%arg19 : memref<!tpu.dma_semaphore, #tpu.memory_space<semaphore_mem>>)
      %sub3A_1716 = arith.constant 1 : i32
      %sub3A_1717 = arith.subi %add3A_1610, %sub3A_1716 : i32
      %dma_wait3A_1718 = arith.constant 0 : i32
      %dma_wait3A_1719 = arith.constant 0 : i32
      %dma_wait3A_1720 = tpu.memref_slice %arg5[%dma_wait3A_1718, %dma_wait3A_1719] : memref<208x128xf32, #tpu.memory_space<vmem>> -> memref<128x128xf32, #tpu.memory_space<vmem>>
      %dma_wait3A_1721 = arith.constant 0 : i32
      %dma_wait3A_1722 = arith.constant 0 : i32
      %dma_wait3A_1723 = tpu.memref_slice %arg2[%dma_wait3A_1721, %dma_wait3A_1722] : memref<500000x128xf32, #tpu.memory_space<hbm>> -> memref<500000x128xf32, #tpu.memory_space<hbm>>
      tpu.wait_indirect_dma semaphore(%arg21 : memref<!tpu.dma_semaphore, #tpu.memory_space<semaphore_mem>>) src(%dma_wait3A_1723 : memref<500000x128xf32, #tpu.memory_space<hbm>>) dst(%dma_wait3A_1720 : memref<128x128xf32, #tpu.memory_space<vmem>>)
      %dma_wait3A_1724 = arith.constant 128 : i32
      %dma_wait3A_1725 = arith.constant 0 : i32
      %dma_wait3A_1726 = tpu.memref_slice %arg5[%dma_wait3A_1724, %dma_wait3A_1725] : memref<208x128xf32, #tpu.memory_space<vmem>> -> memref<72x128xf32, #tpu.memory_space<vmem>>
      %dma_wait3A_1727 = arith.constant 0 : i32
      %dma_wait3A_1728 = arith.constant 0 : i32
      %dma_wait3A_1729 = tpu.memref_slice %arg2[%dma_wait3A_1727, %dma_wait3A_1728] : memref<500000x128xf32, #tpu.memory_space<hbm>> -> memref<500000x128xf32, #tpu.memory_space<hbm>>
      tpu.wait_indirect_dma semaphore(%arg21 : memref<!tpu.dma_semaphore, #tpu.memory_space<semaphore_mem>>) src(%dma_wait3A_1729 : memref<500000x128xf32, #tpu.memory_space<hbm>>) dst(%dma_wait3A_1726 : memref<72x128xf32, #tpu.memory_space<vmem>>)
      %sub3A_1730 = arith.constant 1 : i32
      %sub3A_1731 = arith.subi %add3A_1610, %sub3A_1730 : i32
      %mul3A_1732 = arith.constant 4 : i32
      %mul3A_1733 = arith.muli %sub3A_1731, %mul3A_1732 : i32
      %add3A_1734 = arith.addi %mul3A_2, %mul3A_1733 : i32
      %add3A_1735 = arith.constant 0 : i32
      %add3A_1736 = arith.addi %add3A_1734, %add3A_1735 : i32
      %add3A_1737 = arith.constant 1 : i32
      %add3A_1738 = arith.addi %add3A_1734, %add3A_1737 : i32
      %add3A_1739 = arith.constant 2 : i32
      %add3A_1740 = arith.addi %add3A_1734, %add3A_1739 : i32
      %add3A_1741 = arith.constant 3 : i32
      %add3A_1742 = arith.addi %add3A_1734, %add3A_1741 : i32
      %dma_start3A_1743 = arith.constant 0 : i32
      %dma_start3A_1744 = arith.constant 0 : i32
      %dma_start3A_1745 = tpu.memref_slice %arg5[%dma_start3A_1743, %dma_start3A_1744] : memref<208x128xf32, #tpu.memory_space<vmem>> -> memref<56x128xf32, #tpu.memory_space<vmem>>
      %dma_start3A_1746 = arith.constant 0 : i32
      %dma_start3A_1747 = arith.constant 0 : i32
      %dma_start3A_1748 = tpu.memref_slice %arg4[%add3A_1736, %dma_start3A_1746, %dma_start3A_1747] : memref<16384x56x128xf32, #tpu.memory_space<hbm>> -> memref<1x56x128xf32, #tpu.memory_space<hbm>>
      %dma_start3A_1749 = tpu.memref_squeeze %dma_start3A_1748 : memref<1x56x128xf32, #tpu.memory_space<hbm>> -> memref<56x128xf32, #tpu.memory_space<hbm>>
      %dma_start3A_1750 = arith.constant 0 : i32
      %dma_start3A_1751 = arith.constant 0 : i32
      %dma_start3A_1752 = tpu.memref_slice %arg4[%add3A_1736, %dma_start3A_1750, %dma_start3A_1751] : memref<16384x56x128xf32, #tpu.memory_space<hbm>> -> memref<1x56x128xf32, #tpu.memory_space<hbm>>
      %dma_start3A_1753 = tpu.memref_squeeze %dma_start3A_1752 : memref<1x56x128xf32, #tpu.memory_space<hbm>> -> memref<56x128xf32, #tpu.memory_space<hbm>>
      %dma_start3A_1754 = arith.constant 0 : i32
      %dma_start3A_1755 = arith.constant 0 : i32
      %dma_start3A_1756 = tpu.memref_slice %arg5[%dma_start3A_1754, %dma_start3A_1755] : memref<208x128xf32, #tpu.memory_space<vmem>> -> memref<56x128xf32, #tpu.memory_space<vmem>>
      tpu.enqueue_dma source(%dma_start3A_1756 : memref<56x128xf32, #tpu.memory_space<vmem>>) target(%dma_start3A_1753 : memref<56x128xf32, #tpu.memory_space<hbm>>) target_semaphore(%arg25 : memref<!tpu.dma_semaphore, #tpu.memory_space<semaphore_mem>>)
      %dma_start3A_1757 = arith.constant 50 : i32
      %dma_start3A_1758 = arith.constant 0 : i32
      %dma_start3A_1759 = tpu.memref_slice %arg5[%dma_start3A_1757, %dma_start3A_1758] : memref<208x128xf32, #tpu.memory_space<vmem>> -> memref<56x128xf32, #tpu.memory_space<vmem>>
      %dma_start3A_1760 = arith.constant 0 : i32
      %dma_start3A_1761 = arith.constant 0 : i32
      %dma_start3A_1762 = tpu.memref_slice %arg4[%add3A_1738, %dma_start3A_1760, %dma_start3A_1761] : memref<16384x56x128xf32, #tpu.memory_space<hbm>> -> memref<1x56x128xf32, #tpu.memory_space<hbm>>
      %dma_start3A_1763 = tpu.memref_squeeze %dma_start3A_1762 : memref<1x56x128xf32, #tpu.memory_space<hbm>> -> memref<56x128xf32, #tpu.memory_space<hbm>>
      %dma_start3A_1764 = arith.constant 0 : i32
      %dma_start3A_1765 = arith.constant 0 : i32
      %dma_start3A_1766 = tpu.memref_slice %arg4[%add3A_1738, %dma_start3A_1764, %dma_start3A_1765] : memref<16384x56x128xf32, #tpu.memory_space<hbm>> -> memref<1x56x128xf32, #tpu.memory_space<hbm>>
      %dma_start3A_1767 = tpu.memref_squeeze %dma_start3A_1766 : memref<1x56x128xf32, #tpu.memory_space<hbm>> -> memref<56x128xf32, #tpu.memory_space<hbm>>
      %dma_start3A_1768 = arith.constant 50 : i32
      %dma_start3A_1769 = arith.constant 0 : i32
      %dma_start3A_1770 = tpu.memref_slice %arg5[%dma_start3A_1768, %dma_start3A_1769] : memref<208x128xf32, #tpu.memory_space<vmem>> -> memref<56x128xf32, #tpu.memory_space<vmem>>
      tpu.enqueue_dma source(%dma_start3A_1770 : memref<56x128xf32, #tpu.memory_space<vmem>>) target(%dma_start3A_1767 : memref<56x128xf32, #tpu.memory_space<hbm>>) target_semaphore(%arg25 : memref<!tpu.dma_semaphore, #tpu.memory_space<semaphore_mem>>)
      %dma_start3A_1771 = arith.constant 100 : i32
      %dma_start3A_1772 = arith.constant 0 : i32
      %dma_start3A_1773 = tpu.memref_slice %arg5[%dma_start3A_1771, %dma_start3A_1772] : memref<208x128xf32, #tpu.memory_space<vmem>> -> memref<56x128xf32, #tpu.memory_space<vmem>>
      %dma_start3A_1774 = arith.constant 0 : i32
      %dma_start3A_1775 = arith.constant 0 : i32
      %dma_start3A_1776 = tpu.memref_slice %arg4[%add3A_1740, %dma_start3A_1774, %dma_start3A_1775] : memref<16384x56x128xf32, #tpu.memory_space<hbm>> -> memref<1x56x128xf32, #tpu.memory_space<hbm>>
      %dma_start3A_1777 = tpu.memref_squeeze %dma_start3A_1776 : memref<1x56x128xf32, #tpu.memory_space<hbm>> -> memref<56x128xf32, #tpu.memory_space<hbm>>
      %dma_start3A_1778 = arith.constant 0 : i32
      %dma_start3A_1779 = arith.constant 0 : i32
      %dma_start3A_1780 = tpu.memref_slice %arg4[%add3A_1740, %dma_start3A_1778, %dma_start3A_1779] : memref<16384x56x128xf32, #tpu.memory_space<hbm>> -> memref<1x56x128xf32, #tpu.memory_space<hbm>>
      %dma_start3A_1781 = tpu.memref_squeeze %dma_start3A_1780 : memref<1x56x128xf32, #tpu.memory_space<hbm>> -> memref<56x128xf32, #tpu.memory_space<hbm>>
      %dma_start3A_1782 = arith.constant 100 : i32
      %dma_start3A_1783 = arith.constant 0 : i32
      %dma_start3A_1784 = tpu.memref_slice %arg5[%dma_start3A_1782, %dma_start3A_1783] : memref<208x128xf32, #tpu.memory_space<vmem>> -> memref<56x128xf32, #tpu.memory_space<vmem>>
      tpu.enqueue_dma source(%dma_start3A_1784 : memref<56x128xf32, #tpu.memory_space<vmem>>) target(%dma_start3A_1781 : memref<56x128xf32, #tpu.memory_space<hbm>>) target_semaphore(%arg25 : memref<!tpu.dma_semaphore, #tpu.memory_space<semaphore_mem>>)
      %dma_start3A_1785 = arith.constant 150 : i32
      %dma_start3A_1786 = arith.constant 0 : i32
      %dma_start3A_1787 = tpu.memref_slice %arg5[%dma_start3A_1785, %dma_start3A_1786] : memref<208x128xf32, #tpu.memory_space<vmem>> -> memref<56x128xf32, #tpu.memory_space<vmem>>
      %dma_start3A_1788 = arith.constant 0 : i32
      %dma_start3A_1789 = arith.constant 0 : i32
      %dma_start3A_1790 = tpu.memref_slice %arg4[%add3A_1742, %dma_start3A_1788, %dma_start3A_1789] : memref<16384x56x128xf32, #tpu.memory_space<hbm>> -> memref<1x56x128xf32, #tpu.memory_space<hbm>>
      %dma_start3A_1791 = tpu.memref_squeeze %dma_start3A_1790 : memref<1x56x128xf32, #tpu.memory_space<hbm>> -> memref<56x128xf32, #tpu.memory_space<hbm>>
      %dma_start3A_1792 = arith.constant 0 : i32
      %dma_start3A_1793 = arith.constant 0 : i32
      %dma_start3A_1794 = tpu.memref_slice %arg4[%add3A_1742, %dma_start3A_1792, %dma_start3A_1793] : memref<16384x56x128xf32, #tpu.memory_space<hbm>> -> memref<1x56x128xf32, #tpu.memory_space<hbm>>
      %dma_start3A_1795 = tpu.memref_squeeze %dma_start3A_1794 : memref<1x56x128xf32, #tpu.memory_space<hbm>> -> memref<56x128xf32, #tpu.memory_space<hbm>>
      %dma_start3A_1796 = arith.constant 150 : i32
      %dma_start3A_1797 = arith.constant 0 : i32
      %dma_start3A_1798 = tpu.memref_slice %arg5[%dma_start3A_1796, %dma_start3A_1797] : memref<208x128xf32, #tpu.memory_space<vmem>> -> memref<56x128xf32, #tpu.memory_space<vmem>>
      tpu.enqueue_dma source(%dma_start3A_1798 : memref<56x128xf32, #tpu.memory_space<vmem>>) target(%dma_start3A_1795 : memref<56x128xf32, #tpu.memory_space<hbm>>) target_semaphore(%arg25 : memref<!tpu.dma_semaphore, #tpu.memory_space<semaphore_mem>>)
      %add3A_1799 = arith.constant 2 : i32
      %add3A_1800 = arith.addi %mul3A_1419, %add3A_1799 : i32
      %mul3A_1801 = arith.constant 4 : i32
      %mul3A_1802 = arith.muli %add3A_1800, %mul3A_1801 : i32
      %add3A_1803 = arith.addi %mul3A_2, %mul3A_1802 : i32
      %mul3A_1804 = arith.constant 50 : i32
      %mul3A_1805 = arith.muli %add3A_1803, %mul3A_1804 : i32
      %add3A_1806 = arith.constant 128 : i32
      %add3A_1807 = arith.addi %mul3A_1805, %add3A_1806 : i32
      %dma_wait3A_1808 = tpu.memref_slice %arg3[%mul3A_1805] : memref<819200xi32, #tpu.memory_space<hbm>> -> memref<128xi32, #tpu.memory_space<hbm>>
      %dma_wait3A_1809 = tpu.memref_slice %arg3[%mul3A_1805] : memref<819200xi32, #tpu.memory_space<hbm>> -> memref<128xi32, #tpu.memory_space<hbm>>
      tpu.wait_dma2 semaphore(%arg19 : memref<!tpu.dma_semaphore, #tpu.memory_space<semaphore_mem>>) src(%dma_wait3A_1809 : memref<128xi32, #tpu.memory_space<hbm>>) dst(%arg11 : memref<128xi32, #tpu.memory_space<vmem>>)
      %dma_wait3A_1810 = tpu.memref_slice %arg3[%add3A_1807] : memref<819200xi32, #tpu.memory_space<hbm>> -> memref<72xi32, #tpu.memory_space<hbm>>
      %dma_wait3A_1811 = tpu.memref_slice %arg3[%add3A_1807] : memref<819200xi32, #tpu.memory_space<hbm>> -> memref<72xi32, #tpu.memory_space<hbm>>
      tpu.wait_dma2 semaphore(%arg19 : memref<!tpu.dma_semaphore, #tpu.memory_space<semaphore_mem>>) src(%dma_wait3A_1811 : memref<72xi32, #tpu.memory_space<hbm>>) dst(%arg15 : memref<72xi32, #tpu.memory_space<vmem>>)
      %sub3A_1812 = arith.constant 4 : i32
      %sub3A_1813 = arith.subi %add3A_1800, %sub3A_1812 : i32
      %mul3A_1814 = arith.constant 4 : i32
      %mul3A_1815 = arith.muli %sub3A_1813, %mul3A_1814 : i32
      %add3A_1816 = arith.addi %mul3A_2, %mul3A_1815 : i32
      %add3A_1817 = arith.constant 0 : i32
      %add3A_1818 = arith.addi %add3A_1816, %add3A_1817 : i32
      %add3A_1819 = arith.constant 1 : i32
      %add3A_1820 = arith.addi %add3A_1816, %add3A_1819 : i32
      %add3A_1821 = arith.constant 2 : i32
      %add3A_1822 = arith.addi %add3A_1816, %add3A_1821 : i32
      %add3A_1823 = arith.constant 3 : i32
      %add3A_1824 = arith.addi %add3A_1816, %add3A_1823 : i32
      %dma_wait3A_1825 = arith.constant 0 : i32
      %dma_wait3A_1826 = arith.constant 0 : i32
      %dma_wait3A_1827 = tpu.memref_slice %arg7[%dma_wait3A_1825, %dma_wait3A_1826] : memref<208x128xf32, #tpu.memory_space<vmem>> -> memref<56x128xf32, #tpu.memory_space<vmem>>
      %dma_wait3A_1828 = arith.constant 0 : i32
      %dma_wait3A_1829 = arith.constant 0 : i32
      %dma_wait3A_1830 = tpu.memref_slice %arg4[%add3A_1818, %dma_wait3A_1828, %dma_wait3A_1829] : memref<16384x56x128xf32, #tpu.memory_space<hbm>> -> memref<1x56x128xf32, #tpu.memory_space<hbm>>
      %dma_wait3A_1831 = tpu.memref_squeeze %dma_wait3A_1830 : memref<1x56x128xf32, #tpu.memory_space<hbm>> -> memref<56x128xf32, #tpu.memory_space<hbm>>
      %dma_wait3A_1832 = arith.constant 0 : i32
      %dma_wait3A_1833 = arith.constant 0 : i32
      %dma_wait3A_1834 = tpu.memref_slice %arg4[%add3A_1818, %dma_wait3A_1832, %dma_wait3A_1833] : memref<16384x56x128xf32, #tpu.memory_space<hbm>> -> memref<1x56x128xf32, #tpu.memory_space<hbm>>
      %dma_wait3A_1835 = tpu.memref_squeeze %dma_wait3A_1834 : memref<1x56x128xf32, #tpu.memory_space<hbm>> -> memref<56x128xf32, #tpu.memory_space<hbm>>
      %dma_wait3A_1836 = arith.constant 0 : i32
      %dma_wait3A_1837 = arith.constant 0 : i32
      %dma_wait3A_1838 = tpu.memref_slice %arg7[%dma_wait3A_1836, %dma_wait3A_1837] : memref<208x128xf32, #tpu.memory_space<vmem>> -> memref<56x128xf32, #tpu.memory_space<vmem>>
      tpu.wait_dma2 semaphore(%arg27 : memref<!tpu.dma_semaphore, #tpu.memory_space<semaphore_mem>>) src(%dma_wait3A_1838 : memref<56x128xf32, #tpu.memory_space<vmem>>) dst(%dma_wait3A_1835 : memref<56x128xf32, #tpu.memory_space<hbm>>)
      %dma_wait3A_1839 = arith.constant 50 : i32
      %dma_wait3A_1840 = arith.constant 0 : i32
      %dma_wait3A_1841 = tpu.memref_slice %arg7[%dma_wait3A_1839, %dma_wait3A_1840] : memref<208x128xf32, #tpu.memory_space<vmem>> -> memref<56x128xf32, #tpu.memory_space<vmem>>
      %dma_wait3A_1842 = arith.constant 0 : i32
      %dma_wait3A_1843 = arith.constant 0 : i32
      %dma_wait3A_1844 = tpu.memref_slice %arg4[%add3A_1820, %dma_wait3A_1842, %dma_wait3A_1843] : memref<16384x56x128xf32, #tpu.memory_space<hbm>> -> memref<1x56x128xf32, #tpu.memory_space<hbm>>
      %dma_wait3A_1845 = tpu.memref_squeeze %dma_wait3A_1844 : memref<1x56x128xf32, #tpu.memory_space<hbm>> -> memref<56x128xf32, #tpu.memory_space<hbm>>
      %dma_wait3A_1846 = arith.constant 0 : i32
      %dma_wait3A_1847 = arith.constant 0 : i32
      %dma_wait3A_1848 = tpu.memref_slice %arg4[%add3A_1820, %dma_wait3A_1846, %dma_wait3A_1847] : memref<16384x56x128xf32, #tpu.memory_space<hbm>> -> memref<1x56x128xf32, #tpu.memory_space<hbm>>
      %dma_wait3A_1849 = tpu.memref_squeeze %dma_wait3A_1848 : memref<1x56x128xf32, #tpu.memory_space<hbm>> -> memref<56x128xf32, #tpu.memory_space<hbm>>
      %dma_wait3A_1850 = arith.constant 50 : i32
      %dma_wait3A_1851 = arith.constant 0 : i32
      %dma_wait3A_1852 = tpu.memref_slice %arg7[%dma_wait3A_1850, %dma_wait3A_1851] : memref<208x128xf32, #tpu.memory_space<vmem>> -> memref<56x128xf32, #tpu.memory_space<vmem>>
      tpu.wait_dma2 semaphore(%arg27 : memref<!tpu.dma_semaphore, #tpu.memory_space<semaphore_mem>>) src(%dma_wait3A_1852 : memref<56x128xf32, #tpu.memory_space<vmem>>) dst(%dma_wait3A_1849 : memref<56x128xf32, #tpu.memory_space<hbm>>)
      %dma_wait3A_1853 = arith.constant 100 : i32
      %dma_wait3A_1854 = arith.constant 0 : i32
      %dma_wait3A_1855 = tpu.memref_slice %arg7[%dma_wait3A_1853, %dma_wait3A_1854] : memref<208x128xf32, #tpu.memory_space<vmem>> -> memref<56x128xf32, #tpu.memory_space<vmem>>
      %dma_wait3A_1856 = arith.constant 0 : i32
      %dma_wait3A_1857 = arith.constant 0 : i32
      %dma_wait3A_1858 = tpu.memref_slice %arg4[%add3A_1822, %dma_wait3A_1856, %dma_wait3A_1857] : memref<16384x56x128xf32, #tpu.memory_space<hbm>> -> memref<1x56x128xf32, #tpu.memory_space<hbm>>
      %dma_wait3A_1859 = tpu.memref_squeeze %dma_wait3A_1858 : memref<1x56x128xf32, #tpu.memory_space<hbm>> -> memref<56x128xf32, #tpu.memory_space<hbm>>
      %dma_wait3A_1860 = arith.constant 0 : i32
      %dma_wait3A_1861 = arith.constant 0 : i32
      %dma_wait3A_1862 = tpu.memref_slice %arg4[%add3A_1822, %dma_wait3A_1860, %dma_wait3A_1861] : memref<16384x56x128xf32, #tpu.memory_space<hbm>> -> memref<1x56x128xf32, #tpu.memory_space<hbm>>
      %dma_wait3A_1863 = tpu.memref_squeeze %dma_wait3A_1862 : memref<1x56x128xf32, #tpu.memory_space<hbm>> -> memref<56x128xf32, #tpu.memory_space<hbm>>
      %dma_wait3A_1864 = arith.constant 100 : i32
      %dma_wait3A_1865 = arith.constant 0 : i32
      %dma_wait3A_1866 = tpu.memref_slice %arg7[%dma_wait3A_1864, %dma_wait3A_1865] : memref<208x128xf32, #tpu.memory_space<vmem>> -> memref<56x128xf32, #tpu.memory_space<vmem>>
      tpu.wait_dma2 semaphore(%arg27 : memref<!tpu.dma_semaphore, #tpu.memory_space<semaphore_mem>>) src(%dma_wait3A_1866 : memref<56x128xf32, #tpu.memory_space<vmem>>) dst(%dma_wait3A_1863 : memref<56x128xf32, #tpu.memory_space<hbm>>)
      %dma_wait3A_1867 = arith.constant 150 : i32
      %dma_wait3A_1868 = arith.constant 0 : i32
      %dma_wait3A_1869 = tpu.memref_slice %arg7[%dma_wait3A_1867, %dma_wait3A_1868] : memref<208x128xf32, #tpu.memory_space<vmem>> -> memref<56x128xf32, #tpu.memory_space<vmem>>
      %dma_wait3A_1870 = arith.constant 0 : i32
      %dma_wait3A_1871 = arith.constant 0 : i32
      %dma_wait3A_1872 = tpu.memref_slice %arg4[%add3A_1824, %dma_wait3A_1870, %dma_wait3A_1871] : memref<16384x56x128xf32, #tpu.memory_space<hbm>> -> memref<1x56x128xf32, #tpu.memory_space<hbm>>
      %dma_wait3A_1873 = tpu.memref_squeeze %dma_wait3A_1872 : memref<1x56x128xf32, #tpu.memory_space<hbm>> -> memref<56x128xf32, #tpu.memory_space<hbm>>
      %dma_wait3A_1874 = arith.constant 0 : i32
      %dma_wait3A_1875 = arith.constant 0 : i32
      %dma_wait3A_1876 = tpu.memref_slice %arg4[%add3A_1824, %dma_wait3A_1874, %dma_wait3A_1875] : memref<16384x56x128xf32, #tpu.memory_space<hbm>> -> memref<1x56x128xf32, #tpu.memory_space<hbm>>
      %dma_wait3A_1877 = tpu.memref_squeeze %dma_wait3A_1876 : memref<1x56x128xf32, #tpu.memory_space<hbm>> -> memref<56x128xf32, #tpu.memory_space<hbm>>
      %dma_wait3A_1878 = arith.constant 150 : i32
      %dma_wait3A_1879 = arith.constant 0 : i32
      %dma_wait3A_1880 = tpu.memref_slice %arg7[%dma_wait3A_1878, %dma_wait3A_1879] : memref<208x128xf32, #tpu.memory_space<vmem>> -> memref<56x128xf32, #tpu.memory_space<vmem>>
      tpu.wait_dma2 semaphore(%arg27 : memref<!tpu.dma_semaphore, #tpu.memory_space<semaphore_mem>>) src(%dma_wait3A_1880 : memref<56x128xf32, #tpu.memory_space<vmem>>) dst(%dma_wait3A_1877 : memref<56x128xf32, #tpu.memory_space<hbm>>)
      %dma_start3A_1881 = arith.constant 0 : i32
      %dma_start3A_1882 = arith.constant 0 : i32
      %dma_start3A_1883 = tpu.memref_slice %arg7[%dma_start3A_1881, %dma_start3A_1882] : memref<208x128xf32, #tpu.memory_space<vmem>> -> memref<128x128xf32, #tpu.memory_space<vmem>>
      %dma_start3A_1884 = arith.constant 0 : i32
      %dma_start3A_1885 = arith.constant 0 : i32
      %dma_start3A_1886 = tpu.memref_slice %arg2[%dma_start3A_1884, %dma_start3A_1885] : memref<500000x128xf32, #tpu.memory_space<hbm>> -> memref<500000x128xf32, #tpu.memory_space<hbm>>
      tpu.enqueue_indirect_dma source(%dma_start3A_1886 : memref<500000x128xf32, #tpu.memory_space<hbm>>) target(%dma_start3A_1883 : memref<128x128xf32, #tpu.memory_space<vmem>>) offsets(%arg11 : memref<128xi32, #tpu.memory_space<vmem>>) semaphore(%arg23 : memref<!tpu.dma_semaphore, #tpu.memory_space<semaphore_mem>>)
      %dma_start3A_1887 = arith.constant 128 : i32
      %dma_start3A_1888 = arith.constant 0 : i32
      %dma_start3A_1889 = tpu.memref_slice %arg7[%dma_start3A_1887, %dma_start3A_1888] : memref<208x128xf32, #tpu.memory_space<vmem>> -> memref<72x128xf32, #tpu.memory_space<vmem>>
      %dma_start3A_1890 = arith.constant 0 : i32
      %dma_start3A_1891 = arith.constant 0 : i32
      %dma_start3A_1892 = tpu.memref_slice %arg2[%dma_start3A_1890, %dma_start3A_1891] : memref<500000x128xf32, #tpu.memory_space<hbm>> -> memref<500000x128xf32, #tpu.memory_space<hbm>>
      tpu.enqueue_indirect_dma source(%dma_start3A_1892 : memref<500000x128xf32, #tpu.memory_space<hbm>>) target(%dma_start3A_1889 : memref<72x128xf32, #tpu.memory_space<vmem>>) offsets(%arg15 : memref<72xi32, #tpu.memory_space<vmem>>) semaphore(%arg23 : memref<!tpu.dma_semaphore, #tpu.memory_space<semaphore_mem>>)
      %add3A_1893 = arith.constant 1 : i32
      %add3A_1894 = arith.addi %add3A_1800, %add3A_1893 : i32
      %mul3A_1895 = arith.constant 4 : i32
      %mul3A_1896 = arith.muli %add3A_1894, %mul3A_1895 : i32
      %add3A_1897 = arith.addi %mul3A_2, %mul3A_1896 : i32
      %mul3A_1898 = arith.constant 50 : i32
      %mul3A_1899 = arith.muli %add3A_1897, %mul3A_1898 : i32
      %add3A_1900 = arith.constant 128 : i32
      %add3A_1901 = arith.addi %mul3A_1899, %add3A_1900 : i32
      %dma_start3A_1902 = tpu.memref_slice %arg3[%mul3A_1899] : memref<819200xi32, #tpu.memory_space<hbm>> -> memref<128xi32, #tpu.memory_space<hbm>>
      %dma_start3A_1903 = tpu.memref_slice %arg3[%mul3A_1899] : memref<819200xi32, #tpu.memory_space<hbm>> -> memref<128xi32, #tpu.memory_space<hbm>>
      tpu.enqueue_dma source(%dma_start3A_1903 : memref<128xi32, #tpu.memory_space<hbm>>) target(%arg12 : memref<128xi32, #tpu.memory_space<vmem>>) target_semaphore(%arg20 : memref<!tpu.dma_semaphore, #tpu.memory_space<semaphore_mem>>)
      %dma_start3A_1904 = tpu.memref_slice %arg3[%add3A_1901] : memref<819200xi32, #tpu.memory_space<hbm>> -> memref<72xi32, #tpu.memory_space<hbm>>
      %dma_start3A_1905 = tpu.memref_slice %arg3[%add3A_1901] : memref<819200xi32, #tpu.memory_space<hbm>> -> memref<72xi32, #tpu.memory_space<hbm>>
      tpu.enqueue_dma source(%dma_start3A_1905 : memref<72xi32, #tpu.memory_space<hbm>>) target(%arg16 : memref<72xi32, #tpu.memory_space<vmem>>) target_semaphore(%arg20 : memref<!tpu.dma_semaphore, #tpu.memory_space<semaphore_mem>>)
      %sub3A_1906 = arith.constant 1 : i32
      %sub3A_1907 = arith.subi %add3A_1800, %sub3A_1906 : i32
      %dma_wait3A_1908 = arith.constant 0 : i32
      %dma_wait3A_1909 = arith.constant 0 : i32
      %dma_wait3A_1910 = tpu.memref_slice %arg6[%dma_wait3A_1908, %dma_wait3A_1909] : memref<208x128xf32, #tpu.memory_space<vmem>> -> memref<128x128xf32, #tpu.memory_space<vmem>>
      %dma_wait3A_1911 = arith.constant 0 : i32
      %dma_wait3A_1912 = arith.constant 0 : i32
      %dma_wait3A_1913 = tpu.memref_slice %arg2[%dma_wait3A_1911, %dma_wait3A_1912] : memref<500000x128xf32, #tpu.memory_space<hbm>> -> memref<500000x128xf32, #tpu.memory_space<hbm>>
      tpu.wait_indirect_dma semaphore(%arg22 : memref<!tpu.dma_semaphore, #tpu.memory_space<semaphore_mem>>) src(%dma_wait3A_1913 : memref<500000x128xf32, #tpu.memory_space<hbm>>) dst(%dma_wait3A_1910 : memref<128x128xf32, #tpu.memory_space<vmem>>)
      %dma_wait3A_1914 = arith.constant 128 : i32
      %dma_wait3A_1915 = arith.constant 0 : i32
      %dma_wait3A_1916 = tpu.memref_slice %arg6[%dma_wait3A_1914, %dma_wait3A_1915] : memref<208x128xf32, #tpu.memory_space<vmem>> -> memref<72x128xf32, #tpu.memory_space<vmem>>
      %dma_wait3A_1917 = arith.constant 0 : i32
      %dma_wait3A_1918 = arith.constant 0 : i32
      %dma_wait3A_1919 = tpu.memref_slice %arg2[%dma_wait3A_1917, %dma_wait3A_1918] : memref<500000x128xf32, #tpu.memory_space<hbm>> -> memref<500000x128xf32, #tpu.memory_space<hbm>>
      tpu.wait_indirect_dma semaphore(%arg22 : memref<!tpu.dma_semaphore, #tpu.memory_space<semaphore_mem>>) src(%dma_wait3A_1919 : memref<500000x128xf32, #tpu.memory_space<hbm>>) dst(%dma_wait3A_1916 : memref<72x128xf32, #tpu.memory_space<vmem>>)
      %sub3A_1920 = arith.constant 1 : i32
      %sub3A_1921 = arith.subi %add3A_1800, %sub3A_1920 : i32
      %mul3A_1922 = arith.constant 4 : i32
      %mul3A_1923 = arith.muli %sub3A_1921, %mul3A_1922 : i32
      %add3A_1924 = arith.addi %mul3A_2, %mul3A_1923 : i32
      %add3A_1925 = arith.constant 0 : i32
      %add3A_1926 = arith.addi %add3A_1924, %add3A_1925 : i32
      %add3A_1927 = arith.constant 1 : i32
      %add3A_1928 = arith.addi %add3A_1924, %add3A_1927 : i32
      %add3A_1929 = arith.constant 2 : i32
      %add3A_1930 = arith.addi %add3A_1924, %add3A_1929 : i32
      %add3A_1931 = arith.constant 3 : i32
      %add3A_1932 = arith.addi %add3A_1924, %add3A_1931 : i32
      %dma_start3A_1933 = arith.constant 0 : i32
      %dma_start3A_1934 = arith.constant 0 : i32
      %dma_start3A_1935 = tpu.memref_slice %arg6[%dma_start3A_1933, %dma_start3A_1934] : memref<208x128xf32, #tpu.memory_space<vmem>> -> memref<56x128xf32, #tpu.memory_space<vmem>>
      %dma_start3A_1936 = arith.constant 0 : i32
      %dma_start3A_1937 = arith.constant 0 : i32
      %dma_start3A_1938 = tpu.memref_slice %arg4[%add3A_1926, %dma_start3A_1936, %dma_start3A_1937] : memref<16384x56x128xf32, #tpu.memory_space<hbm>> -> memref<1x56x128xf32, #tpu.memory_space<hbm>>
      %dma_start3A_1939 = tpu.memref_squeeze %dma_start3A_1938 : memref<1x56x128xf32, #tpu.memory_space<hbm>> -> memref<56x128xf32, #tpu.memory_space<hbm>>
      %dma_start3A_1940 = arith.constant 0 : i32
      %dma_start3A_1941 = arith.constant 0 : i32
      %dma_start3A_1942 = tpu.memref_slice %arg4[%add3A_1926, %dma_start3A_1940, %dma_start3A_1941] : memref<16384x56x128xf32, #tpu.memory_space<hbm>> -> memref<1x56x128xf32, #tpu.memory_space<hbm>>
      %dma_start3A_1943 = tpu.memref_squeeze %dma_start3A_1942 : memref<1x56x128xf32, #tpu.memory_space<hbm>> -> memref<56x128xf32, #tpu.memory_space<hbm>>
      %dma_start3A_1944 = arith.constant 0 : i32
      %dma_start3A_1945 = arith.constant 0 : i32
      %dma_start3A_1946 = tpu.memref_slice %arg6[%dma_start3A_1944, %dma_start3A_1945] : memref<208x128xf32, #tpu.memory_space<vmem>> -> memref<56x128xf32, #tpu.memory_space<vmem>>
      tpu.enqueue_dma source(%dma_start3A_1946 : memref<56x128xf32, #tpu.memory_space<vmem>>) target(%dma_start3A_1943 : memref<56x128xf32, #tpu.memory_space<hbm>>) target_semaphore(%arg26 : memref<!tpu.dma_semaphore, #tpu.memory_space<semaphore_mem>>)
      %dma_start3A_1947 = arith.constant 50 : i32
      %dma_start3A_1948 = arith.constant 0 : i32
      %dma_start3A_1949 = tpu.memref_slice %arg6[%dma_start3A_1947, %dma_start3A_1948] : memref<208x128xf32, #tpu.memory_space<vmem>> -> memref<56x128xf32, #tpu.memory_space<vmem>>
      %dma_start3A_1950 = arith.constant 0 : i32
      %dma_start3A_1951 = arith.constant 0 : i32
      %dma_start3A_1952 = tpu.memref_slice %arg4[%add3A_1928, %dma_start3A_1950, %dma_start3A_1951] : memref<16384x56x128xf32, #tpu.memory_space<hbm>> -> memref<1x56x128xf32, #tpu.memory_space<hbm>>
      %dma_start3A_1953 = tpu.memref_squeeze %dma_start3A_1952 : memref<1x56x128xf32, #tpu.memory_space<hbm>> -> memref<56x128xf32, #tpu.memory_space<hbm>>
      %dma_start3A_1954 = arith.constant 0 : i32
      %dma_start3A_1955 = arith.constant 0 : i32
      %dma_start3A_1956 = tpu.memref_slice %arg4[%add3A_1928, %dma_start3A_1954, %dma_start3A_1955] : memref<16384x56x128xf32, #tpu.memory_space<hbm>> -> memref<1x56x128xf32, #tpu.memory_space<hbm>>
      %dma_start3A_1957 = tpu.memref_squeeze %dma_start3A_1956 : memref<1x56x128xf32, #tpu.memory_space<hbm>> -> memref<56x128xf32, #tpu.memory_space<hbm>>
      %dma_start3A_1958 = arith.constant 50 : i32
      %dma_start3A_1959 = arith.constant 0 : i32
      %dma_start3A_1960 = tpu.memref_slice %arg6[%dma_start3A_1958, %dma_start3A_1959] : memref<208x128xf32, #tpu.memory_space<vmem>> -> memref<56x128xf32, #tpu.memory_space<vmem>>
      tpu.enqueue_dma source(%dma_start3A_1960 : memref<56x128xf32, #tpu.memory_space<vmem>>) target(%dma_start3A_1957 : memref<56x128xf32, #tpu.memory_space<hbm>>) target_semaphore(%arg26 : memref<!tpu.dma_semaphore, #tpu.memory_space<semaphore_mem>>)
      %dma_start3A_1961 = arith.constant 100 : i32
      %dma_start3A_1962 = arith.constant 0 : i32
      %dma_start3A_1963 = tpu.memref_slice %arg6[%dma_start3A_1961, %dma_start3A_1962] : memref<208x128xf32, #tpu.memory_space<vmem>> -> memref<56x128xf32, #tpu.memory_space<vmem>>
      %dma_start3A_1964 = arith.constant 0 : i32
      %dma_start3A_1965 = arith.constant 0 : i32
      %dma_start3A_1966 = tpu.memref_slice %arg4[%add3A_1930, %dma_start3A_1964, %dma_start3A_1965] : memref<16384x56x128xf32, #tpu.memory_space<hbm>> -> memref<1x56x128xf32, #tpu.memory_space<hbm>>
      %dma_start3A_1967 = tpu.memref_squeeze %dma_start3A_1966 : memref<1x56x128xf32, #tpu.memory_space<hbm>> -> memref<56x128xf32, #tpu.memory_space<hbm>>
      %dma_start3A_1968 = arith.constant 0 : i32
      %dma_start3A_1969 = arith.constant 0 : i32
      %dma_start3A_1970 = tpu.memref_slice %arg4[%add3A_1930, %dma_start3A_1968, %dma_start3A_1969] : memref<16384x56x128xf32, #tpu.memory_space<hbm>> -> memref<1x56x128xf32, #tpu.memory_space<hbm>>
      %dma_start3A_1971 = tpu.memref_squeeze %dma_start3A_1970 : memref<1x56x128xf32, #tpu.memory_space<hbm>> -> memref<56x128xf32, #tpu.memory_space<hbm>>
      %dma_start3A_1972 = arith.constant 100 : i32
      %dma_start3A_1973 = arith.constant 0 : i32
      %dma_start3A_1974 = tpu.memref_slice %arg6[%dma_start3A_1972, %dma_start3A_1973] : memref<208x128xf32, #tpu.memory_space<vmem>> -> memref<56x128xf32, #tpu.memory_space<vmem>>
      tpu.enqueue_dma source(%dma_start3A_1974 : memref<56x128xf32, #tpu.memory_space<vmem>>) target(%dma_start3A_1971 : memref<56x128xf32, #tpu.memory_space<hbm>>) target_semaphore(%arg26 : memref<!tpu.dma_semaphore, #tpu.memory_space<semaphore_mem>>)
      %dma_start3A_1975 = arith.constant 150 : i32
      %dma_start3A_1976 = arith.constant 0 : i32
      %dma_start3A_1977 = tpu.memref_slice %arg6[%dma_start3A_1975, %dma_start3A_1976] : memref<208x128xf32, #tpu.memory_space<vmem>> -> memref<56x128xf32, #tpu.memory_space<vmem>>
      %dma_start3A_1978 = arith.constant 0 : i32
      %dma_start3A_1979 = arith.constant 0 : i32
      %dma_start3A_1980 = tpu.memref_slice %arg4[%add3A_1932, %dma_start3A_1978, %dma_start3A_1979] : memref<16384x56x128xf32, #tpu.memory_space<hbm>> -> memref<1x56x128xf32, #tpu.memory_space<hbm>>
      %dma_start3A_1981 = tpu.memref_squeeze %dma_start3A_1980 : memref<1x56x128xf32, #tpu.memory_space<hbm>> -> memref<56x128xf32, #tpu.memory_space<hbm>>
      %dma_start3A_1982 = arith.constant 0 : i32
      %dma_start3A_1983 = arith.constant 0 : i32
      %dma_start3A_1984 = tpu.memref_slice %arg4[%add3A_1932, %dma_start3A_1982, %dma_start3A_1983] : memref<16384x56x128xf32, #tpu.memory_space<hbm>> -> memref<1x56x128xf32, #tpu.memory_space<hbm>>
      %dma_start3A_1985 = tpu.memref_squeeze %dma_start3A_1984 : memref<1x56x128xf32, #tpu.memory_space<hbm>> -> memref<56x128xf32, #tpu.memory_space<hbm>>
      %dma_start3A_1986 = arith.constant 150 : i32
      %dma_start3A_1987 = arith.constant 0 : i32
      %dma_start3A_1988 = tpu.memref_slice %arg6[%dma_start3A_1986, %dma_start3A_1987] : memref<208x128xf32, #tpu.memory_space<vmem>> -> memref<56x128xf32, #tpu.memory_space<vmem>>
      tpu.enqueue_dma source(%dma_start3A_1988 : memref<56x128xf32, #tpu.memory_space<vmem>>) target(%dma_start3A_1985 : memref<56x128xf32, #tpu.memory_space<hbm>>) target_semaphore(%arg26 : memref<!tpu.dma_semaphore, #tpu.memory_space<semaphore_mem>>)
      %add3A_1989 = arith.constant 3 : i32
      %add3A_1990 = arith.addi %mul3A_1419, %add3A_1989 : i32
      %mul3A_1991 = arith.constant 4 : i32
      %mul3A_1992 = arith.muli %add3A_1990, %mul3A_1991 : i32
      %add3A_1993 = arith.addi %mul3A_2, %mul3A_1992 : i32
      %mul3A_1994 = arith.constant 50 : i32
      %mul3A_1995 = arith.muli %add3A_1993, %mul3A_1994 : i32
      %add3A_1996 = arith.constant 128 : i32
      %add3A_1997 = arith.addi %mul3A_1995, %add3A_1996 : i32
      %dma_wait3A_1998 = tpu.memref_slice %arg3[%mul3A_1995] : memref<819200xi32, #tpu.memory_space<hbm>> -> memref<128xi32, #tpu.memory_space<hbm>>
      %dma_wait3A_1999 = tpu.memref_slice %arg3[%mul3A_1995] : memref<819200xi32, #tpu.memory_space<hbm>> -> memref<128xi32, #tpu.memory_space<hbm>>
      tpu.wait_dma2 semaphore(%arg20 : memref<!tpu.dma_semaphore, #tpu.memory_space<semaphore_mem>>) src(%dma_wait3A_1999 : memref<128xi32, #tpu.memory_space<hbm>>) dst(%arg12 : memref<128xi32, #tpu.memory_space<vmem>>)
      %dma_wait3A_2000 = tpu.memref_slice %arg3[%add3A_1997] : memref<819200xi32, #tpu.memory_space<hbm>> -> memref<72xi32, #tpu.memory_space<hbm>>
      %dma_wait3A_2001 = tpu.memref_slice %arg3[%add3A_1997] : memref<819200xi32, #tpu.memory_space<hbm>> -> memref<72xi32, #tpu.memory_space<hbm>>
      tpu.wait_dma2 semaphore(%arg20 : memref<!tpu.dma_semaphore, #tpu.memory_space<semaphore_mem>>) src(%dma_wait3A_2001 : memref<72xi32, #tpu.memory_space<hbm>>) dst(%arg16 : memref<72xi32, #tpu.memory_space<vmem>>)
      %sub3A_2002 = arith.constant 4 : i32
      %sub3A_2003 = arith.subi %add3A_1990, %sub3A_2002 : i32
      %mul3A_2004 = arith.constant 4 : i32
      %mul3A_2005 = arith.muli %sub3A_2003, %mul3A_2004 : i32
      %add3A_2006 = arith.addi %mul3A_2, %mul3A_2005 : i32
      %add3A_2007 = arith.constant 0 : i32
      %add3A_2008 = arith.addi %add3A_2006, %add3A_2007 : i32
      %add3A_2009 = arith.constant 1 : i32
      %add3A_2010 = arith.addi %add3A_2006, %add3A_2009 : i32
      %add3A_2011 = arith.constant 2 : i32
      %add3A_2012 = arith.addi %add3A_2006, %add3A_2011 : i32
      %add3A_2013 = arith.constant 3 : i32
      %add3A_2014 = arith.addi %add3A_2006, %add3A_2013 : i32
      %dma_wait3A_2015 = arith.constant 0 : i32
      %dma_wait3A_2016 = arith.constant 0 : i32
      %dma_wait3A_2017 = tpu.memref_slice %arg8[%dma_wait3A_2015, %dma_wait3A_2016] : memref<208x128xf32, #tpu.memory_space<vmem>> -> memref<56x128xf32, #tpu.memory_space<vmem>>
      %dma_wait3A_2018 = arith.constant 0 : i32
      %dma_wait3A_2019 = arith.constant 0 : i32
      %dma_wait3A_2020 = tpu.memref_slice %arg4[%add3A_2008, %dma_wait3A_2018, %dma_wait3A_2019] : memref<16384x56x128xf32, #tpu.memory_space<hbm>> -> memref<1x56x128xf32, #tpu.memory_space<hbm>>
      %dma_wait3A_2021 = tpu.memref_squeeze %dma_wait3A_2020 : memref<1x56x128xf32, #tpu.memory_space<hbm>> -> memref<56x128xf32, #tpu.memory_space<hbm>>
      %dma_wait3A_2022 = arith.constant 0 : i32
      %dma_wait3A_2023 = arith.constant 0 : i32
      %dma_wait3A_2024 = tpu.memref_slice %arg4[%add3A_2008, %dma_wait3A_2022, %dma_wait3A_2023] : memref<16384x56x128xf32, #tpu.memory_space<hbm>> -> memref<1x56x128xf32, #tpu.memory_space<hbm>>
      %dma_wait3A_2025 = tpu.memref_squeeze %dma_wait3A_2024 : memref<1x56x128xf32, #tpu.memory_space<hbm>> -> memref<56x128xf32, #tpu.memory_space<hbm>>
      %dma_wait3A_2026 = arith.constant 0 : i32
      %dma_wait3A_2027 = arith.constant 0 : i32
      %dma_wait3A_2028 = tpu.memref_slice %arg8[%dma_wait3A_2026, %dma_wait3A_2027] : memref<208x128xf32, #tpu.memory_space<vmem>> -> memref<56x128xf32, #tpu.memory_space<vmem>>
      tpu.wait_dma2 semaphore(%arg28 : memref<!tpu.dma_semaphore, #tpu.memory_space<semaphore_mem>>) src(%dma_wait3A_2028 : memref<56x128xf32, #tpu.memory_space<vmem>>) dst(%dma_wait3A_2025 : memref<56x128xf32, #tpu.memory_space<hbm>>)
      %dma_wait3A_2029 = arith.constant 50 : i32
      %dma_wait3A_2030 = arith.constant 0 : i32
      %dma_wait3A_2031 = tpu.memref_slice %arg8[%dma_wait3A_2029, %dma_wait3A_2030] : memref<208x128xf32, #tpu.memory_space<vmem>> -> memref<56x128xf32, #tpu.memory_space<vmem>>
      %dma_wait3A_2032 = arith.constant 0 : i32
      %dma_wait3A_2033 = arith.constant 0 : i32
      %dma_wait3A_2034 = tpu.memref_slice %arg4[%add3A_2010, %dma_wait3A_2032, %dma_wait3A_2033] : memref<16384x56x128xf32, #tpu.memory_space<hbm>> -> memref<1x56x128xf32, #tpu.memory_space<hbm>>
      %dma_wait3A_2035 = tpu.memref_squeeze %dma_wait3A_2034 : memref<1x56x128xf32, #tpu.memory_space<hbm>> -> memref<56x128xf32, #tpu.memory_space<hbm>>
      %dma_wait3A_2036 = arith.constant 0 : i32
      %dma_wait3A_2037 = arith.constant 0 : i32
      %dma_wait3A_2038 = tpu.memref_slice %arg4[%add3A_2010, %dma_wait3A_2036, %dma_wait3A_2037] : memref<16384x56x128xf32, #tpu.memory_space<hbm>> -> memref<1x56x128xf32, #tpu.memory_space<hbm>>
      %dma_wait3A_2039 = tpu.memref_squeeze %dma_wait3A_2038 : memref<1x56x128xf32, #tpu.memory_space<hbm>> -> memref<56x128xf32, #tpu.memory_space<hbm>>
      %dma_wait3A_2040 = arith.constant 50 : i32
      %dma_wait3A_2041 = arith.constant 0 : i32
      %dma_wait3A_2042 = tpu.memref_slice %arg8[%dma_wait3A_2040, %dma_wait3A_2041] : memref<208x128xf32, #tpu.memory_space<vmem>> -> memref<56x128xf32, #tpu.memory_space<vmem>>
      tpu.wait_dma2 semaphore(%arg28 : memref<!tpu.dma_semaphore, #tpu.memory_space<semaphore_mem>>) src(%dma_wait3A_2042 : memref<56x128xf32, #tpu.memory_space<vmem>>) dst(%dma_wait3A_2039 : memref<56x128xf32, #tpu.memory_space<hbm>>)
      %dma_wait3A_2043 = arith.constant 100 : i32
      %dma_wait3A_2044 = arith.constant 0 : i32
      %dma_wait3A_2045 = tpu.memref_slice %arg8[%dma_wait3A_2043, %dma_wait3A_2044] : memref<208x128xf32, #tpu.memory_space<vmem>> -> memref<56x128xf32, #tpu.memory_space<vmem>>
      %dma_wait3A_2046 = arith.constant 0 : i32
      %dma_wait3A_2047 = arith.constant 0 : i32
      %dma_wait3A_2048 = tpu.memref_slice %arg4[%add3A_2012, %dma_wait3A_2046, %dma_wait3A_2047] : memref<16384x56x128xf32, #tpu.memory_space<hbm>> -> memref<1x56x128xf32, #tpu.memory_space<hbm>>
      %dma_wait3A_2049 = tpu.memref_squeeze %dma_wait3A_2048 : memref<1x56x128xf32, #tpu.memory_space<hbm>> -> memref<56x128xf32, #tpu.memory_space<hbm>>
      %dma_wait3A_2050 = arith.constant 0 : i32
      %dma_wait3A_2051 = arith.constant 0 : i32
      %dma_wait3A_2052 = tpu.memref_slice %arg4[%add3A_2012, %dma_wait3A_2050, %dma_wait3A_2051] : memref<16384x56x128xf32, #tpu.memory_space<hbm>> -> memref<1x56x128xf32, #tpu.memory_space<hbm>>
      %dma_wait3A_2053 = tpu.memref_squeeze %dma_wait3A_2052 : memref<1x56x128xf32, #tpu.memory_space<hbm>> -> memref<56x128xf32, #tpu.memory_space<hbm>>
      %dma_wait3A_2054 = arith.constant 100 : i32
      %dma_wait3A_2055 = arith.constant 0 : i32
      %dma_wait3A_2056 = tpu.memref_slice %arg8[%dma_wait3A_2054, %dma_wait3A_2055] : memref<208x128xf32, #tpu.memory_space<vmem>> -> memref<56x128xf32, #tpu.memory_space<vmem>>
      tpu.wait_dma2 semaphore(%arg28 : memref<!tpu.dma_semaphore, #tpu.memory_space<semaphore_mem>>) src(%dma_wait3A_2056 : memref<56x128xf32, #tpu.memory_space<vmem>>) dst(%dma_wait3A_2053 : memref<56x128xf32, #tpu.memory_space<hbm>>)
      %dma_wait3A_2057 = arith.constant 150 : i32
      %dma_wait3A_2058 = arith.constant 0 : i32
      %dma_wait3A_2059 = tpu.memref_slice %arg8[%dma_wait3A_2057, %dma_wait3A_2058] : memref<208x128xf32, #tpu.memory_space<vmem>> -> memref<56x128xf32, #tpu.memory_space<vmem>>
      %dma_wait3A_2060 = arith.constant 0 : i32
      %dma_wait3A_2061 = arith.constant 0 : i32
      %dma_wait3A_2062 = tpu.memref_slice %arg4[%add3A_2014, %dma_wait3A_2060, %dma_wait3A_2061] : memref<16384x56x128xf32, #tpu.memory_space<hbm>> -> memref<1x56x128xf32, #tpu.memory_space<hbm>>
      %dma_wait3A_2063 = tpu.memref_squeeze %dma_wait3A_2062 : memref<1x56x128xf32, #tpu.memory_space<hbm>> -> memref<56x128xf32, #tpu.memory_space<hbm>>
      %dma_wait3A_2064 = arith.constant 0 : i32
      %dma_wait3A_2065 = arith.constant 0 : i32
      %dma_wait3A_2066 = tpu.memref_slice %arg4[%add3A_2014, %dma_wait3A_2064, %dma_wait3A_2065] : memref<16384x56x128xf32, #tpu.memory_space<hbm>> -> memref<1x56x128xf32, #tpu.memory_space<hbm>>
      %dma_wait3A_2067 = tpu.memref_squeeze %dma_wait3A_2066 : memref<1x56x128xf32, #tpu.memory_space<hbm>> -> memref<56x128xf32, #tpu.memory_space<hbm>>
      %dma_wait3A_2068 = arith.constant 150 : i32
      %dma_wait3A_2069 = arith.constant 0 : i32
      %dma_wait3A_2070 = tpu.memref_slice %arg8[%dma_wait3A_2068, %dma_wait3A_2069] : memref<208x128xf32, #tpu.memory_space<vmem>> -> memref<56x128xf32, #tpu.memory_space<vmem>>
      tpu.wait_dma2 semaphore(%arg28 : memref<!tpu.dma_semaphore, #tpu.memory_space<semaphore_mem>>) src(%dma_wait3A_2070 : memref<56x128xf32, #tpu.memory_space<vmem>>) dst(%dma_wait3A_2067 : memref<56x128xf32, #tpu.memory_space<hbm>>)
      %dma_start3A_2071 = arith.constant 0 : i32
      %dma_start3A_2072 = arith.constant 0 : i32
      %dma_start3A_2073 = tpu.memref_slice %arg8[%dma_start3A_2071, %dma_start3A_2072] : memref<208x128xf32, #tpu.memory_space<vmem>> -> memref<128x128xf32, #tpu.memory_space<vmem>>
      %dma_start3A_2074 = arith.constant 0 : i32
      %dma_start3A_2075 = arith.constant 0 : i32
      %dma_start3A_2076 = tpu.memref_slice %arg2[%dma_start3A_2074, %dma_start3A_2075] : memref<500000x128xf32, #tpu.memory_space<hbm>> -> memref<500000x128xf32, #tpu.memory_space<hbm>>
      tpu.enqueue_indirect_dma source(%dma_start3A_2076 : memref<500000x128xf32, #tpu.memory_space<hbm>>) target(%dma_start3A_2073 : memref<128x128xf32, #tpu.memory_space<vmem>>) offsets(%arg12 : memref<128xi32, #tpu.memory_space<vmem>>) semaphore(%arg24 : memref<!tpu.dma_semaphore, #tpu.memory_space<semaphore_mem>>)
      %dma_start3A_2077 = arith.constant 128 : i32
      %dma_start3A_2078 = arith.constant 0 : i32
      %dma_start3A_2079 = tpu.memref_slice %arg8[%dma_start3A_2077, %dma_start3A_2078] : memref<208x128xf32, #tpu.memory_space<vmem>> -> memref<72x128xf32, #tpu.memory_space<vmem>>
      %dma_start3A_2080 = arith.constant 0 : i32
      %dma_start3A_2081 = arith.constant 0 : i32
      %dma_start3A_2082 = tpu.memref_slice %arg2[%dma_start3A_2080, %dma_start3A_2081] : memref<500000x128xf32, #tpu.memory_space<hbm>> -> memref<500000x128xf32, #tpu.memory_space<hbm>>
      tpu.enqueue_indirect_dma source(%dma_start3A_2082 : memref<500000x128xf32, #tpu.memory_space<hbm>>) target(%dma_start3A_2079 : memref<72x128xf32, #tpu.memory_space<vmem>>) offsets(%arg16 : memref<72xi32, #tpu.memory_space<vmem>>) semaphore(%arg24 : memref<!tpu.dma_semaphore, #tpu.memory_space<semaphore_mem>>)
      %add3A_2083 = arith.constant 1 : i32
      %add3A_2084 = arith.addi %add3A_1990, %add3A_2083 : i32
      %mul3A_2085 = arith.constant 4 : i32
      %mul3A_2086 = arith.muli %add3A_2084, %mul3A_2085 : i32
      %add3A_2087 = arith.addi %mul3A_2, %mul3A_2086 : i32
      %mul3A_2088 = arith.constant 50 : i32
      %mul3A_2089 = arith.muli %add3A_2087, %mul3A_2088 : i32
      %add3A_2090 = arith.constant 128 : i32
      %add3A_2091 = arith.addi %mul3A_2089, %add3A_2090 : i32
      %dma_start3A_2092 = tpu.memref_slice %arg3[%mul3A_2089] : memref<819200xi32, #tpu.memory_space<hbm>> -> memref<128xi32, #tpu.memory_space<hbm>>
      %dma_start3A_2093 = tpu.memref_slice %arg3[%mul3A_2089] : memref<819200xi32, #tpu.memory_space<hbm>> -> memref<128xi32, #tpu.memory_space<hbm>>
      tpu.enqueue_dma source(%dma_start3A_2093 : memref<128xi32, #tpu.memory_space<hbm>>) target(%arg9 : memref<128xi32, #tpu.memory_space<vmem>>) target_semaphore(%arg17 : memref<!tpu.dma_semaphore, #tpu.memory_space<semaphore_mem>>)
      %dma_start3A_2094 = tpu.memref_slice %arg3[%add3A_2091] : memref<819200xi32, #tpu.memory_space<hbm>> -> memref<72xi32, #tpu.memory_space<hbm>>
      %dma_start3A_2095 = tpu.memref_slice %arg3[%add3A_2091] : memref<819200xi32, #tpu.memory_space<hbm>> -> memref<72xi32, #tpu.memory_space<hbm>>
      tpu.enqueue_dma source(%dma_start3A_2095 : memref<72xi32, #tpu.memory_space<hbm>>) target(%arg13 : memref<72xi32, #tpu.memory_space<vmem>>) target_semaphore(%arg17 : memref<!tpu.dma_semaphore, #tpu.memory_space<semaphore_mem>>)
      %sub3A_2096 = arith.constant 1 : i32
      %sub3A_2097 = arith.subi %add3A_1990, %sub3A_2096 : i32
      %dma_wait3A_2098 = arith.constant 0 : i32
      %dma_wait3A_2099 = arith.constant 0 : i32
      %dma_wait3A_2100 = tpu.memref_slice %arg7[%dma_wait3A_2098, %dma_wait3A_2099] : memref<208x128xf32, #tpu.memory_space<vmem>> -> memref<128x128xf32, #tpu.memory_space<vmem>>
      %dma_wait3A_2101 = arith.constant 0 : i32
      %dma_wait3A_2102 = arith.constant 0 : i32
      %dma_wait3A_2103 = tpu.memref_slice %arg2[%dma_wait3A_2101, %dma_wait3A_2102] : memref<500000x128xf32, #tpu.memory_space<hbm>> -> memref<500000x128xf32, #tpu.memory_space<hbm>>
      tpu.wait_indirect_dma semaphore(%arg23 : memref<!tpu.dma_semaphore, #tpu.memory_space<semaphore_mem>>) src(%dma_wait3A_2103 : memref<500000x128xf32, #tpu.memory_space<hbm>>) dst(%dma_wait3A_2100 : memref<128x128xf32, #tpu.memory_space<vmem>>)
      %dma_wait3A_2104 = arith.constant 128 : i32
      %dma_wait3A_2105 = arith.constant 0 : i32
      %dma_wait3A_2106 = tpu.memref_slice %arg7[%dma_wait3A_2104, %dma_wait3A_2105] : memref<208x128xf32, #tpu.memory_space<vmem>> -> memref<72x128xf32, #tpu.memory_space<vmem>>
      %dma_wait3A_2107 = arith.constant 0 : i32
      %dma_wait3A_2108 = arith.constant 0 : i32
      %dma_wait3A_2109 = tpu.memref_slice %arg2[%dma_wait3A_2107, %dma_wait3A_2108] : memref<500000x128xf32, #tpu.memory_space<hbm>> -> memref<500000x128xf32, #tpu.memory_space<hbm>>
      tpu.wait_indirect_dma semaphore(%arg23 : memref<!tpu.dma_semaphore, #tpu.memory_space<semaphore_mem>>) src(%dma_wait3A_2109 : memref<500000x128xf32, #tpu.memory_space<hbm>>) dst(%dma_wait3A_2106 : memref<72x128xf32, #tpu.memory_space<vmem>>)
      %sub3A_2110 = arith.constant 1 : i32
      %sub3A_2111 = arith.subi %add3A_1990, %sub3A_2110 : i32
      %mul3A_2112 = arith.constant 4 : i32
      %mul3A_2113 = arith.muli %sub3A_2111, %mul3A_2112 : i32
      %add3A_2114 = arith.addi %mul3A_2, %mul3A_2113 : i32
      %add3A_2115 = arith.constant 0 : i32
      %add3A_2116 = arith.addi %add3A_2114, %add3A_2115 : i32
      %add3A_2117 = arith.constant 1 : i32
      %add3A_2118 = arith.addi %add3A_2114, %add3A_2117 : i32
      %add3A_2119 = arith.constant 2 : i32
      %add3A_2120 = arith.addi %add3A_2114, %add3A_2119 : i32
      %add3A_2121 = arith.constant 3 : i32
      %add3A_2122 = arith.addi %add3A_2114, %add3A_2121 : i32
      %dma_start3A_2123 = arith.constant 0 : i32
      %dma_start3A_2124 = arith.constant 0 : i32
      %dma_start3A_2125 = tpu.memref_slice %arg7[%dma_start3A_2123, %dma_start3A_2124] : memref<208x128xf32, #tpu.memory_space<vmem>> -> memref<56x128xf32, #tpu.memory_space<vmem>>
      %dma_start3A_2126 = arith.constant 0 : i32
      %dma_start3A_2127 = arith.constant 0 : i32
      %dma_start3A_2128 = tpu.memref_slice %arg4[%add3A_2116, %dma_start3A_2126, %dma_start3A_2127] : memref<16384x56x128xf32, #tpu.memory_space<hbm>> -> memref<1x56x128xf32, #tpu.memory_space<hbm>>
      %dma_start3A_2129 = tpu.memref_squeeze %dma_start3A_2128 : memref<1x56x128xf32, #tpu.memory_space<hbm>> -> memref<56x128xf32, #tpu.memory_space<hbm>>
      %dma_start3A_2130 = arith.constant 0 : i32
      %dma_start3A_2131 = arith.constant 0 : i32
      %dma_start3A_2132 = tpu.memref_slice %arg4[%add3A_2116, %dma_start3A_2130, %dma_start3A_2131] : memref<16384x56x128xf32, #tpu.memory_space<hbm>> -> memref<1x56x128xf32, #tpu.memory_space<hbm>>
      %dma_start3A_2133 = tpu.memref_squeeze %dma_start3A_2132 : memref<1x56x128xf32, #tpu.memory_space<hbm>> -> memref<56x128xf32, #tpu.memory_space<hbm>>
      %dma_start3A_2134 = arith.constant 0 : i32
      %dma_start3A_2135 = arith.constant 0 : i32
      %dma_start3A_2136 = tpu.memref_slice %arg7[%dma_start3A_2134, %dma_start3A_2135] : memref<208x128xf32, #tpu.memory_space<vmem>> -> memref<56x128xf32, #tpu.memory_space<vmem>>
      tpu.enqueue_dma source(%dma_start3A_2136 : memref<56x128xf32, #tpu.memory_space<vmem>>) target(%dma_start3A_2133 : memref<56x128xf32, #tpu.memory_space<hbm>>) target_semaphore(%arg27 : memref<!tpu.dma_semaphore, #tpu.memory_space<semaphore_mem>>)
      %dma_start3A_2137 = arith.constant 50 : i32
      %dma_start3A_2138 = arith.constant 0 : i32
      %dma_start3A_2139 = tpu.memref_slice %arg7[%dma_start3A_2137, %dma_start3A_2138] : memref<208x128xf32, #tpu.memory_space<vmem>> -> memref<56x128xf32, #tpu.memory_space<vmem>>
      %dma_start3A_2140 = arith.constant 0 : i32
      %dma_start3A_2141 = arith.constant 0 : i32
      %dma_start3A_2142 = tpu.memref_slice %arg4[%add3A_2118, %dma_start3A_2140, %dma_start3A_2141] : memref<16384x56x128xf32, #tpu.memory_space<hbm>> -> memref<1x56x128xf32, #tpu.memory_space<hbm>>
      %dma_start3A_2143 = tpu.memref_squeeze %dma_start3A_2142 : memref<1x56x128xf32, #tpu.memory_space<hbm>> -> memref<56x128xf32, #tpu.memory_space<hbm>>
      %dma_start3A_2144 = arith.constant 0 : i32
      %dma_start3A_2145 = arith.constant 0 : i32
      %dma_start3A_2146 = tpu.memref_slice %arg4[%add3A_2118, %dma_start3A_2144, %dma_start3A_2145] : memref<16384x56x128xf32, #tpu.memory_space<hbm>> -> memref<1x56x128xf32, #tpu.memory_space<hbm>>
      %dma_start3A_2147 = tpu.memref_squeeze %dma_start3A_2146 : memref<1x56x128xf32, #tpu.memory_space<hbm>> -> memref<56x128xf32, #tpu.memory_space<hbm>>
      %dma_start3A_2148 = arith.constant 50 : i32
      %dma_start3A_2149 = arith.constant 0 : i32
      %dma_start3A_2150 = tpu.memref_slice %arg7[%dma_start3A_2148, %dma_start3A_2149] : memref<208x128xf32, #tpu.memory_space<vmem>> -> memref<56x128xf32, #tpu.memory_space<vmem>>
      tpu.enqueue_dma source(%dma_start3A_2150 : memref<56x128xf32, #tpu.memory_space<vmem>>) target(%dma_start3A_2147 : memref<56x128xf32, #tpu.memory_space<hbm>>) target_semaphore(%arg27 : memref<!tpu.dma_semaphore, #tpu.memory_space<semaphore_mem>>)
      %dma_start3A_2151 = arith.constant 100 : i32
      %dma_start3A_2152 = arith.constant 0 : i32
      %dma_start3A_2153 = tpu.memref_slice %arg7[%dma_start3A_2151, %dma_start3A_2152] : memref<208x128xf32, #tpu.memory_space<vmem>> -> memref<56x128xf32, #tpu.memory_space<vmem>>
      %dma_start3A_2154 = arith.constant 0 : i32
      %dma_start3A_2155 = arith.constant 0 : i32
      %dma_start3A_2156 = tpu.memref_slice %arg4[%add3A_2120, %dma_start3A_2154, %dma_start3A_2155] : memref<16384x56x128xf32, #tpu.memory_space<hbm>> -> memref<1x56x128xf32, #tpu.memory_space<hbm>>
      %dma_start3A_2157 = tpu.memref_squeeze %dma_start3A_2156 : memref<1x56x128xf32, #tpu.memory_space<hbm>> -> memref<56x128xf32, #tpu.memory_space<hbm>>
      %dma_start3A_2158 = arith.constant 0 : i32
      %dma_start3A_2159 = arith.constant 0 : i32
      %dma_start3A_2160 = tpu.memref_slice %arg4[%add3A_2120, %dma_start3A_2158, %dma_start3A_2159] : memref<16384x56x128xf32, #tpu.memory_space<hbm>> -> memref<1x56x128xf32, #tpu.memory_space<hbm>>
      %dma_start3A_2161 = tpu.memref_squeeze %dma_start3A_2160 : memref<1x56x128xf32, #tpu.memory_space<hbm>> -> memref<56x128xf32, #tpu.memory_space<hbm>>
      %dma_start3A_2162 = arith.constant 100 : i32
      %dma_start3A_2163 = arith.constant 0 : i32
      %dma_start3A_2164 = tpu.memref_slice %arg7[%dma_start3A_2162, %dma_start3A_2163] : memref<208x128xf32, #tpu.memory_space<vmem>> -> memref<56x128xf32, #tpu.memory_space<vmem>>
      tpu.enqueue_dma source(%dma_start3A_2164 : memref<56x128xf32, #tpu.memory_space<vmem>>) target(%dma_start3A_2161 : memref<56x128xf32, #tpu.memory_space<hbm>>) target_semaphore(%arg27 : memref<!tpu.dma_semaphore, #tpu.memory_space<semaphore_mem>>)
      %dma_start3A_2165 = arith.constant 150 : i32
      %dma_start3A_2166 = arith.constant 0 : i32
      %dma_start3A_2167 = tpu.memref_slice %arg7[%dma_start3A_2165, %dma_start3A_2166] : memref<208x128xf32, #tpu.memory_space<vmem>> -> memref<56x128xf32, #tpu.memory_space<vmem>>
      %dma_start3A_2168 = arith.constant 0 : i32
      %dma_start3A_2169 = arith.constant 0 : i32
      %dma_start3A_2170 = tpu.memref_slice %arg4[%add3A_2122, %dma_start3A_2168, %dma_start3A_2169] : memref<16384x56x128xf32, #tpu.memory_space<hbm>> -> memref<1x56x128xf32, #tpu.memory_space<hbm>>
      %dma_start3A_2171 = tpu.memref_squeeze %dma_start3A_2170 : memref<1x56x128xf32, #tpu.memory_space<hbm>> -> memref<56x128xf32, #tpu.memory_space<hbm>>
      %dma_start3A_2172 = arith.constant 0 : i32
      %dma_start3A_2173 = arith.constant 0 : i32
      %dma_start3A_2174 = tpu.memref_slice %arg4[%add3A_2122, %dma_start3A_2172, %dma_start3A_2173] : memref<16384x56x128xf32, #tpu.memory_space<hbm>> -> memref<1x56x128xf32, #tpu.memory_space<hbm>>
      %dma_start3A_2175 = tpu.memref_squeeze %dma_start3A_2174 : memref<1x56x128xf32, #tpu.memory_space<hbm>> -> memref<56x128xf32, #tpu.memory_space<hbm>>
      %dma_start3A_2176 = arith.constant 150 : i32
      %dma_start3A_2177 = arith.constant 0 : i32
      %dma_start3A_2178 = tpu.memref_slice %arg7[%dma_start3A_2176, %dma_start3A_2177] : memref<208x128xf32, #tpu.memory_space<vmem>> -> memref<56x128xf32, #tpu.memory_space<vmem>>
      tpu.enqueue_dma source(%dma_start3A_2178 : memref<56x128xf32, #tpu.memory_space<vmem>>) target(%dma_start3A_2175 : memref<56x128xf32, #tpu.memory_space<hbm>>) target_semaphore(%arg27 : memref<!tpu.dma_semaphore, #tpu.memory_space<semaphore_mem>>)
    }
    %scan3A_376 = arith.constant 30 : i32
    %add3A_377 = arith.constant 496 : i32
    %add3A_378 = arith.addi %mul3A_2, %add3A_377 : i32
    %mul3A_379 = arith.constant 50 : i32
    %mul3A_380 = arith.muli %add3A_378, %mul3A_379 : i32
    %add3A_381 = arith.constant 128 : i32
    %add3A_382 = arith.addi %mul3A_380, %add3A_381 : i32
    %dma_wait3A_383 = tpu.memref_slice %arg3[%mul3A_380] : memref<819200xi32, #tpu.memory_space<hbm>> -> memref<128xi32, #tpu.memory_space<hbm>>
    %dma_wait3A_384 = tpu.memref_slice %arg3[%mul3A_380] : memref<819200xi32, #tpu.memory_space<hbm>> -> memref<128xi32, #tpu.memory_space<hbm>>
    tpu.wait_dma2 semaphore(%arg17 : memref<!tpu.dma_semaphore, #tpu.memory_space<semaphore_mem>>) src(%dma_wait3A_384 : memref<128xi32, #tpu.memory_space<hbm>>) dst(%arg9 : memref<128xi32, #tpu.memory_space<vmem>>)
    %dma_wait3A_385 = tpu.memref_slice %arg3[%add3A_382] : memref<819200xi32, #tpu.memory_space<hbm>> -> memref<72xi32, #tpu.memory_space<hbm>>
    %dma_wait3A_386 = tpu.memref_slice %arg3[%add3A_382] : memref<819200xi32, #tpu.memory_space<hbm>> -> memref<72xi32, #tpu.memory_space<hbm>>
    tpu.wait_dma2 semaphore(%arg17 : memref<!tpu.dma_semaphore, #tpu.memory_space<semaphore_mem>>) src(%dma_wait3A_386 : memref<72xi32, #tpu.memory_space<hbm>>) dst(%arg13 : memref<72xi32, #tpu.memory_space<vmem>>)
    %add3A_387 = arith.constant 480 : i32
    %add3A_388 = arith.addi %mul3A_2, %add3A_387 : i32
    %add3A_389 = arith.constant 0 : i32
    %add3A_390 = arith.addi %add3A_388, %add3A_389 : i32
    %add3A_391 = arith.constant 1 : i32
    %add3A_392 = arith.addi %add3A_388, %add3A_391 : i32
    %add3A_393 = arith.constant 2 : i32
    %add3A_394 = arith.addi %add3A_388, %add3A_393 : i32
    %add3A_395 = arith.constant 3 : i32
    %add3A_396 = arith.addi %add3A_388, %add3A_395 : i32
    %dma_wait3A_397 = arith.constant 0 : i32
    %dma_wait3A_398 = arith.constant 0 : i32
    %dma_wait3A_399 = tpu.memref_slice %arg5[%dma_wait3A_397, %dma_wait3A_398] : memref<208x128xf32, #tpu.memory_space<vmem>> -> memref<56x128xf32, #tpu.memory_space<vmem>>
    %dma_wait3A_400 = arith.constant 0 : i32
    %dma_wait3A_401 = arith.constant 0 : i32
    %dma_wait3A_402 = tpu.memref_slice %arg4[%add3A_390, %dma_wait3A_400, %dma_wait3A_401] : memref<16384x56x128xf32, #tpu.memory_space<hbm>> -> memref<1x56x128xf32, #tpu.memory_space<hbm>>
    %dma_wait3A_403 = tpu.memref_squeeze %dma_wait3A_402 : memref<1x56x128xf32, #tpu.memory_space<hbm>> -> memref<56x128xf32, #tpu.memory_space<hbm>>
    %dma_wait3A_404 = arith.constant 0 : i32
    %dma_wait3A_405 = arith.constant 0 : i32
    %dma_wait3A_406 = tpu.memref_slice %arg4[%add3A_390, %dma_wait3A_404, %dma_wait3A_405] : memref<16384x56x128xf32, #tpu.memory_space<hbm>> -> memref<1x56x128xf32, #tpu.memory_space<hbm>>
    %dma_wait3A_407 = tpu.memref_squeeze %dma_wait3A_406 : memref<1x56x128xf32, #tpu.memory_space<hbm>> -> memref<56x128xf32, #tpu.memory_space<hbm>>
    %dma_wait3A_408 = arith.constant 0 : i32
    %dma_wait3A_409 = arith.constant 0 : i32
    %dma_wait3A_410 = tpu.memref_slice %arg5[%dma_wait3A_408, %dma_wait3A_409] : memref<208x128xf32, #tpu.memory_space<vmem>> -> memref<56x128xf32, #tpu.memory_space<vmem>>
    tpu.wait_dma2 semaphore(%arg25 : memref<!tpu.dma_semaphore, #tpu.memory_space<semaphore_mem>>) src(%dma_wait3A_410 : memref<56x128xf32, #tpu.memory_space<vmem>>) dst(%dma_wait3A_407 : memref<56x128xf32, #tpu.memory_space<hbm>>)
    %dma_wait3A_411 = arith.constant 50 : i32
    %dma_wait3A_412 = arith.constant 0 : i32
    %dma_wait3A_413 = tpu.memref_slice %arg5[%dma_wait3A_411, %dma_wait3A_412] : memref<208x128xf32, #tpu.memory_space<vmem>> -> memref<56x128xf32, #tpu.memory_space<vmem>>
    %dma_wait3A_414 = arith.constant 0 : i32
    %dma_wait3A_415 = arith.constant 0 : i32
    %dma_wait3A_416 = tpu.memref_slice %arg4[%add3A_392, %dma_wait3A_414, %dma_wait3A_415] : memref<16384x56x128xf32, #tpu.memory_space<hbm>> -> memref<1x56x128xf32, #tpu.memory_space<hbm>>
    %dma_wait3A_417 = tpu.memref_squeeze %dma_wait3A_416 : memref<1x56x128xf32, #tpu.memory_space<hbm>> -> memref<56x128xf32, #tpu.memory_space<hbm>>
    %dma_wait3A_418 = arith.constant 0 : i32
    %dma_wait3A_419 = arith.constant 0 : i32
    %dma_wait3A_420 = tpu.memref_slice %arg4[%add3A_392, %dma_wait3A_418, %dma_wait3A_419] : memref<16384x56x128xf32, #tpu.memory_space<hbm>> -> memref<1x56x128xf32, #tpu.memory_space<hbm>>
    %dma_wait3A_421 = tpu.memref_squeeze %dma_wait3A_420 : memref<1x56x128xf32, #tpu.memory_space<hbm>> -> memref<56x128xf32, #tpu.memory_space<hbm>>
    %dma_wait3A_422 = arith.constant 50 : i32
    %dma_wait3A_423 = arith.constant 0 : i32
    %dma_wait3A_424 = tpu.memref_slice %arg5[%dma_wait3A_422, %dma_wait3A_423] : memref<208x128xf32, #tpu.memory_space<vmem>> -> memref<56x128xf32, #tpu.memory_space<vmem>>
    tpu.wait_dma2 semaphore(%arg25 : memref<!tpu.dma_semaphore, #tpu.memory_space<semaphore_mem>>) src(%dma_wait3A_424 : memref<56x128xf32, #tpu.memory_space<vmem>>) dst(%dma_wait3A_421 : memref<56x128xf32, #tpu.memory_space<hbm>>)
    %dma_wait3A_425 = arith.constant 100 : i32
    %dma_wait3A_426 = arith.constant 0 : i32
    %dma_wait3A_427 = tpu.memref_slice %arg5[%dma_wait3A_425, %dma_wait3A_426] : memref<208x128xf32, #tpu.memory_space<vmem>> -> memref<56x128xf32, #tpu.memory_space<vmem>>
    %dma_wait3A_428 = arith.constant 0 : i32
    %dma_wait3A_429 = arith.constant 0 : i32
    %dma_wait3A_430 = tpu.memref_slice %arg4[%add3A_394, %dma_wait3A_428, %dma_wait3A_429] : memref<16384x56x128xf32, #tpu.memory_space<hbm>> -> memref<1x56x128xf32, #tpu.memory_space<hbm>>
    %dma_wait3A_431 = tpu.memref_squeeze %dma_wait3A_430 : memref<1x56x128xf32, #tpu.memory_space<hbm>> -> memref<56x128xf32, #tpu.memory_space<hbm>>
    %dma_wait3A_432 = arith.constant 0 : i32
    %dma_wait3A_433 = arith.constant 0 : i32
    %dma_wait3A_434 = tpu.memref_slice %arg4[%add3A_394, %dma_wait3A_432, %dma_wait3A_433] : memref<16384x56x128xf32, #tpu.memory_space<hbm>> -> memref<1x56x128xf32, #tpu.memory_space<hbm>>
    %dma_wait3A_435 = tpu.memref_squeeze %dma_wait3A_434 : memref<1x56x128xf32, #tpu.memory_space<hbm>> -> memref<56x128xf32, #tpu.memory_space<hbm>>
    %dma_wait3A_436 = arith.constant 100 : i32
    %dma_wait3A_437 = arith.constant 0 : i32
    %dma_wait3A_438 = tpu.memref_slice %arg5[%dma_wait3A_436, %dma_wait3A_437] : memref<208x128xf32, #tpu.memory_space<vmem>> -> memref<56x128xf32, #tpu.memory_space<vmem>>
    tpu.wait_dma2 semaphore(%arg25 : memref<!tpu.dma_semaphore, #tpu.memory_space<semaphore_mem>>) src(%dma_wait3A_438 : memref<56x128xf32, #tpu.memory_space<vmem>>) dst(%dma_wait3A_435 : memref<56x128xf32, #tpu.memory_space<hbm>>)
    %dma_wait3A_439 = arith.constant 150 : i32
    %dma_wait3A_440 = arith.constant 0 : i32
    %dma_wait3A_441 = tpu.memref_slice %arg5[%dma_wait3A_439, %dma_wait3A_440] : memref<208x128xf32, #tpu.memory_space<vmem>> -> memref<56x128xf32, #tpu.memory_space<vmem>>
    %dma_wait3A_442 = arith.constant 0 : i32
    %dma_wait3A_443 = arith.constant 0 : i32
    %dma_wait3A_444 = tpu.memref_slice %arg4[%add3A_396, %dma_wait3A_442, %dma_wait3A_443] : memref<16384x56x128xf32, #tpu.memory_space<hbm>> -> memref<1x56x128xf32, #tpu.memory_space<hbm>>
    %dma_wait3A_445 = tpu.memref_squeeze %dma_wait3A_444 : memref<1x56x128xf32, #tpu.memory_space<hbm>> -> memref<56x128xf32, #tpu.memory_space<hbm>>
    %dma_wait3A_446 = arith.constant 0 : i32
    %dma_wait3A_447 = arith.constant 0 : i32
    %dma_wait3A_448 = tpu.memref_slice %arg4[%add3A_396, %dma_wait3A_446, %dma_wait3A_447] : memref<16384x56x128xf32, #tpu.memory_space<hbm>> -> memref<1x56x128xf32, #tpu.memory_space<hbm>>
    %dma_wait3A_449 = tpu.memref_squeeze %dma_wait3A_448 : memref<1x56x128xf32, #tpu.memory_space<hbm>> -> memref<56x128xf32, #tpu.memory_space<hbm>>
    %dma_wait3A_450 = arith.constant 150 : i32
    %dma_wait3A_451 = arith.constant 0 : i32
    %dma_wait3A_452 = tpu.memref_slice %arg5[%dma_wait3A_450, %dma_wait3A_451] : memref<208x128xf32, #tpu.memory_space<vmem>> -> memref<56x128xf32, #tpu.memory_space<vmem>>
    tpu.wait_dma2 semaphore(%arg25 : memref<!tpu.dma_semaphore, #tpu.memory_space<semaphore_mem>>) src(%dma_wait3A_452 : memref<56x128xf32, #tpu.memory_space<vmem>>) dst(%dma_wait3A_449 : memref<56x128xf32, #tpu.memory_space<hbm>>)
    %dma_start3A_453 = arith.constant 0 : i32
    %dma_start3A_454 = arith.constant 0 : i32
    %dma_start3A_455 = tpu.memref_slice %arg5[%dma_start3A_453, %dma_start3A_454] : memref<208x128xf32, #tpu.memory_space<vmem>> -> memref<128x128xf32, #tpu.memory_space<vmem>>
    %dma_start3A_456 = arith.constant 0 : i32
    %dma_start3A_457 = arith.constant 0 : i32
    %dma_start3A_458 = tpu.memref_slice %arg2[%dma_start3A_456, %dma_start3A_457] : memref<500000x128xf32, #tpu.memory_space<hbm>> -> memref<500000x128xf32, #tpu.memory_space<hbm>>
    tpu.enqueue_indirect_dma source(%dma_start3A_458 : memref<500000x128xf32, #tpu.memory_space<hbm>>) target(%dma_start3A_455 : memref<128x128xf32, #tpu.memory_space<vmem>>) offsets(%arg9 : memref<128xi32, #tpu.memory_space<vmem>>) semaphore(%arg21 : memref<!tpu.dma_semaphore, #tpu.memory_space<semaphore_mem>>)
    %dma_start3A_459 = arith.constant 128 : i32
    %dma_start3A_460 = arith.constant 0 : i32
    %dma_start3A_461 = tpu.memref_slice %arg5[%dma_start3A_459, %dma_start3A_460] : memref<208x128xf32, #tpu.memory_space<vmem>> -> memref<72x128xf32, #tpu.memory_space<vmem>>
    %dma_start3A_462 = arith.constant 0 : i32
    %dma_start3A_463 = arith.constant 0 : i32
    %dma_start3A_464 = tpu.memref_slice %arg2[%dma_start3A_462, %dma_start3A_463] : memref<500000x128xf32, #tpu.memory_space<hbm>> -> memref<500000x128xf32, #tpu.memory_space<hbm>>
    tpu.enqueue_indirect_dma source(%dma_start3A_464 : memref<500000x128xf32, #tpu.memory_space<hbm>>) target(%dma_start3A_461 : memref<72x128xf32, #tpu.memory_space<vmem>>) offsets(%arg13 : memref<72xi32, #tpu.memory_space<vmem>>) semaphore(%arg21 : memref<!tpu.dma_semaphore, #tpu.memory_space<semaphore_mem>>)
    %add3A_465 = arith.constant 500 : i32
    %add3A_466 = arith.addi %mul3A_2, %add3A_465 : i32
    %mul3A_467 = arith.constant 50 : i32
    %mul3A_468 = arith.muli %add3A_466, %mul3A_467 : i32
    %add3A_469 = arith.constant 128 : i32
    %add3A_470 = arith.addi %mul3A_468, %add3A_469 : i32
    %dma_start3A_471 = tpu.memref_slice %arg3[%mul3A_468] : memref<819200xi32, #tpu.memory_space<hbm>> -> memref<128xi32, #tpu.memory_space<hbm>>
    %dma_start3A_472 = tpu.memref_slice %arg3[%mul3A_468] : memref<819200xi32, #tpu.memory_space<hbm>> -> memref<128xi32, #tpu.memory_space<hbm>>
    tpu.enqueue_dma source(%dma_start3A_472 : memref<128xi32, #tpu.memory_space<hbm>>) target(%arg10 : memref<128xi32, #tpu.memory_space<vmem>>) target_semaphore(%arg18 : memref<!tpu.dma_semaphore, #tpu.memory_space<semaphore_mem>>)
    %dma_start3A_473 = tpu.memref_slice %arg3[%add3A_470] : memref<819200xi32, #tpu.memory_space<hbm>> -> memref<72xi32, #tpu.memory_space<hbm>>
    %dma_start3A_474 = tpu.memref_slice %arg3[%add3A_470] : memref<819200xi32, #tpu.memory_space<hbm>> -> memref<72xi32, #tpu.memory_space<hbm>>
    tpu.enqueue_dma source(%dma_start3A_474 : memref<72xi32, #tpu.memory_space<hbm>>) target(%arg14 : memref<72xi32, #tpu.memory_space<vmem>>) target_semaphore(%arg18 : memref<!tpu.dma_semaphore, #tpu.memory_space<semaphore_mem>>)
    %dma_wait3A_475 = arith.constant 0 : i32
    %dma_wait3A_476 = arith.constant 0 : i32
    %dma_wait3A_477 = tpu.memref_slice %arg8[%dma_wait3A_475, %dma_wait3A_476] : memref<208x128xf32, #tpu.memory_space<vmem>> -> memref<128x128xf32, #tpu.memory_space<vmem>>
    %dma_wait3A_478 = arith.constant 0 : i32
    %dma_wait3A_479 = arith.constant 0 : i32
    %dma_wait3A_480 = tpu.memref_slice %arg2[%dma_wait3A_478, %dma_wait3A_479] : memref<500000x128xf32, #tpu.memory_space<hbm>> -> memref<500000x128xf32, #tpu.memory_space<hbm>>
    tpu.wait_indirect_dma semaphore(%arg24 : memref<!tpu.dma_semaphore, #tpu.memory_space<semaphore_mem>>) src(%dma_wait3A_480 : memref<500000x128xf32, #tpu.memory_space<hbm>>) dst(%dma_wait3A_477 : memref<128x128xf32, #tpu.memory_space<vmem>>)
    %dma_wait3A_481 = arith.constant 128 : i32
    %dma_wait3A_482 = arith.constant 0 : i32
    %dma_wait3A_483 = tpu.memref_slice %arg8[%dma_wait3A_481, %dma_wait3A_482] : memref<208x128xf32, #tpu.memory_space<vmem>> -> memref<72x128xf32, #tpu.memory_space<vmem>>
    %dma_wait3A_484 = arith.constant 0 : i32
    %dma_wait3A_485 = arith.constant 0 : i32
    %dma_wait3A_486 = tpu.memref_slice %arg2[%dma_wait3A_484, %dma_wait3A_485] : memref<500000x128xf32, #tpu.memory_space<hbm>> -> memref<500000x128xf32, #tpu.memory_space<hbm>>
    tpu.wait_indirect_dma semaphore(%arg24 : memref<!tpu.dma_semaphore, #tpu.memory_space<semaphore_mem>>) src(%dma_wait3A_486 : memref<500000x128xf32, #tpu.memory_space<hbm>>) dst(%dma_wait3A_483 : memref<72x128xf32, #tpu.memory_space<vmem>>)
    %add3A_487 = arith.constant 492 : i32
    %add3A_488 = arith.addi %mul3A_2, %add3A_487 : i32
    %add3A_489 = arith.constant 0 : i32
    %add3A_490 = arith.addi %add3A_488, %add3A_489 : i32
    %add3A_491 = arith.constant 1 : i32
    %add3A_492 = arith.addi %add3A_488, %add3A_491 : i32
    %add3A_493 = arith.constant 2 : i32
    %add3A_494 = arith.addi %add3A_488, %add3A_493 : i32
    %add3A_495 = arith.constant 3 : i32
    %add3A_496 = arith.addi %add3A_488, %add3A_495 : i32
    %dma_start3A_497 = arith.constant 0 : i32
    %dma_start3A_498 = arith.constant 0 : i32
    %dma_start3A_499 = tpu.memref_slice %arg8[%dma_start3A_497, %dma_start3A_498] : memref<208x128xf32, #tpu.memory_space<vmem>> -> memref<56x128xf32, #tpu.memory_space<vmem>>
    %dma_start3A_500 = arith.constant 0 : i32
    %dma_start3A_501 = arith.constant 0 : i32
    %dma_start3A_502 = tpu.memref_slice %arg4[%add3A_490, %dma_start3A_500, %dma_start3A_501] : memref<16384x56x128xf32, #tpu.memory_space<hbm>> -> memref<1x56x128xf32, #tpu.memory_space<hbm>>
    %dma_start3A_503 = tpu.memref_squeeze %dma_start3A_502 : memref<1x56x128xf32, #tpu.memory_space<hbm>> -> memref<56x128xf32, #tpu.memory_space<hbm>>
    %dma_start3A_504 = arith.constant 0 : i32
    %dma_start3A_505 = arith.constant 0 : i32
    %dma_start3A_506 = tpu.memref_slice %arg4[%add3A_490, %dma_start3A_504, %dma_start3A_505] : memref<16384x56x128xf32, #tpu.memory_space<hbm>> -> memref<1x56x128xf32, #tpu.memory_space<hbm>>
    %dma_start3A_507 = tpu.memref_squeeze %dma_start3A_506 : memref<1x56x128xf32, #tpu.memory_space<hbm>> -> memref<56x128xf32, #tpu.memory_space<hbm>>
    %dma_start3A_508 = arith.constant 0 : i32
    %dma_start3A_509 = arith.constant 0 : i32
    %dma_start3A_510 = tpu.memref_slice %arg8[%dma_start3A_508, %dma_start3A_509] : memref<208x128xf32, #tpu.memory_space<vmem>> -> memref<56x128xf32, #tpu.memory_space<vmem>>
    tpu.enqueue_dma source(%dma_start3A_510 : memref<56x128xf32, #tpu.memory_space<vmem>>) target(%dma_start3A_507 : memref<56x128xf32, #tpu.memory_space<hbm>>) target_semaphore(%arg28 : memref<!tpu.dma_semaphore, #tpu.memory_space<semaphore_mem>>)
    %dma_start3A_511 = arith.constant 50 : i32
    %dma_start3A_512 = arith.constant 0 : i32
    %dma_start3A_513 = tpu.memref_slice %arg8[%dma_start3A_511, %dma_start3A_512] : memref<208x128xf32, #tpu.memory_space<vmem>> -> memref<56x128xf32, #tpu.memory_space<vmem>>
    %dma_start3A_514 = arith.constant 0 : i32
    %dma_start3A_515 = arith.constant 0 : i32
    %dma_start3A_516 = tpu.memref_slice %arg4[%add3A_492, %dma_start3A_514, %dma_start3A_515] : memref<16384x56x128xf32, #tpu.memory_space<hbm>> -> memref<1x56x128xf32, #tpu.memory_space<hbm>>
    %dma_start3A_517 = tpu.memref_squeeze %dma_start3A_516 : memref<1x56x128xf32, #tpu.memory_space<hbm>> -> memref<56x128xf32, #tpu.memory_space<hbm>>
    %dma_start3A_518 = arith.constant 0 : i32
    %dma_start3A_519 = arith.constant 0 : i32
    %dma_start3A_520 = tpu.memref_slice %arg4[%add3A_492, %dma_start3A_518, %dma_start3A_519] : memref<16384x56x128xf32, #tpu.memory_space<hbm>> -> memref<1x56x128xf32, #tpu.memory_space<hbm>>
    %dma_start3A_521 = tpu.memref_squeeze %dma_start3A_520 : memref<1x56x128xf32, #tpu.memory_space<hbm>> -> memref<56x128xf32, #tpu.memory_space<hbm>>
    %dma_start3A_522 = arith.constant 50 : i32
    %dma_start3A_523 = arith.constant 0 : i32
    %dma_start3A_524 = tpu.memref_slice %arg8[%dma_start3A_522, %dma_start3A_523] : memref<208x128xf32, #tpu.memory_space<vmem>> -> memref<56x128xf32, #tpu.memory_space<vmem>>
    tpu.enqueue_dma source(%dma_start3A_524 : memref<56x128xf32, #tpu.memory_space<vmem>>) target(%dma_start3A_521 : memref<56x128xf32, #tpu.memory_space<hbm>>) target_semaphore(%arg28 : memref<!tpu.dma_semaphore, #tpu.memory_space<semaphore_mem>>)
    %dma_start3A_525 = arith.constant 100 : i32
    %dma_start3A_526 = arith.constant 0 : i32
    %dma_start3A_527 = tpu.memref_slice %arg8[%dma_start3A_525, %dma_start3A_526] : memref<208x128xf32, #tpu.memory_space<vmem>> -> memref<56x128xf32, #tpu.memory_space<vmem>>
    %dma_start3A_528 = arith.constant 0 : i32
    %dma_start3A_529 = arith.constant 0 : i32
    %dma_start3A_530 = tpu.memref_slice %arg4[%add3A_494, %dma_start3A_528, %dma_start3A_529] : memref<16384x56x128xf32, #tpu.memory_space<hbm>> -> memref<1x56x128xf32, #tpu.memory_space<hbm>>
    %dma_start3A_531 = tpu.memref_squeeze %dma_start3A_530 : memref<1x56x128xf32, #tpu.memory_space<hbm>> -> memref<56x128xf32, #tpu.memory_space<hbm>>
    %dma_start3A_532 = arith.constant 0 : i32
    %dma_start3A_533 = arith.constant 0 : i32
    %dma_start3A_534 = tpu.memref_slice %arg4[%add3A_494, %dma_start3A_532, %dma_start3A_533] : memref<16384x56x128xf32, #tpu.memory_space<hbm>> -> memref<1x56x128xf32, #tpu.memory_space<hbm>>
    %dma_start3A_535 = tpu.memref_squeeze %dma_start3A_534 : memref<1x56x128xf32, #tpu.memory_space<hbm>> -> memref<56x128xf32, #tpu.memory_space<hbm>>
    %dma_start3A_536 = arith.constant 100 : i32
    %dma_start3A_537 = arith.constant 0 : i32
    %dma_start3A_538 = tpu.memref_slice %arg8[%dma_start3A_536, %dma_start3A_537] : memref<208x128xf32, #tpu.memory_space<vmem>> -> memref<56x128xf32, #tpu.memory_space<vmem>>
    tpu.enqueue_dma source(%dma_start3A_538 : memref<56x128xf32, #tpu.memory_space<vmem>>) target(%dma_start3A_535 : memref<56x128xf32, #tpu.memory_space<hbm>>) target_semaphore(%arg28 : memref<!tpu.dma_semaphore, #tpu.memory_space<semaphore_mem>>)
    %dma_start3A_539 = arith.constant 150 : i32
    %dma_start3A_540 = arith.constant 0 : i32
    %dma_start3A_541 = tpu.memref_slice %arg8[%dma_start3A_539, %dma_start3A_540] : memref<208x128xf32, #tpu.memory_space<vmem>> -> memref<56x128xf32, #tpu.memory_space<vmem>>
    %dma_start3A_542 = arith.constant 0 : i32
    %dma_start3A_543 = arith.constant 0 : i32
    %dma_start3A_544 = tpu.memref_slice %arg4[%add3A_496, %dma_start3A_542, %dma_start3A_543] : memref<16384x56x128xf32, #tpu.memory_space<hbm>> -> memref<1x56x128xf32, #tpu.memory_space<hbm>>
    %dma_start3A_545 = tpu.memref_squeeze %dma_start3A_544 : memref<1x56x128xf32, #tpu.memory_space<hbm>> -> memref<56x128xf32, #tpu.memory_space<hbm>>
    %dma_start3A_546 = arith.constant 0 : i32
    %dma_start3A_547 = arith.constant 0 : i32
    %dma_start3A_548 = tpu.memref_slice %arg4[%add3A_496, %dma_start3A_546, %dma_start3A_547] : memref<16384x56x128xf32, #tpu.memory_space<hbm>> -> memref<1x56x128xf32, #tpu.memory_space<hbm>>
    %dma_start3A_549 = tpu.memref_squeeze %dma_start3A_548 : memref<1x56x128xf32, #tpu.memory_space<hbm>> -> memref<56x128xf32, #tpu.memory_space<hbm>>
    %dma_start3A_550 = arith.constant 150 : i32
    %dma_start3A_551 = arith.constant 0 : i32
    %dma_start3A_552 = tpu.memref_slice %arg8[%dma_start3A_550, %dma_start3A_551] : memref<208x128xf32, #tpu.memory_space<vmem>> -> memref<56x128xf32, #tpu.memory_space<vmem>>
    tpu.enqueue_dma source(%dma_start3A_552 : memref<56x128xf32, #tpu.memory_space<vmem>>) target(%dma_start3A_549 : memref<56x128xf32, #tpu.memory_space<hbm>>) target_semaphore(%arg28 : memref<!tpu.dma_semaphore, #tpu.memory_space<semaphore_mem>>)
    %add3A_553 = arith.constant 500 : i32
    %add3A_554 = arith.addi %mul3A_2, %add3A_553 : i32
    %mul3A_555 = arith.constant 50 : i32
    %mul3A_556 = arith.muli %add3A_554, %mul3A_555 : i32
    %add3A_557 = arith.constant 128 : i32
    %add3A_558 = arith.addi %mul3A_556, %add3A_557 : i32
    %dma_wait3A_559 = tpu.memref_slice %arg3[%mul3A_556] : memref<819200xi32, #tpu.memory_space<hbm>> -> memref<128xi32, #tpu.memory_space<hbm>>
    %dma_wait3A_560 = tpu.memref_slice %arg3[%mul3A_556] : memref<819200xi32, #tpu.memory_space<hbm>> -> memref<128xi32, #tpu.memory_space<hbm>>
    tpu.wait_dma2 semaphore(%arg18 : memref<!tpu.dma_semaphore, #tpu.memory_space<semaphore_mem>>) src(%dma_wait3A_560 : memref<128xi32, #tpu.memory_space<hbm>>) dst(%arg10 : memref<128xi32, #tpu.memory_space<vmem>>)
    %dma_wait3A_561 = tpu.memref_slice %arg3[%add3A_558] : memref<819200xi32, #tpu.memory_space<hbm>> -> memref<72xi32, #tpu.memory_space<hbm>>
    %dma_wait3A_562 = tpu.memref_slice %arg3[%add3A_558] : memref<819200xi32, #tpu.memory_space<hbm>> -> memref<72xi32, #tpu.memory_space<hbm>>
    tpu.wait_dma2 semaphore(%arg18 : memref<!tpu.dma_semaphore, #tpu.memory_space<semaphore_mem>>) src(%dma_wait3A_562 : memref<72xi32, #tpu.memory_space<hbm>>) dst(%arg14 : memref<72xi32, #tpu.memory_space<vmem>>)
    %add3A_563 = arith.constant 484 : i32
    %add3A_564 = arith.addi %mul3A_2, %add3A_563 : i32
    %add3A_565 = arith.constant 0 : i32
    %add3A_566 = arith.addi %add3A_564, %add3A_565 : i32
    %add3A_567 = arith.constant 1 : i32
    %add3A_568 = arith.addi %add3A_564, %add3A_567 : i32
    %add3A_569 = arith.constant 2 : i32
    %add3A_570 = arith.addi %add3A_564, %add3A_569 : i32
    %add3A_571 = arith.constant 3 : i32
    %add3A_572 = arith.addi %add3A_564, %add3A_571 : i32
    %dma_wait3A_573 = arith.constant 0 : i32
    %dma_wait3A_574 = arith.constant 0 : i32
    %dma_wait3A_575 = tpu.memref_slice %arg6[%dma_wait3A_573, %dma_wait3A_574] : memref<208x128xf32, #tpu.memory_space<vmem>> -> memref<56x128xf32, #tpu.memory_space<vmem>>
    %dma_wait3A_576 = arith.constant 0 : i32
    %dma_wait3A_577 = arith.constant 0 : i32
    %dma_wait3A_578 = tpu.memref_slice %arg4[%add3A_566, %dma_wait3A_576, %dma_wait3A_577] : memref<16384x56x128xf32, #tpu.memory_space<hbm>> -> memref<1x56x128xf32, #tpu.memory_space<hbm>>
    %dma_wait3A_579 = tpu.memref_squeeze %dma_wait3A_578 : memref<1x56x128xf32, #tpu.memory_space<hbm>> -> memref<56x128xf32, #tpu.memory_space<hbm>>
    %dma_wait3A_580 = arith.constant 0 : i32
    %dma_wait3A_581 = arith.constant 0 : i32
    %dma_wait3A_582 = tpu.memref_slice %arg4[%add3A_566, %dma_wait3A_580, %dma_wait3A_581] : memref<16384x56x128xf32, #tpu.memory_space<hbm>> -> memref<1x56x128xf32, #tpu.memory_space<hbm>>
    %dma_wait3A_583 = tpu.memref_squeeze %dma_wait3A_582 : memref<1x56x128xf32, #tpu.memory_space<hbm>> -> memref<56x128xf32, #tpu.memory_space<hbm>>
    %dma_wait3A_584 = arith.constant 0 : i32
    %dma_wait3A_585 = arith.constant 0 : i32
    %dma_wait3A_586 = tpu.memref_slice %arg6[%dma_wait3A_584, %dma_wait3A_585] : memref<208x128xf32, #tpu.memory_space<vmem>> -> memref<56x128xf32, #tpu.memory_space<vmem>>
    tpu.wait_dma2 semaphore(%arg26 : memref<!tpu.dma_semaphore, #tpu.memory_space<semaphore_mem>>) src(%dma_wait3A_586 : memref<56x128xf32, #tpu.memory_space<vmem>>) dst(%dma_wait3A_583 : memref<56x128xf32, #tpu.memory_space<hbm>>)
    %dma_wait3A_587 = arith.constant 50 : i32
    %dma_wait3A_588 = arith.constant 0 : i32
    %dma_wait3A_589 = tpu.memref_slice %arg6[%dma_wait3A_587, %dma_wait3A_588] : memref<208x128xf32, #tpu.memory_space<vmem>> -> memref<56x128xf32, #tpu.memory_space<vmem>>
    %dma_wait3A_590 = arith.constant 0 : i32
    %dma_wait3A_591 = arith.constant 0 : i32
    %dma_wait3A_592 = tpu.memref_slice %arg4[%add3A_568, %dma_wait3A_590, %dma_wait3A_591] : memref<16384x56x128xf32, #tpu.memory_space<hbm>> -> memref<1x56x128xf32, #tpu.memory_space<hbm>>
    %dma_wait3A_593 = tpu.memref_squeeze %dma_wait3A_592 : memref<1x56x128xf32, #tpu.memory_space<hbm>> -> memref<56x128xf32, #tpu.memory_space<hbm>>
    %dma_wait3A_594 = arith.constant 0 : i32
    %dma_wait3A_595 = arith.constant 0 : i32
    %dma_wait3A_596 = tpu.memref_slice %arg4[%add3A_568, %dma_wait3A_594, %dma_wait3A_595] : memref<16384x56x128xf32, #tpu.memory_space<hbm>> -> memref<1x56x128xf32, #tpu.memory_space<hbm>>
    %dma_wait3A_597 = tpu.memref_squeeze %dma_wait3A_596 : memref<1x56x128xf32, #tpu.memory_space<hbm>> -> memref<56x128xf32, #tpu.memory_space<hbm>>
    %dma_wait3A_598 = arith.constant 50 : i32
    %dma_wait3A_599 = arith.constant 0 : i32
    %dma_wait3A_600 = tpu.memref_slice %arg6[%dma_wait3A_598, %dma_wait3A_599] : memref<208x128xf32, #tpu.memory_space<vmem>> -> memref<56x128xf32, #tpu.memory_space<vmem>>
    tpu.wait_dma2 semaphore(%arg26 : memref<!tpu.dma_semaphore, #tpu.memory_space<semaphore_mem>>) src(%dma_wait3A_600 : memref<56x128xf32, #tpu.memory_space<vmem>>) dst(%dma_wait3A_597 : memref<56x128xf32, #tpu.memory_space<hbm>>)
    %dma_wait3A_601 = arith.constant 100 : i32
    %dma_wait3A_602 = arith.constant 0 : i32
    %dma_wait3A_603 = tpu.memref_slice %arg6[%dma_wait3A_601, %dma_wait3A_602] : memref<208x128xf32, #tpu.memory_space<vmem>> -> memref<56x128xf32, #tpu.memory_space<vmem>>
    %dma_wait3A_604 = arith.constant 0 : i32
    %dma_wait3A_605 = arith.constant 0 : i32
    %dma_wait3A_606 = tpu.memref_slice %arg4[%add3A_570, %dma_wait3A_604, %dma_wait3A_605] : memref<16384x56x128xf32, #tpu.memory_space<hbm>> -> memref<1x56x128xf32, #tpu.memory_space<hbm>>
    %dma_wait3A_607 = tpu.memref_squeeze %dma_wait3A_606 : memref<1x56x128xf32, #tpu.memory_space<hbm>> -> memref<56x128xf32, #tpu.memory_space<hbm>>
    %dma_wait3A_608 = arith.constant 0 : i32
    %dma_wait3A_609 = arith.constant 0 : i32
    %dma_wait3A_610 = tpu.memref_slice %arg4[%add3A_570, %dma_wait3A_608, %dma_wait3A_609] : memref<16384x56x128xf32, #tpu.memory_space<hbm>> -> memref<1x56x128xf32, #tpu.memory_space<hbm>>
    %dma_wait3A_611 = tpu.memref_squeeze %dma_wait3A_610 : memref<1x56x128xf32, #tpu.memory_space<hbm>> -> memref<56x128xf32, #tpu.memory_space<hbm>>
    %dma_wait3A_612 = arith.constant 100 : i32
    %dma_wait3A_613 = arith.constant 0 : i32
    %dma_wait3A_614 = tpu.memref_slice %arg6[%dma_wait3A_612, %dma_wait3A_613] : memref<208x128xf32, #tpu.memory_space<vmem>> -> memref<56x128xf32, #tpu.memory_space<vmem>>
    tpu.wait_dma2 semaphore(%arg26 : memref<!tpu.dma_semaphore, #tpu.memory_space<semaphore_mem>>) src(%dma_wait3A_614 : memref<56x128xf32, #tpu.memory_space<vmem>>) dst(%dma_wait3A_611 : memref<56x128xf32, #tpu.memory_space<hbm>>)
    %dma_wait3A_615 = arith.constant 150 : i32
    %dma_wait3A_616 = arith.constant 0 : i32
    %dma_wait3A_617 = tpu.memref_slice %arg6[%dma_wait3A_615, %dma_wait3A_616] : memref<208x128xf32, #tpu.memory_space<vmem>> -> memref<56x128xf32, #tpu.memory_space<vmem>>
    %dma_wait3A_618 = arith.constant 0 : i32
    %dma_wait3A_619 = arith.constant 0 : i32
    %dma_wait3A_620 = tpu.memref_slice %arg4[%add3A_572, %dma_wait3A_618, %dma_wait3A_619] : memref<16384x56x128xf32, #tpu.memory_space<hbm>> -> memref<1x56x128xf32, #tpu.memory_space<hbm>>
    %dma_wait3A_621 = tpu.memref_squeeze %dma_wait3A_620 : memref<1x56x128xf32, #tpu.memory_space<hbm>> -> memref<56x128xf32, #tpu.memory_space<hbm>>
    %dma_wait3A_622 = arith.constant 0 : i32
    %dma_wait3A_623 = arith.constant 0 : i32
    %dma_wait3A_624 = tpu.memref_slice %arg4[%add3A_572, %dma_wait3A_622, %dma_wait3A_623] : memref<16384x56x128xf32, #tpu.memory_space<hbm>> -> memref<1x56x128xf32, #tpu.memory_space<hbm>>
    %dma_wait3A_625 = tpu.memref_squeeze %dma_wait3A_624 : memref<1x56x128xf32, #tpu.memory_space<hbm>> -> memref<56x128xf32, #tpu.memory_space<hbm>>
    %dma_wait3A_626 = arith.constant 150 : i32
    %dma_wait3A_627 = arith.constant 0 : i32
    %dma_wait3A_628 = tpu.memref_slice %arg6[%dma_wait3A_626, %dma_wait3A_627] : memref<208x128xf32, #tpu.memory_space<vmem>> -> memref<56x128xf32, #tpu.memory_space<vmem>>
    tpu.wait_dma2 semaphore(%arg26 : memref<!tpu.dma_semaphore, #tpu.memory_space<semaphore_mem>>) src(%dma_wait3A_628 : memref<56x128xf32, #tpu.memory_space<vmem>>) dst(%dma_wait3A_625 : memref<56x128xf32, #tpu.memory_space<hbm>>)
    %dma_start3A_629 = arith.constant 0 : i32
    %dma_start3A_630 = arith.constant 0 : i32
    %dma_start3A_631 = tpu.memref_slice %arg6[%dma_start3A_629, %dma_start3A_630] : memref<208x128xf32, #tpu.memory_space<vmem>> -> memref<128x128xf32, #tpu.memory_space<vmem>>
    %dma_start3A_632 = arith.constant 0 : i32
    %dma_start3A_633 = arith.constant 0 : i32
    %dma_start3A_634 = tpu.memref_slice %arg2[%dma_start3A_632, %dma_start3A_633] : memref<500000x128xf32, #tpu.memory_space<hbm>> -> memref<500000x128xf32, #tpu.memory_space<hbm>>
    tpu.enqueue_indirect_dma source(%dma_start3A_634 : memref<500000x128xf32, #tpu.memory_space<hbm>>) target(%dma_start3A_631 : memref<128x128xf32, #tpu.memory_space<vmem>>) offsets(%arg10 : memref<128xi32, #tpu.memory_space<vmem>>) semaphore(%arg22 : memref<!tpu.dma_semaphore, #tpu.memory_space<semaphore_mem>>)
    %dma_start3A_635 = arith.constant 128 : i32
    %dma_start3A_636 = arith.constant 0 : i32
    %dma_start3A_637 = tpu.memref_slice %arg6[%dma_start3A_635, %dma_start3A_636] : memref<208x128xf32, #tpu.memory_space<vmem>> -> memref<72x128xf32, #tpu.memory_space<vmem>>
    %dma_start3A_638 = arith.constant 0 : i32
    %dma_start3A_639 = arith.constant 0 : i32
    %dma_start3A_640 = tpu.memref_slice %arg2[%dma_start3A_638, %dma_start3A_639] : memref<500000x128xf32, #tpu.memory_space<hbm>> -> memref<500000x128xf32, #tpu.memory_space<hbm>>
    tpu.enqueue_indirect_dma source(%dma_start3A_640 : memref<500000x128xf32, #tpu.memory_space<hbm>>) target(%dma_start3A_637 : memref<72x128xf32, #tpu.memory_space<vmem>>) offsets(%arg14 : memref<72xi32, #tpu.memory_space<vmem>>) semaphore(%arg22 : memref<!tpu.dma_semaphore, #tpu.memory_space<semaphore_mem>>)
    %add3A_641 = arith.constant 504 : i32
    %add3A_642 = arith.addi %mul3A_2, %add3A_641 : i32
    %mul3A_643 = arith.constant 50 : i32
    %mul3A_644 = arith.muli %add3A_642, %mul3A_643 : i32
    %add3A_645 = arith.constant 128 : i32
    %add3A_646 = arith.addi %mul3A_644, %add3A_645 : i32
    %dma_start3A_647 = tpu.memref_slice %arg3[%mul3A_644] : memref<819200xi32, #tpu.memory_space<hbm>> -> memref<128xi32, #tpu.memory_space<hbm>>
    %dma_start3A_648 = tpu.memref_slice %arg3[%mul3A_644] : memref<819200xi32, #tpu.memory_space<hbm>> -> memref<128xi32, #tpu.memory_space<hbm>>
    tpu.enqueue_dma source(%dma_start3A_648 : memref<128xi32, #tpu.memory_space<hbm>>) target(%arg11 : memref<128xi32, #tpu.memory_space<vmem>>) target_semaphore(%arg19 : memref<!tpu.dma_semaphore, #tpu.memory_space<semaphore_mem>>)
    %dma_start3A_649 = tpu.memref_slice %arg3[%add3A_646] : memref<819200xi32, #tpu.memory_space<hbm>> -> memref<72xi32, #tpu.memory_space<hbm>>
    %dma_start3A_650 = tpu.memref_slice %arg3[%add3A_646] : memref<819200xi32, #tpu.memory_space<hbm>> -> memref<72xi32, #tpu.memory_space<hbm>>
    tpu.enqueue_dma source(%dma_start3A_650 : memref<72xi32, #tpu.memory_space<hbm>>) target(%arg15 : memref<72xi32, #tpu.memory_space<vmem>>) target_semaphore(%arg19 : memref<!tpu.dma_semaphore, #tpu.memory_space<semaphore_mem>>)
    %dma_wait3A_651 = arith.constant 0 : i32
    %dma_wait3A_652 = arith.constant 0 : i32
    %dma_wait3A_653 = tpu.memref_slice %arg5[%dma_wait3A_651, %dma_wait3A_652] : memref<208x128xf32, #tpu.memory_space<vmem>> -> memref<128x128xf32, #tpu.memory_space<vmem>>
    %dma_wait3A_654 = arith.constant 0 : i32
    %dma_wait3A_655 = arith.constant 0 : i32
    %dma_wait3A_656 = tpu.memref_slice %arg2[%dma_wait3A_654, %dma_wait3A_655] : memref<500000x128xf32, #tpu.memory_space<hbm>> -> memref<500000x128xf32, #tpu.memory_space<hbm>>
    tpu.wait_indirect_dma semaphore(%arg21 : memref<!tpu.dma_semaphore, #tpu.memory_space<semaphore_mem>>) src(%dma_wait3A_656 : memref<500000x128xf32, #tpu.memory_space<hbm>>) dst(%dma_wait3A_653 : memref<128x128xf32, #tpu.memory_space<vmem>>)
    %dma_wait3A_657 = arith.constant 128 : i32
    %dma_wait3A_658 = arith.constant 0 : i32
    %dma_wait3A_659 = tpu.memref_slice %arg5[%dma_wait3A_657, %dma_wait3A_658] : memref<208x128xf32, #tpu.memory_space<vmem>> -> memref<72x128xf32, #tpu.memory_space<vmem>>
    %dma_wait3A_660 = arith.constant 0 : i32
    %dma_wait3A_661 = arith.constant 0 : i32
    %dma_wait3A_662 = tpu.memref_slice %arg2[%dma_wait3A_660, %dma_wait3A_661] : memref<500000x128xf32, #tpu.memory_space<hbm>> -> memref<500000x128xf32, #tpu.memory_space<hbm>>
    tpu.wait_indirect_dma semaphore(%arg21 : memref<!tpu.dma_semaphore, #tpu.memory_space<semaphore_mem>>) src(%dma_wait3A_662 : memref<500000x128xf32, #tpu.memory_space<hbm>>) dst(%dma_wait3A_659 : memref<72x128xf32, #tpu.memory_space<vmem>>)
    %add3A_663 = arith.constant 496 : i32
    %add3A_664 = arith.addi %mul3A_2, %add3A_663 : i32
    %add3A_665 = arith.constant 0 : i32
    %add3A_666 = arith.addi %add3A_664, %add3A_665 : i32
    %add3A_667 = arith.constant 1 : i32
    %add3A_668 = arith.addi %add3A_664, %add3A_667 : i32
    %add3A_669 = arith.constant 2 : i32
    %add3A_670 = arith.addi %add3A_664, %add3A_669 : i32
    %add3A_671 = arith.constant 3 : i32
    %add3A_672 = arith.addi %add3A_664, %add3A_671 : i32
    %dma_start3A_673 = arith.constant 0 : i32
    %dma_start3A_674 = arith.constant 0 : i32
    %dma_start3A_675 = tpu.memref_slice %arg5[%dma_start3A_673, %dma_start3A_674] : memref<208x128xf32, #tpu.memory_space<vmem>> -> memref<56x128xf32, #tpu.memory_space<vmem>>
    %dma_start3A_676 = arith.constant 0 : i32
    %dma_start3A_677 = arith.constant 0 : i32
    %dma_start3A_678 = tpu.memref_slice %arg4[%add3A_666, %dma_start3A_676, %dma_start3A_677] : memref<16384x56x128xf32, #tpu.memory_space<hbm>> -> memref<1x56x128xf32, #tpu.memory_space<hbm>>
    %dma_start3A_679 = tpu.memref_squeeze %dma_start3A_678 : memref<1x56x128xf32, #tpu.memory_space<hbm>> -> memref<56x128xf32, #tpu.memory_space<hbm>>
    %dma_start3A_680 = arith.constant 0 : i32
    %dma_start3A_681 = arith.constant 0 : i32
    %dma_start3A_682 = tpu.memref_slice %arg4[%add3A_666, %dma_start3A_680, %dma_start3A_681] : memref<16384x56x128xf32, #tpu.memory_space<hbm>> -> memref<1x56x128xf32, #tpu.memory_space<hbm>>
    %dma_start3A_683 = tpu.memref_squeeze %dma_start3A_682 : memref<1x56x128xf32, #tpu.memory_space<hbm>> -> memref<56x128xf32, #tpu.memory_space<hbm>>
    %dma_start3A_684 = arith.constant 0 : i32
    %dma_start3A_685 = arith.constant 0 : i32
    %dma_start3A_686 = tpu.memref_slice %arg5[%dma_start3A_684, %dma_start3A_685] : memref<208x128xf32, #tpu.memory_space<vmem>> -> memref<56x128xf32, #tpu.memory_space<vmem>>
    tpu.enqueue_dma source(%dma_start3A_686 : memref<56x128xf32, #tpu.memory_space<vmem>>) target(%dma_start3A_683 : memref<56x128xf32, #tpu.memory_space<hbm>>) target_semaphore(%arg25 : memref<!tpu.dma_semaphore, #tpu.memory_space<semaphore_mem>>)
    %dma_start3A_687 = arith.constant 50 : i32
    %dma_start3A_688 = arith.constant 0 : i32
    %dma_start3A_689 = tpu.memref_slice %arg5[%dma_start3A_687, %dma_start3A_688] : memref<208x128xf32, #tpu.memory_space<vmem>> -> memref<56x128xf32, #tpu.memory_space<vmem>>
    %dma_start3A_690 = arith.constant 0 : i32
    %dma_start3A_691 = arith.constant 0 : i32
    %dma_start3A_692 = tpu.memref_slice %arg4[%add3A_668, %dma_start3A_690, %dma_start3A_691] : memref<16384x56x128xf32, #tpu.memory_space<hbm>> -> memref<1x56x128xf32, #tpu.memory_space<hbm>>
    %dma_start3A_693 = tpu.memref_squeeze %dma_start3A_692 : memref<1x56x128xf32, #tpu.memory_space<hbm>> -> memref<56x128xf32, #tpu.memory_space<hbm>>
    %dma_start3A_694 = arith.constant 0 : i32
    %dma_start3A_695 = arith.constant 0 : i32
    %dma_start3A_696 = tpu.memref_slice %arg4[%add3A_668, %dma_start3A_694, %dma_start3A_695] : memref<16384x56x128xf32, #tpu.memory_space<hbm>> -> memref<1x56x128xf32, #tpu.memory_space<hbm>>
    %dma_start3A_697 = tpu.memref_squeeze %dma_start3A_696 : memref<1x56x128xf32, #tpu.memory_space<hbm>> -> memref<56x128xf32, #tpu.memory_space<hbm>>
    %dma_start3A_698 = arith.constant 50 : i32
    %dma_start3A_699 = arith.constant 0 : i32
    %dma_start3A_700 = tpu.memref_slice %arg5[%dma_start3A_698, %dma_start3A_699] : memref<208x128xf32, #tpu.memory_space<vmem>> -> memref<56x128xf32, #tpu.memory_space<vmem>>
    tpu.enqueue_dma source(%dma_start3A_700 : memref<56x128xf32, #tpu.memory_space<vmem>>) target(%dma_start3A_697 : memref<56x128xf32, #tpu.memory_space<hbm>>) target_semaphore(%arg25 : memref<!tpu.dma_semaphore, #tpu.memory_space<semaphore_mem>>)
    %dma_start3A_701 = arith.constant 100 : i32
    %dma_start3A_702 = arith.constant 0 : i32
    %dma_start3A_703 = tpu.memref_slice %arg5[%dma_start3A_701, %dma_start3A_702] : memref<208x128xf32, #tpu.memory_space<vmem>> -> memref<56x128xf32, #tpu.memory_space<vmem>>
    %dma_start3A_704 = arith.constant 0 : i32
    %dma_start3A_705 = arith.constant 0 : i32
    %dma_start3A_706 = tpu.memref_slice %arg4[%add3A_670, %dma_start3A_704, %dma_start3A_705] : memref<16384x56x128xf32, #tpu.memory_space<hbm>> -> memref<1x56x128xf32, #tpu.memory_space<hbm>>
    %dma_start3A_707 = tpu.memref_squeeze %dma_start3A_706 : memref<1x56x128xf32, #tpu.memory_space<hbm>> -> memref<56x128xf32, #tpu.memory_space<hbm>>
    %dma_start3A_708 = arith.constant 0 : i32
    %dma_start3A_709 = arith.constant 0 : i32
    %dma_start3A_710 = tpu.memref_slice %arg4[%add3A_670, %dma_start3A_708, %dma_start3A_709] : memref<16384x56x128xf32, #tpu.memory_space<hbm>> -> memref<1x56x128xf32, #tpu.memory_space<hbm>>
    %dma_start3A_711 = tpu.memref_squeeze %dma_start3A_710 : memref<1x56x128xf32, #tpu.memory_space<hbm>> -> memref<56x128xf32, #tpu.memory_space<hbm>>
    %dma_start3A_712 = arith.constant 100 : i32
    %dma_start3A_713 = arith.constant 0 : i32
    %dma_start3A_714 = tpu.memref_slice %arg5[%dma_start3A_712, %dma_start3A_713] : memref<208x128xf32, #tpu.memory_space<vmem>> -> memref<56x128xf32, #tpu.memory_space<vmem>>
    tpu.enqueue_dma source(%dma_start3A_714 : memref<56x128xf32, #tpu.memory_space<vmem>>) target(%dma_start3A_711 : memref<56x128xf32, #tpu.memory_space<hbm>>) target_semaphore(%arg25 : memref<!tpu.dma_semaphore, #tpu.memory_space<semaphore_mem>>)
    %dma_start3A_715 = arith.constant 150 : i32
    %dma_start3A_716 = arith.constant 0 : i32
    %dma_start3A_717 = tpu.memref_slice %arg5[%dma_start3A_715, %dma_start3A_716] : memref<208x128xf32, #tpu.memory_space<vmem>> -> memref<56x128xf32, #tpu.memory_space<vmem>>
    %dma_start3A_718 = arith.constant 0 : i32
    %dma_start3A_719 = arith.constant 0 : i32
    %dma_start3A_720 = tpu.memref_slice %arg4[%add3A_672, %dma_start3A_718, %dma_start3A_719] : memref<16384x56x128xf32, #tpu.memory_space<hbm>> -> memref<1x56x128xf32, #tpu.memory_space<hbm>>
    %dma_start3A_721 = tpu.memref_squeeze %dma_start3A_720 : memref<1x56x128xf32, #tpu.memory_space<hbm>> -> memref<56x128xf32, #tpu.memory_space<hbm>>
    %dma_start3A_722 = arith.constant 0 : i32
    %dma_start3A_723 = arith.constant 0 : i32
    %dma_start3A_724 = tpu.memref_slice %arg4[%add3A_672, %dma_start3A_722, %dma_start3A_723] : memref<16384x56x128xf32, #tpu.memory_space<hbm>> -> memref<1x56x128xf32, #tpu.memory_space<hbm>>
    %dma_start3A_725 = tpu.memref_squeeze %dma_start3A_724 : memref<1x56x128xf32, #tpu.memory_space<hbm>> -> memref<56x128xf32, #tpu.memory_space<hbm>>
    %dma_start3A_726 = arith.constant 150 : i32
    %dma_start3A_727 = arith.constant 0 : i32
    %dma_start3A_728 = tpu.memref_slice %arg5[%dma_start3A_726, %dma_start3A_727] : memref<208x128xf32, #tpu.memory_space<vmem>> -> memref<56x128xf32, #tpu.memory_space<vmem>>
    tpu.enqueue_dma source(%dma_start3A_728 : memref<56x128xf32, #tpu.memory_space<vmem>>) target(%dma_start3A_725 : memref<56x128xf32, #tpu.memory_space<hbm>>) target_semaphore(%arg25 : memref<!tpu.dma_semaphore, #tpu.memory_space<semaphore_mem>>)
    %add3A_729 = arith.constant 504 : i32
    %add3A_730 = arith.addi %mul3A_2, %add3A_729 : i32
    %mul3A_731 = arith.constant 50 : i32
    %mul3A_732 = arith.muli %add3A_730, %mul3A_731 : i32
    %add3A_733 = arith.constant 128 : i32
    %add3A_734 = arith.addi %mul3A_732, %add3A_733 : i32
    %dma_wait3A_735 = tpu.memref_slice %arg3[%mul3A_732] : memref<819200xi32, #tpu.memory_space<hbm>> -> memref<128xi32, #tpu.memory_space<hbm>>
    %dma_wait3A_736 = tpu.memref_slice %arg3[%mul3A_732] : memref<819200xi32, #tpu.memory_space<hbm>> -> memref<128xi32, #tpu.memory_space<hbm>>
    tpu.wait_dma2 semaphore(%arg19 : memref<!tpu.dma_semaphore, #tpu.memory_space<semaphore_mem>>) src(%dma_wait3A_736 : memref<128xi32, #tpu.memory_space<hbm>>) dst(%arg11 : memref<128xi32, #tpu.memory_space<vmem>>)
    %dma_wait3A_737 = tpu.memref_slice %arg3[%add3A_734] : memref<819200xi32, #tpu.memory_space<hbm>> -> memref<72xi32, #tpu.memory_space<hbm>>
    %dma_wait3A_738 = tpu.memref_slice %arg3[%add3A_734] : memref<819200xi32, #tpu.memory_space<hbm>> -> memref<72xi32, #tpu.memory_space<hbm>>
    tpu.wait_dma2 semaphore(%arg19 : memref<!tpu.dma_semaphore, #tpu.memory_space<semaphore_mem>>) src(%dma_wait3A_738 : memref<72xi32, #tpu.memory_space<hbm>>) dst(%arg15 : memref<72xi32, #tpu.memory_space<vmem>>)
    %add3A_739 = arith.constant 488 : i32
    %add3A_740 = arith.addi %mul3A_2, %add3A_739 : i32
    %add3A_741 = arith.constant 0 : i32
    %add3A_742 = arith.addi %add3A_740, %add3A_741 : i32
    %add3A_743 = arith.constant 1 : i32
    %add3A_744 = arith.addi %add3A_740, %add3A_743 : i32
    %add3A_745 = arith.constant 2 : i32
    %add3A_746 = arith.addi %add3A_740, %add3A_745 : i32
    %add3A_747 = arith.constant 3 : i32
    %add3A_748 = arith.addi %add3A_740, %add3A_747 : i32
    %dma_wait3A_749 = arith.constant 0 : i32
    %dma_wait3A_750 = arith.constant 0 : i32
    %dma_wait3A_751 = tpu.memref_slice %arg7[%dma_wait3A_749, %dma_wait3A_750] : memref<208x128xf32, #tpu.memory_space<vmem>> -> memref<56x128xf32, #tpu.memory_space<vmem>>
    %dma_wait3A_752 = arith.constant 0 : i32
    %dma_wait3A_753 = arith.constant 0 : i32
    %dma_wait3A_754 = tpu.memref_slice %arg4[%add3A_742, %dma_wait3A_752, %dma_wait3A_753] : memref<16384x56x128xf32, #tpu.memory_space<hbm>> -> memref<1x56x128xf32, #tpu.memory_space<hbm>>
    %dma_wait3A_755 = tpu.memref_squeeze %dma_wait3A_754 : memref<1x56x128xf32, #tpu.memory_space<hbm>> -> memref<56x128xf32, #tpu.memory_space<hbm>>
    %dma_wait3A_756 = arith.constant 0 : i32
    %dma_wait3A_757 = arith.constant 0 : i32
    %dma_wait3A_758 = tpu.memref_slice %arg4[%add3A_742, %dma_wait3A_756, %dma_wait3A_757] : memref<16384x56x128xf32, #tpu.memory_space<hbm>> -> memref<1x56x128xf32, #tpu.memory_space<hbm>>
    %dma_wait3A_759 = tpu.memref_squeeze %dma_wait3A_758 : memref<1x56x128xf32, #tpu.memory_space<hbm>> -> memref<56x128xf32, #tpu.memory_space<hbm>>
    %dma_wait3A_760 = arith.constant 0 : i32
    %dma_wait3A_761 = arith.constant 0 : i32
    %dma_wait3A_762 = tpu.memref_slice %arg7[%dma_wait3A_760, %dma_wait3A_761] : memref<208x128xf32, #tpu.memory_space<vmem>> -> memref<56x128xf32, #tpu.memory_space<vmem>>
    tpu.wait_dma2 semaphore(%arg27 : memref<!tpu.dma_semaphore, #tpu.memory_space<semaphore_mem>>) src(%dma_wait3A_762 : memref<56x128xf32, #tpu.memory_space<vmem>>) dst(%dma_wait3A_759 : memref<56x128xf32, #tpu.memory_space<hbm>>)
    %dma_wait3A_763 = arith.constant 50 : i32
    %dma_wait3A_764 = arith.constant 0 : i32
    %dma_wait3A_765 = tpu.memref_slice %arg7[%dma_wait3A_763, %dma_wait3A_764] : memref<208x128xf32, #tpu.memory_space<vmem>> -> memref<56x128xf32, #tpu.memory_space<vmem>>
    %dma_wait3A_766 = arith.constant 0 : i32
    %dma_wait3A_767 = arith.constant 0 : i32
    %dma_wait3A_768 = tpu.memref_slice %arg4[%add3A_744, %dma_wait3A_766, %dma_wait3A_767] : memref<16384x56x128xf32, #tpu.memory_space<hbm>> -> memref<1x56x128xf32, #tpu.memory_space<hbm>>
    %dma_wait3A_769 = tpu.memref_squeeze %dma_wait3A_768 : memref<1x56x128xf32, #tpu.memory_space<hbm>> -> memref<56x128xf32, #tpu.memory_space<hbm>>
    %dma_wait3A_770 = arith.constant 0 : i32
    %dma_wait3A_771 = arith.constant 0 : i32
    %dma_wait3A_772 = tpu.memref_slice %arg4[%add3A_744, %dma_wait3A_770, %dma_wait3A_771] : memref<16384x56x128xf32, #tpu.memory_space<hbm>> -> memref<1x56x128xf32, #tpu.memory_space<hbm>>
    %dma_wait3A_773 = tpu.memref_squeeze %dma_wait3A_772 : memref<1x56x128xf32, #tpu.memory_space<hbm>> -> memref<56x128xf32, #tpu.memory_space<hbm>>
    %dma_wait3A_774 = arith.constant 50 : i32
    %dma_wait3A_775 = arith.constant 0 : i32
    %dma_wait3A_776 = tpu.memref_slice %arg7[%dma_wait3A_774, %dma_wait3A_775] : memref<208x128xf32, #tpu.memory_space<vmem>> -> memref<56x128xf32, #tpu.memory_space<vmem>>
    tpu.wait_dma2 semaphore(%arg27 : memref<!tpu.dma_semaphore, #tpu.memory_space<semaphore_mem>>) src(%dma_wait3A_776 : memref<56x128xf32, #tpu.memory_space<vmem>>) dst(%dma_wait3A_773 : memref<56x128xf32, #tpu.memory_space<hbm>>)
    %dma_wait3A_777 = arith.constant 100 : i32
    %dma_wait3A_778 = arith.constant 0 : i32
    %dma_wait3A_779 = tpu.memref_slice %arg7[%dma_wait3A_777, %dma_wait3A_778] : memref<208x128xf32, #tpu.memory_space<vmem>> -> memref<56x128xf32, #tpu.memory_space<vmem>>
    %dma_wait3A_780 = arith.constant 0 : i32
    %dma_wait3A_781 = arith.constant 0 : i32
    %dma_wait3A_782 = tpu.memref_slice %arg4[%add3A_746, %dma_wait3A_780, %dma_wait3A_781] : memref<16384x56x128xf32, #tpu.memory_space<hbm>> -> memref<1x56x128xf32, #tpu.memory_space<hbm>>
    %dma_wait3A_783 = tpu.memref_squeeze %dma_wait3A_782 : memref<1x56x128xf32, #tpu.memory_space<hbm>> -> memref<56x128xf32, #tpu.memory_space<hbm>>
    %dma_wait3A_784 = arith.constant 0 : i32
    %dma_wait3A_785 = arith.constant 0 : i32
    %dma_wait3A_786 = tpu.memref_slice %arg4[%add3A_746, %dma_wait3A_784, %dma_wait3A_785] : memref<16384x56x128xf32, #tpu.memory_space<hbm>> -> memref<1x56x128xf32, #tpu.memory_space<hbm>>
    %dma_wait3A_787 = tpu.memref_squeeze %dma_wait3A_786 : memref<1x56x128xf32, #tpu.memory_space<hbm>> -> memref<56x128xf32, #tpu.memory_space<hbm>>
    %dma_wait3A_788 = arith.constant 100 : i32
    %dma_wait3A_789 = arith.constant 0 : i32
    %dma_wait3A_790 = tpu.memref_slice %arg7[%dma_wait3A_788, %dma_wait3A_789] : memref<208x128xf32, #tpu.memory_space<vmem>> -> memref<56x128xf32, #tpu.memory_space<vmem>>
    tpu.wait_dma2 semaphore(%arg27 : memref<!tpu.dma_semaphore, #tpu.memory_space<semaphore_mem>>) src(%dma_wait3A_790 : memref<56x128xf32, #tpu.memory_space<vmem>>) dst(%dma_wait3A_787 : memref<56x128xf32, #tpu.memory_space<hbm>>)
    %dma_wait3A_791 = arith.constant 150 : i32
    %dma_wait3A_792 = arith.constant 0 : i32
    %dma_wait3A_793 = tpu.memref_slice %arg7[%dma_wait3A_791, %dma_wait3A_792] : memref<208x128xf32, #tpu.memory_space<vmem>> -> memref<56x128xf32, #tpu.memory_space<vmem>>
    %dma_wait3A_794 = arith.constant 0 : i32
    %dma_wait3A_795 = arith.constant 0 : i32
    %dma_wait3A_796 = tpu.memref_slice %arg4[%add3A_748, %dma_wait3A_794, %dma_wait3A_795] : memref<16384x56x128xf32, #tpu.memory_space<hbm>> -> memref<1x56x128xf32, #tpu.memory_space<hbm>>
    %dma_wait3A_797 = tpu.memref_squeeze %dma_wait3A_796 : memref<1x56x128xf32, #tpu.memory_space<hbm>> -> memref<56x128xf32, #tpu.memory_space<hbm>>
    %dma_wait3A_798 = arith.constant 0 : i32
    %dma_wait3A_799 = arith.constant 0 : i32
    %dma_wait3A_800 = tpu.memref_slice %arg4[%add3A_748, %dma_wait3A_798, %dma_wait3A_799] : memref<16384x56x128xf32, #tpu.memory_space<hbm>> -> memref<1x56x128xf32, #tpu.memory_space<hbm>>
    %dma_wait3A_801 = tpu.memref_squeeze %dma_wait3A_800 : memref<1x56x128xf32, #tpu.memory_space<hbm>> -> memref<56x128xf32, #tpu.memory_space<hbm>>
    %dma_wait3A_802 = arith.constant 150 : i32
    %dma_wait3A_803 = arith.constant 0 : i32
    %dma_wait3A_804 = tpu.memref_slice %arg7[%dma_wait3A_802, %dma_wait3A_803] : memref<208x128xf32, #tpu.memory_space<vmem>> -> memref<56x128xf32, #tpu.memory_space<vmem>>
    tpu.wait_dma2 semaphore(%arg27 : memref<!tpu.dma_semaphore, #tpu.memory_space<semaphore_mem>>) src(%dma_wait3A_804 : memref<56x128xf32, #tpu.memory_space<vmem>>) dst(%dma_wait3A_801 : memref<56x128xf32, #tpu.memory_space<hbm>>)
    %dma_start3A_805 = arith.constant 0 : i32
    %dma_start3A_806 = arith.constant 0 : i32
    %dma_start3A_807 = tpu.memref_slice %arg7[%dma_start3A_805, %dma_start3A_806] : memref<208x128xf32, #tpu.memory_space<vmem>> -> memref<128x128xf32, #tpu.memory_space<vmem>>
    %dma_start3A_808 = arith.constant 0 : i32
    %dma_start3A_809 = arith.constant 0 : i32
    %dma_start3A_810 = tpu.memref_slice %arg2[%dma_start3A_808, %dma_start3A_809] : memref<500000x128xf32, #tpu.memory_space<hbm>> -> memref<500000x128xf32, #tpu.memory_space<hbm>>
    tpu.enqueue_indirect_dma source(%dma_start3A_810 : memref<500000x128xf32, #tpu.memory_space<hbm>>) target(%dma_start3A_807 : memref<128x128xf32, #tpu.memory_space<vmem>>) offsets(%arg11 : memref<128xi32, #tpu.memory_space<vmem>>) semaphore(%arg23 : memref<!tpu.dma_semaphore, #tpu.memory_space<semaphore_mem>>)
    %dma_start3A_811 = arith.constant 128 : i32
    %dma_start3A_812 = arith.constant 0 : i32
    %dma_start3A_813 = tpu.memref_slice %arg7[%dma_start3A_811, %dma_start3A_812] : memref<208x128xf32, #tpu.memory_space<vmem>> -> memref<72x128xf32, #tpu.memory_space<vmem>>
    %dma_start3A_814 = arith.constant 0 : i32
    %dma_start3A_815 = arith.constant 0 : i32
    %dma_start3A_816 = tpu.memref_slice %arg2[%dma_start3A_814, %dma_start3A_815] : memref<500000x128xf32, #tpu.memory_space<hbm>> -> memref<500000x128xf32, #tpu.memory_space<hbm>>
    tpu.enqueue_indirect_dma source(%dma_start3A_816 : memref<500000x128xf32, #tpu.memory_space<hbm>>) target(%dma_start3A_813 : memref<72x128xf32, #tpu.memory_space<vmem>>) offsets(%arg15 : memref<72xi32, #tpu.memory_space<vmem>>) semaphore(%arg23 : memref<!tpu.dma_semaphore, #tpu.memory_space<semaphore_mem>>)
    %add3A_817 = arith.constant 508 : i32
    %add3A_818 = arith.addi %mul3A_2, %add3A_817 : i32
    %mul3A_819 = arith.constant 50 : i32
    %mul3A_820 = arith.muli %add3A_818, %mul3A_819 : i32
    %add3A_821 = arith.constant 128 : i32
    %add3A_822 = arith.addi %mul3A_820, %add3A_821 : i32
    %dma_start3A_823 = tpu.memref_slice %arg3[%mul3A_820] : memref<819200xi32, #tpu.memory_space<hbm>> -> memref<128xi32, #tpu.memory_space<hbm>>
    %dma_start3A_824 = tpu.memref_slice %arg3[%mul3A_820] : memref<819200xi32, #tpu.memory_space<hbm>> -> memref<128xi32, #tpu.memory_space<hbm>>
    tpu.enqueue_dma source(%dma_start3A_824 : memref<128xi32, #tpu.memory_space<hbm>>) target(%arg12 : memref<128xi32, #tpu.memory_space<vmem>>) target_semaphore(%arg20 : memref<!tpu.dma_semaphore, #tpu.memory_space<semaphore_mem>>)
    %dma_start3A_825 = tpu.memref_slice %arg3[%add3A_822] : memref<819200xi32, #tpu.memory_space<hbm>> -> memref<72xi32, #tpu.memory_space<hbm>>
    %dma_start3A_826 = tpu.memref_slice %arg3[%add3A_822] : memref<819200xi32, #tpu.memory_space<hbm>> -> memref<72xi32, #tpu.memory_space<hbm>>
    tpu.enqueue_dma source(%dma_start3A_826 : memref<72xi32, #tpu.memory_space<hbm>>) target(%arg16 : memref<72xi32, #tpu.memory_space<vmem>>) target_semaphore(%arg20 : memref<!tpu.dma_semaphore, #tpu.memory_space<semaphore_mem>>)
    %dma_wait3A_827 = arith.constant 0 : i32
    %dma_wait3A_828 = arith.constant 0 : i32
    %dma_wait3A_829 = tpu.memref_slice %arg6[%dma_wait3A_827, %dma_wait3A_828] : memref<208x128xf32, #tpu.memory_space<vmem>> -> memref<128x128xf32, #tpu.memory_space<vmem>>
    %dma_wait3A_830 = arith.constant 0 : i32
    %dma_wait3A_831 = arith.constant 0 : i32
    %dma_wait3A_832 = tpu.memref_slice %arg2[%dma_wait3A_830, %dma_wait3A_831] : memref<500000x128xf32, #tpu.memory_space<hbm>> -> memref<500000x128xf32, #tpu.memory_space<hbm>>
    tpu.wait_indirect_dma semaphore(%arg22 : memref<!tpu.dma_semaphore, #tpu.memory_space<semaphore_mem>>) src(%dma_wait3A_832 : memref<500000x128xf32, #tpu.memory_space<hbm>>) dst(%dma_wait3A_829 : memref<128x128xf32, #tpu.memory_space<vmem>>)
    %dma_wait3A_833 = arith.constant 128 : i32
    %dma_wait3A_834 = arith.constant 0 : i32
    %dma_wait3A_835 = tpu.memref_slice %arg6[%dma_wait3A_833, %dma_wait3A_834] : memref<208x128xf32, #tpu.memory_space<vmem>> -> memref<72x128xf32, #tpu.memory_space<vmem>>
    %dma_wait3A_836 = arith.constant 0 : i32
    %dma_wait3A_837 = arith.constant 0 : i32
    %dma_wait3A_838 = tpu.memref_slice %arg2[%dma_wait3A_836, %dma_wait3A_837] : memref<500000x128xf32, #tpu.memory_space<hbm>> -> memref<500000x128xf32, #tpu.memory_space<hbm>>
    tpu.wait_indirect_dma semaphore(%arg22 : memref<!tpu.dma_semaphore, #tpu.memory_space<semaphore_mem>>) src(%dma_wait3A_838 : memref<500000x128xf32, #tpu.memory_space<hbm>>) dst(%dma_wait3A_835 : memref<72x128xf32, #tpu.memory_space<vmem>>)
    %add3A_839 = arith.constant 500 : i32
    %add3A_840 = arith.addi %mul3A_2, %add3A_839 : i32
    %add3A_841 = arith.constant 0 : i32
    %add3A_842 = arith.addi %add3A_840, %add3A_841 : i32
    %add3A_843 = arith.constant 1 : i32
    %add3A_844 = arith.addi %add3A_840, %add3A_843 : i32
    %add3A_845 = arith.constant 2 : i32
    %add3A_846 = arith.addi %add3A_840, %add3A_845 : i32
    %add3A_847 = arith.constant 3 : i32
    %add3A_848 = arith.addi %add3A_840, %add3A_847 : i32
    %dma_start3A_849 = arith.constant 0 : i32
    %dma_start3A_850 = arith.constant 0 : i32
    %dma_start3A_851 = tpu.memref_slice %arg6[%dma_start3A_849, %dma_start3A_850] : memref<208x128xf32, #tpu.memory_space<vmem>> -> memref<56x128xf32, #tpu.memory_space<vmem>>
    %dma_start3A_852 = arith.constant 0 : i32
    %dma_start3A_853 = arith.constant 0 : i32
    %dma_start3A_854 = tpu.memref_slice %arg4[%add3A_842, %dma_start3A_852, %dma_start3A_853] : memref<16384x56x128xf32, #tpu.memory_space<hbm>> -> memref<1x56x128xf32, #tpu.memory_space<hbm>>
    %dma_start3A_855 = tpu.memref_squeeze %dma_start3A_854 : memref<1x56x128xf32, #tpu.memory_space<hbm>> -> memref<56x128xf32, #tpu.memory_space<hbm>>
    %dma_start3A_856 = arith.constant 0 : i32
    %dma_start3A_857 = arith.constant 0 : i32
    %dma_start3A_858 = tpu.memref_slice %arg4[%add3A_842, %dma_start3A_856, %dma_start3A_857] : memref<16384x56x128xf32, #tpu.memory_space<hbm>> -> memref<1x56x128xf32, #tpu.memory_space<hbm>>
    %dma_start3A_859 = tpu.memref_squeeze %dma_start3A_858 : memref<1x56x128xf32, #tpu.memory_space<hbm>> -> memref<56x128xf32, #tpu.memory_space<hbm>>
    %dma_start3A_860 = arith.constant 0 : i32
    %dma_start3A_861 = arith.constant 0 : i32
    %dma_start3A_862 = tpu.memref_slice %arg6[%dma_start3A_860, %dma_start3A_861] : memref<208x128xf32, #tpu.memory_space<vmem>> -> memref<56x128xf32, #tpu.memory_space<vmem>>
    tpu.enqueue_dma source(%dma_start3A_862 : memref<56x128xf32, #tpu.memory_space<vmem>>) target(%dma_start3A_859 : memref<56x128xf32, #tpu.memory_space<hbm>>) target_semaphore(%arg26 : memref<!tpu.dma_semaphore, #tpu.memory_space<semaphore_mem>>)
    %dma_start3A_863 = arith.constant 50 : i32
    %dma_start3A_864 = arith.constant 0 : i32
    %dma_start3A_865 = tpu.memref_slice %arg6[%dma_start3A_863, %dma_start3A_864] : memref<208x128xf32, #tpu.memory_space<vmem>> -> memref<56x128xf32, #tpu.memory_space<vmem>>
    %dma_start3A_866 = arith.constant 0 : i32
    %dma_start3A_867 = arith.constant 0 : i32
    %dma_start3A_868 = tpu.memref_slice %arg4[%add3A_844, %dma_start3A_866, %dma_start3A_867] : memref<16384x56x128xf32, #tpu.memory_space<hbm>> -> memref<1x56x128xf32, #tpu.memory_space<hbm>>
    %dma_start3A_869 = tpu.memref_squeeze %dma_start3A_868 : memref<1x56x128xf32, #tpu.memory_space<hbm>> -> memref<56x128xf32, #tpu.memory_space<hbm>>
    %dma_start3A_870 = arith.constant 0 : i32
    %dma_start3A_871 = arith.constant 0 : i32
    %dma_start3A_872 = tpu.memref_slice %arg4[%add3A_844, %dma_start3A_870, %dma_start3A_871] : memref<16384x56x128xf32, #tpu.memory_space<hbm>> -> memref<1x56x128xf32, #tpu.memory_space<hbm>>
    %dma_start3A_873 = tpu.memref_squeeze %dma_start3A_872 : memref<1x56x128xf32, #tpu.memory_space<hbm>> -> memref<56x128xf32, #tpu.memory_space<hbm>>
    %dma_start3A_874 = arith.constant 50 : i32
    %dma_start3A_875 = arith.constant 0 : i32
    %dma_start3A_876 = tpu.memref_slice %arg6[%dma_start3A_874, %dma_start3A_875] : memref<208x128xf32, #tpu.memory_space<vmem>> -> memref<56x128xf32, #tpu.memory_space<vmem>>
    tpu.enqueue_dma source(%dma_start3A_876 : memref<56x128xf32, #tpu.memory_space<vmem>>) target(%dma_start3A_873 : memref<56x128xf32, #tpu.memory_space<hbm>>) target_semaphore(%arg26 : memref<!tpu.dma_semaphore, #tpu.memory_space<semaphore_mem>>)
    %dma_start3A_877 = arith.constant 100 : i32
    %dma_start3A_878 = arith.constant 0 : i32
    %dma_start3A_879 = tpu.memref_slice %arg6[%dma_start3A_877, %dma_start3A_878] : memref<208x128xf32, #tpu.memory_space<vmem>> -> memref<56x128xf32, #tpu.memory_space<vmem>>
    %dma_start3A_880 = arith.constant 0 : i32
    %dma_start3A_881 = arith.constant 0 : i32
    %dma_start3A_882 = tpu.memref_slice %arg4[%add3A_846, %dma_start3A_880, %dma_start3A_881] : memref<16384x56x128xf32, #tpu.memory_space<hbm>> -> memref<1x56x128xf32, #tpu.memory_space<hbm>>
    %dma_start3A_883 = tpu.memref_squeeze %dma_start3A_882 : memref<1x56x128xf32, #tpu.memory_space<hbm>> -> memref<56x128xf32, #tpu.memory_space<hbm>>
    %dma_start3A_884 = arith.constant 0 : i32
    %dma_start3A_885 = arith.constant 0 : i32
    %dma_start3A_886 = tpu.memref_slice %arg4[%add3A_846, %dma_start3A_884, %dma_start3A_885] : memref<16384x56x128xf32, #tpu.memory_space<hbm>> -> memref<1x56x128xf32, #tpu.memory_space<hbm>>
    %dma_start3A_887 = tpu.memref_squeeze %dma_start3A_886 : memref<1x56x128xf32, #tpu.memory_space<hbm>> -> memref<56x128xf32, #tpu.memory_space<hbm>>
    %dma_start3A_888 = arith.constant 100 : i32
    %dma_start3A_889 = arith.constant 0 : i32
    %dma_start3A_890 = tpu.memref_slice %arg6[%dma_start3A_888, %dma_start3A_889] : memref<208x128xf32, #tpu.memory_space<vmem>> -> memref<56x128xf32, #tpu.memory_space<vmem>>
    tpu.enqueue_dma source(%dma_start3A_890 : memref<56x128xf32, #tpu.memory_space<vmem>>) target(%dma_start3A_887 : memref<56x128xf32, #tpu.memory_space<hbm>>) target_semaphore(%arg26 : memref<!tpu.dma_semaphore, #tpu.memory_space<semaphore_mem>>)
    %dma_start3A_891 = arith.constant 150 : i32
    %dma_start3A_892 = arith.constant 0 : i32
    %dma_start3A_893 = tpu.memref_slice %arg6[%dma_start3A_891, %dma_start3A_892] : memref<208x128xf32, #tpu.memory_space<vmem>> -> memref<56x128xf32, #tpu.memory_space<vmem>>
    %dma_start3A_894 = arith.constant 0 : i32
    %dma_start3A_895 = arith.constant 0 : i32
    %dma_start3A_896 = tpu.memref_slice %arg4[%add3A_848, %dma_start3A_894, %dma_start3A_895] : memref<16384x56x128xf32, #tpu.memory_space<hbm>> -> memref<1x56x128xf32, #tpu.memory_space<hbm>>
    %dma_start3A_897 = tpu.memref_squeeze %dma_start3A_896 : memref<1x56x128xf32, #tpu.memory_space<hbm>> -> memref<56x128xf32, #tpu.memory_space<hbm>>
    %dma_start3A_898 = arith.constant 0 : i32
    %dma_start3A_899 = arith.constant 0 : i32
    %dma_start3A_900 = tpu.memref_slice %arg4[%add3A_848, %dma_start3A_898, %dma_start3A_899] : memref<16384x56x128xf32, #tpu.memory_space<hbm>> -> memref<1x56x128xf32, #tpu.memory_space<hbm>>
    %dma_start3A_901 = tpu.memref_squeeze %dma_start3A_900 : memref<1x56x128xf32, #tpu.memory_space<hbm>> -> memref<56x128xf32, #tpu.memory_space<hbm>>
    %dma_start3A_902 = arith.constant 150 : i32
    %dma_start3A_903 = arith.constant 0 : i32
    %dma_start3A_904 = tpu.memref_slice %arg6[%dma_start3A_902, %dma_start3A_903] : memref<208x128xf32, #tpu.memory_space<vmem>> -> memref<56x128xf32, #tpu.memory_space<vmem>>
    tpu.enqueue_dma source(%dma_start3A_904 : memref<56x128xf32, #tpu.memory_space<vmem>>) target(%dma_start3A_901 : memref<56x128xf32, #tpu.memory_space<hbm>>) target_semaphore(%arg26 : memref<!tpu.dma_semaphore, #tpu.memory_space<semaphore_mem>>)
    %add3A_905 = arith.constant 508 : i32
    %add3A_906 = arith.addi %mul3A_2, %add3A_905 : i32
    %mul3A_907 = arith.constant 50 : i32
    %mul3A_908 = arith.muli %add3A_906, %mul3A_907 : i32
    %add3A_909 = arith.constant 128 : i32
    %add3A_910 = arith.addi %mul3A_908, %add3A_909 : i32
    %dma_wait3A_911 = tpu.memref_slice %arg3[%mul3A_908] : memref<819200xi32, #tpu.memory_space<hbm>> -> memref<128xi32, #tpu.memory_space<hbm>>
    %dma_wait3A_912 = tpu.memref_slice %arg3[%mul3A_908] : memref<819200xi32, #tpu.memory_space<hbm>> -> memref<128xi32, #tpu.memory_space<hbm>>
    tpu.wait_dma2 semaphore(%arg20 : memref<!tpu.dma_semaphore, #tpu.memory_space<semaphore_mem>>) src(%dma_wait3A_912 : memref<128xi32, #tpu.memory_space<hbm>>) dst(%arg12 : memref<128xi32, #tpu.memory_space<vmem>>)
    %dma_wait3A_913 = tpu.memref_slice %arg3[%add3A_910] : memref<819200xi32, #tpu.memory_space<hbm>> -> memref<72xi32, #tpu.memory_space<hbm>>
    %dma_wait3A_914 = tpu.memref_slice %arg3[%add3A_910] : memref<819200xi32, #tpu.memory_space<hbm>> -> memref<72xi32, #tpu.memory_space<hbm>>
    tpu.wait_dma2 semaphore(%arg20 : memref<!tpu.dma_semaphore, #tpu.memory_space<semaphore_mem>>) src(%dma_wait3A_914 : memref<72xi32, #tpu.memory_space<hbm>>) dst(%arg16 : memref<72xi32, #tpu.memory_space<vmem>>)
    %add3A_915 = arith.constant 492 : i32
    %add3A_916 = arith.addi %mul3A_2, %add3A_915 : i32
    %add3A_917 = arith.constant 0 : i32
    %add3A_918 = arith.addi %add3A_916, %add3A_917 : i32
    %add3A_919 = arith.constant 1 : i32
    %add3A_920 = arith.addi %add3A_916, %add3A_919 : i32
    %add3A_921 = arith.constant 2 : i32
    %add3A_922 = arith.addi %add3A_916, %add3A_921 : i32
    %add3A_923 = arith.constant 3 : i32
    %add3A_924 = arith.addi %add3A_916, %add3A_923 : i32
    %dma_wait3A_925 = arith.constant 0 : i32
    %dma_wait3A_926 = arith.constant 0 : i32
    %dma_wait3A_927 = tpu.memref_slice %arg8[%dma_wait3A_925, %dma_wait3A_926] : memref<208x128xf32, #tpu.memory_space<vmem>> -> memref<56x128xf32, #tpu.memory_space<vmem>>
    %dma_wait3A_928 = arith.constant 0 : i32
    %dma_wait3A_929 = arith.constant 0 : i32
    %dma_wait3A_930 = tpu.memref_slice %arg4[%add3A_918, %dma_wait3A_928, %dma_wait3A_929] : memref<16384x56x128xf32, #tpu.memory_space<hbm>> -> memref<1x56x128xf32, #tpu.memory_space<hbm>>
    %dma_wait3A_931 = tpu.memref_squeeze %dma_wait3A_930 : memref<1x56x128xf32, #tpu.memory_space<hbm>> -> memref<56x128xf32, #tpu.memory_space<hbm>>
    %dma_wait3A_932 = arith.constant 0 : i32
    %dma_wait3A_933 = arith.constant 0 : i32
    %dma_wait3A_934 = tpu.memref_slice %arg4[%add3A_918, %dma_wait3A_932, %dma_wait3A_933] : memref<16384x56x128xf32, #tpu.memory_space<hbm>> -> memref<1x56x128xf32, #tpu.memory_space<hbm>>
    %dma_wait3A_935 = tpu.memref_squeeze %dma_wait3A_934 : memref<1x56x128xf32, #tpu.memory_space<hbm>> -> memref<56x128xf32, #tpu.memory_space<hbm>>
    %dma_wait3A_936 = arith.constant 0 : i32
    %dma_wait3A_937 = arith.constant 0 : i32
    %dma_wait3A_938 = tpu.memref_slice %arg8[%dma_wait3A_936, %dma_wait3A_937] : memref<208x128xf32, #tpu.memory_space<vmem>> -> memref<56x128xf32, #tpu.memory_space<vmem>>
    tpu.wait_dma2 semaphore(%arg28 : memref<!tpu.dma_semaphore, #tpu.memory_space<semaphore_mem>>) src(%dma_wait3A_938 : memref<56x128xf32, #tpu.memory_space<vmem>>) dst(%dma_wait3A_935 : memref<56x128xf32, #tpu.memory_space<hbm>>)
    %dma_wait3A_939 = arith.constant 50 : i32
    %dma_wait3A_940 = arith.constant 0 : i32
    %dma_wait3A_941 = tpu.memref_slice %arg8[%dma_wait3A_939, %dma_wait3A_940] : memref<208x128xf32, #tpu.memory_space<vmem>> -> memref<56x128xf32, #tpu.memory_space<vmem>>
    %dma_wait3A_942 = arith.constant 0 : i32
    %dma_wait3A_943 = arith.constant 0 : i32
    %dma_wait3A_944 = tpu.memref_slice %arg4[%add3A_920, %dma_wait3A_942, %dma_wait3A_943] : memref<16384x56x128xf32, #tpu.memory_space<hbm>> -> memref<1x56x128xf32, #tpu.memory_space<hbm>>
    %dma_wait3A_945 = tpu.memref_squeeze %dma_wait3A_944 : memref<1x56x128xf32, #tpu.memory_space<hbm>> -> memref<56x128xf32, #tpu.memory_space<hbm>>
    %dma_wait3A_946 = arith.constant 0 : i32
    %dma_wait3A_947 = arith.constant 0 : i32
    %dma_wait3A_948 = tpu.memref_slice %arg4[%add3A_920, %dma_wait3A_946, %dma_wait3A_947] : memref<16384x56x128xf32, #tpu.memory_space<hbm>> -> memref<1x56x128xf32, #tpu.memory_space<hbm>>
    %dma_wait3A_949 = tpu.memref_squeeze %dma_wait3A_948 : memref<1x56x128xf32, #tpu.memory_space<hbm>> -> memref<56x128xf32, #tpu.memory_space<hbm>>
    %dma_wait3A_950 = arith.constant 50 : i32
    %dma_wait3A_951 = arith.constant 0 : i32
    %dma_wait3A_952 = tpu.memref_slice %arg8[%dma_wait3A_950, %dma_wait3A_951] : memref<208x128xf32, #tpu.memory_space<vmem>> -> memref<56x128xf32, #tpu.memory_space<vmem>>
    tpu.wait_dma2 semaphore(%arg28 : memref<!tpu.dma_semaphore, #tpu.memory_space<semaphore_mem>>) src(%dma_wait3A_952 : memref<56x128xf32, #tpu.memory_space<vmem>>) dst(%dma_wait3A_949 : memref<56x128xf32, #tpu.memory_space<hbm>>)
    %dma_wait3A_953 = arith.constant 100 : i32
    %dma_wait3A_954 = arith.constant 0 : i32
    %dma_wait3A_955 = tpu.memref_slice %arg8[%dma_wait3A_953, %dma_wait3A_954] : memref<208x128xf32, #tpu.memory_space<vmem>> -> memref<56x128xf32, #tpu.memory_space<vmem>>
    %dma_wait3A_956 = arith.constant 0 : i32
    %dma_wait3A_957 = arith.constant 0 : i32
    %dma_wait3A_958 = tpu.memref_slice %arg4[%add3A_922, %dma_wait3A_956, %dma_wait3A_957] : memref<16384x56x128xf32, #tpu.memory_space<hbm>> -> memref<1x56x128xf32, #tpu.memory_space<hbm>>
    %dma_wait3A_959 = tpu.memref_squeeze %dma_wait3A_958 : memref<1x56x128xf32, #tpu.memory_space<hbm>> -> memref<56x128xf32, #tpu.memory_space<hbm>>
    %dma_wait3A_960 = arith.constant 0 : i32
    %dma_wait3A_961 = arith.constant 0 : i32
    %dma_wait3A_962 = tpu.memref_slice %arg4[%add3A_922, %dma_wait3A_960, %dma_wait3A_961] : memref<16384x56x128xf32, #tpu.memory_space<hbm>> -> memref<1x56x128xf32, #tpu.memory_space<hbm>>
    %dma_wait3A_963 = tpu.memref_squeeze %dma_wait3A_962 : memref<1x56x128xf32, #tpu.memory_space<hbm>> -> memref<56x128xf32, #tpu.memory_space<hbm>>
    %dma_wait3A_964 = arith.constant 100 : i32
    %dma_wait3A_965 = arith.constant 0 : i32
    %dma_wait3A_966 = tpu.memref_slice %arg8[%dma_wait3A_964, %dma_wait3A_965] : memref<208x128xf32, #tpu.memory_space<vmem>> -> memref<56x128xf32, #tpu.memory_space<vmem>>
    tpu.wait_dma2 semaphore(%arg28 : memref<!tpu.dma_semaphore, #tpu.memory_space<semaphore_mem>>) src(%dma_wait3A_966 : memref<56x128xf32, #tpu.memory_space<vmem>>) dst(%dma_wait3A_963 : memref<56x128xf32, #tpu.memory_space<hbm>>)
    %dma_wait3A_967 = arith.constant 150 : i32
    %dma_wait3A_968 = arith.constant 0 : i32
    %dma_wait3A_969 = tpu.memref_slice %arg8[%dma_wait3A_967, %dma_wait3A_968] : memref<208x128xf32, #tpu.memory_space<vmem>> -> memref<56x128xf32, #tpu.memory_space<vmem>>
    %dma_wait3A_970 = arith.constant 0 : i32
    %dma_wait3A_971 = arith.constant 0 : i32
    %dma_wait3A_972 = tpu.memref_slice %arg4[%add3A_924, %dma_wait3A_970, %dma_wait3A_971] : memref<16384x56x128xf32, #tpu.memory_space<hbm>> -> memref<1x56x128xf32, #tpu.memory_space<hbm>>
    %dma_wait3A_973 = tpu.memref_squeeze %dma_wait3A_972 : memref<1x56x128xf32, #tpu.memory_space<hbm>> -> memref<56x128xf32, #tpu.memory_space<hbm>>
    %dma_wait3A_974 = arith.constant 0 : i32
    %dma_wait3A_975 = arith.constant 0 : i32
    %dma_wait3A_976 = tpu.memref_slice %arg4[%add3A_924, %dma_wait3A_974, %dma_wait3A_975] : memref<16384x56x128xf32, #tpu.memory_space<hbm>> -> memref<1x56x128xf32, #tpu.memory_space<hbm>>
    %dma_wait3A_977 = tpu.memref_squeeze %dma_wait3A_976 : memref<1x56x128xf32, #tpu.memory_space<hbm>> -> memref<56x128xf32, #tpu.memory_space<hbm>>
    %dma_wait3A_978 = arith.constant 150 : i32
    %dma_wait3A_979 = arith.constant 0 : i32
    %dma_wait3A_980 = tpu.memref_slice %arg8[%dma_wait3A_978, %dma_wait3A_979] : memref<208x128xf32, #tpu.memory_space<vmem>> -> memref<56x128xf32, #tpu.memory_space<vmem>>
    tpu.wait_dma2 semaphore(%arg28 : memref<!tpu.dma_semaphore, #tpu.memory_space<semaphore_mem>>) src(%dma_wait3A_980 : memref<56x128xf32, #tpu.memory_space<vmem>>) dst(%dma_wait3A_977 : memref<56x128xf32, #tpu.memory_space<hbm>>)
    %dma_start3A_981 = arith.constant 0 : i32
    %dma_start3A_982 = arith.constant 0 : i32
    %dma_start3A_983 = tpu.memref_slice %arg8[%dma_start3A_981, %dma_start3A_982] : memref<208x128xf32, #tpu.memory_space<vmem>> -> memref<128x128xf32, #tpu.memory_space<vmem>>
    %dma_start3A_984 = arith.constant 0 : i32
    %dma_start3A_985 = arith.constant 0 : i32
    %dma_start3A_986 = tpu.memref_slice %arg2[%dma_start3A_984, %dma_start3A_985] : memref<500000x128xf32, #tpu.memory_space<hbm>> -> memref<500000x128xf32, #tpu.memory_space<hbm>>
    tpu.enqueue_indirect_dma source(%dma_start3A_986 : memref<500000x128xf32, #tpu.memory_space<hbm>>) target(%dma_start3A_983 : memref<128x128xf32, #tpu.memory_space<vmem>>) offsets(%arg12 : memref<128xi32, #tpu.memory_space<vmem>>) semaphore(%arg24 : memref<!tpu.dma_semaphore, #tpu.memory_space<semaphore_mem>>)
    %dma_start3A_987 = arith.constant 128 : i32
    %dma_start3A_988 = arith.constant 0 : i32
    %dma_start3A_989 = tpu.memref_slice %arg8[%dma_start3A_987, %dma_start3A_988] : memref<208x128xf32, #tpu.memory_space<vmem>> -> memref<72x128xf32, #tpu.memory_space<vmem>>
    %dma_start3A_990 = arith.constant 0 : i32
    %dma_start3A_991 = arith.constant 0 : i32
    %dma_start3A_992 = tpu.memref_slice %arg2[%dma_start3A_990, %dma_start3A_991] : memref<500000x128xf32, #tpu.memory_space<hbm>> -> memref<500000x128xf32, #tpu.memory_space<hbm>>
    tpu.enqueue_indirect_dma source(%dma_start3A_992 : memref<500000x128xf32, #tpu.memory_space<hbm>>) target(%dma_start3A_989 : memref<72x128xf32, #tpu.memory_space<vmem>>) offsets(%arg16 : memref<72xi32, #tpu.memory_space<vmem>>) semaphore(%arg24 : memref<!tpu.dma_semaphore, #tpu.memory_space<semaphore_mem>>)
    %dma_wait3A_993 = arith.constant 0 : i32
    %dma_wait3A_994 = arith.constant 0 : i32
    %dma_wait3A_995 = tpu.memref_slice %arg7[%dma_wait3A_993, %dma_wait3A_994] : memref<208x128xf32, #tpu.memory_space<vmem>> -> memref<128x128xf32, #tpu.memory_space<vmem>>
    %dma_wait3A_996 = arith.constant 0 : i32
    %dma_wait3A_997 = arith.constant 0 : i32
    %dma_wait3A_998 = tpu.memref_slice %arg2[%dma_wait3A_996, %dma_wait3A_997] : memref<500000x128xf32, #tpu.memory_space<hbm>> -> memref<500000x128xf32, #tpu.memory_space<hbm>>
    tpu.wait_indirect_dma semaphore(%arg23 : memref<!tpu.dma_semaphore, #tpu.memory_space<semaphore_mem>>) src(%dma_wait3A_998 : memref<500000x128xf32, #tpu.memory_space<hbm>>) dst(%dma_wait3A_995 : memref<128x128xf32, #tpu.memory_space<vmem>>)
    %dma_wait3A_999 = arith.constant 128 : i32
    %dma_wait3A_1000 = arith.constant 0 : i32
    %dma_wait3A_1001 = tpu.memref_slice %arg7[%dma_wait3A_999, %dma_wait3A_1000] : memref<208x128xf32, #tpu.memory_space<vmem>> -> memref<72x128xf32, #tpu.memory_space<vmem>>
    %dma_wait3A_1002 = arith.constant 0 : i32
    %dma_wait3A_1003 = arith.constant 0 : i32
    %dma_wait3A_1004 = tpu.memref_slice %arg2[%dma_wait3A_1002, %dma_wait3A_1003] : memref<500000x128xf32, #tpu.memory_space<hbm>> -> memref<500000x128xf32, #tpu.memory_space<hbm>>
    tpu.wait_indirect_dma semaphore(%arg23 : memref<!tpu.dma_semaphore, #tpu.memory_space<semaphore_mem>>) src(%dma_wait3A_1004 : memref<500000x128xf32, #tpu.memory_space<hbm>>) dst(%dma_wait3A_1001 : memref<72x128xf32, #tpu.memory_space<vmem>>)
    %add3A_1005 = arith.constant 504 : i32
    %add3A_1006 = arith.addi %mul3A_2, %add3A_1005 : i32
    %add3A_1007 = arith.constant 0 : i32
    %add3A_1008 = arith.addi %add3A_1006, %add3A_1007 : i32
    %add3A_1009 = arith.constant 1 : i32
    %add3A_1010 = arith.addi %add3A_1006, %add3A_1009 : i32
    %add3A_1011 = arith.constant 2 : i32
    %add3A_1012 = arith.addi %add3A_1006, %add3A_1011 : i32
    %add3A_1013 = arith.constant 3 : i32
    %add3A_1014 = arith.addi %add3A_1006, %add3A_1013 : i32
    %dma_start3A_1015 = arith.constant 0 : i32
    %dma_start3A_1016 = arith.constant 0 : i32
    %dma_start3A_1017 = tpu.memref_slice %arg7[%dma_start3A_1015, %dma_start3A_1016] : memref<208x128xf32, #tpu.memory_space<vmem>> -> memref<56x128xf32, #tpu.memory_space<vmem>>
    %dma_start3A_1018 = arith.constant 0 : i32
    %dma_start3A_1019 = arith.constant 0 : i32
    %dma_start3A_1020 = tpu.memref_slice %arg4[%add3A_1008, %dma_start3A_1018, %dma_start3A_1019] : memref<16384x56x128xf32, #tpu.memory_space<hbm>> -> memref<1x56x128xf32, #tpu.memory_space<hbm>>
    %dma_start3A_1021 = tpu.memref_squeeze %dma_start3A_1020 : memref<1x56x128xf32, #tpu.memory_space<hbm>> -> memref<56x128xf32, #tpu.memory_space<hbm>>
    %dma_start3A_1022 = arith.constant 0 : i32
    %dma_start3A_1023 = arith.constant 0 : i32
    %dma_start3A_1024 = tpu.memref_slice %arg4[%add3A_1008, %dma_start3A_1022, %dma_start3A_1023] : memref<16384x56x128xf32, #tpu.memory_space<hbm>> -> memref<1x56x128xf32, #tpu.memory_space<hbm>>
    %dma_start3A_1025 = tpu.memref_squeeze %dma_start3A_1024 : memref<1x56x128xf32, #tpu.memory_space<hbm>> -> memref<56x128xf32, #tpu.memory_space<hbm>>
    %dma_start3A_1026 = arith.constant 0 : i32
    %dma_start3A_1027 = arith.constant 0 : i32
    %dma_start3A_1028 = tpu.memref_slice %arg7[%dma_start3A_1026, %dma_start3A_1027] : memref<208x128xf32, #tpu.memory_space<vmem>> -> memref<56x128xf32, #tpu.memory_space<vmem>>
    tpu.enqueue_dma source(%dma_start3A_1028 : memref<56x128xf32, #tpu.memory_space<vmem>>) target(%dma_start3A_1025 : memref<56x128xf32, #tpu.memory_space<hbm>>) target_semaphore(%arg27 : memref<!tpu.dma_semaphore, #tpu.memory_space<semaphore_mem>>)
    %dma_start3A_1029 = arith.constant 50 : i32
    %dma_start3A_1030 = arith.constant 0 : i32
    %dma_start3A_1031 = tpu.memref_slice %arg7[%dma_start3A_1029, %dma_start3A_1030] : memref<208x128xf32, #tpu.memory_space<vmem>> -> memref<56x128xf32, #tpu.memory_space<vmem>>
    %dma_start3A_1032 = arith.constant 0 : i32
    %dma_start3A_1033 = arith.constant 0 : i32
    %dma_start3A_1034 = tpu.memref_slice %arg4[%add3A_1010, %dma_start3A_1032, %dma_start3A_1033] : memref<16384x56x128xf32, #tpu.memory_space<hbm>> -> memref<1x56x128xf32, #tpu.memory_space<hbm>>
    %dma_start3A_1035 = tpu.memref_squeeze %dma_start3A_1034 : memref<1x56x128xf32, #tpu.memory_space<hbm>> -> memref<56x128xf32, #tpu.memory_space<hbm>>
    %dma_start3A_1036 = arith.constant 0 : i32
    %dma_start3A_1037 = arith.constant 0 : i32
    %dma_start3A_1038 = tpu.memref_slice %arg4[%add3A_1010, %dma_start3A_1036, %dma_start3A_1037] : memref<16384x56x128xf32, #tpu.memory_space<hbm>> -> memref<1x56x128xf32, #tpu.memory_space<hbm>>
    %dma_start3A_1039 = tpu.memref_squeeze %dma_start3A_1038 : memref<1x56x128xf32, #tpu.memory_space<hbm>> -> memref<56x128xf32, #tpu.memory_space<hbm>>
    %dma_start3A_1040 = arith.constant 50 : i32
    %dma_start3A_1041 = arith.constant 0 : i32
    %dma_start3A_1042 = tpu.memref_slice %arg7[%dma_start3A_1040, %dma_start3A_1041] : memref<208x128xf32, #tpu.memory_space<vmem>> -> memref<56x128xf32, #tpu.memory_space<vmem>>
    tpu.enqueue_dma source(%dma_start3A_1042 : memref<56x128xf32, #tpu.memory_space<vmem>>) target(%dma_start3A_1039 : memref<56x128xf32, #tpu.memory_space<hbm>>) target_semaphore(%arg27 : memref<!tpu.dma_semaphore, #tpu.memory_space<semaphore_mem>>)
    %dma_start3A_1043 = arith.constant 100 : i32
    %dma_start3A_1044 = arith.constant 0 : i32
    %dma_start3A_1045 = tpu.memref_slice %arg7[%dma_start3A_1043, %dma_start3A_1044] : memref<208x128xf32, #tpu.memory_space<vmem>> -> memref<56x128xf32, #tpu.memory_space<vmem>>
    %dma_start3A_1046 = arith.constant 0 : i32
    %dma_start3A_1047 = arith.constant 0 : i32
    %dma_start3A_1048 = tpu.memref_slice %arg4[%add3A_1012, %dma_start3A_1046, %dma_start3A_1047] : memref<16384x56x128xf32, #tpu.memory_space<hbm>> -> memref<1x56x128xf32, #tpu.memory_space<hbm>>
    %dma_start3A_1049 = tpu.memref_squeeze %dma_start3A_1048 : memref<1x56x128xf32, #tpu.memory_space<hbm>> -> memref<56x128xf32, #tpu.memory_space<hbm>>
    %dma_start3A_1050 = arith.constant 0 : i32
    %dma_start3A_1051 = arith.constant 0 : i32
    %dma_start3A_1052 = tpu.memref_slice %arg4[%add3A_1012, %dma_start3A_1050, %dma_start3A_1051] : memref<16384x56x128xf32, #tpu.memory_space<hbm>> -> memref<1x56x128xf32, #tpu.memory_space<hbm>>
    %dma_start3A_1053 = tpu.memref_squeeze %dma_start3A_1052 : memref<1x56x128xf32, #tpu.memory_space<hbm>> -> memref<56x128xf32, #tpu.memory_space<hbm>>
    %dma_start3A_1054 = arith.constant 100 : i32
    %dma_start3A_1055 = arith.constant 0 : i32
    %dma_start3A_1056 = tpu.memref_slice %arg7[%dma_start3A_1054, %dma_start3A_1055] : memref<208x128xf32, #tpu.memory_space<vmem>> -> memref<56x128xf32, #tpu.memory_space<vmem>>
    tpu.enqueue_dma source(%dma_start3A_1056 : memref<56x128xf32, #tpu.memory_space<vmem>>) target(%dma_start3A_1053 : memref<56x128xf32, #tpu.memory_space<hbm>>) target_semaphore(%arg27 : memref<!tpu.dma_semaphore, #tpu.memory_space<semaphore_mem>>)
    %dma_start3A_1057 = arith.constant 150 : i32
    %dma_start3A_1058 = arith.constant 0 : i32
    %dma_start3A_1059 = tpu.memref_slice %arg7[%dma_start3A_1057, %dma_start3A_1058] : memref<208x128xf32, #tpu.memory_space<vmem>> -> memref<56x128xf32, #tpu.memory_space<vmem>>
    %dma_start3A_1060 = arith.constant 0 : i32
    %dma_start3A_1061 = arith.constant 0 : i32
    %dma_start3A_1062 = tpu.memref_slice %arg4[%add3A_1014, %dma_start3A_1060, %dma_start3A_1061] : memref<16384x56x128xf32, #tpu.memory_space<hbm>> -> memref<1x56x128xf32, #tpu.memory_space<hbm>>
    %dma_start3A_1063 = tpu.memref_squeeze %dma_start3A_1062 : memref<1x56x128xf32, #tpu.memory_space<hbm>> -> memref<56x128xf32, #tpu.memory_space<hbm>>
    %dma_start3A_1064 = arith.constant 0 : i32
    %dma_start3A_1065 = arith.constant 0 : i32
    %dma_start3A_1066 = tpu.memref_slice %arg4[%add3A_1014, %dma_start3A_1064, %dma_start3A_1065] : memref<16384x56x128xf32, #tpu.memory_space<hbm>> -> memref<1x56x128xf32, #tpu.memory_space<hbm>>
    %dma_start3A_1067 = tpu.memref_squeeze %dma_start3A_1066 : memref<1x56x128xf32, #tpu.memory_space<hbm>> -> memref<56x128xf32, #tpu.memory_space<hbm>>
    %dma_start3A_1068 = arith.constant 150 : i32
    %dma_start3A_1069 = arith.constant 0 : i32
    %dma_start3A_1070 = tpu.memref_slice %arg7[%dma_start3A_1068, %dma_start3A_1069] : memref<208x128xf32, #tpu.memory_space<vmem>> -> memref<56x128xf32, #tpu.memory_space<vmem>>
    tpu.enqueue_dma source(%dma_start3A_1070 : memref<56x128xf32, #tpu.memory_space<vmem>>) target(%dma_start3A_1067 : memref<56x128xf32, #tpu.memory_space<hbm>>) target_semaphore(%arg27 : memref<!tpu.dma_semaphore, #tpu.memory_space<semaphore_mem>>)
    %dma_wait3A_1071 = arith.constant 0 : i32
    %dma_wait3A_1072 = arith.constant 0 : i32
    %dma_wait3A_1073 = tpu.memref_slice %arg8[%dma_wait3A_1071, %dma_wait3A_1072] : memref<208x128xf32, #tpu.memory_space<vmem>> -> memref<128x128xf32, #tpu.memory_space<vmem>>
    %dma_wait3A_1074 = arith.constant 0 : i32
    %dma_wait3A_1075 = arith.constant 0 : i32
    %dma_wait3A_1076 = tpu.memref_slice %arg2[%dma_wait3A_1074, %dma_wait3A_1075] : memref<500000x128xf32, #tpu.memory_space<hbm>> -> memref<500000x128xf32, #tpu.memory_space<hbm>>
    tpu.wait_indirect_dma semaphore(%arg24 : memref<!tpu.dma_semaphore, #tpu.memory_space<semaphore_mem>>) src(%dma_wait3A_1076 : memref<500000x128xf32, #tpu.memory_space<hbm>>) dst(%dma_wait3A_1073 : memref<128x128xf32, #tpu.memory_space<vmem>>)
    %dma_wait3A_1077 = arith.constant 128 : i32
    %dma_wait3A_1078 = arith.constant 0 : i32
    %dma_wait3A_1079 = tpu.memref_slice %arg8[%dma_wait3A_1077, %dma_wait3A_1078] : memref<208x128xf32, #tpu.memory_space<vmem>> -> memref<72x128xf32, #tpu.memory_space<vmem>>
    %dma_wait3A_1080 = arith.constant 0 : i32
    %dma_wait3A_1081 = arith.constant 0 : i32
    %dma_wait3A_1082 = tpu.memref_slice %arg2[%dma_wait3A_1080, %dma_wait3A_1081] : memref<500000x128xf32, #tpu.memory_space<hbm>> -> memref<500000x128xf32, #tpu.memory_space<hbm>>
    tpu.wait_indirect_dma semaphore(%arg24 : memref<!tpu.dma_semaphore, #tpu.memory_space<semaphore_mem>>) src(%dma_wait3A_1082 : memref<500000x128xf32, #tpu.memory_space<hbm>>) dst(%dma_wait3A_1079 : memref<72x128xf32, #tpu.memory_space<vmem>>)
    %add3A_1083 = arith.constant 508 : i32
    %add3A_1084 = arith.addi %mul3A_2, %add3A_1083 : i32
    %add3A_1085 = arith.constant 0 : i32
    %add3A_1086 = arith.addi %add3A_1084, %add3A_1085 : i32
    %add3A_1087 = arith.constant 1 : i32
    %add3A_1088 = arith.addi %add3A_1084, %add3A_1087 : i32
    %add3A_1089 = arith.constant 2 : i32
    %add3A_1090 = arith.addi %add3A_1084, %add3A_1089 : i32
    %add3A_1091 = arith.constant 3 : i32
    %add3A_1092 = arith.addi %add3A_1084, %add3A_1091 : i32
    %dma_start3A_1093 = arith.constant 0 : i32
    %dma_start3A_1094 = arith.constant 0 : i32
    %dma_start3A_1095 = tpu.memref_slice %arg8[%dma_start3A_1093, %dma_start3A_1094] : memref<208x128xf32, #tpu.memory_space<vmem>> -> memref<56x128xf32, #tpu.memory_space<vmem>>
    %dma_start3A_1096 = arith.constant 0 : i32
    %dma_start3A_1097 = arith.constant 0 : i32
    %dma_start3A_1098 = tpu.memref_slice %arg4[%add3A_1086, %dma_start3A_1096, %dma_start3A_1097] : memref<16384x56x128xf32, #tpu.memory_space<hbm>> -> memref<1x56x128xf32, #tpu.memory_space<hbm>>
    %dma_start3A_1099 = tpu.memref_squeeze %dma_start3A_1098 : memref<1x56x128xf32, #tpu.memory_space<hbm>> -> memref<56x128xf32, #tpu.memory_space<hbm>>
    %dma_start3A_1100 = arith.constant 0 : i32
    %dma_start3A_1101 = arith.constant 0 : i32
    %dma_start3A_1102 = tpu.memref_slice %arg4[%add3A_1086, %dma_start3A_1100, %dma_start3A_1101] : memref<16384x56x128xf32, #tpu.memory_space<hbm>> -> memref<1x56x128xf32, #tpu.memory_space<hbm>>
    %dma_start3A_1103 = tpu.memref_squeeze %dma_start3A_1102 : memref<1x56x128xf32, #tpu.memory_space<hbm>> -> memref<56x128xf32, #tpu.memory_space<hbm>>
    %dma_start3A_1104 = arith.constant 0 : i32
    %dma_start3A_1105 = arith.constant 0 : i32
    %dma_start3A_1106 = tpu.memref_slice %arg8[%dma_start3A_1104, %dma_start3A_1105] : memref<208x128xf32, #tpu.memory_space<vmem>> -> memref<56x128xf32, #tpu.memory_space<vmem>>
    tpu.enqueue_dma source(%dma_start3A_1106 : memref<56x128xf32, #tpu.memory_space<vmem>>) target(%dma_start3A_1103 : memref<56x128xf32, #tpu.memory_space<hbm>>) target_semaphore(%arg28 : memref<!tpu.dma_semaphore, #tpu.memory_space<semaphore_mem>>)
    %dma_start3A_1107 = arith.constant 50 : i32
    %dma_start3A_1108 = arith.constant 0 : i32
    %dma_start3A_1109 = tpu.memref_slice %arg8[%dma_start3A_1107, %dma_start3A_1108] : memref<208x128xf32, #tpu.memory_space<vmem>> -> memref<56x128xf32, #tpu.memory_space<vmem>>
    %dma_start3A_1110 = arith.constant 0 : i32
    %dma_start3A_1111 = arith.constant 0 : i32
    %dma_start3A_1112 = tpu.memref_slice %arg4[%add3A_1088, %dma_start3A_1110, %dma_start3A_1111] : memref<16384x56x128xf32, #tpu.memory_space<hbm>> -> memref<1x56x128xf32, #tpu.memory_space<hbm>>
    %dma_start3A_1113 = tpu.memref_squeeze %dma_start3A_1112 : memref<1x56x128xf32, #tpu.memory_space<hbm>> -> memref<56x128xf32, #tpu.memory_space<hbm>>
    %dma_start3A_1114 = arith.constant 0 : i32
    %dma_start3A_1115 = arith.constant 0 : i32
    %dma_start3A_1116 = tpu.memref_slice %arg4[%add3A_1088, %dma_start3A_1114, %dma_start3A_1115] : memref<16384x56x128xf32, #tpu.memory_space<hbm>> -> memref<1x56x128xf32, #tpu.memory_space<hbm>>
    %dma_start3A_1117 = tpu.memref_squeeze %dma_start3A_1116 : memref<1x56x128xf32, #tpu.memory_space<hbm>> -> memref<56x128xf32, #tpu.memory_space<hbm>>
    %dma_start3A_1118 = arith.constant 50 : i32
    %dma_start3A_1119 = arith.constant 0 : i32
    %dma_start3A_1120 = tpu.memref_slice %arg8[%dma_start3A_1118, %dma_start3A_1119] : memref<208x128xf32, #tpu.memory_space<vmem>> -> memref<56x128xf32, #tpu.memory_space<vmem>>
    tpu.enqueue_dma source(%dma_start3A_1120 : memref<56x128xf32, #tpu.memory_space<vmem>>) target(%dma_start3A_1117 : memref<56x128xf32, #tpu.memory_space<hbm>>) target_semaphore(%arg28 : memref<!tpu.dma_semaphore, #tpu.memory_space<semaphore_mem>>)
    %dma_start3A_1121 = arith.constant 100 : i32
    %dma_start3A_1122 = arith.constant 0 : i32
    %dma_start3A_1123 = tpu.memref_slice %arg8[%dma_start3A_1121, %dma_start3A_1122] : memref<208x128xf32, #tpu.memory_space<vmem>> -> memref<56x128xf32, #tpu.memory_space<vmem>>
    %dma_start3A_1124 = arith.constant 0 : i32
    %dma_start3A_1125 = arith.constant 0 : i32
    %dma_start3A_1126 = tpu.memref_slice %arg4[%add3A_1090, %dma_start3A_1124, %dma_start3A_1125] : memref<16384x56x128xf32, #tpu.memory_space<hbm>> -> memref<1x56x128xf32, #tpu.memory_space<hbm>>
    %dma_start3A_1127 = tpu.memref_squeeze %dma_start3A_1126 : memref<1x56x128xf32, #tpu.memory_space<hbm>> -> memref<56x128xf32, #tpu.memory_space<hbm>>
    %dma_start3A_1128 = arith.constant 0 : i32
    %dma_start3A_1129 = arith.constant 0 : i32
    %dma_start3A_1130 = tpu.memref_slice %arg4[%add3A_1090, %dma_start3A_1128, %dma_start3A_1129] : memref<16384x56x128xf32, #tpu.memory_space<hbm>> -> memref<1x56x128xf32, #tpu.memory_space<hbm>>
    %dma_start3A_1131 = tpu.memref_squeeze %dma_start3A_1130 : memref<1x56x128xf32, #tpu.memory_space<hbm>> -> memref<56x128xf32, #tpu.memory_space<hbm>>
    %dma_start3A_1132 = arith.constant 100 : i32
    %dma_start3A_1133 = arith.constant 0 : i32
    %dma_start3A_1134 = tpu.memref_slice %arg8[%dma_start3A_1132, %dma_start3A_1133] : memref<208x128xf32, #tpu.memory_space<vmem>> -> memref<56x128xf32, #tpu.memory_space<vmem>>
    tpu.enqueue_dma source(%dma_start3A_1134 : memref<56x128xf32, #tpu.memory_space<vmem>>) target(%dma_start3A_1131 : memref<56x128xf32, #tpu.memory_space<hbm>>) target_semaphore(%arg28 : memref<!tpu.dma_semaphore, #tpu.memory_space<semaphore_mem>>)
    %dma_start3A_1135 = arith.constant 150 : i32
    %dma_start3A_1136 = arith.constant 0 : i32
    %dma_start3A_1137 = tpu.memref_slice %arg8[%dma_start3A_1135, %dma_start3A_1136] : memref<208x128xf32, #tpu.memory_space<vmem>> -> memref<56x128xf32, #tpu.memory_space<vmem>>
    %dma_start3A_1138 = arith.constant 0 : i32
    %dma_start3A_1139 = arith.constant 0 : i32
    %dma_start3A_1140 = tpu.memref_slice %arg4[%add3A_1092, %dma_start3A_1138, %dma_start3A_1139] : memref<16384x56x128xf32, #tpu.memory_space<hbm>> -> memref<1x56x128xf32, #tpu.memory_space<hbm>>
    %dma_start3A_1141 = tpu.memref_squeeze %dma_start3A_1140 : memref<1x56x128xf32, #tpu.memory_space<hbm>> -> memref<56x128xf32, #tpu.memory_space<hbm>>
    %dma_start3A_1142 = arith.constant 0 : i32
    %dma_start3A_1143 = arith.constant 0 : i32
    %dma_start3A_1144 = tpu.memref_slice %arg4[%add3A_1092, %dma_start3A_1142, %dma_start3A_1143] : memref<16384x56x128xf32, #tpu.memory_space<hbm>> -> memref<1x56x128xf32, #tpu.memory_space<hbm>>
    %dma_start3A_1145 = tpu.memref_squeeze %dma_start3A_1144 : memref<1x56x128xf32, #tpu.memory_space<hbm>> -> memref<56x128xf32, #tpu.memory_space<hbm>>
    %dma_start3A_1146 = arith.constant 150 : i32
    %dma_start3A_1147 = arith.constant 0 : i32
    %dma_start3A_1148 = tpu.memref_slice %arg8[%dma_start3A_1146, %dma_start3A_1147] : memref<208x128xf32, #tpu.memory_space<vmem>> -> memref<56x128xf32, #tpu.memory_space<vmem>>
    tpu.enqueue_dma source(%dma_start3A_1148 : memref<56x128xf32, #tpu.memory_space<vmem>>) target(%dma_start3A_1145 : memref<56x128xf32, #tpu.memory_space<hbm>>) target_semaphore(%arg28 : memref<!tpu.dma_semaphore, #tpu.memory_space<semaphore_mem>>)
    %add3A_1149 = arith.constant 496 : i32
    %add3A_1150 = arith.addi %mul3A_2, %add3A_1149 : i32
    %add3A_1151 = arith.constant 0 : i32
    %add3A_1152 = arith.addi %add3A_1150, %add3A_1151 : i32
    %add3A_1153 = arith.constant 1 : i32
    %add3A_1154 = arith.addi %add3A_1150, %add3A_1153 : i32
    %add3A_1155 = arith.constant 2 : i32
    %add3A_1156 = arith.addi %add3A_1150, %add3A_1155 : i32
    %add3A_1157 = arith.constant 3 : i32
    %add3A_1158 = arith.addi %add3A_1150, %add3A_1157 : i32
    %dma_wait3A_1159 = arith.constant 0 : i32
    %dma_wait3A_1160 = arith.constant 0 : i32
    %dma_wait3A_1161 = tpu.memref_slice %arg5[%dma_wait3A_1159, %dma_wait3A_1160] : memref<208x128xf32, #tpu.memory_space<vmem>> -> memref<56x128xf32, #tpu.memory_space<vmem>>
    %dma_wait3A_1162 = arith.constant 0 : i32
    %dma_wait3A_1163 = arith.constant 0 : i32
    %dma_wait3A_1164 = tpu.memref_slice %arg4[%add3A_1152, %dma_wait3A_1162, %dma_wait3A_1163] : memref<16384x56x128xf32, #tpu.memory_space<hbm>> -> memref<1x56x128xf32, #tpu.memory_space<hbm>>
    %dma_wait3A_1165 = tpu.memref_squeeze %dma_wait3A_1164 : memref<1x56x128xf32, #tpu.memory_space<hbm>> -> memref<56x128xf32, #tpu.memory_space<hbm>>
    %dma_wait3A_1166 = arith.constant 0 : i32
    %dma_wait3A_1167 = arith.constant 0 : i32
    %dma_wait3A_1168 = tpu.memref_slice %arg4[%add3A_1152, %dma_wait3A_1166, %dma_wait3A_1167] : memref<16384x56x128xf32, #tpu.memory_space<hbm>> -> memref<1x56x128xf32, #tpu.memory_space<hbm>>
    %dma_wait3A_1169 = tpu.memref_squeeze %dma_wait3A_1168 : memref<1x56x128xf32, #tpu.memory_space<hbm>> -> memref<56x128xf32, #tpu.memory_space<hbm>>
    %dma_wait3A_1170 = arith.constant 0 : i32
    %dma_wait3A_1171 = arith.constant 0 : i32
    %dma_wait3A_1172 = tpu.memref_slice %arg5[%dma_wait3A_1170, %dma_wait3A_1171] : memref<208x128xf32, #tpu.memory_space<vmem>> -> memref<56x128xf32, #tpu.memory_space<vmem>>
    tpu.wait_dma2 semaphore(%arg25 : memref<!tpu.dma_semaphore, #tpu.memory_space<semaphore_mem>>) src(%dma_wait3A_1172 : memref<56x128xf32, #tpu.memory_space<vmem>>) dst(%dma_wait3A_1169 : memref<56x128xf32, #tpu.memory_space<hbm>>)
    %dma_wait3A_1173 = arith.constant 50 : i32
    %dma_wait3A_1174 = arith.constant 0 : i32
    %dma_wait3A_1175 = tpu.memref_slice %arg5[%dma_wait3A_1173, %dma_wait3A_1174] : memref<208x128xf32, #tpu.memory_space<vmem>> -> memref<56x128xf32, #tpu.memory_space<vmem>>
    %dma_wait3A_1176 = arith.constant 0 : i32
    %dma_wait3A_1177 = arith.constant 0 : i32
    %dma_wait3A_1178 = tpu.memref_slice %arg4[%add3A_1154, %dma_wait3A_1176, %dma_wait3A_1177] : memref<16384x56x128xf32, #tpu.memory_space<hbm>> -> memref<1x56x128xf32, #tpu.memory_space<hbm>>
    %dma_wait3A_1179 = tpu.memref_squeeze %dma_wait3A_1178 : memref<1x56x128xf32, #tpu.memory_space<hbm>> -> memref<56x128xf32, #tpu.memory_space<hbm>>
    %dma_wait3A_1180 = arith.constant 0 : i32
    %dma_wait3A_1181 = arith.constant 0 : i32
    %dma_wait3A_1182 = tpu.memref_slice %arg4[%add3A_1154, %dma_wait3A_1180, %dma_wait3A_1181] : memref<16384x56x128xf32, #tpu.memory_space<hbm>> -> memref<1x56x128xf32, #tpu.memory_space<hbm>>
    %dma_wait3A_1183 = tpu.memref_squeeze %dma_wait3A_1182 : memref<1x56x128xf32, #tpu.memory_space<hbm>> -> memref<56x128xf32, #tpu.memory_space<hbm>>
    %dma_wait3A_1184 = arith.constant 50 : i32
    %dma_wait3A_1185 = arith.constant 0 : i32
    %dma_wait3A_1186 = tpu.memref_slice %arg5[%dma_wait3A_1184, %dma_wait3A_1185] : memref<208x128xf32, #tpu.memory_space<vmem>> -> memref<56x128xf32, #tpu.memory_space<vmem>>
    tpu.wait_dma2 semaphore(%arg25 : memref<!tpu.dma_semaphore, #tpu.memory_space<semaphore_mem>>) src(%dma_wait3A_1186 : memref<56x128xf32, #tpu.memory_space<vmem>>) dst(%dma_wait3A_1183 : memref<56x128xf32, #tpu.memory_space<hbm>>)
    %dma_wait3A_1187 = arith.constant 100 : i32
    %dma_wait3A_1188 = arith.constant 0 : i32
    %dma_wait3A_1189 = tpu.memref_slice %arg5[%dma_wait3A_1187, %dma_wait3A_1188] : memref<208x128xf32, #tpu.memory_space<vmem>> -> memref<56x128xf32, #tpu.memory_space<vmem>>
    %dma_wait3A_1190 = arith.constant 0 : i32
    %dma_wait3A_1191 = arith.constant 0 : i32
    %dma_wait3A_1192 = tpu.memref_slice %arg4[%add3A_1156, %dma_wait3A_1190, %dma_wait3A_1191] : memref<16384x56x128xf32, #tpu.memory_space<hbm>> -> memref<1x56x128xf32, #tpu.memory_space<hbm>>
    %dma_wait3A_1193 = tpu.memref_squeeze %dma_wait3A_1192 : memref<1x56x128xf32, #tpu.memory_space<hbm>> -> memref<56x128xf32, #tpu.memory_space<hbm>>
    %dma_wait3A_1194 = arith.constant 0 : i32
    %dma_wait3A_1195 = arith.constant 0 : i32
    %dma_wait3A_1196 = tpu.memref_slice %arg4[%add3A_1156, %dma_wait3A_1194, %dma_wait3A_1195] : memref<16384x56x128xf32, #tpu.memory_space<hbm>> -> memref<1x56x128xf32, #tpu.memory_space<hbm>>
    %dma_wait3A_1197 = tpu.memref_squeeze %dma_wait3A_1196 : memref<1x56x128xf32, #tpu.memory_space<hbm>> -> memref<56x128xf32, #tpu.memory_space<hbm>>
    %dma_wait3A_1198 = arith.constant 100 : i32
    %dma_wait3A_1199 = arith.constant 0 : i32
    %dma_wait3A_1200 = tpu.memref_slice %arg5[%dma_wait3A_1198, %dma_wait3A_1199] : memref<208x128xf32, #tpu.memory_space<vmem>> -> memref<56x128xf32, #tpu.memory_space<vmem>>
    tpu.wait_dma2 semaphore(%arg25 : memref<!tpu.dma_semaphore, #tpu.memory_space<semaphore_mem>>) src(%dma_wait3A_1200 : memref<56x128xf32, #tpu.memory_space<vmem>>) dst(%dma_wait3A_1197 : memref<56x128xf32, #tpu.memory_space<hbm>>)
    %dma_wait3A_1201 = arith.constant 150 : i32
    %dma_wait3A_1202 = arith.constant 0 : i32
    %dma_wait3A_1203 = tpu.memref_slice %arg5[%dma_wait3A_1201, %dma_wait3A_1202] : memref<208x128xf32, #tpu.memory_space<vmem>> -> memref<56x128xf32, #tpu.memory_space<vmem>>
    %dma_wait3A_1204 = arith.constant 0 : i32
    %dma_wait3A_1205 = arith.constant 0 : i32
    %dma_wait3A_1206 = tpu.memref_slice %arg4[%add3A_1158, %dma_wait3A_1204, %dma_wait3A_1205] : memref<16384x56x128xf32, #tpu.memory_space<hbm>> -> memref<1x56x128xf32, #tpu.memory_space<hbm>>
    %dma_wait3A_1207 = tpu.memref_squeeze %dma_wait3A_1206 : memref<1x56x128xf32, #tpu.memory_space<hbm>> -> memref<56x128xf32, #tpu.memory_space<hbm>>
    %dma_wait3A_1208 = arith.constant 0 : i32
    %dma_wait3A_1209 = arith.constant 0 : i32
    %dma_wait3A_1210 = tpu.memref_slice %arg4[%add3A_1158, %dma_wait3A_1208, %dma_wait3A_1209] : memref<16384x56x128xf32, #tpu.memory_space<hbm>> -> memref<1x56x128xf32, #tpu.memory_space<hbm>>
    %dma_wait3A_1211 = tpu.memref_squeeze %dma_wait3A_1210 : memref<1x56x128xf32, #tpu.memory_space<hbm>> -> memref<56x128xf32, #tpu.memory_space<hbm>>
    %dma_wait3A_1212 = arith.constant 150 : i32
    %dma_wait3A_1213 = arith.constant 0 : i32
    %dma_wait3A_1214 = tpu.memref_slice %arg5[%dma_wait3A_1212, %dma_wait3A_1213] : memref<208x128xf32, #tpu.memory_space<vmem>> -> memref<56x128xf32, #tpu.memory_space<vmem>>
    tpu.wait_dma2 semaphore(%arg25 : memref<!tpu.dma_semaphore, #tpu.memory_space<semaphore_mem>>) src(%dma_wait3A_1214 : memref<56x128xf32, #tpu.memory_space<vmem>>) dst(%dma_wait3A_1211 : memref<56x128xf32, #tpu.memory_space<hbm>>)
    %add3A_1215 = arith.constant 500 : i32
    %add3A_1216 = arith.addi %mul3A_2, %add3A_1215 : i32
    %add3A_1217 = arith.constant 0 : i32
    %add3A_1218 = arith.addi %add3A_1216, %add3A_1217 : i32
    %add3A_1219 = arith.constant 1 : i32
    %add3A_1220 = arith.addi %add3A_1216, %add3A_1219 : i32
    %add3A_1221 = arith.constant 2 : i32
    %add3A_1222 = arith.addi %add3A_1216, %add3A_1221 : i32
    %add3A_1223 = arith.constant 3 : i32
    %add3A_1224 = arith.addi %add3A_1216, %add3A_1223 : i32
    %dma_wait3A_1225 = arith.constant 0 : i32
    %dma_wait3A_1226 = arith.constant 0 : i32
    %dma_wait3A_1227 = tpu.memref_slice %arg6[%dma_wait3A_1225, %dma_wait3A_1226] : memref<208x128xf32, #tpu.memory_space<vmem>> -> memref<56x128xf32, #tpu.memory_space<vmem>>
    %dma_wait3A_1228 = arith.constant 0 : i32
    %dma_wait3A_1229 = arith.constant 0 : i32
    %dma_wait3A_1230 = tpu.memref_slice %arg4[%add3A_1218, %dma_wait3A_1228, %dma_wait3A_1229] : memref<16384x56x128xf32, #tpu.memory_space<hbm>> -> memref<1x56x128xf32, #tpu.memory_space<hbm>>
    %dma_wait3A_1231 = tpu.memref_squeeze %dma_wait3A_1230 : memref<1x56x128xf32, #tpu.memory_space<hbm>> -> memref<56x128xf32, #tpu.memory_space<hbm>>
    %dma_wait3A_1232 = arith.constant 0 : i32
    %dma_wait3A_1233 = arith.constant 0 : i32
    %dma_wait3A_1234 = tpu.memref_slice %arg4[%add3A_1218, %dma_wait3A_1232, %dma_wait3A_1233] : memref<16384x56x128xf32, #tpu.memory_space<hbm>> -> memref<1x56x128xf32, #tpu.memory_space<hbm>>
    %dma_wait3A_1235 = tpu.memref_squeeze %dma_wait3A_1234 : memref<1x56x128xf32, #tpu.memory_space<hbm>> -> memref<56x128xf32, #tpu.memory_space<hbm>>
    %dma_wait3A_1236 = arith.constant 0 : i32
    %dma_wait3A_1237 = arith.constant 0 : i32
    %dma_wait3A_1238 = tpu.memref_slice %arg6[%dma_wait3A_1236, %dma_wait3A_1237] : memref<208x128xf32, #tpu.memory_space<vmem>> -> memref<56x128xf32, #tpu.memory_space<vmem>>
    tpu.wait_dma2 semaphore(%arg26 : memref<!tpu.dma_semaphore, #tpu.memory_space<semaphore_mem>>) src(%dma_wait3A_1238 : memref<56x128xf32, #tpu.memory_space<vmem>>) dst(%dma_wait3A_1235 : memref<56x128xf32, #tpu.memory_space<hbm>>)
    %dma_wait3A_1239 = arith.constant 50 : i32
    %dma_wait3A_1240 = arith.constant 0 : i32
    %dma_wait3A_1241 = tpu.memref_slice %arg6[%dma_wait3A_1239, %dma_wait3A_1240] : memref<208x128xf32, #tpu.memory_space<vmem>> -> memref<56x128xf32, #tpu.memory_space<vmem>>
    %dma_wait3A_1242 = arith.constant 0 : i32
    %dma_wait3A_1243 = arith.constant 0 : i32
    %dma_wait3A_1244 = tpu.memref_slice %arg4[%add3A_1220, %dma_wait3A_1242, %dma_wait3A_1243] : memref<16384x56x128xf32, #tpu.memory_space<hbm>> -> memref<1x56x128xf32, #tpu.memory_space<hbm>>
    %dma_wait3A_1245 = tpu.memref_squeeze %dma_wait3A_1244 : memref<1x56x128xf32, #tpu.memory_space<hbm>> -> memref<56x128xf32, #tpu.memory_space<hbm>>
    %dma_wait3A_1246 = arith.constant 0 : i32
    %dma_wait3A_1247 = arith.constant 0 : i32
    %dma_wait3A_1248 = tpu.memref_slice %arg4[%add3A_1220, %dma_wait3A_1246, %dma_wait3A_1247] : memref<16384x56x128xf32, #tpu.memory_space<hbm>> -> memref<1x56x128xf32, #tpu.memory_space<hbm>>
    %dma_wait3A_1249 = tpu.memref_squeeze %dma_wait3A_1248 : memref<1x56x128xf32, #tpu.memory_space<hbm>> -> memref<56x128xf32, #tpu.memory_space<hbm>>
    %dma_wait3A_1250 = arith.constant 50 : i32
    %dma_wait3A_1251 = arith.constant 0 : i32
    %dma_wait3A_1252 = tpu.memref_slice %arg6[%dma_wait3A_1250, %dma_wait3A_1251] : memref<208x128xf32, #tpu.memory_space<vmem>> -> memref<56x128xf32, #tpu.memory_space<vmem>>
    tpu.wait_dma2 semaphore(%arg26 : memref<!tpu.dma_semaphore, #tpu.memory_space<semaphore_mem>>) src(%dma_wait3A_1252 : memref<56x128xf32, #tpu.memory_space<vmem>>) dst(%dma_wait3A_1249 : memref<56x128xf32, #tpu.memory_space<hbm>>)
    %dma_wait3A_1253 = arith.constant 100 : i32
    %dma_wait3A_1254 = arith.constant 0 : i32
    %dma_wait3A_1255 = tpu.memref_slice %arg6[%dma_wait3A_1253, %dma_wait3A_1254] : memref<208x128xf32, #tpu.memory_space<vmem>> -> memref<56x128xf32, #tpu.memory_space<vmem>>
    %dma_wait3A_1256 = arith.constant 0 : i32
    %dma_wait3A_1257 = arith.constant 0 : i32
    %dma_wait3A_1258 = tpu.memref_slice %arg4[%add3A_1222, %dma_wait3A_1256, %dma_wait3A_1257] : memref<16384x56x128xf32, #tpu.memory_space<hbm>> -> memref<1x56x128xf32, #tpu.memory_space<hbm>>
    %dma_wait3A_1259 = tpu.memref_squeeze %dma_wait3A_1258 : memref<1x56x128xf32, #tpu.memory_space<hbm>> -> memref<56x128xf32, #tpu.memory_space<hbm>>
    %dma_wait3A_1260 = arith.constant 0 : i32
    %dma_wait3A_1261 = arith.constant 0 : i32
    %dma_wait3A_1262 = tpu.memref_slice %arg4[%add3A_1222, %dma_wait3A_1260, %dma_wait3A_1261] : memref<16384x56x128xf32, #tpu.memory_space<hbm>> -> memref<1x56x128xf32, #tpu.memory_space<hbm>>
    %dma_wait3A_1263 = tpu.memref_squeeze %dma_wait3A_1262 : memref<1x56x128xf32, #tpu.memory_space<hbm>> -> memref<56x128xf32, #tpu.memory_space<hbm>>
    %dma_wait3A_1264 = arith.constant 100 : i32
    %dma_wait3A_1265 = arith.constant 0 : i32
    %dma_wait3A_1266 = tpu.memref_slice %arg6[%dma_wait3A_1264, %dma_wait3A_1265] : memref<208x128xf32, #tpu.memory_space<vmem>> -> memref<56x128xf32, #tpu.memory_space<vmem>>
    tpu.wait_dma2 semaphore(%arg26 : memref<!tpu.dma_semaphore, #tpu.memory_space<semaphore_mem>>) src(%dma_wait3A_1266 : memref<56x128xf32, #tpu.memory_space<vmem>>) dst(%dma_wait3A_1263 : memref<56x128xf32, #tpu.memory_space<hbm>>)
    %dma_wait3A_1267 = arith.constant 150 : i32
    %dma_wait3A_1268 = arith.constant 0 : i32
    %dma_wait3A_1269 = tpu.memref_slice %arg6[%dma_wait3A_1267, %dma_wait3A_1268] : memref<208x128xf32, #tpu.memory_space<vmem>> -> memref<56x128xf32, #tpu.memory_space<vmem>>
    %dma_wait3A_1270 = arith.constant 0 : i32
    %dma_wait3A_1271 = arith.constant 0 : i32
    %dma_wait3A_1272 = tpu.memref_slice %arg4[%add3A_1224, %dma_wait3A_1270, %dma_wait3A_1271] : memref<16384x56x128xf32, #tpu.memory_space<hbm>> -> memref<1x56x128xf32, #tpu.memory_space<hbm>>
    %dma_wait3A_1273 = tpu.memref_squeeze %dma_wait3A_1272 : memref<1x56x128xf32, #tpu.memory_space<hbm>> -> memref<56x128xf32, #tpu.memory_space<hbm>>
    %dma_wait3A_1274 = arith.constant 0 : i32
    %dma_wait3A_1275 = arith.constant 0 : i32
    %dma_wait3A_1276 = tpu.memref_slice %arg4[%add3A_1224, %dma_wait3A_1274, %dma_wait3A_1275] : memref<16384x56x128xf32, #tpu.memory_space<hbm>> -> memref<1x56x128xf32, #tpu.memory_space<hbm>>
    %dma_wait3A_1277 = tpu.memref_squeeze %dma_wait3A_1276 : memref<1x56x128xf32, #tpu.memory_space<hbm>> -> memref<56x128xf32, #tpu.memory_space<hbm>>
    %dma_wait3A_1278 = arith.constant 150 : i32
    %dma_wait3A_1279 = arith.constant 0 : i32
    %dma_wait3A_1280 = tpu.memref_slice %arg6[%dma_wait3A_1278, %dma_wait3A_1279] : memref<208x128xf32, #tpu.memory_space<vmem>> -> memref<56x128xf32, #tpu.memory_space<vmem>>
    tpu.wait_dma2 semaphore(%arg26 : memref<!tpu.dma_semaphore, #tpu.memory_space<semaphore_mem>>) src(%dma_wait3A_1280 : memref<56x128xf32, #tpu.memory_space<vmem>>) dst(%dma_wait3A_1277 : memref<56x128xf32, #tpu.memory_space<hbm>>)
    %add3A_1281 = arith.constant 504 : i32
    %add3A_1282 = arith.addi %mul3A_2, %add3A_1281 : i32
    %add3A_1283 = arith.constant 0 : i32
    %add3A_1284 = arith.addi %add3A_1282, %add3A_1283 : i32
    %add3A_1285 = arith.constant 1 : i32
    %add3A_1286 = arith.addi %add3A_1282, %add3A_1285 : i32
    %add3A_1287 = arith.constant 2 : i32
    %add3A_1288 = arith.addi %add3A_1282, %add3A_1287 : i32
    %add3A_1289 = arith.constant 3 : i32
    %add3A_1290 = arith.addi %add3A_1282, %add3A_1289 : i32
    %dma_wait3A_1291 = arith.constant 0 : i32
    %dma_wait3A_1292 = arith.constant 0 : i32
    %dma_wait3A_1293 = tpu.memref_slice %arg7[%dma_wait3A_1291, %dma_wait3A_1292] : memref<208x128xf32, #tpu.memory_space<vmem>> -> memref<56x128xf32, #tpu.memory_space<vmem>>
    %dma_wait3A_1294 = arith.constant 0 : i32
    %dma_wait3A_1295 = arith.constant 0 : i32
    %dma_wait3A_1296 = tpu.memref_slice %arg4[%add3A_1284, %dma_wait3A_1294, %dma_wait3A_1295] : memref<16384x56x128xf32, #tpu.memory_space<hbm>> -> memref<1x56x128xf32, #tpu.memory_space<hbm>>
    %dma_wait3A_1297 = tpu.memref_squeeze %dma_wait3A_1296 : memref<1x56x128xf32, #tpu.memory_space<hbm>> -> memref<56x128xf32, #tpu.memory_space<hbm>>
    %dma_wait3A_1298 = arith.constant 0 : i32
    %dma_wait3A_1299 = arith.constant 0 : i32
    %dma_wait3A_1300 = tpu.memref_slice %arg4[%add3A_1284, %dma_wait3A_1298, %dma_wait3A_1299] : memref<16384x56x128xf32, #tpu.memory_space<hbm>> -> memref<1x56x128xf32, #tpu.memory_space<hbm>>
    %dma_wait3A_1301 = tpu.memref_squeeze %dma_wait3A_1300 : memref<1x56x128xf32, #tpu.memory_space<hbm>> -> memref<56x128xf32, #tpu.memory_space<hbm>>
    %dma_wait3A_1302 = arith.constant 0 : i32
    %dma_wait3A_1303 = arith.constant 0 : i32
    %dma_wait3A_1304 = tpu.memref_slice %arg7[%dma_wait3A_1302, %dma_wait3A_1303] : memref<208x128xf32, #tpu.memory_space<vmem>> -> memref<56x128xf32, #tpu.memory_space<vmem>>
    tpu.wait_dma2 semaphore(%arg27 : memref<!tpu.dma_semaphore, #tpu.memory_space<semaphore_mem>>) src(%dma_wait3A_1304 : memref<56x128xf32, #tpu.memory_space<vmem>>) dst(%dma_wait3A_1301 : memref<56x128xf32, #tpu.memory_space<hbm>>)
    %dma_wait3A_1305 = arith.constant 50 : i32
    %dma_wait3A_1306 = arith.constant 0 : i32
    %dma_wait3A_1307 = tpu.memref_slice %arg7[%dma_wait3A_1305, %dma_wait3A_1306] : memref<208x128xf32, #tpu.memory_space<vmem>> -> memref<56x128xf32, #tpu.memory_space<vmem>>
    %dma_wait3A_1308 = arith.constant 0 : i32
    %dma_wait3A_1309 = arith.constant 0 : i32
    %dma_wait3A_1310 = tpu.memref_slice %arg4[%add3A_1286, %dma_wait3A_1308, %dma_wait3A_1309] : memref<16384x56x128xf32, #tpu.memory_space<hbm>> -> memref<1x56x128xf32, #tpu.memory_space<hbm>>
    %dma_wait3A_1311 = tpu.memref_squeeze %dma_wait3A_1310 : memref<1x56x128xf32, #tpu.memory_space<hbm>> -> memref<56x128xf32, #tpu.memory_space<hbm>>
    %dma_wait3A_1312 = arith.constant 0 : i32
    %dma_wait3A_1313 = arith.constant 0 : i32
    %dma_wait3A_1314 = tpu.memref_slice %arg4[%add3A_1286, %dma_wait3A_1312, %dma_wait3A_1313] : memref<16384x56x128xf32, #tpu.memory_space<hbm>> -> memref<1x56x128xf32, #tpu.memory_space<hbm>>
    %dma_wait3A_1315 = tpu.memref_squeeze %dma_wait3A_1314 : memref<1x56x128xf32, #tpu.memory_space<hbm>> -> memref<56x128xf32, #tpu.memory_space<hbm>>
    %dma_wait3A_1316 = arith.constant 50 : i32
    %dma_wait3A_1317 = arith.constant 0 : i32
    %dma_wait3A_1318 = tpu.memref_slice %arg7[%dma_wait3A_1316, %dma_wait3A_1317] : memref<208x128xf32, #tpu.memory_space<vmem>> -> memref<56x128xf32, #tpu.memory_space<vmem>>
    tpu.wait_dma2 semaphore(%arg27 : memref<!tpu.dma_semaphore, #tpu.memory_space<semaphore_mem>>) src(%dma_wait3A_1318 : memref<56x128xf32, #tpu.memory_space<vmem>>) dst(%dma_wait3A_1315 : memref<56x128xf32, #tpu.memory_space<hbm>>)
    %dma_wait3A_1319 = arith.constant 100 : i32
    %dma_wait3A_1320 = arith.constant 0 : i32
    %dma_wait3A_1321 = tpu.memref_slice %arg7[%dma_wait3A_1319, %dma_wait3A_1320] : memref<208x128xf32, #tpu.memory_space<vmem>> -> memref<56x128xf32, #tpu.memory_space<vmem>>
    %dma_wait3A_1322 = arith.constant 0 : i32
    %dma_wait3A_1323 = arith.constant 0 : i32
    %dma_wait3A_1324 = tpu.memref_slice %arg4[%add3A_1288, %dma_wait3A_1322, %dma_wait3A_1323] : memref<16384x56x128xf32, #tpu.memory_space<hbm>> -> memref<1x56x128xf32, #tpu.memory_space<hbm>>
    %dma_wait3A_1325 = tpu.memref_squeeze %dma_wait3A_1324 : memref<1x56x128xf32, #tpu.memory_space<hbm>> -> memref<56x128xf32, #tpu.memory_space<hbm>>
    %dma_wait3A_1326 = arith.constant 0 : i32
    %dma_wait3A_1327 = arith.constant 0 : i32
    %dma_wait3A_1328 = tpu.memref_slice %arg4[%add3A_1288, %dma_wait3A_1326, %dma_wait3A_1327] : memref<16384x56x128xf32, #tpu.memory_space<hbm>> -> memref<1x56x128xf32, #tpu.memory_space<hbm>>
    %dma_wait3A_1329 = tpu.memref_squeeze %dma_wait3A_1328 : memref<1x56x128xf32, #tpu.memory_space<hbm>> -> memref<56x128xf32, #tpu.memory_space<hbm>>
    %dma_wait3A_1330 = arith.constant 100 : i32
    %dma_wait3A_1331 = arith.constant 0 : i32
    %dma_wait3A_1332 = tpu.memref_slice %arg7[%dma_wait3A_1330, %dma_wait3A_1331] : memref<208x128xf32, #tpu.memory_space<vmem>> -> memref<56x128xf32, #tpu.memory_space<vmem>>
    tpu.wait_dma2 semaphore(%arg27 : memref<!tpu.dma_semaphore, #tpu.memory_space<semaphore_mem>>) src(%dma_wait3A_1332 : memref<56x128xf32, #tpu.memory_space<vmem>>) dst(%dma_wait3A_1329 : memref<56x128xf32, #tpu.memory_space<hbm>>)
    %dma_wait3A_1333 = arith.constant 150 : i32
    %dma_wait3A_1334 = arith.constant 0 : i32
    %dma_wait3A_1335 = tpu.memref_slice %arg7[%dma_wait3A_1333, %dma_wait3A_1334] : memref<208x128xf32, #tpu.memory_space<vmem>> -> memref<56x128xf32, #tpu.memory_space<vmem>>
    %dma_wait3A_1336 = arith.constant 0 : i32
    %dma_wait3A_1337 = arith.constant 0 : i32
    %dma_wait3A_1338 = tpu.memref_slice %arg4[%add3A_1290, %dma_wait3A_1336, %dma_wait3A_1337] : memref<16384x56x128xf32, #tpu.memory_space<hbm>> -> memref<1x56x128xf32, #tpu.memory_space<hbm>>
    %dma_wait3A_1339 = tpu.memref_squeeze %dma_wait3A_1338 : memref<1x56x128xf32, #tpu.memory_space<hbm>> -> memref<56x128xf32, #tpu.memory_space<hbm>>
    %dma_wait3A_1340 = arith.constant 0 : i32
    %dma_wait3A_1341 = arith.constant 0 : i32
    %dma_wait3A_1342 = tpu.memref_slice %arg4[%add3A_1290, %dma_wait3A_1340, %dma_wait3A_1341] : memref<16384x56x128xf32, #tpu.memory_space<hbm>> -> memref<1x56x128xf32, #tpu.memory_space<hbm>>
    %dma_wait3A_1343 = tpu.memref_squeeze %dma_wait3A_1342 : memref<1x56x128xf32, #tpu.memory_space<hbm>> -> memref<56x128xf32, #tpu.memory_space<hbm>>
    %dma_wait3A_1344 = arith.constant 150 : i32
    %dma_wait3A_1345 = arith.constant 0 : i32
    %dma_wait3A_1346 = tpu.memref_slice %arg7[%dma_wait3A_1344, %dma_wait3A_1345] : memref<208x128xf32, #tpu.memory_space<vmem>> -> memref<56x128xf32, #tpu.memory_space<vmem>>
    tpu.wait_dma2 semaphore(%arg27 : memref<!tpu.dma_semaphore, #tpu.memory_space<semaphore_mem>>) src(%dma_wait3A_1346 : memref<56x128xf32, #tpu.memory_space<vmem>>) dst(%dma_wait3A_1343 : memref<56x128xf32, #tpu.memory_space<hbm>>)
    %add3A_1347 = arith.constant 508 : i32
    %add3A_1348 = arith.addi %mul3A_2, %add3A_1347 : i32
    %add3A_1349 = arith.constant 0 : i32
    %add3A_1350 = arith.addi %add3A_1348, %add3A_1349 : i32
    %add3A_1351 = arith.constant 1 : i32
    %add3A_1352 = arith.addi %add3A_1348, %add3A_1351 : i32
    %add3A_1353 = arith.constant 2 : i32
    %add3A_1354 = arith.addi %add3A_1348, %add3A_1353 : i32
    %add3A_1355 = arith.constant 3 : i32
    %add3A_1356 = arith.addi %add3A_1348, %add3A_1355 : i32
    %dma_wait3A_1357 = arith.constant 0 : i32
    %dma_wait3A_1358 = arith.constant 0 : i32
    %dma_wait3A_1359 = tpu.memref_slice %arg8[%dma_wait3A_1357, %dma_wait3A_1358] : memref<208x128xf32, #tpu.memory_space<vmem>> -> memref<56x128xf32, #tpu.memory_space<vmem>>
    %dma_wait3A_1360 = arith.constant 0 : i32
    %dma_wait3A_1361 = arith.constant 0 : i32
    %dma_wait3A_1362 = tpu.memref_slice %arg4[%add3A_1350, %dma_wait3A_1360, %dma_wait3A_1361] : memref<16384x56x128xf32, #tpu.memory_space<hbm>> -> memref<1x56x128xf32, #tpu.memory_space<hbm>>
    %dma_wait3A_1363 = tpu.memref_squeeze %dma_wait3A_1362 : memref<1x56x128xf32, #tpu.memory_space<hbm>> -> memref<56x128xf32, #tpu.memory_space<hbm>>
    %dma_wait3A_1364 = arith.constant 0 : i32
    %dma_wait3A_1365 = arith.constant 0 : i32
    %dma_wait3A_1366 = tpu.memref_slice %arg4[%add3A_1350, %dma_wait3A_1364, %dma_wait3A_1365] : memref<16384x56x128xf32, #tpu.memory_space<hbm>> -> memref<1x56x128xf32, #tpu.memory_space<hbm>>
    %dma_wait3A_1367 = tpu.memref_squeeze %dma_wait3A_1366 : memref<1x56x128xf32, #tpu.memory_space<hbm>> -> memref<56x128xf32, #tpu.memory_space<hbm>>
    %dma_wait3A_1368 = arith.constant 0 : i32
    %dma_wait3A_1369 = arith.constant 0 : i32
    %dma_wait3A_1370 = tpu.memref_slice %arg8[%dma_wait3A_1368, %dma_wait3A_1369] : memref<208x128xf32, #tpu.memory_space<vmem>> -> memref<56x128xf32, #tpu.memory_space<vmem>>
    tpu.wait_dma2 semaphore(%arg28 : memref<!tpu.dma_semaphore, #tpu.memory_space<semaphore_mem>>) src(%dma_wait3A_1370 : memref<56x128xf32, #tpu.memory_space<vmem>>) dst(%dma_wait3A_1367 : memref<56x128xf32, #tpu.memory_space<hbm>>)
    %dma_wait3A_1371 = arith.constant 50 : i32
    %dma_wait3A_1372 = arith.constant 0 : i32
    %dma_wait3A_1373 = tpu.memref_slice %arg8[%dma_wait3A_1371, %dma_wait3A_1372] : memref<208x128xf32, #tpu.memory_space<vmem>> -> memref<56x128xf32, #tpu.memory_space<vmem>>
    %dma_wait3A_1374 = arith.constant 0 : i32
    %dma_wait3A_1375 = arith.constant 0 : i32
    %dma_wait3A_1376 = tpu.memref_slice %arg4[%add3A_1352, %dma_wait3A_1374, %dma_wait3A_1375] : memref<16384x56x128xf32, #tpu.memory_space<hbm>> -> memref<1x56x128xf32, #tpu.memory_space<hbm>>
    %dma_wait3A_1377 = tpu.memref_squeeze %dma_wait3A_1376 : memref<1x56x128xf32, #tpu.memory_space<hbm>> -> memref<56x128xf32, #tpu.memory_space<hbm>>
    %dma_wait3A_1378 = arith.constant 0 : i32
    %dma_wait3A_1379 = arith.constant 0 : i32
    %dma_wait3A_1380 = tpu.memref_slice %arg4[%add3A_1352, %dma_wait3A_1378, %dma_wait3A_1379] : memref<16384x56x128xf32, #tpu.memory_space<hbm>> -> memref<1x56x128xf32, #tpu.memory_space<hbm>>
    %dma_wait3A_1381 = tpu.memref_squeeze %dma_wait3A_1380 : memref<1x56x128xf32, #tpu.memory_space<hbm>> -> memref<56x128xf32, #tpu.memory_space<hbm>>
    %dma_wait3A_1382 = arith.constant 50 : i32
    %dma_wait3A_1383 = arith.constant 0 : i32
    %dma_wait3A_1384 = tpu.memref_slice %arg8[%dma_wait3A_1382, %dma_wait3A_1383] : memref<208x128xf32, #tpu.memory_space<vmem>> -> memref<56x128xf32, #tpu.memory_space<vmem>>
    tpu.wait_dma2 semaphore(%arg28 : memref<!tpu.dma_semaphore, #tpu.memory_space<semaphore_mem>>) src(%dma_wait3A_1384 : memref<56x128xf32, #tpu.memory_space<vmem>>) dst(%dma_wait3A_1381 : memref<56x128xf32, #tpu.memory_space<hbm>>)
    %dma_wait3A_1385 = arith.constant 100 : i32
    %dma_wait3A_1386 = arith.constant 0 : i32
    %dma_wait3A_1387 = tpu.memref_slice %arg8[%dma_wait3A_1385, %dma_wait3A_1386] : memref<208x128xf32, #tpu.memory_space<vmem>> -> memref<56x128xf32, #tpu.memory_space<vmem>>
    %dma_wait3A_1388 = arith.constant 0 : i32
    %dma_wait3A_1389 = arith.constant 0 : i32
    %dma_wait3A_1390 = tpu.memref_slice %arg4[%add3A_1354, %dma_wait3A_1388, %dma_wait3A_1389] : memref<16384x56x128xf32, #tpu.memory_space<hbm>> -> memref<1x56x128xf32, #tpu.memory_space<hbm>>
    %dma_wait3A_1391 = tpu.memref_squeeze %dma_wait3A_1390 : memref<1x56x128xf32, #tpu.memory_space<hbm>> -> memref<56x128xf32, #tpu.memory_space<hbm>>
    %dma_wait3A_1392 = arith.constant 0 : i32
    %dma_wait3A_1393 = arith.constant 0 : i32
    %dma_wait3A_1394 = tpu.memref_slice %arg4[%add3A_1354, %dma_wait3A_1392, %dma_wait3A_1393] : memref<16384x56x128xf32, #tpu.memory_space<hbm>> -> memref<1x56x128xf32, #tpu.memory_space<hbm>>
    %dma_wait3A_1395 = tpu.memref_squeeze %dma_wait3A_1394 : memref<1x56x128xf32, #tpu.memory_space<hbm>> -> memref<56x128xf32, #tpu.memory_space<hbm>>
    %dma_wait3A_1396 = arith.constant 100 : i32
    %dma_wait3A_1397 = arith.constant 0 : i32
    %dma_wait3A_1398 = tpu.memref_slice %arg8[%dma_wait3A_1396, %dma_wait3A_1397] : memref<208x128xf32, #tpu.memory_space<vmem>> -> memref<56x128xf32, #tpu.memory_space<vmem>>
    tpu.wait_dma2 semaphore(%arg28 : memref<!tpu.dma_semaphore, #tpu.memory_space<semaphore_mem>>) src(%dma_wait3A_1398 : memref<56x128xf32, #tpu.memory_space<vmem>>) dst(%dma_wait3A_1395 : memref<56x128xf32, #tpu.memory_space<hbm>>)
    %dma_wait3A_1399 = arith.constant 150 : i32
    %dma_wait3A_1400 = arith.constant 0 : i32
    %dma_wait3A_1401 = tpu.memref_slice %arg8[%dma_wait3A_1399, %dma_wait3A_1400] : memref<208x128xf32, #tpu.memory_space<vmem>> -> memref<56x128xf32, #tpu.memory_space<vmem>>
    %dma_wait3A_1402 = arith.constant 0 : i32
    %dma_wait3A_1403 = arith.constant 0 : i32
    %dma_wait3A_1404 = tpu.memref_slice %arg4[%add3A_1356, %dma_wait3A_1402, %dma_wait3A_1403] : memref<16384x56x128xf32, #tpu.memory_space<hbm>> -> memref<1x56x128xf32, #tpu.memory_space<hbm>>
    %dma_wait3A_1405 = tpu.memref_squeeze %dma_wait3A_1404 : memref<1x56x128xf32, #tpu.memory_space<hbm>> -> memref<56x128xf32, #tpu.memory_space<hbm>>
    %dma_wait3A_1406 = arith.constant 0 : i32
    %dma_wait3A_1407 = arith.constant 0 : i32
    %dma_wait3A_1408 = tpu.memref_slice %arg4[%add3A_1356, %dma_wait3A_1406, %dma_wait3A_1407] : memref<16384x56x128xf32, #tpu.memory_space<hbm>> -> memref<1x56x128xf32, #tpu.memory_space<hbm>>
    %dma_wait3A_1409 = tpu.memref_squeeze %dma_wait3A_1408 : memref<1x56x128xf32, #tpu.memory_space<hbm>> -> memref<56x128xf32, #tpu.memory_space<hbm>>
    %dma_wait3A_1410 = arith.constant 150 : i32
    %dma_wait3A_1411 = arith.constant 0 : i32
    %dma_wait3A_1412 = tpu.memref_slice %arg8[%dma_wait3A_1410, %dma_wait3A_1411] : memref<208x128xf32, #tpu.memory_space<vmem>> -> memref<56x128xf32, #tpu.memory_space<vmem>>
    tpu.wait_dma2 semaphore(%arg28 : memref<!tpu.dma_semaphore, #tpu.memory_space<semaphore_mem>>) src(%dma_wait3A_1412 : memref<56x128xf32, #tpu.memory_space<vmem>>) dst(%dma_wait3A_1409 : memref<56x128xf32, #tpu.memory_space<hbm>>)
    return
  }
}

</mosaic_0001>

<sc_bundles>
// kernel: kernel.3.cloned.1.call-start
scs
__scs_entry_jumppad:
0x0: {  	(pc) =	sbr.rel $0x88, $3  }
0x1: {  	(tag) =	ssettag $0x0;
	lr =	simm.s32 $0x1  }
0x2: {  	[smem:$0x3F9F] =	sst lr;
	_ =	strace $0xD0000000  }
0x3: {  	_ = 	snop  }
0x4: {  	_ = 	snop  }
0x5: {  	_ = 	snop  }
0x6: {  	_ = 	snop  }
0x7: {  	_ = 	snop  }
__scs_overlays_trampoline_lowered:
0x8: {  	[smem:$0x3FAE] =	sst s0  }
0x9: {  	[smem:$0x3FAF] =	sst s1  }
0xa: {  	[smem:$0x3FB0] =	sst s2  }
0xb: {  	[smem:$0x3FB1] =	sst s3  }
0xc: {  	[smem:$0x3FB2] =	sst s4  }
0xd: {  	[smem:$0x3FB3] =	sst s5  }
0xe: {  	[smem:$0x3FB4] =	sst s6  }
0xf: {  	[smem:$0x3FB5] =	sst s7  }
0x10: {  	[smem:$0x3FB6] =	sst s8  }
0x11: {  	[smem:$0x3FB7] =	sst s9;
	s0 =	simm.s32 @!p0 $0x0  }
0x12: {  	s1 =	sld [smem:$0x3F9D];
	s0 =	simm.s32 @p0 $0x1  }
0x13: {  	[smem:$0x3FB8] =	sst s0;
	s0 =	simm.s32 @!p1 $0x0  }
0x14: {  	s2 =	sld [smem:$0x3F9C];
	s0 =	simm.s32 @p1 $0x1  }
0x15: {  	[smem:$0x3FB9] =	sst s0;
	s0 =	simm.s32 @!p2 $0x0  }
0x16: {  	s3 =	sld [smem:$0x3FDB];
	s0 =	simm.s32 @p2 $0x1  }
0x17: {  	s4 =	simm.s32 $0x1BF5;
	[smem:$0x3FBB] =	sst s0  }
0x18: {  	s0 =	sld [smem:$0x3F9E];
	_ =	swait.ge [sflag:s4], $0x0  }
0x19: {  	s7 =	sld [smem:$0x3F9F]  }
0x1a: {  	s8 =	sadd.s32 $0xFFFFE003, lr  }
0x1b: {  	s9 =	sadd.s32 $0xFFFFFEF7, lr;
	s5 =	simm.s32 $0xFFFFFFFF;
	p2 =	slt.u32 s8, $0xFFFFF086  }
0x1c: {  	p1 =	slt.u32 s9, $0xF7A;
	s5 =	simm.s32 @!p2 $0x0  }
0x1d: {  	s5 =	simm.s32 @p1 $0x1;
	p0 =	seq.s32 s7, s2  }
0x1e: {  	s7 =	smul.u32 @!p0 $0xF7A, s2;
	p2 =	seq.s32 @!p0 s5, $0x0  }
0x1f: {  	s9 =	smul.u32 $0xF7A, s1;
	s8 =	simm.s32 @!p0 $0x1BF5;
	p2 =	por !p2, p0  }
0x20: {  	[sflag:s8] =	ssyncset.s32 @!p0 $0xFFFFF086;
	s6 =	sadd.s32 @!p0 s3, s7;
	s7 =	simm.s32 @!p0 $0x108  }
0x21: {  	s3 =	sadd.s32 s3, s9;
	s6 =	sadd.s32 @!p0 $0x88, s6;
	s7 =	simm.s32 @p2 $0x1082  }
0x22: {  	[simem:s7], [sflag:s8] =	dma.local @!p0 [hbm:s6], $0xF7A  }
0x23: {  	s9 =	sor.u32 $0xD0000000, s2;
	s6 =	simm.s32 $0x108;
	_ =	swait.ge @!p0 [sflag:s8], $0x0  }
0x24: {  	s3 =	sadd.s32 $0x88, s3;
	s6 =	simm.s32 @!p1 $0x1082;
	[sflag:s4] =	ssyncset.s32 $0xFFFFF086  }
0x25: {  	[simem:s6], [sflag:s4] =	dma.local [hbm:s3], $0xF7A  }
0x26: {  	[smem:$0x3F9F] =	sst s1;
	(tag) =	ssettag s2;
	_ =	strace s9  }
0x27: {  	s1 =	sld [smem:$0x3FAF]  }
0x28: {  	s2 =	sld [smem:$0x3FB0]  }
0x29: {  	s4 =	sld [smem:$0x3FB2]  }
0x2a: {  	p0 =	seq.s32 s5, $0x0;
	s5 =	sld [smem:$0x3FB3]  }
0x2b: {  	s6 =	sld [smem:$0x3FB4]  }
0x2c: {  	s7 =	sld [smem:$0x3FB5]  }
0x2d: {  	s3 =	simm.s32 $0x108;
	s8 =	sld [smem:$0x3FB6]  }
0x2e: {  	s3 =	simm.s32 @!p0 $0x1082;
	s9 =	sld [smem:$0x3FB7]  }
0x2f: {  	lr =	sadd.s32 s0, s3;
	s0 =	sld [smem:$0x3FAE]  }
0x30: {  	s3 =	sld [smem:$0x3FB1]  }
0x31: {  	[smem:$0x3FBA] =	sst s10  }
0x32: {  	s10 =	sld [smem:$0x3FB8];
	_ =	sdelay $0x3  }
0x33: {  	p0 =	seq.s32 s10, $0x1;
	s10 =	sld [smem:$0x3FBA];
	_ =	sdelay $0x3  }
0x34: {  	[smem:$0x3FBA] =	sst s10  }
0x35: {  	s10 =	sld [smem:$0x3FB9];
	_ =	sdelay $0x3  }
0x36: {  	p1 =	seq.s32 s10, $0x1;
	s10 =	sld [smem:$0x3FBA];
	_ =	sdelay $0x3  }
0x37: {  	[smem:$0x3FBA] =	sst s10  }
0x38: {  	s10 =	sld [smem:$0x3FBB]  }
0x39: {  	_ = 	snop;
	(pc) =	sbr.ind lr, $3  }
0x3a: {  	_ = 	snop  }
0x3b: {  	_ = 	snop  }
0x3c: {  	p2 =	seq.s32 s10, $0x1;
	s10 =	sld [smem:$0x3FBA]  }
0x3d: {  	_ =	shalt  }
0x3e: {  	_ =	shalt  }
0x3f: {  	_ =	shalt  }
0x40: {  	_ =	shalt  }
0x41: {  	_ =	shalt  }
0x42: {  	_ =	shalt  }
0x43: {  	_ =	shalt  }
0x44: {  	_ =	shalt  }
0x45: {  	_ =	shalt  }
0x46: {  	_ =	shalt  }
0x47: {  	_ =	shalt  }
0x48: {  	_ =	shalt  }
0x49: {  	_ =	shalt  }
0x4a: {  	_ =	shalt  }
0x4b: {  	_ =	shalt  }
0x4c: {  	_ =	shalt  }
0x4d: {  	_ =	shalt  }
0x4e: {  	_ =	shalt  }
0x4f: {  	_ =	shalt  }
0x50: {  	_ =	shalt  }
0x51: {  	_ =	shalt  }
0x52: {  	_ =	shalt  }
0x53: {  	_ =	shalt  }
0x54: {  	_ =	shalt  }
0x55: {  	_ =	shalt  }
0x56: {  	_ =	shalt  }
0x57: {  	_ =	shalt  }
0x58: {  	_ =	shalt  }
0x59: {  	_ =	shalt  }
0x5a: {  	_ =	shalt  }
0x5b: {  	_ =	shalt  }
0x5c: {  	_ =	shalt  }
0x5d: {  	_ =	shalt  }
0x5e: {  	_ =	shalt  }
0x5f: {  	_ =	shalt  }
0x60: {  	_ =	shalt  }
0x61: {  	_ =	shalt  }
0x62: {  	_ =	shalt  }
0x63: {  	_ =	shalt  }
0x64: {  	_ =	shalt  }
0x65: {  	_ =	shalt  }
0x66: {  	_ =	shalt  }
0x67: {  	_ =	shalt  }
0x68: {  	_ =	shalt  }
0x69: {  	_ =	shalt  }
0x6a: {  	_ =	shalt  }
0x6b: {  	_ =	shalt  }
0x6c: {  	_ =	shalt  }
0x6d: {  	_ =	shalt  }
0x6e: {  	_ =	shalt  }
0x6f: {  	_ =	shalt  }
0x70: {  	_ =	shalt  }
0x71: {  	_ =	shalt  }
0x72: {  	_ =	shalt  }
0x73: {  	_ =	shalt  }
0x74: {  	_ =	shalt  }
0x75: {  	_ =	shalt  }
0x76: {  	_ =	shalt  }
0x77: {  	_ =	shalt  }
0x78: {  	_ =	shalt  }
0x79: {  	_ =	shalt  }
0x7a: {  	_ =	shalt  }
0x7b: {  	_ =	shalt  }
0x7c: {  	_ =	shalt  }
0x7d: {  	_ =	shalt  }
0x7e: {  	_ =	shalt  }
0x7f: {  	_ =	shalt  }
0x80: {  	_ =	shalt  }
0x81: {  	_ =	shalt  }
0x82: {  	_ =	shalt  }
0x83: {  	_ =	shalt  }
0x84: {  	_ =	shalt  }
0x85: {  	_ =	shalt  }
0x86: {  	_ =	shalt  }
0x87: {  	_ =	shalt  }
.Lfunc_end0:
.L_simem_size_0:
called_computation.1_lowered:
.L_overlay_start_0:
0x88: {  	s2 =	sld [smem:$0x3FD9]  }
0x89: {  	s3 =	sld [smem:$0x3FFE];
	_ =	sdelay $0x1  }
0x8a: {  	s1 =	srdreg.scid  }
0x8b: {  	s0 =	sand.u32 $0x1, s1  }
0x8c: {  	s17 =	sshll.u32 s0, $0xA;
	s2 =	sadd.s32 s3, s2  }
0x8d: {  	s2 =	sadd.s32 s2, s17  }
0x8e: {  	[smem:$0x3FC6] =	sst s2  }
0x8f: {  	_ = 	snop  }
0x90: {  	s2 =	sld [smem:$0x3FD0];
	(tm) =	ssettm $0x1  }
0x91: {  	s18 =	sld [smem:$0x3FFB];
	_ =	sdelay $0x3  }
0x92: {  	_ =	strace s18  }
0x93: {  	s3 =	sld [smem:$0x3FFC];
	_ =	sdelay $0x3  }
0x94: {  	_ =	strace s3  }
0x95: {  	s3 =	sld [smem:$0x3FFD];
	_ =	sdelay $0x3  }
0x96: {  	_ =	strace s3  }
0x97: {  	_ =	strace $0x8FFFFFFF  }
0x98: {  	s19 =	sld [smem:$0x3FDB];
	_ =	sdelay $0x1  }
0x99: {  	s4 =	simm.s32 $_scs_section_size  }
0x9a: {  	s5 =	simm.s32 $_size__tile_overlayer_lowered;
	s6 =	simm.s32 $_tile_overlayer_lowered  }
0x9b: {  	s22 =	simm.s32 $0x1BFF;
	s21 =	sshll.u32 s6, $0x1;
	s3 =	sadd.s32 s4, s19  }
0x9c: {  	s7 =	simm.s32 $0x0;
	s20 =	sshll.u32 s5, $0x1;
	s5 =	sadd.s32 s21, s3  }
0x9d: {  	[timem:s7], [sflag:s22] =	dma.local [hbm:s5], s20  }
0x9e: {  	_ =	swait.ge [sflag:s22], s20  }
0x9f: {  	s4 =	ssub.s32 $0x0, s20;
	[sflag:s22] =	ssyncset.done $0x0  }
0xa0: {  	[sflag:s22] =	ssyncadd.s32 s4;
	_ =	sdelay $0x1  }
0xa1: {  	s23 =	simm.s32 $0x1B8B  }
0xa2: {  	_ =	swait.ge [sflag:s23], $0x1  }
0xa3: {  	[sflag:s23] =	ssyncset.done $0x0  }
0xa4: {  	s25 =	simm.s32 $0x1B8E;
	s24 =	sld [smem:$0x3FFE];
	[sflag:s23] =	ssyncadd.s32 $0xFFFFFFFF  }
0xa5: {  	s26 =	simm.s32 $execute0_lowered;
	[smem:$0x3FD2] =	sst s25  }
0xa6: {  	s5 =	sshll.u32 s26, $0x1;
	_ =	strace $0x80000046;
	[dreg:$0x1] =	wrdreg $0xFFFFFFFF  }
0xa7: {  	s28 =	simm.s32 $_size_execute0_lowered;
	s3 =	sadd.s32 s3, s5;
	[dreg:$0x0] =	wrdreg $0x0  }
0xa8: {  	s5 =	sshll.u32 s28, $0x1;
	[dreg:$0x2] =	wrdreg s3  }
0xa9: {  	[dreg:$0x3] =	wrdreg s5  }
0xaa: {  	[dreg:$0x4] =	wrdreg $0xC0  }
0xab: {  	_ =	task [dreg:s7], $0x5FFFF  }
0xac: {  	[dreg:$0x1] =	wrdreg $0xFFFFFFFF  }
0xad: {  	[dreg:$0x0] =	wrdreg $0x60  }
0xae: {  	[dreg:$0x2] =	wrdreg s24  }
0xaf: {  	[dreg:$0x3] =	wrdreg s2  }
0xb0: {  	[dreg:$0x4] =	wrdreg $0x9  }
0xb1: {  	_ =	task.clear_ibuf [dreg:s7], $0x5FFFF;
	_ =	strace $0x90000046  }
0xb2: {  	s29 =	simm.s32 $0x9;
	_ =	strace $0x80000048  }
0xb3: {  	_ =	swait.ge [sflag:s29], $0x1  }
0xb4: {  	[sflag:s29] =	ssyncadd.s32 $0xFFFFFFFF  }
0xb5: {  	_ =	strace $0x90000048  }
0xb6: {  	_ =	sfence  }
0xb7: {  	s30 =	sld [smem:$0x0];
	_ =	sdelay $0x2  }
0xb8: {  	s31 =	sshll.u32 s1, $0xD;
	s1 =	sshrl.u32 s1, $0x2  }
0xb9: {  	s3 =	sand.u32 $0x4000, s31;
	s1 =	sadd.s32 s1, s30  }
0xba: {  	s0 =	sor.u32 s3, s0;
	s1 =	sshll.u32 s1, $0x11  }
0xbb: {  	s0 =	sor.u32 s1, s0  }
0xbc: {  	s0 =	sadd.s32 $0x8F2B, s0  }
0xbd: {  	[sflag:s0] =	ssyncadd.remote.s32 $0x1  }
0xbe: {  	_ =	sfence.sel $0xFFFF  }
0xbf: {  	[dreg:$0x0] =	wrdreg $0xFFFFFFFF;
	(pc) =	sbr.abs _section_cstart, $3  }
0xc0: {  	[dreg:$0x1] =	wrdreg $0xFFFFFFFF  }
0xc1: {  	_ =	task.clear_ibuf [dreg:s7], $0x2FFFF;
	_ =	strace $0x9FFFFFFF  }
0xc2: {  	(tm) =	ssettm $0x7FFFFFFF  }
0xc3: {  	_ =	shalt  }
tec
execute0_lowered:
.L_overlay_start_1:
0x0: {  	(tag) =	ssettag $0x1  }
0x1: {  	s1 =	srdreg.scid;
	s17 =	stileid.u32  }
0x2: {  	s0 =	rddreg [dreg:$0x0];
	s9 =	sand.u32 $0x1, s1;
	s22 =	sshll.u32 s17, $0x1  }
0x3: {  	s18 =	rddreg [dreg:$0x1];
	s28 =	smul.u32 $0xC800, s17;
	s6 =	sor.u32 s9, s22  }
0x4: {  	s3 =	simm.s32 $0x0;
	s4 =	sadd.s32 $0xF42E00, s0;
	s7 =	smul.u32 $0xC80, s6  }
0x5: {  	s2 =	sadd.s32 $0xA00, s0;
	s23 =	ssub.s32 $0x2, s9;
	s24 =	smul.u32 $0x70000, s6  }
0x6: {  	s5 =	sshll.u32 s6, $0x9;
	s12 =	sshrl.u32 s23, $0x1;
	s6 =	smul.u32 $0x380000, s6  }
0x7: {  	s8 =	sor.u32 $0x4, s5;
	s0 =	ssub.s32 s23, s12;
	s23 =	smul.u32 $0x700000, s17  }
0x8: {  	[smem:$0x7FF] =	sst s3;
	s11 =	sor.u32 $0x8, s5;
	s10 =	smul.u32 $0x32, s8  }
0x9: {  	s1 =	sadd.s32 $0x10, s18;
	s25 =	sshll.u32 s17, $0xA;
	s13 =	smul.u32 $0x32, s11  }
0xa: {  	_ =	strace $0x80000047;
	s16 =	sshll.u32 s9, $0x9;
	s14 =	smul.u32 $0x380, s8  }
0xb: {  	s19 =	sadd.s32 s18, s7;
	s7 =	sadd.s32 s7, s1;
	s11 =	smul.u32 $0x380, s11  }
0xc: {  	s8 =	sor.u32 s16, s25;
	s21 =	sadd.s32 s2, s24;
	s6 =	sshrl.u32 s6, $0x3  }
0xd: {  	s24 =	smul.u32 $0x380000, s9;
	s0 =	smax.u32 s0, $0x1;
	[dreg:$0x16] =	wrdreg s7  }
0xe: {  	s7 =	sor.u32 $0x1F4, s5;
	s8 =	smul.u32 $0x19, s8;
	[smem:$0x7ED] =	sst s0  }
0xf: {  	s6 =	sadd.s32 s2, s6;
	[dreg:$0x15] =	wrdreg s19;
	s15 =	smul.u32 $0x32, s7  }
0x10: {  	[dreg:$0x19] =	wrdreg s21;
	s29 =	sadd.s32 s2, s14;
	s14 =	smul.u32 $0x6400, s9  }
0x11: {  	s10 =	sshrl.u32 s10, $0x3;
	s26 =	sshrl.u32 s13, $0x3;
	s9 =	smul.u32 $0x70000, s9  }
0x12: {  	s11 =	sadd.s32 s2, s11;
	s7 =	smul.u32 $0x380, s7;
	[dreg:$0x1a] =	wrdreg s29  }
0x13: {  	s16 =	sadd.s32 s18, s10;
	s20 =	sadd.s32 s18, s26;
	[dreg:$0x1b] =	wrdreg s11  }
0x14: {  	s22 =	sadd.s32 $0x320, s8;
	s26 =	sadd.s32 $0x2BC, s8;
	s13 =	sshrl.u32 s15, $0x3  }
0x15: {  	s10 =	sadd.s32 s14, s28;
	s11 =	sshrl.u32 s22, $0x2;
	[dreg:$0x17] =	wrdreg s16  }
0x16: {  	s28 =	sshrl.u32 s26, $0x2;
	s7 =	sadd.s32 s2, s7;
	[dreg:$0x18] =	wrdreg s20  }
0x17: {  	s15 =	sadd.s32 s18, s13;
	s13 =	sadd.s32 $0x6C0, s10;
	[dreg:$0x3] =	wrdreg s11  }
0x18: {  	s11 =	sadd.s32 s24, s23;
	s29 =	sadd.s32 $0x5F8, s10;
	[dreg:$0x5] =	wrdreg s28  }
0x19: {  	[smem:$0x7D8] =	sst s7;
	s25 =	sshrl.u32 s13, $0x3;
	s14 =	sor.u32 $0x1A400, s11  }
0x1a: {  	s22 =	sshrl.u32 s29, $0x3;
	s28 =	sor.u32 $0x16C00, s11;
	[dreg:$0x1c] =	wrdreg s15  }
0x1b: {  	s29 =	smul.u32 $0xE0000, s17;
	[dreg:$0x4] =	wrdreg s25;
	s23 =	sshrl.u32 s14, $0x3  }
0x1c: {  	[dreg:$0x6] =	wrdreg s22;
	s25 =	sor.u32 $0x18800, s11;
	s13 =	sshrl.u32 s28, $0x3  }
0x1d: {  	s22 =	sor.u32 $0x2F400, s11;
	s14 =	sadd.s32 $0x530, s10;
	s24 =	sadd.s32 s23, s2  }
0x1e: {  	s26 =	sshrl.u32 s25, $0x3;
	s13 =	sadd.s32 s13, s2;
	[dreg:$0x7] =	wrdreg s24  }
0x1f: {  	s17 =	sadd.s32 s29, s2;
	s12 =	sadd.s32 s26, s2;
	[dreg:$0x9] =	wrdreg s13  }
0x20: {  	s23 =	sshrl.u32 s22, $0x3;
	s9 =	sadd.s32 s9, s17;
	[dreg:$0x8] =	wrdreg s12  }
0x21: {  	s29 =	sadd.s32 $0x258, s8;
	s25 =	sadd.s32 s23, s2;
	[dreg:$0xa] =	wrdreg s9  }
0x22: {  	s10 =	sadd.s32 $0x468, s10;
	s13 =	sshrl.u32 s29, $0x2;
	[dreg:$0xb] =	wrdreg s25  }
0x23: {  	s22 =	sor.u32 $0x28400, s11;
	s17 =	sshrl.u32 s14, $0x3;
	[dreg:$0xd] =	wrdreg s13  }
0x24: {  	s8 =	sor.u32 $0x1F4, s8;
	s29 =	sadd.s32 $0x6BA00, s6;
	[dreg:$0xe] =	wrdreg s17  }
0x25: {  	s23 =	sshrl.u32 s22, $0x3;
	s8 =	sshrl.u32 s8, $0x2;
	[dreg:$0x1d] =	wrdreg s29  }
0x26: {  	s24 =	sor.u32 $0x2D800, s11;
	s9 =	sadd.s32 s23, s2;
	[dreg:$0x12] =	wrdreg s8  }
0x27: {  	s26 =	sshrl.u32 s24, $0x3;
	s17 =	sadd.s32 $0x6BD80, s6;
	[dreg:$0xf] =	wrdreg s9  }
0x28: {  	s24 =	sor.u32 $0x26800, s11;
	s28 =	sadd.s32 s26, s2;
	[dreg:$0x1e] =	wrdreg s17  }
0x29: {  	s12 =	sshrl.u32 s24, $0x3;
	s24 =	sshrl.u32 s10, $0x3;
	[dreg:$0xc] =	wrdreg s28  }
0x2a: {  	s22 =	sor.u32 $0x1F8, s5;
	s10 =	sadd.s32 $0x6C480, s6;
	[dreg:$0x13] =	wrdreg s24  }
0x2b: {  	s25 =	sor.u32 $0x24C00, s11;
	s9 =	sadd.s32 $0x6FC80, s6;
	[smem:$0x7DB] =	sst s10  }
0x2c: {  	s23 =	smul.u32 $0x32, s22;
	s26 =	sadd.s32 s12, s2;
	[smem:$0x7EC] =	sst s9  }
0x2d: {  	s28 =	sshrl.u32 s25, $0x3;
	s25 =	sadd.s32 $0x6C100, s6;
	[dreg:$0x10] =	wrdreg s26  }
0x2e: {  	s12 =	smul.u32 $0x380, s22;
	s22 =	sadd.s32 $0x6CB80, s6;
	[dreg:$0x1f] =	wrdreg s25  }
0x2f: {  	s24 =	sadd.s32 $0x6D280, s6;
	[smem:$0x7E1] =	sst s22  }
0x30: {  	s10 =	sadd.s32 $0x10, s16;
	[smem:$0x7E3] =	sst s24  }
0x31: {  	s16 =	sadd.s32 $0x4B, s19;
	[smem:$0x7EE] =	sst s10  }
0x32: {  	s14 =	sadd.s32 s28, s2;
	s28 =	sor.u32 $0x21400, s11;
	[smem:$0x7F3] =	sst s16  }
0x33: {  	s11 =	sshrl.u32 s23, $0x3;
	s23 =	sadd.s32 $0x6CF00, s6;
	[dreg:$0x11] =	wrdreg s14  }
0x34: {  	s25 =	sadd.s32 $0x6D980, s6;
	[smem:$0x7E2] =	sst s23  }
0x35: {  	s22 =	sadd.s32 $0x1880, s21;
	[smem:$0x7E4] =	sst s25  }
0x36: {  	s24 =	sadd.s32 $0x74, s19;
	[smem:$0x7F7] =	sst s22  }
0x37: {  	s29 =	sadd.s32 s2, s12;
	[smem:$0x7F9] =	sst s24  }
0x38: {  	s12 =	sadd.s32 s18, s11;
	[smem:$0x7D9] =	sst s29  }
0x39: {  	s14 =	sadd.s32 s11, s1;
	[smem:$0x7DC] =	sst s12  }
0x3a: {  	s7 =	sshrl.u32 s28, $0x3;
	s28 =	sadd.s32 $0x6E080, s6;
	[smem:$0x7DD] =	sst s14  }
0x3b: {  	s11 =	sadd.s32 $0x10, s20;
	[smem:$0x7E6] =	sst s28  }
0x3c: {  	s5 =	sor.u32 $0x1FC, s5;
	s20 =	sadd.s32 $0x1500, s21;
	[smem:$0x7EF] =	sst s11  }
0x3d: {  	s26 =	smul.u32 $0x380, s5;
	s23 =	sadd.s32 $0x64, s19;
	[smem:$0x7F6] =	sst s20  }
0x3e: {  	s25 =	sadd.s32 $0x1F80, s21;
	[smem:$0x7F8] =	sst s23  }
0x3f: {  	s8 =	sadd.s32 s2, s26;
	[smem:$0x7FA] =	sst s25  }
0x40: {  	s2 =	sadd.s32 s7, s2;
	[smem:$0x7DA] =	sst s8  }
0x41: {  	s5 =	smul.u32 $0x32, s5;
	s26 =	sadd.s32 $0x6DD00, s6;
	[dreg:$0x14] =	wrdreg s2  }
0x42: {  	s29 =	sadd.s32 $0x6E780, s6;
	[smem:$0x7E5] =	sst s26  }
0x43: {  	s13 =	sshrl.u32 s5, $0x3;
	s5 =	sadd.s32 $0x6EE80, s6;
	[smem:$0x7E7] =	sst s29  }
0x44: {  	s7 =	sadd.s32 $0x6F580, s6;
	[smem:$0x7E9] =	sst s5  }
0x45: {  	s12 =	sadd.s32 $0x380, s21;
	[smem:$0x7EA] =	sst s7  }
0x46: {  	s14 =	sadd.s32 $0xA80, s21;
	[smem:$0x7F0] =	sst s12  }
0x47: {  	s30 =	simm.s32 $0x1;
	s28 =	sadd.s32 $0x2680, s21;
	[smem:$0x7F2] =	sst s14  }
0x48: {  	s31 =	simm.s32 $0x80;
	s1 =	sadd.s32 s13, s1;
	[smem:$0x7FC] =	sst s28  }
0x49: {  	s0 =	simm.s32 $0x7;
	s17 =	sadd.s32 s18, s13;
	[smem:$0x7DE] =	sst s1  }
0x4a: {  	s9 =	simm.s32 $0x18300;
	s18 =	sadd.s32 $0x6C800, s6;
	[smem:$0x7DF] =	sst s17  }
0x4b: {  	s22 =	simm.s32 $0x6;
	s2 =	sadd.s32 $0x6EB00, s6;
	[smem:$0x7E0] =	sst s18  }
0x4c: {  	s11 =	simm.s32 $0x2;
	s8 =	sadd.s32 $0x6F900, s6;
	[smem:$0x7E8] =	sst s2  }
0x4d: {  	s13 =	sadd.s32 $0x700, s21;
	s26 =	sadd.s32 $0x2300, s21;
	[smem:$0x7EB] =	sst s8  }
0x4e: {  	s29 =	sadd.s32 $0x10, s15;
	s14 =	simm.s32 $0x5;
	[smem:$0x7F1] =	sst s13  }
0x4f: {  	s15 =	simm.s32 $0xC;
	s5 =	simm.s32 $0x0;
	[smem:$0x7FB] =	sst s26  }
0x50: {  	s17 =	sadd.s32 $0x5B, s19;
	s18 =	sadd.s32 $0x1180, s21;
	[smem:$0x7FD] =	sst s29  }
0x51: {  	s1 =	simm.s32 $0x48;
	s26 =	simm.s32 $0x4;
	s19 =	simm.s32 $0x8  }
0x52: {  	s2 =	simm.s32 $0xA;
	s8 =	simm.s32 $0xB;
	[smem:$0x7F4] =	sst s17  }
0x53: {  	[smem:$0x7F5] =	sst s18;
	s18 =	simm.s32 $0x3;
	s17 =	simm.s32 $0x9  }
.LBB2_1:
0x54: {  	[smem:$0x7D7] =	sst s5  }
0x55: {  	s6 =	rddreg [dreg:$0x15];
	s20 =	simm.s32 $0x1A000  }
0x56: {  	[tilespmem:s20], [sflag:$0x1] =	stream.linear.gather [hbm4b:s6+s3], $0x80, $0x38;
	[tilespmem:$0x1A400] =	vst v63  }
0x57: {  	s25 =	rddreg [dreg:$0x16];
	s28 =	simm.s32 $0x1A200  }
0x58: {  	[tilespmem:s28], [sflag:$0x1] =	stream.linear.gather [hbm4b:s25+s3], $0x48, $0x38;
	[tilespmem:$0x1A400] =	vst v63  }
0x59: {  	_ =	swait.ge [sflag:s30], $0x80  }
0x5a: {  	[sflag:s30] =	ssyncset.done $0x0  }
0x5b: {  	[sflag:s30] =	ssyncadd.s32 $0xFFFFFF80  }
0x5c: {  	_ =	swait.ge [sflag:s30], $0x48  }
0x5d: {  	[sflag:s30] =	ssyncset.done $0x0  }
0x5e: {  	[sflag:s30] =	ssyncadd.s32 $0xFFFFFFB8  }
0x5f: {  	[tilespmem:s3], [sflag:$0x5] =	stream.indirect.gather [hbm4b:s4+s31], $0x80, s20, s31, $0xb8;
	[tilespmem:$0x1A400] =	vst v63  }
0x60: {  	s12 =	simm.s32 $0x4000;
	s29 =	rddreg [dreg:$0x17]  }
0x61: {  	[tilespmem:s12], [sflag:$0x5] =	stream.indirect.gather [hbm4b:s4+s1], $0x80, s28, s1, $0xb8;
	[tilespmem:$0x1A400] =	vst v63  }
0x62: {  	s25 =	simm.s32 $0x1A080;
	s5 =	sld [smem:$0x7EE]  }
0x63: {  	[tilespmem:s25], [sflag:$0x2] =	stream.linear.gather [hbm4b:s29+s3], $0x80, $0x38;
	[tilespmem:$0x1A400] =	vst v63  }
0x64: {  	s28 =	simm.s32 $0x1A280  }
0x65: {  	[tilespmem:s28], [sflag:$0x2] =	stream.linear.gather [hbm4b:s5+s3], $0x48, $0x38;
	[tilespmem:$0x1A400] =	vst v63  }
0x66: {  	_ =	swait.ge [sflag:s11], $0x80  }
0x67: {  	[sflag:s11] =	ssyncset.done $0x0  }
0x68: {  	[sflag:s11] =	ssyncadd.s32 $0xFFFFFF80  }
0x69: {  	_ =	swait.ge [sflag:s11], $0x48  }
0x6a: {  	[sflag:s11] =	ssyncset.done $0x0  }
0x6b: {  	s13 =	simm.s32 $0x6800;
	[sflag:s11] =	ssyncadd.s32 $0xFFFFFFB8  }
0x6c: {  	[tilespmem:s13], [sflag:$0x6] =	stream.indirect.gather [hbm4b:s4+s31], $0x80, s25, s31, $0xb8;
	[tilespmem:$0x1A400] =	vst v63  }
0x6d: {  	s7 =	simm.s32 $0xA800;
	s10 =	rddreg [dreg:$0x18]  }
0x6e: {  	[tilespmem:s7], [sflag:$0x6] =	stream.indirect.gather [hbm4b:s4+s1], $0x80, s28, s1, $0xb8;
	[tilespmem:$0x1A400] =	vst v63  }
0x6f: {  	s29 =	simm.s32 $0x1A100;
	s21 =	sld [smem:$0x7EF]  }
0x70: {  	[tilespmem:s29], [sflag:$0x3] =	stream.linear.gather [hbm4b:s10+s3], $0x80, $0x38;
	[tilespmem:$0x1A400] =	vst v63  }
0x71: {  	s5 =	simm.s32 $0x1A300  }
0x72: {  	[tilespmem:s5], [sflag:$0x3] =	stream.linear.gather [hbm4b:s21+s3], $0x48, $0x38;
	[tilespmem:$0x1A400] =	vst v63  }
0x73: {  	_ =	swait.ge [sflag:s14], $0x4000  }
0x74: {  	[sflag:s14] =	ssyncset.done $0x0  }
0x75: {  	[sflag:s14] =	ssyncadd.s32 $0xFFFFC000  }
0x76: {  	_ =	swait.ge [sflag:s14], $0x2400  }
0x77: {  	[sflag:s14] =	ssyncset.done $0x0;
	s23 =	rddreg [dreg:$0x19]  }
0x78: {  	s24 =	sld [smem:$0x7F0];
	[sflag:s14] =	ssyncadd.s32 $0xFFFFDC00  }
0x79: {  	[hbm4b:s23+s3] =	stream.linear.scatter [tilespmem:s3], [sflag:$0x9], $0x1C00, $0x38;
	[tilespmem:$0x1A400] =	vst v63  }
0x7a: {  	s7 =	simm.s32 $0x1900;
	s10 =	sld [smem:$0x7F1]  }
0x7b: {  	[hbm4b:s24+s3] =	stream.linear.scatter [tilespmem:s7], [sflag:$0x9], $0x1C00, $0x38;
	[tilespmem:$0x1A400] =	vst v63  }
0x7c: {  	s21 =	simm.s32 $0x3200;
	s23 =	sld [smem:$0x7F2]  }
0x7d: {  	[hbm4b:s10+s3] =	stream.linear.scatter [tilespmem:s21], [sflag:$0x9], $0x1C00, $0x38;
	[tilespmem:$0x1A400] =	vst v63  }
0x7e: {  	s24 =	simm.s32 $0x4B00  }
0x7f: {  	[hbm4b:s23+s3] =	stream.linear.scatter [tilespmem:s24], [sflag:$0x9], $0x1C00, $0x38;
	[tilespmem:$0x1A400] =	vst v63  }
0x80: {  	_ =	swait.ge [sflag:s18], $0x80  }
0x81: {  	[sflag:s18] =	ssyncset.done $0x0  }
0x82: {  	[sflag:s18] =	ssyncadd.s32 $0xFFFFFF80  }
0x83: {  	_ =	swait.ge [sflag:s18], $0x48  }
0x84: {  	[sflag:s18] =	ssyncset.done $0x0  }
0x85: {  	s7 =	simm.s32 $0xD000;
	[sflag:s18] =	ssyncadd.s32 $0xFFFFFFB8  }
0x86: {  	[tilespmem:s7], [sflag:$0x7] =	stream.indirect.gather [hbm4b:s4+s31], $0x80, s29, s31, $0xb8;
	[tilespmem:$0x1A400] =	vst v63  }
0x87: {  	s10 =	simm.s32 $0x11000;
	s21 =	sld [smem:$0x7F3]  }
0x88: {  	[tilespmem:s10], [sflag:$0x7] =	stream.indirect.gather [hbm4b:s4+s1], $0x80, s5, s1, $0xb8;
	[tilespmem:$0x1A400] =	vst v63  }
0x89: {  	s24 =	sld [smem:$0x7F4];
	s7 =	simm.s32 $0x1A180  }
0x8a: {  	[tilespmem:s7], [sflag:$0x4] =	stream.linear.gather [hbm4b:s21+s3], $0x80, $0x38;
	[tilespmem:$0x1A400] =	vst v63  }
0x8b: {  	s10 =	simm.s32 $0x1A380  }
0x8c: {  	[tilespmem:s10], [sflag:$0x4] =	stream.linear.gather [hbm4b:s24+s3], $0x48, $0x38;
	[tilespmem:$0x1A400] =	vst v63  }
0x8d: {  	_ =	swait.ge [sflag:s22], $0x4000  }
0x8e: {  	[sflag:s22] =	ssyncset.done $0x0  }
0x8f: {  	[sflag:s22] =	ssyncadd.s32 $0xFFFFC000  }
0x90: {  	_ =	swait.ge [sflag:s22], $0x2400  }
0x91: {  	[sflag:s22] =	ssyncset.done $0x0;
	s21 =	rddreg [dreg:$0x1a]  }
0x92: {  	s24 =	sld [smem:$0x7F5];
	[sflag:s22] =	ssyncadd.s32 $0xFFFFDC00  }
0x93: {  	[hbm4b:s21+s3] =	stream.linear.scatter [tilespmem:s13], [sflag:$0xA], $0x1C00, $0x38;
	[tilespmem:$0x1A400] =	vst v63  }
0x94: {  	s21 =	simm.s32 $0x8100  }
0x95: {  	[hbm4b:s24+s3] =	stream.linear.scatter [tilespmem:s21], [sflag:$0xA], $0x1C00, $0x38;
	[tilespmem:$0x1A400] =	vst v63  }
0x96: {  	s21 =	sld [smem:$0x7F6];
	_ =	sdelay $0x1  }
0x97: {  	s24 =	simm.s32 $0x9A00  }
0x98: {  	[hbm4b:s21+s3] =	stream.linear.scatter [tilespmem:s24], [sflag:$0xA], $0x1C00, $0x38;
	[tilespmem:$0x1A400] =	vst v63  }
0x99: {  	s21 =	sld [smem:$0x7F7];
	_ =	sdelay $0x1  }
0x9a: {  	s24 =	simm.s32 $0xB300  }
0x9b: {  	[hbm4b:s21+s3] =	stream.linear.scatter [tilespmem:s24], [sflag:$0xA], $0x1C00, $0x38;
	[tilespmem:$0x1A400] =	vst v63  }
0x9c: {  	_ =	swait.ge [sflag:s26], $0x80  }
0x9d: {  	[sflag:s26] =	ssyncset.done $0x0  }
0x9e: {  	[sflag:s26] =	ssyncadd.s32 $0xFFFFFF80  }
0x9f: {  	_ =	swait.ge [sflag:s26], $0x48  }
0xa0: {  	[sflag:s26] =	ssyncset.done $0x0  }
0xa1: {  	s21 =	simm.s32 $0x13800;
	[sflag:s26] =	ssyncadd.s32 $0xFFFFFFB8  }
0xa2: {  	[tilespmem:s21], [sflag:$0x8] =	stream.indirect.gather [hbm4b:s4+s31], $0x80, s7, s31, $0xb8;
	[tilespmem:$0x1A400] =	vst v63  }
0xa3: {  	s24 =	simm.s32 $0x17800  }
0xa4: {  	[tilespmem:s24], [sflag:$0x8] =	stream.indirect.gather [hbm4b:s4+s1], $0x80, s10, s1, $0xb8;
	[tilespmem:$0x1A400] =	vst v63  }
0xa5: {  	s24 =	sld [smem:$0x7F8];
	_ =	sdelay $0x2  }
0xa6: {  	[tilespmem:s20], [sflag:$0x1] =	stream.linear.gather [hbm4b:s24+s3], $0x80, $0x38;
	[tilespmem:$0x1A400] =	vst v63  }
0xa7: {  	s24 =	sld [smem:$0x7F9];
	_ =	sdelay $0x1  }
0xa8: {  	s16 =	simm.s32 $0x1A200  }
0xa9: {  	[tilespmem:s16], [sflag:$0x1] =	stream.linear.gather [hbm4b:s24+s3], $0x48, $0x38;
	[tilespmem:$0x1A400] =	vst v63  }
0xaa: {  	_ =	swait.ge [sflag:s0], $0x4000  }
0xab: {  	[sflag:s0] =	ssyncset.done $0x0  }
0xac: {  	[sflag:s0] =	ssyncadd.s32 $0xFFFFC000  }
0xad: {  	_ =	swait.ge [sflag:s0], $0x2400  }
0xae: {  	[sflag:s0] =	ssyncset.done $0x0  }
0xaf: {  	s23 =	simm.s32 $0xD000;
	s16 =	rddreg [dreg:$0x1b];
	[sflag:s0] =	ssyncadd.s32 $0xFFFFDC00  }
0xb0: {  	[hbm4b:s16+s3] =	stream.linear.scatter [tilespmem:s23], [sflag:$0xB], $0x1C00, $0x38;
	[tilespmem:$0x1A400] =	vst v63  }
0xb1: {  	s16 =	sld [smem:$0x7FA];
	_ =	sdelay $0x1  }
0xb2: {  	s23 =	simm.s32 $0xE900  }
0xb3: {  	[hbm4b:s16+s3] =	stream.linear.scatter [tilespmem:s23], [sflag:$0xB], $0x1C00, $0x38;
	[tilespmem:$0x1A400] =	vst v63  }
0xb4: {  	s16 =	sld [smem:$0x7FB];
	_ =	sdelay $0x1  }
0xb5: {  	s23 =	simm.s32 $0x10200  }
0xb6: {  	[hbm4b:s16+s3] =	stream.linear.scatter [tilespmem:s23], [sflag:$0xB], $0x1C00, $0x38;
	[tilespmem:$0x1A400] =	vst v63  }
0xb7: {  	s16 =	sld [smem:$0x7FC];
	_ =	sdelay $0x1  }
0xb8: {  	s23 =	simm.s32 $0x11B00  }
0xb9: {  	[hbm4b:s16+s3] =	stream.linear.scatter [tilespmem:s23], [sflag:$0xB], $0x1C00, $0x38;
	[tilespmem:$0x1A400] =	vst v63  }
0xba: {  	_ =	swait.ge [sflag:s30], $0x80  }
0xbb: {  	[sflag:s30] =	ssyncset.done $0x0  }
0xbc: {  	[sflag:s30] =	ssyncadd.s32 $0xFFFFFF80  }
0xbd: {  	_ =	swait.ge [sflag:s30], $0x48  }
0xbe: {  	[sflag:s30] =	ssyncset.done $0x0  }
0xbf: {  	[sflag:s30] =	ssyncadd.s32 $0xFFFFFFB8  }
0xc0: {  	_ =	swait.ge [sflag:s17], $0x1C00  }
0xc1: {  	[sflag:s17] =	ssyncset.done $0x0  }
0xc2: {  	[sflag:s17] =	ssyncadd.s32 $0xFFFFE400  }
0xc3: {  	_ =	swait.ge [sflag:s17], $0x1C00  }
0xc4: {  	[sflag:s17] =	ssyncset.done $0x0  }
0xc5: {  	[sflag:s17] =	ssyncadd.s32 $0xFFFFE400  }
0xc6: {  	_ =	swait.ge [sflag:s17], $0x1C00  }
0xc7: {  	[sflag:s17] =	ssyncset.done $0x0  }
0xc8: {  	[sflag:s17] =	ssyncadd.s32 $0xFFFFE400  }
0xc9: {  	_ =	swait.ge [sflag:s17], $0x1C00  }
0xca: {  	[sflag:s17] =	ssyncset.done $0x0  }
0xcb: {  	s16 =	rddreg [dreg:$0x12];
	[sflag:s17] =	ssyncadd.s32 $0xFFFFE400  }
0xcc: {  	[tilespmem:s3], [sflag:$0x5] =	stream.indirect.gather [hbm4b:s4+s31], $0x80, s20, s31, $0xb8;
	[tilespmem:$0x1A400] =	vst v63  }
0xcd: {  	s24 =	simm.s32 $0x1A200;
	s6 =	rddreg [dreg:$0x1]  }
0xce: {  	[tilespmem:s12], [sflag:$0x5] =	stream.indirect.gather [hbm4b:s4+s1], $0x80, s24, s1, $0xb8;
	[tilespmem:$0x1A400] =	vst v63  }
0xcf: {  	s23 =	rddreg [dreg:$0x13];
	s16 =	sadd.s32 s6, s16  }
0xd0: {  	[tilespmem:s25], [sflag:$0x2] =	stream.linear.gather [hbm4b:s16+s3], $0x80, $0x38;
	[tilespmem:$0x1A400] =	vst v63  }
0xd1: {  	s23 =	sadd.s32 s6, s23  }
0xd2: {  	[tilespmem:s28], [sflag:$0x2] =	stream.linear.gather [hbm4b:s23+s3], $0x48, $0x38;
	[tilespmem:$0x1A400] =	vst v63  }
0xd3: {  	_ =	swait.ge [sflag:s19], $0x4000  }
0xd4: {  	[sflag:s19] =	ssyncset.done $0x0  }
0xd5: {  	[sflag:s19] =	ssyncadd.s32 $0xFFFFC000  }
0xd6: {  	_ =	swait.ge [sflag:s19], $0x2400  }
0xd7: {  	s24 =	rddreg [dreg:$0xa]  }
0xd8: {  	[sflag:s19] =	ssyncset.done $0x0;
	s16 =	sadd.s32 $0x0, s24  }
0xd9: {  	s23 =	rddreg [dreg:$0x9];
	[sflag:s19] =	ssyncadd.s32 $0xFFFFDC00;
	s12 =	sadd.s32 $0x2A00, s16  }
0xda: {  	[hbm4b:s12+s3] =	stream.linear.scatter [tilespmem:s21], [sflag:$0xC], $0x1C00, $0x38;
	[tilespmem:$0x1A400] =	vst v63  }
0xdb: {  	s24 =	rddreg [dreg:$0x8];
	s23 =	sadd.s32 $0x0, s23;
	s12 =	simm.s32 $0x15100  }
0xdc: {  	[hbm4b:s23+s3] =	stream.linear.scatter [tilespmem:s12], [sflag:$0xC], $0x1C00, $0x38;
	[tilespmem:$0x1A400] =	vst v63  }
0xdd: {  	s24 =	sadd.s32 $0x0, s24;
	s23 =	rddreg [dreg:$0x7];
	s12 =	simm.s32 $0x16A00  }
0xde: {  	[hbm4b:s24+s3] =	stream.linear.scatter [tilespmem:s12], [sflag:$0xC], $0x1C00, $0x38;
	[tilespmem:$0x1A400] =	vst v63  }
0xdf: {  	s23 =	sadd.s32 $0x0, s23  }
0xe0: {  	[hbm4b:s23+s3] =	stream.linear.scatter [tilespmem:s9], [sflag:$0xC], $0x1C00, $0x38;
	[tilespmem:$0x1A400] =	vst v63  }
0xe1: {  	_ =	swait.ge [sflag:s11], $0x80  }
0xe2: {  	[sflag:s11] =	ssyncset.done $0x0  }
0xe3: {  	[sflag:s11] =	ssyncadd.s32 $0xFFFFFF80  }
0xe4: {  	_ =	swait.ge [sflag:s11], $0x48  }
0xe5: {  	[sflag:s11] =	ssyncset.done $0x0  }
0xe6: {  	[sflag:s11] =	ssyncadd.s32 $0xFFFFFFB8  }
0xe7: {  	_ =	swait.ge [sflag:s2], $0x1C00  }
0xe8: {  	[sflag:s2] =	ssyncset.done $0x0  }
0xe9: {  	[sflag:s2] =	ssyncadd.s32 $0xFFFFE400  }
0xea: {  	_ =	swait.ge [sflag:s2], $0x1C00  }
0xeb: {  	[sflag:s2] =	ssyncset.done $0x0  }
0xec: {  	[sflag:s2] =	ssyncadd.s32 $0xFFFFE400  }
0xed: {  	_ =	swait.ge [sflag:s2], $0x1C00  }
0xee: {  	[sflag:s2] =	ssyncset.done $0x0  }
0xef: {  	[sflag:s2] =	ssyncadd.s32 $0xFFFFE400  }
0xf0: {  	_ =	swait.ge [sflag:s2], $0x1C00  }
0xf1: {  	[sflag:s2] =	ssyncset.done $0x0  }
0xf2: {  	[sflag:s2] =	ssyncadd.s32 $0xFFFFE400  }
0xf3: {  	[tilespmem:s13], [sflag:$0x6] =	stream.indirect.gather [hbm4b:s4+s31], $0x80, s25, s31, $0xb8;
	[tilespmem:$0x1A400] =	vst v63  }
0xf4: {  	s23 =	rddreg [dreg:$0xd];
	s25 =	simm.s32 $0xA800  }
0xf5: {  	[tilespmem:s25], [sflag:$0x6] =	stream.indirect.gather [hbm4b:s4+s1], $0x80, s28, s1, $0xb8;
	[tilespmem:$0x1A400] =	vst v63  }
0xf6: {  	s24 =	rddreg [dreg:$0xe];
	s23 =	sadd.s32 s6, s23  }
0xf7: {  	[tilespmem:s29], [sflag:$0x3] =	stream.linear.gather [hbm4b:s23+s3], $0x80, $0x38;
	[tilespmem:$0x1A400] =	vst v63  }
0xf8: {  	s12 =	sadd.s32 s6, s24  }
0xf9: {  	[tilespmem:s5], [sflag:$0x3] =	stream.linear.gather [hbm4b:s12+s3], $0x48, $0x38;
	[tilespmem:$0x1A400] =	vst v63  }
0xfa: {  	_ =	swait.ge [sflag:s14], $0x4000  }
0xfb: {  	[sflag:s14] =	ssyncset.done $0x0  }
0xfc: {  	[sflag:s14] =	ssyncadd.s32 $0xFFFFC000  }
0xfd: {  	_ =	swait.ge [sflag:s14], $0x2400  }
0xfe: {  	[sflag:s14] =	ssyncset.done $0x0  }
0xff: {  	s24 =	sadd.s32 $0x3800, s16;
	[sflag:s14] =	ssyncadd.s32 $0xFFFFDC00  }
0x100: {  	[hbm4b:s24+s3] =	stream.linear.scatter [tilespmem:s3], [sflag:$0x9], $0x1C00, $0x38;
	[tilespmem:$0x1A400] =	vst v63  }
0x101: {  	s25 =	sadd.s32 $0x3B80, s16;
	s28 =	simm.s32 $0x1900  }
0x102: {  	[hbm4b:s25+s3] =	stream.linear.scatter [tilespmem:s28], [sflag:$0x9], $0x1C00, $0x38;
	[tilespmem:$0x1A400] =	vst v63  }
0x103: {  	s24 =	rddreg [dreg:$0x14];
	s25 =	sadd.s32 $0x3F00, s16;
	s28 =	simm.s32 $0x3200  }
0x104: {  	[hbm4b:s25+s3] =	stream.linear.scatter [tilespmem:s28], [sflag:$0x9], $0x1C00, $0x38;
	[tilespmem:$0x1A400] =	vst v63  }
0x105: {  	s25 =	sadd.s32 $0x0, s24;
	s28 =	simm.s32 $0x4B00  }
0x106: {  	[hbm4b:s25+s3] =	stream.linear.scatter [tilespmem:s28], [sflag:$0x9], $0x1C00, $0x38;
	[tilespmem:$0x1A400] =	vst v63  }
0x107: {  	_ =	swait.ge [sflag:s18], $0x80  }
0x108: {  	[sflag:s18] =	ssyncset.done $0x0  }
0x109: {  	[sflag:s18] =	ssyncadd.s32 $0xFFFFFF80  }
0x10a: {  	_ =	swait.ge [sflag:s18], $0x48  }
0x10b: {  	[sflag:s18] =	ssyncset.done $0x0  }
0x10c: {  	[sflag:s18] =	ssyncadd.s32 $0xFFFFFFB8  }
0x10d: {  	_ =	swait.ge [sflag:s8], $0x1C00  }
0x10e: {  	[sflag:s8] =	ssyncset.done $0x0  }
0x10f: {  	[sflag:s8] =	ssyncadd.s32 $0xFFFFE400  }
0x110: {  	_ =	swait.ge [sflag:s8], $0x1C00  }
0x111: {  	[sflag:s8] =	ssyncset.done $0x0  }
0x112: {  	[sflag:s8] =	ssyncadd.s32 $0xFFFFE400  }
0x113: {  	_ =	swait.ge [sflag:s8], $0x1C00  }
0x114: {  	[sflag:s8] =	ssyncset.done $0x0  }
0x115: {  	[sflag:s8] =	ssyncadd.s32 $0xFFFFE400  }
0x116: {  	_ =	swait.ge [sflag:s8], $0x1C00  }
0x117: {  	[sflag:s8] =	ssyncset.done $0x0  }
0x118: {  	s12 =	simm.s32 $0xD000;
	[sflag:s8] =	ssyncadd.s32 $0xFFFFE400  }
0x119: {  	[tilespmem:s12], [sflag:$0x7] =	stream.indirect.gather [hbm4b:s4+s31], $0x80, s29, s31, $0xb8;
	[tilespmem:$0x1A400] =	vst v63  }
0x11a: {  	s24 =	rddreg [dreg:$0x5];
	s29 =	simm.s32 $0x11000  }
0x11b: {  	[tilespmem:s29], [sflag:$0x7] =	stream.indirect.gather [hbm4b:s4+s1], $0x80, s5, s1, $0xb8;
	[tilespmem:$0x1A400] =	vst v63  }
0x11c: {  	s28 =	rddreg [dreg:$0x6];
	s23 =	sadd.s32 s6, s24  }
0x11d: {  	[tilespmem:s7], [sflag:$0x4] =	stream.linear.gather [hbm4b:s23+s3], $0x80, $0x38;
	[tilespmem:$0x1A400] =	vst v63  }
0x11e: {  	s28 =	sadd.s32 s6, s28  }
0x11f: {  	[tilespmem:s10], [sflag:$0x4] =	stream.linear.gather [hbm4b:s28+s3], $0x48, $0x38;
	[tilespmem:$0x1A400] =	vst v63  }
0x120: {  	_ =	swait.ge [sflag:s22], $0x4000  }
0x121: {  	[sflag:s22] =	ssyncset.done $0x0  }
0x122: {  	[sflag:s22] =	ssyncadd.s32 $0xFFFFC000  }
0x123: {  	_ =	swait.ge [sflag:s22], $0x2400  }
0x124: {  	[sflag:s22] =	ssyncset.done $0x0  }
0x125: {  	s5 =	sadd.s32 $0x4600, s16;
	s29 =	rddreg [dreg:$0x11];
	[sflag:s22] =	ssyncadd.s32 $0xFFFFDC00  }
0x126: {  	[hbm4b:s5+s3] =	stream.linear.scatter [tilespmem:s13], [sflag:$0xA], $0x1C00, $0x38;
	[tilespmem:$0x1A400] =	vst v63  }
0x127: {  	s28 =	simm.s32 $0x8100;
	s25 =	rddreg [dreg:$0x10];
	s23 =	sadd.s32 $0x0, s29  }
0x128: {  	[hbm4b:s23+s3] =	stream.linear.scatter [tilespmem:s28], [sflag:$0xA], $0x1C00, $0x38;
	[tilespmem:$0x1A400] =	vst v63  }
0x129: {  	s29 =	rddreg [dreg:$0xf];
	s24 =	sadd.s32 $0x0, s25;
	s13 =	simm.s32 $0x9A00  }
0x12a: {  	[hbm4b:s24+s3] =	stream.linear.scatter [tilespmem:s13], [sflag:$0xA], $0x1C00, $0x38;
	[tilespmem:$0x1A400] =	vst v63  }
0x12b: {  	s25 =	simm.s32 $0xB300;
	s23 =	sadd.s32 $0x0, s29  }
0x12c: {  	[hbm4b:s23+s3] =	stream.linear.scatter [tilespmem:s25], [sflag:$0xA], $0x1C00, $0x38;
	[tilespmem:$0x1A400] =	vst v63  }
0x12d: {  	_ =	swait.ge [sflag:s26], $0x80  }
0x12e: {  	[sflag:s26] =	ssyncset.done $0x0  }
0x12f: {  	[sflag:s26] =	ssyncadd.s32 $0xFFFFFF80  }
0x130: {  	_ =	swait.ge [sflag:s26], $0x48  }
0x131: {  	[sflag:s26] =	ssyncset.done $0x0  }
0x132: {  	[sflag:s26] =	ssyncadd.s32 $0xFFFFFFB8  }
0x133: {  	_ =	swait.ge [sflag:s15], $0x1C00  }
0x134: {  	[sflag:s15] =	ssyncset.done $0x0  }
0x135: {  	[sflag:s15] =	ssyncadd.s32 $0xFFFFE400  }
0x136: {  	_ =	swait.ge [sflag:s15], $0x1C00  }
0x137: {  	[sflag:s15] =	ssyncset.done $0x0  }
0x138: {  	[sflag:s15] =	ssyncadd.s32 $0xFFFFE400  }
0x139: {  	_ =	swait.ge [sflag:s15], $0x1C00  }
0x13a: {  	[sflag:s15] =	ssyncset.done $0x0  }
0x13b: {  	[sflag:s15] =	ssyncadd.s32 $0xFFFFE400  }
0x13c: {  	_ =	swait.ge [sflag:s15], $0x1C00  }
0x13d: {  	[sflag:s15] =	ssyncset.done $0x0  }
0x13e: {  	[sflag:s15] =	ssyncadd.s32 $0xFFFFE400  }
0x13f: {  	[tilespmem:s21], [sflag:$0x8] =	stream.indirect.gather [hbm4b:s4+s31], $0x80, s7, s31, $0xb8;
	[tilespmem:$0x1A400] =	vst v63  }
0x140: {  	s28 =	rddreg [dreg:$0x3];
	s7 =	simm.s32 $0x17800  }
0x141: {  	[tilespmem:s7], [sflag:$0x8] =	stream.indirect.gather [hbm4b:s4+s1], $0x80, s10, s1, $0xb8;
	[tilespmem:$0x1A400] =	vst v63  }
0x142: {  	s29 =	rddreg [dreg:$0x4];
	s23 =	sadd.s32 s6, s28  }
0x143: {  	[tilespmem:s20], [sflag:$0x1] =	stream.linear.gather [hbm4b:s23+s3], $0x80, $0x38;
	[tilespmem:$0x1A400] =	vst v63  }
0x144: {  	s13 =	simm.s32 $0x1A200;
	s10 =	sadd.s32 s6, s29  }
0x145: {  	[tilespmem:s13], [sflag:$0x1] =	stream.linear.gather [hbm4b:s10+s3], $0x48, $0x38;
	[tilespmem:$0x1A400] =	vst v63  }
0x146: {  	_ =	swait.ge [sflag:s0], $0x4000  }
0x147: {  	[sflag:s0] =	ssyncset.done $0x0  }
0x148: {  	[sflag:s0] =	ssyncadd.s32 $0xFFFFC000  }
0x149: {  	_ =	swait.ge [sflag:s0], $0x2400  }
0x14a: {  	s24 =	simm.s32 $0xE900;
	s21 =	sadd.s32 $0x5400, s16;
	[sflag:s0] =	ssyncset.done $0x0  }
0x14b: {  	s16 =	sadd.s32 $0x5780, s16;
	s20 =	rddreg [dreg:$0xc];
	[sflag:s0] =	ssyncadd.s32 $0xFFFFDC00  }
0x14c: {  	[hbm4b:s21+s3] =	stream.linear.scatter [tilespmem:s12], [sflag:$0xB], $0x1C00, $0x38;
	[tilespmem:$0x1A400] =	vst v63  }
0x14d: {  	s29 =	simm.s32 $0x10200;
	s23 =	sadd.s32 $0x64, s6;
	s25 =	rddreg [dreg:$0xb]  }
0x14e: {  	[hbm4b:s16+s3] =	stream.linear.scatter [tilespmem:s24], [sflag:$0xB], $0x1C00, $0x38;
	[tilespmem:$0x1A400] =	vst v63  }
0x14f: {  	s28 =	sadd.s32 $0x0, s20;
	s16 =	simm.s32 $0x3800;
	s24 =	sadd.s32 $0x0, s25  }
0x150: {  	[hbm4b:s28+s3] =	stream.linear.scatter [tilespmem:s29], [sflag:$0xB], $0x1C00, $0x38;
	[tilespmem:$0x1A400] =	vst v63  }
.LBB2_2:
0x151: {  	s5 =	simm.s32 $0x11B00  }
0x152: {  	[hbm4b:s24+s3] =	stream.linear.scatter [tilespmem:s5], [sflag:$0xB], $0x1C00, $0x38;
	[tilespmem:$0x1A400] =	vst v63  }
0x153: {  	_ =	swait.ge [sflag:s30], $0x80  }
0x154: {  	[sflag:s30] =	ssyncset.done $0x0  }
0x155: {  	[sflag:s30] =	ssyncadd.s32 $0xFFFFFF80  }
0x156: {  	_ =	swait.ge [sflag:s30], $0x48  }
0x157: {  	[sflag:s30] =	ssyncset.done $0x0  }
0x158: {  	[sflag:s30] =	ssyncadd.s32 $0xFFFFFFB8  }
0x159: {  	_ =	swait.ge [sflag:s17], $0x1C00  }
0x15a: {  	[sflag:s17] =	ssyncset.done $0x0  }
0x15b: {  	[sflag:s17] =	ssyncadd.s32 $0xFFFFE400  }
0x15c: {  	_ =	swait.ge [sflag:s17], $0x1C00  }
0x15d: {  	[sflag:s17] =	ssyncset.done $0x0  }
0x15e: {  	[sflag:s17] =	ssyncadd.s32 $0xFFFFE400  }
0x15f: {  	_ =	swait.ge [sflag:s17], $0x1C00  }
0x160: {  	[sflag:s17] =	ssyncset.done $0x0  }
0x161: {  	[sflag:s17] =	ssyncadd.s32 $0xFFFFE400  }
0x162: {  	_ =	swait.ge [sflag:s17], $0x1C00  }
0x163: {  	[sflag:s17] =	ssyncset.done $0x0  }
0x164: {  	s10 =	simm.s32 $0x1A000;
	[sflag:s17] =	ssyncadd.s32 $0xFFFFE400  }
0x165: {  	[tilespmem:s3], [sflag:$0x5] =	stream.indirect.gather [hbm4b:s4+s31], $0x80, s10, s31, $0xb8;
	[tilespmem:$0x1A400] =	vst v63  }
0x166: {  	s12 =	simm.s32 $0x1A200;
	s6 =	simm.s32 $0x4000;
	s25 =	rddreg [dreg:$0x12]  }
0x167: {  	[tilespmem:s6], [sflag:$0x5] =	stream.indirect.gather [hbm4b:s4+s1], $0x80, s12, s1, $0xb8;
	[tilespmem:$0x1A400] =	vst v63  }
0x168: {  	s7 =	simm.s32 $0x1A080;
	s28 =	rddreg [dreg:$0x13];
	s25 =	sadd.s32 s23, s25  }
0x169: {  	[tilespmem:s7], [sflag:$0x2] =	stream.linear.gather [hbm4b:s25+s3], $0x80, $0x38;
	[tilespmem:$0x1A400] =	vst v63  }
0x16a: {  	s13 =	simm.s32 $0x1A280;
	s28 =	sadd.s32 s23, s28  }
0x16b: {  	[tilespmem:s13], [sflag:$0x2] =	stream.linear.gather [hbm4b:s28+s3], $0x48, $0x38;
	[tilespmem:$0x1A400] =	vst v63  }
0x16c: {  	_ =	swait.ge [sflag:s19], $0x4000  }
0x16d: {  	[sflag:s19] =	ssyncset.done $0x0  }
0x16e: {  	[sflag:s19] =	ssyncadd.s32 $0xFFFFC000  }
0x16f: {  	_ =	swait.ge [sflag:s19], $0x2400  }
0x170: {  	s24 =	smov.u32 s16;
	s29 =	rddreg [dreg:$0xa]  }
0x171: {  	s21 =	simm.s32 $0x13800;
	[sflag:s19] =	ssyncset.done $0x0;
	s25 =	sadd.s32 s24, s29  }
0x172: {  	s5 =	rddreg [dreg:$0x9];
	[sflag:s19] =	ssyncadd.s32 $0xFFFFDC00;
	s29 =	sadd.s32 $0x2A00, s25  }
0x173: {  	[hbm4b:s29+s3] =	stream.linear.scatter [tilespmem:s21], [sflag:$0xC], $0x1C00, $0x38;
	[tilespmem:$0x1A400] =	vst v63  }
0x174: {  	s20 =	simm.s32 $0x15100;
	s6 =	rddreg [dreg:$0x8];
	s28 =	sadd.s32 s24, s5  }
0x175: {  	[hbm4b:s28+s3] =	stream.linear.scatter [tilespmem:s20], [sflag:$0xC], $0x1C00, $0x38;
	[tilespmem:$0x1A400] =	vst v63  }
0x176: {  	s6 =	sadd.s32 s24, s6;
	s29 =	rddreg [dreg:$0x7];
	s20 =	simm.s32 $0x16A00  }
0x177: {  	[hbm4b:s6+s3] =	stream.linear.scatter [tilespmem:s20], [sflag:$0xC], $0x1C00, $0x38;
	[tilespmem:$0x1A400] =	vst v63  }
0x178: {  	s28 =	sadd.s32 s24, s29  }
0x179: {  	[hbm4b:s28+s3] =	stream.linear.scatter [tilespmem:s9], [sflag:$0xC], $0x1C00, $0x38;
	[tilespmem:$0x1A400] =	vst v63  }
0x17a: {  	_ =	swait.ge [sflag:s11], $0x80  }
0x17b: {  	[sflag:s11] =	ssyncset.done $0x0  }
0x17c: {  	[sflag:s11] =	ssyncadd.s32 $0xFFFFFF80  }
0x17d: {  	_ =	swait.ge [sflag:s11], $0x48  }
0x17e: {  	[sflag:s11] =	ssyncset.done $0x0  }
0x17f: {  	[sflag:s11] =	ssyncadd.s32 $0xFFFFFFB8  }
0x180: {  	_ =	swait.ge [sflag:s2], $0x1C00  }
0x181: {  	[sflag:s2] =	ssyncset.done $0x0  }
0x182: {  	[sflag:s2] =	ssyncadd.s32 $0xFFFFE400  }
0x183: {  	_ =	swait.ge [sflag:s2], $0x1C00  }
0x184: {  	[sflag:s2] =	ssyncset.done $0x0  }
0x185: {  	[sflag:s2] =	ssyncadd.s32 $0xFFFFE400  }
0x186: {  	_ =	swait.ge [sflag:s2], $0x1C00  }
0x187: {  	[sflag:s2] =	ssyncset.done $0x0  }
0x188: {  	[sflag:s2] =	ssyncadd.s32 $0xFFFFE400  }
0x189: {  	_ =	swait.ge [sflag:s2], $0x1C00  }
0x18a: {  	[sflag:s2] =	ssyncset.done $0x0  }
0x18b: {  	s5 =	simm.s32 $0x6800;
	[sflag:s2] =	ssyncadd.s32 $0xFFFFE400  }
0x18c: {  	[tilespmem:s5], [sflag:$0x6] =	stream.indirect.gather [hbm4b:s4+s31], $0x80, s7, s31, $0xb8;
	[tilespmem:$0x1A400] =	vst v63  }
0x18d: {  	s20 =	simm.s32 $0xA800;
	s6 =	rddreg [dreg:$0xd]  }
0x18e: {  	[tilespmem:s20], [sflag:$0x6] =	stream.indirect.gather [hbm4b:s4+s1], $0x80, s13, s1, $0xb8;
	[tilespmem:$0x1A400] =	vst v63  }
0x18f: {  	s29 =	rddreg [dreg:$0xe];
	s6 =	sadd.s32 s23, s6;
	s7 =	simm.s32 $0x1A100  }
0x190: {  	[tilespmem:s7], [sflag:$0x3] =	stream.linear.gather [hbm4b:s6+s3], $0x80, $0x38;
	[tilespmem:$0x1A400] =	vst v63  }
0x191: {  	s28 =	sadd.s32 s23, s29;
	s13 =	simm.s32 $0x1A300  }
0x192: {  	[tilespmem:s13], [sflag:$0x3] =	stream.linear.gather [hbm4b:s28+s3], $0x48, $0x38;
	[tilespmem:$0x1A400] =	vst v63  }
0x193: {  	_ =	swait.ge [sflag:s14], $0x4000  }
0x194: {  	[sflag:s14] =	ssyncset.done $0x0  }
0x195: {  	[sflag:s14] =	ssyncadd.s32 $0xFFFFC000  }
0x196: {  	_ =	swait.ge [sflag:s14], $0x2400  }
0x197: {  	[sflag:s14] =	ssyncset.done $0x0  }
0x198: {  	s29 =	sadd.s32 $0x3800, s25;
	[sflag:s14] =	ssyncadd.s32 $0xFFFFDC00  }
0x199: {  	[hbm4b:s29+s3] =	stream.linear.scatter [tilespmem:s3], [sflag:$0x9], $0x1C00, $0x38;
	[tilespmem:$0x1A400] =	vst v63  }
0x19a: {  	s20 =	simm.s32 $0x1900;
	s6 =	sadd.s32 $0x3B80, s25  }
0x19b: {  	[hbm4b:s6+s3] =	stream.linear.scatter [tilespmem:s20], [sflag:$0x9], $0x1C00, $0x38;
	[tilespmem:$0x1A400] =	vst v63  }
0x19c: {  	s28 =	rddreg [dreg:$0x14];
	s6 =	sadd.s32 $0x3F00, s25;
	s20 =	simm.s32 $0x3200  }
0x19d: {  	[hbm4b:s6+s3] =	stream.linear.scatter [tilespmem:s20], [sflag:$0x9], $0x1C00, $0x38;
	[tilespmem:$0x1A400] =	vst v63  }
0x19e: {  	s29 =	sadd.s32 s24, s28;
	s20 =	simm.s32 $0x4B00  }
0x19f: {  	[hbm4b:s29+s3] =	stream.linear.scatter [tilespmem:s20], [sflag:$0x9], $0x1C00, $0x38;
	[tilespmem:$0x1A400] =	vst v63  }
0x1a0: {  	_ =	swait.ge [sflag:s18], $0x80  }
0x1a1: {  	[sflag:s18] =	ssyncset.done $0x0  }
0x1a2: {  	[sflag:s18] =	ssyncadd.s32 $0xFFFFFF80  }
0x1a3: {  	_ =	swait.ge [sflag:s18], $0x48  }
0x1a4: {  	[sflag:s18] =	ssyncset.done $0x0  }
0x1a5: {  	[sflag:s18] =	ssyncadd.s32 $0xFFFFFFB8  }
0x1a6: {  	_ =	swait.ge [sflag:s8], $0x1C00  }
0x1a7: {  	[sflag:s8] =	ssyncset.done $0x0  }
0x1a8: {  	[sflag:s8] =	ssyncadd.s32 $0xFFFFE400  }
0x1a9: {  	_ =	swait.ge [sflag:s8], $0x1C00  }
0x1aa: {  	[sflag:s8] =	ssyncset.done $0x0  }
0x1ab: {  	[sflag:s8] =	ssyncadd.s32 $0xFFFFE400  }
0x1ac: {  	_ =	swait.ge [sflag:s8], $0x1C00  }
0x1ad: {  	[sflag:s8] =	ssyncset.done $0x0  }
0x1ae: {  	[sflag:s8] =	ssyncadd.s32 $0xFFFFE400  }
0x1af: {  	_ =	swait.ge [sflag:s8], $0x1C00  }
0x1b0: {  	[sflag:s8] =	ssyncset.done $0x0  }
0x1b1: {  	s20 =	simm.s32 $0xD000;
	[sflag:s8] =	ssyncadd.s32 $0xFFFFE400  }
0x1b2: {  	[tilespmem:s20], [sflag:$0x7] =	stream.indirect.gather [hbm4b:s4+s31], $0x80, s7, s31, $0xb8;
	[tilespmem:$0x1A400] =	vst v63  }
0x1b3: {  	s29 =	simm.s32 $0x11000;
	s6 =	rddreg [dreg:$0x5]  }
0x1b4: {  	[tilespmem:s29], [sflag:$0x7] =	stream.indirect.gather [hbm4b:s4+s1], $0x80, s13, s1, $0xb8;
	[tilespmem:$0x1A400] =	vst v63  }
0x1b5: {  	s28 =	rddreg [dreg:$0x6];
	s6 =	sadd.s32 s23, s6;
	s7 =	simm.s32 $0x1A180  }
0x1b6: {  	[tilespmem:s7], [sflag:$0x4] =	stream.linear.gather [hbm4b:s6+s3], $0x80, $0x38;
	[tilespmem:$0x1A400] =	vst v63  }
0x1b7: {  	s29 =	sadd.s32 s23, s28;
	s13 =	simm.s32 $0x1A380  }
0x1b8: {  	[tilespmem:s13], [sflag:$0x4] =	stream.linear.gather [hbm4b:s29+s3], $0x48, $0x38;
	[tilespmem:$0x1A400] =	vst v63  }
0x1b9: {  	_ =	swait.ge [sflag:s22], $0x4000  }
0x1ba: {  	[sflag:s22] =	ssyncset.done $0x0  }
0x1bb: {  	[sflag:s22] =	ssyncadd.s32 $0xFFFFC000  }
0x1bc: {  	_ =	swait.ge [sflag:s22], $0x2400  }
0x1bd: {  	[sflag:s22] =	ssyncset.done $0x0  }
0x1be: {  	s28 =	sadd.s32 $0x4600, s25;
	s6 =	rddreg [dreg:$0x11];
	[sflag:s22] =	ssyncadd.s32 $0xFFFFDC00  }
0x1bf: {  	[hbm4b:s28+s3] =	stream.linear.scatter [tilespmem:s5], [sflag:$0xA], $0x1C00, $0x38;
	[tilespmem:$0x1A400] =	vst v63  }
0x1c0: {  	s29 =	rddreg [dreg:$0x10];
	s6 =	sadd.s32 s24, s6;
	s5 =	simm.s32 $0x8100  }
0x1c1: {  	[hbm4b:s6+s3] =	stream.linear.scatter [tilespmem:s5], [sflag:$0xA], $0x1C00, $0x38;
	[tilespmem:$0x1A400] =	vst v63  }
0x1c2: {  	s28 =	rddreg [dreg:$0xf];
	s5 =	sadd.s32 s24, s29;
	s29 =	simm.s32 $0x9A00  }
0x1c3: {  	[hbm4b:s5+s3] =	stream.linear.scatter [tilespmem:s29], [sflag:$0xA], $0x1C00, $0x38;
	[tilespmem:$0x1A400] =	vst v63  }
0x1c4: {  	s28 =	sadd.s32 s24, s28;
	s29 =	simm.s32 $0xB300  }
0x1c5: {  	[hbm4b:s28+s3] =	stream.linear.scatter [tilespmem:s29], [sflag:$0xA], $0x1C00, $0x38;
	[tilespmem:$0x1A400] =	vst v63  }
0x1c6: {  	_ =	swait.ge [sflag:s26], $0x80  }
0x1c7: {  	[sflag:s26] =	ssyncset.done $0x0  }
0x1c8: {  	[sflag:s26] =	ssyncadd.s32 $0xFFFFFF80  }
0x1c9: {  	_ =	swait.ge [sflag:s26], $0x48  }
0x1ca: {  	[sflag:s26] =	ssyncset.done $0x0  }
0x1cb: {  	[sflag:s26] =	ssyncadd.s32 $0xFFFFFFB8  }
0x1cc: {  	_ =	swait.ge [sflag:s15], $0x1C00  }
0x1cd: {  	[sflag:s15] =	ssyncset.done $0x0  }
0x1ce: {  	[sflag:s15] =	ssyncadd.s32 $0xFFFFE400  }
0x1cf: {  	_ =	swait.ge [sflag:s15], $0x1C00  }
0x1d0: {  	[sflag:s15] =	ssyncset.done $0x0  }
0x1d1: {  	[sflag:s15] =	ssyncadd.s32 $0xFFFFE400  }
0x1d2: {  	_ =	swait.ge [sflag:s15], $0x1C00  }
0x1d3: {  	[sflag:s15] =	ssyncset.done $0x0  }
0x1d4: {  	[sflag:s15] =	ssyncadd.s32 $0xFFFFE400  }
0x1d5: {  	_ =	swait.ge [sflag:s15], $0x1C00  }
0x1d6: {  	[sflag:s15] =	ssyncset.done $0x0  }
0x1d7: {  	[sflag:s15] =	ssyncadd.s32 $0xFFFFE400  }
0x1d8: {  	[tilespmem:s21], [sflag:$0x8] =	stream.indirect.gather [hbm4b:s4+s31], $0x80, s7, s31, $0xb8;
	[tilespmem:$0x1A400] =	vst v63  }
0x1d9: {  	s29 =	simm.s32 $0x17800;
	s6 =	rddreg [dreg:$0x3]  }
0x1da: {  	[tilespmem:s29], [sflag:$0x8] =	stream.indirect.gather [hbm4b:s4+s1], $0x80, s13, s1, $0xb8;
	[tilespmem:$0x1A400] =	vst v63  }
0x1db: {  	s6 =	sadd.s32 s23, s6;
	s21 =	rddreg [dreg:$0x4]  }
0x1dc: {  	[tilespmem:s10], [sflag:$0x1] =	stream.linear.gather [hbm4b:s6+s3], $0x80, $0x38;
	[tilespmem:$0x1A400] =	vst v63  }
0x1dd: {  	s5 =	sadd.s32 s23, s21  }
0x1de: {  	[tilespmem:s12], [sflag:$0x1] =	stream.linear.gather [hbm4b:s5+s3], $0x48, $0x38;
	[tilespmem:$0x1A400] =	vst v63  }
0x1df: {  	_ =	swait.ge [sflag:s0], $0x4000  }
0x1e0: {  	[sflag:s0] =	ssyncset.done $0x0  }
0x1e1: {  	[sflag:s0] =	ssyncadd.s32 $0xFFFFC000  }
0x1e2: {  	p0 =	sne.s32 s16, $0x65800;
	_ =	swait.ge [sflag:s0], $0x2400  }
0x1e3: {  	s16 =	sadd.s32 $0x3800, s16;
	s28 =	simm.s32 $0x10200;
	[sflag:s0] =	ssyncset.done $0x0  }
0x1e4: {  	s7 =	simm.s32 $0x1A000;
	s12 =	sadd.s32 $0x5400, s25;
	[sflag:s0] =	ssyncadd.s32 $0xFFFFDC00  }
0x1e5: {  	[hbm4b:s12+s3] =	stream.linear.scatter [tilespmem:s20], [sflag:$0xB], $0x1C00, $0x38;
	[tilespmem:$0x1A400] =	vst v63  }
.Ltmp0:
0x1e6: {  	s21 =	simm.s32 $0xE900;
	s6 =	rddreg [dreg:$0xc];
	(pc) =	sbr.rel @p0 .LBB2_2-.Ltmp0, $4  }
0x1e7: {  	s23 =	sadd.s32 $0x64, s23;
	s25 =	sadd.s32 $0x5780, s25;
	s13 =	rddreg [dreg:$0xb]  }
0x1e8: {  	[hbm4b:s25+s3] =	stream.linear.scatter [tilespmem:s21], [sflag:$0xB], $0x1C00, $0x38;
	[tilespmem:$0x1A400] =	vst v63  }
0x1e9: {  	s10 =	simm.s32 $0x1A200;
	s6 =	sadd.s32 s24, s6;
	s24 =	sadd.s32 s24, s13  }
0x1ea: {  	[hbm4b:s6+s3] =	stream.linear.scatter [tilespmem:s28], [sflag:$0xB], $0x1C00, $0x38;
	[tilespmem:$0x1A400] =	vst v63  }
0x1eb: {  	s13 =	simm.s32 $0x11B00  }
0x1ec: {  	[hbm4b:s24+s3] =	stream.linear.scatter [tilespmem:s13], [sflag:$0xB], $0x1C00, $0x38;
	[tilespmem:$0x1A400] =	vst v63  }
0x1ed: {  	_ =	swait.ge [sflag:s30], $0x80  }
0x1ee: {  	[sflag:s30] =	ssyncset.done $0x0  }
0x1ef: {  	[sflag:s30] =	ssyncadd.s32 $0xFFFFFF80  }
0x1f0: {  	_ =	swait.ge [sflag:s30], $0x48  }
0x1f1: {  	[sflag:s30] =	ssyncset.done $0x0  }
0x1f2: {  	[sflag:s30] =	ssyncadd.s32 $0xFFFFFFB8  }
0x1f3: {  	_ =	swait.ge [sflag:s17], $0x1C00  }
0x1f4: {  	[sflag:s17] =	ssyncset.done $0x0  }
0x1f5: {  	[sflag:s17] =	ssyncadd.s32 $0xFFFFE400  }
0x1f6: {  	_ =	swait.ge [sflag:s17], $0x1C00  }
0x1f7: {  	[sflag:s17] =	ssyncset.done $0x0  }
0x1f8: {  	[sflag:s17] =	ssyncadd.s32 $0xFFFFE400  }
0x1f9: {  	_ =	swait.ge [sflag:s17], $0x1C00  }
0x1fa: {  	[sflag:s17] =	ssyncset.done $0x0  }
0x1fb: {  	[sflag:s17] =	ssyncadd.s32 $0xFFFFE400  }
0x1fc: {  	_ =	swait.ge [sflag:s17], $0x1C00  }
0x1fd: {  	[sflag:s17] =	ssyncset.done $0x0  }
0x1fe: {  	[sflag:s17] =	ssyncadd.s32 $0xFFFFE400  }
0x1ff: {  	[tilespmem:s3], [sflag:$0x5] =	stream.indirect.gather [hbm4b:s4+s31], $0x80, s7, s31, $0xb8;
	[tilespmem:$0x1A400] =	vst v63  }
0x200: {  	s6 =	simm.s32 $0x4000;
	s23 =	sld [smem:$0x7FD]  }
0x201: {  	[tilespmem:s6], [sflag:$0x5] =	stream.indirect.gather [hbm4b:s4+s1], $0x80, s10, s1, $0xb8;
	[tilespmem:$0x1A400] =	vst v63  }
0x202: {  	s12 =	simm.s32 $0x1A080;
	s10 =	rddreg [dreg:$0x1c]  }
0x203: {  	[tilespmem:s12], [sflag:$0x2] =	stream.linear.gather [hbm4b:s10+s3], $0x80, $0x38;
	[tilespmem:$0x1A400] =	vst v63  }
0x204: {  	s24 =	simm.s32 $0x1A280  }
0x205: {  	[tilespmem:s24], [sflag:$0x2] =	stream.linear.gather [hbm4b:s23+s3], $0x48, $0x38;
	[tilespmem:$0x1A400] =	vst v63  }
0x206: {  	_ =	swait.ge [sflag:s19], $0x4000  }
0x207: {  	[sflag:s19] =	ssyncset.done $0x0  }
0x208: {  	[sflag:s19] =	ssyncadd.s32 $0xFFFFC000  }
0x209: {  	_ =	swait.ge [sflag:s19], $0x2400  }
0x20a: {  	[sflag:s19] =	ssyncset.done $0x0;
	s25 =	rddreg [dreg:$0x1d]  }
0x20b: {  	s9 =	simm.s32 $0x13800;
	s28 =	rddreg [dreg:$0x1e];
	[sflag:s19] =	ssyncadd.s32 $0xFFFFDC00  }
0x20c: {  	[hbm4b:s25+s3] =	stream.linear.scatter [tilespmem:s9], [sflag:$0xC], $0x1C00, $0x38;
	[tilespmem:$0x1A400] =	vst v63  }
0x20d: {  	s16 =	simm.s32 $0x15100;
	s29 =	rddreg [dreg:$0x1f]  }
0x20e: {  	[hbm4b:s28+s3] =	stream.linear.scatter [tilespmem:s16], [sflag:$0xC], $0x1C00, $0x38;
	[tilespmem:$0x1A400] =	vst v63  }
0x20f: {  	s20 =	simm.s32 $0x16A00;
	s5 =	sld [smem:$0x7DB]  }
0x210: {  	[hbm4b:s29+s3] =	stream.linear.scatter [tilespmem:s20], [sflag:$0xC], $0x1C00, $0x38;
	[tilespmem:$0x1A400] =	vst v63  }
0x211: {  	s21 =	simm.s32 $0x18300  }
0x212: {  	[hbm4b:s5+s3] =	stream.linear.scatter [tilespmem:s21], [sflag:$0xC], $0x1C00, $0x38;
	[tilespmem:$0x1A400] =	vst v63  }
0x213: {  	_ =	swait.ge [sflag:s11], $0x80  }
0x214: {  	[sflag:s11] =	ssyncset.done $0x0  }
0x215: {  	[sflag:s11] =	ssyncadd.s32 $0xFFFFFF80  }
0x216: {  	_ =	swait.ge [sflag:s11], $0x48  }
0x217: {  	[sflag:s11] =	ssyncset.done $0x0  }
0x218: {  	[sflag:s11] =	ssyncadd.s32 $0xFFFFFFB8  }
0x219: {  	_ =	swait.ge [sflag:s2], $0x1C00  }
0x21a: {  	[sflag:s2] =	ssyncset.done $0x0  }
0x21b: {  	[sflag:s2] =	ssyncadd.s32 $0xFFFFE400  }
0x21c: {  	_ =	swait.ge [sflag:s2], $0x1C00  }
0x21d: {  	[sflag:s2] =	ssyncset.done $0x0  }
0x21e: {  	[sflag:s2] =	ssyncadd.s32 $0xFFFFE400  }
0x21f: {  	_ =	swait.ge [sflag:s2], $0x1C00  }
0x220: {  	[sflag:s2] =	ssyncset.done $0x0  }
0x221: {  	[sflag:s2] =	ssyncadd.s32 $0xFFFFE400  }
0x222: {  	_ =	swait.ge [sflag:s2], $0x1C00  }
0x223: {  	[sflag:s2] =	ssyncset.done $0x0  }
0x224: {  	s5 =	simm.s32 $0x6800;
	[sflag:s2] =	ssyncadd.s32 $0xFFFFE400  }
0x225: {  	[tilespmem:s5], [sflag:$0x6] =	stream.indirect.gather [hbm4b:s4+s31], $0x80, s12, s31, $0xb8;
	[tilespmem:$0x1A400] =	vst v63  }
0x226: {  	s7 =	simm.s32 $0xA800;
	s12 =	sld [smem:$0x7DC]  }
0x227: {  	[tilespmem:s7], [sflag:$0x6] =	stream.indirect.gather [hbm4b:s4+s1], $0x80, s24, s1, $0xb8;
	[tilespmem:$0x1A400] =	vst v63  }
0x228: {  	s23 =	sld [smem:$0x7DD];
	s7 =	simm.s32 $0x1A100  }
0x229: {  	[tilespmem:s7], [sflag:$0x3] =	stream.linear.gather [hbm4b:s12+s3], $0x80, $0x38;
	[tilespmem:$0x1A400] =	vst v63  }
0x22a: {  	s10 =	simm.s32 $0x1A300  }
0x22b: {  	[tilespmem:s10], [sflag:$0x3] =	stream.linear.gather [hbm4b:s23+s3], $0x48, $0x38;
	[tilespmem:$0x1A400] =	vst v63  }
0x22c: {  	_ =	swait.ge [sflag:s14], $0x4000  }
0x22d: {  	[sflag:s14] =	ssyncset.done $0x0  }
0x22e: {  	[sflag:s14] =	ssyncadd.s32 $0xFFFFC000  }
0x22f: {  	_ =	swait.ge [sflag:s14], $0x2400  }
0x230: {  	s24 =	sld [smem:$0x7E0]  }
0x231: {  	[sflag:s14] =	ssyncset.done $0x0  }
0x232: {  	s25 =	sld [smem:$0x7E1];
	[sflag:s14] =	ssyncadd.s32 $0xFFFFDC00  }
0x233: {  	[hbm4b:s24+s3] =	stream.linear.scatter [tilespmem:s3], [sflag:$0x9], $0x1C00, $0x38;
	[tilespmem:$0x1A400] =	vst v63  }
0x234: {  	s12 =	simm.s32 $0x1900;
	s28 =	sld [smem:$0x7E2]  }
0x235: {  	[hbm4b:s25+s3] =	stream.linear.scatter [tilespmem:s12], [sflag:$0x9], $0x1C00, $0x38;
	[tilespmem:$0x1A400] =	vst v63  }
0x236: {  	s29 =	simm.s32 $0x3200;
	s23 =	sld [smem:$0x7E3]  }
0x237: {  	[hbm4b:s28+s3] =	stream.linear.scatter [tilespmem:s29], [sflag:$0x9], $0x1C00, $0x38;
	[tilespmem:$0x1A400] =	vst v63  }
0x238: {  	s24 =	simm.s32 $0x4B00  }
0x239: {  	[hbm4b:s23+s3] =	stream.linear.scatter [tilespmem:s24], [sflag:$0x9], $0x1C00, $0x38;
	[tilespmem:$0x1A400] =	vst v63  }
0x23a: {  	_ =	swait.ge [sflag:s18], $0x80  }
0x23b: {  	[sflag:s18] =	ssyncset.done $0x0  }
0x23c: {  	[sflag:s18] =	ssyncadd.s32 $0xFFFFFF80  }
0x23d: {  	_ =	swait.ge [sflag:s18], $0x48  }
0x23e: {  	[sflag:s18] =	ssyncset.done $0x0  }
0x23f: {  	[sflag:s18] =	ssyncadd.s32 $0xFFFFFFB8  }
0x240: {  	_ =	swait.ge [sflag:s8], $0x1C00  }
0x241: {  	[sflag:s8] =	ssyncset.done $0x0  }
0x242: {  	[sflag:s8] =	ssyncadd.s32 $0xFFFFE400  }
0x243: {  	_ =	swait.ge [sflag:s8], $0x1C00  }
0x244: {  	[sflag:s8] =	ssyncset.done $0x0  }
0x245: {  	[sflag:s8] =	ssyncadd.s32 $0xFFFFE400  }
0x246: {  	_ =	swait.ge [sflag:s8], $0x1C00  }
0x247: {  	[sflag:s8] =	ssyncset.done $0x0  }
0x248: {  	[sflag:s8] =	ssyncadd.s32 $0xFFFFE400  }
0x249: {  	_ =	swait.ge [sflag:s8], $0x1C00  }
0x24a: {  	[sflag:s8] =	ssyncset.done $0x0  }
0x24b: {  	s12 =	simm.s32 $0xD000;
	[sflag:s8] =	ssyncadd.s32 $0xFFFFE400  }
0x24c: {  	[tilespmem:s12], [sflag:$0x7] =	stream.indirect.gather [hbm4b:s4+s31], $0x80, s7, s31, $0xb8;
	[tilespmem:$0x1A400] =	vst v63  }
0x24d: {  	s25 =	simm.s32 $0x11000;
	s28 =	sld [smem:$0x7DF]  }
0x24e: {  	[tilespmem:s25], [sflag:$0x7] =	stream.indirect.gather [hbm4b:s4+s1], $0x80, s10, s1, $0xb8;
	[tilespmem:$0x1A400] =	vst v63  }
0x24f: {  	s29 =	sld [smem:$0x7DE];
	s7 =	simm.s32 $0x1A180  }
0x250: {  	[tilespmem:s7], [sflag:$0x4] =	stream.linear.gather [hbm4b:s28+s3], $0x80, $0x38;
	[tilespmem:$0x1A400] =	vst v63  }
0x251: {  	s10 =	simm.s32 $0x1A380  }
0x252: {  	[tilespmem:s10], [sflag:$0x4] =	stream.linear.gather [hbm4b:s29+s3], $0x48, $0x38;
	[tilespmem:$0x1A400] =	vst v63  }
0x253: {  	_ =	swait.ge [sflag:s22], $0x4000  }
0x254: {  	[sflag:s22] =	ssyncset.done $0x0  }
0x255: {  	[sflag:s22] =	ssyncadd.s32 $0xFFFFC000  }
0x256: {  	_ =	swait.ge [sflag:s22], $0x2400  }
0x257: {  	s23 =	sld [smem:$0x7D8]  }
0x258: {  	[sflag:s22] =	ssyncset.done $0x0  }
0x259: {  	s24 =	sld [smem:$0x7E4];
	[sflag:s22] =	ssyncadd.s32 $0xFFFFDC00  }
0x25a: {  	[hbm4b:s23+s3] =	stream.linear.scatter [tilespmem:s5], [sflag:$0xA], $0x1C00, $0x38;
	[tilespmem:$0x1A400] =	vst v63  }
0x25b: {  	s25 =	simm.s32 $0x8100;
	s28 =	sld [smem:$0x7E5]  }
0x25c: {  	[hbm4b:s24+s3] =	stream.linear.scatter [tilespmem:s25], [sflag:$0xA], $0x1C00, $0x38;
	[tilespmem:$0x1A400] =	vst v63  }
0x25d: {  	s29 =	simm.s32 $0x9A00;
	s5 =	sld [smem:$0x7E6]  }
0x25e: {  	[hbm4b:s28+s3] =	stream.linear.scatter [tilespmem:s29], [sflag:$0xA], $0x1C00, $0x38;
	[tilespmem:$0x1A400] =	vst v63  }
0x25f: {  	s23 =	simm.s32 $0xB300  }
0x260: {  	[hbm4b:s5+s3] =	stream.linear.scatter [tilespmem:s23], [sflag:$0xA], $0x1C00, $0x38;
	[tilespmem:$0x1A400] =	vst v63  }
0x261: {  	_ =	swait.ge [sflag:s26], $0x80  }
0x262: {  	[sflag:s26] =	ssyncset.done $0x0  }
0x263: {  	[sflag:s26] =	ssyncadd.s32 $0xFFFFFF80  }
0x264: {  	_ =	swait.ge [sflag:s26], $0x48  }
0x265: {  	[sflag:s26] =	ssyncset.done $0x0  }
0x266: {  	[sflag:s26] =	ssyncadd.s32 $0xFFFFFFB8  }
0x267: {  	_ =	swait.ge [sflag:s15], $0x1C00  }
0x268: {  	[sflag:s15] =	ssyncset.done $0x0  }
0x269: {  	[sflag:s15] =	ssyncadd.s32 $0xFFFFE400  }
0x26a: {  	_ =	swait.ge [sflag:s15], $0x1C00  }
0x26b: {  	[sflag:s15] =	ssyncset.done $0x0  }
0x26c: {  	[sflag:s15] =	ssyncadd.s32 $0xFFFFE400  }
0x26d: {  	_ =	swait.ge [sflag:s15], $0x1C00  }
0x26e: {  	[sflag:s15] =	ssyncset.done $0x0  }
0x26f: {  	[sflag:s15] =	ssyncadd.s32 $0xFFFFE400  }
0x270: {  	_ =	swait.ge [sflag:s15], $0x1C00  }
0x271: {  	[sflag:s15] =	ssyncset.done $0x0  }
0x272: {  	[sflag:s15] =	ssyncadd.s32 $0xFFFFE400  }
0x273: {  	[tilespmem:s9], [sflag:$0x8] =	stream.indirect.gather [hbm4b:s4+s31], $0x80, s7, s31, $0xb8;
	[tilespmem:$0x1A400] =	vst v63  }
0x274: {  	s24 =	simm.s32 $0x17800  }
0x275: {  	[tilespmem:s24], [sflag:$0x8] =	stream.indirect.gather [hbm4b:s4+s1], $0x80, s10, s1, $0xb8;
	[tilespmem:$0x1A400] =	vst v63  }
0x276: {  	_ =	swait.ge [sflag:s0], $0x4000  }
0x277: {  	[sflag:s0] =	ssyncset.done $0x0  }
0x278: {  	[sflag:s0] =	ssyncadd.s32 $0xFFFFC000  }
0x279: {  	_ =	swait.ge [sflag:s0], $0x2400  }
0x27a: {  	s25 =	sld [smem:$0x7D9]  }
0x27b: {  	[sflag:s0] =	ssyncset.done $0x0  }
0x27c: {  	s28 =	sld [smem:$0x7E7];
	[sflag:s0] =	ssyncadd.s32 $0xFFFFDC00  }
0x27d: {  	[hbm4b:s25+s3] =	stream.linear.scatter [tilespmem:s12], [sflag:$0xB], $0x1C00, $0x38;
	[tilespmem:$0x1A400] =	vst v63  }
0x27e: {  	s29 =	simm.s32 $0xE900;
	s7 =	sld [smem:$0x7E8]  }
0x27f: {  	[hbm4b:s28+s3] =	stream.linear.scatter [tilespmem:s29], [sflag:$0xB], $0x1C00, $0x38;
	[tilespmem:$0x1A400] =	vst v63  }
0x280: {  	s10 =	simm.s32 $0x10200;
	s12 =	sld [smem:$0x7E9]  }
0x281: {  	[hbm4b:s7+s3] =	stream.linear.scatter [tilespmem:s10], [sflag:$0xB], $0x1C00, $0x38;
	[tilespmem:$0x1A400] =	vst v63  }
0x282: {  	_ = 	snop  }
0x283: {  	[hbm4b:s12+s3] =	stream.linear.scatter [tilespmem:s13], [sflag:$0xB], $0x1C00, $0x38;
	[tilespmem:$0x1A400] =	vst v63  }
0x284: {  	_ =	swait.ge [sflag:s19], $0x4000  }
0x285: {  	[sflag:s19] =	ssyncset.done $0x0  }
0x286: {  	[sflag:s19] =	ssyncadd.s32 $0xFFFFC000  }
0x287: {  	_ =	swait.ge [sflag:s19], $0x2400  }
0x288: {  	s13 =	sld [smem:$0x7DA]  }
0x289: {  	[sflag:s19] =	ssyncset.done $0x0  }
0x28a: {  	s23 =	sld [smem:$0x7EA];
	[sflag:s19] =	ssyncadd.s32 $0xFFFFDC00  }
0x28b: {  	[hbm4b:s13+s3] =	stream.linear.scatter [tilespmem:s9], [sflag:$0xC], $0x1C00, $0x38;
	[tilespmem:$0x1A400] =	vst v63  }
0x28c: {  	s24 =	sld [smem:$0x7EB]  }
0x28d: {  	[hbm4b:s23+s3] =	stream.linear.scatter [tilespmem:s16], [sflag:$0xC], $0x1C00, $0x38;
	[tilespmem:$0x1A400] =	vst v63  }
0x28e: {  	s25 =	sld [smem:$0x7EC]  }
0x28f: {  	[hbm4b:s24+s3] =	stream.linear.scatter [tilespmem:s20], [sflag:$0xC], $0x1C00, $0x38;
	[tilespmem:$0x1A400] =	vst v63  }
0x290: {  	_ = 	snop  }
0x291: {  	[hbm4b:s25+s3] =	stream.linear.scatter [tilespmem:s21], [sflag:$0xC], $0x1C00, $0x38;
	[tilespmem:$0x1A400] =	vst v63  }
0x292: {  	_ =	swait.ge [sflag:s17], $0x1C00  }
0x293: {  	[sflag:s17] =	ssyncset.done $0x0  }
0x294: {  	[sflag:s17] =	ssyncadd.s32 $0xFFFFE400  }
0x295: {  	_ =	swait.ge [sflag:s17], $0x1C00  }
0x296: {  	[sflag:s17] =	ssyncset.done $0x0  }
0x297: {  	[sflag:s17] =	ssyncadd.s32 $0xFFFFE400  }
0x298: {  	_ =	swait.ge [sflag:s17], $0x1C00  }
0x299: {  	[sflag:s17] =	ssyncset.done $0x0  }
0x29a: {  	[sflag:s17] =	ssyncadd.s32 $0xFFFFE400  }
0x29b: {  	_ =	swait.ge [sflag:s17], $0x1C00  }
0x29c: {  	[sflag:s17] =	ssyncset.done $0x0  }
0x29d: {  	[sflag:s17] =	ssyncadd.s32 $0xFFFFE400  }
0x29e: {  	_ =	swait.ge [sflag:s2], $0x1C00  }
0x29f: {  	[sflag:s2] =	ssyncset.done $0x0  }
0x2a0: {  	[sflag:s2] =	ssyncadd.s32 $0xFFFFE400  }
0x2a1: {  	_ =	swait.ge [sflag:s2], $0x1C00  }
0x2a2: {  	[sflag:s2] =	ssyncset.done $0x0  }
0x2a3: {  	[sflag:s2] =	ssyncadd.s32 $0xFFFFE400  }
0x2a4: {  	_ =	swait.ge [sflag:s2], $0x1C00  }
0x2a5: {  	[sflag:s2] =	ssyncset.done $0x0  }
0x2a6: {  	[sflag:s2] =	ssyncadd.s32 $0xFFFFE400  }
0x2a7: {  	_ =	swait.ge [sflag:s2], $0x1C00  }
0x2a8: {  	[sflag:s2] =	ssyncset.done $0x0  }
0x2a9: {  	[sflag:s2] =	ssyncadd.s32 $0xFFFFE400  }
0x2aa: {  	_ =	swait.ge [sflag:s8], $0x1C00  }
0x2ab: {  	[sflag:s8] =	ssyncset.done $0x0  }
0x2ac: {  	[sflag:s8] =	ssyncadd.s32 $0xFFFFE400  }
0x2ad: {  	_ =	swait.ge [sflag:s8], $0x1C00  }
0x2ae: {  	[sflag:s8] =	ssyncset.done $0x0  }
0x2af: {  	[sflag:s8] =	ssyncadd.s32 $0xFFFFE400  }
0x2b0: {  	_ =	swait.ge [sflag:s8], $0x1C00  }
0x2b1: {  	[sflag:s8] =	ssyncset.done $0x0  }
0x2b2: {  	[sflag:s8] =	ssyncadd.s32 $0xFFFFE400  }
0x2b3: {  	_ =	swait.ge [sflag:s8], $0x1C00  }
0x2b4: {  	[sflag:s8] =	ssyncset.done $0x0  }
0x2b5: {  	[sflag:s8] =	ssyncadd.s32 $0xFFFFE400  }
0x2b6: {  	_ =	swait.ge [sflag:s15], $0x1C00  }
0x2b7: {  	[sflag:s15] =	ssyncset.done $0x0  }
0x2b8: {  	[sflag:s15] =	ssyncadd.s32 $0xFFFFE400  }
0x2b9: {  	_ =	swait.ge [sflag:s15], $0x1C00  }
0x2ba: {  	[sflag:s15] =	ssyncset.done $0x0  }
0x2bb: {  	[sflag:s15] =	ssyncadd.s32 $0xFFFFE400  }
0x2bc: {  	_ =	swait.ge [sflag:s15], $0x1C00  }
0x2bd: {  	[sflag:s15] =	ssyncset.done $0x0  }
0x2be: {  	[sflag:s15] =	ssyncadd.s32 $0xFFFFE400  }
0x2bf: {  	_ =	swait.ge [sflag:s15], $0x1C00  }
0x2c0: {  	s28 =	sld [smem:$0x7D7]  }
0x2c1: {  	s29 =	sld [smem:$0x7ED];
	_ =	sdelay $0x1  }
0x2c2: {  	s5 =	sadd.s32 $0x1, s28  }
0x2c3: {  	p0 =	sne.s32 s5, s29  }
.Ltmp1:
0x2c4: {  	_ = 	snop;
	(pc) =	sbr.rel @p0 .LBB2_1-.Ltmp1, $3  }
0x2c5: {  	_ =	sdelay $0x1  }
0x2c6: {  	[sflag:s15] =	ssyncset.done $0x0  }
0x2c7: {  	s9 =	simm.s32 $0x18300;
	[sflag:s15] =	ssyncadd.s32 $0xFFFFE400  }
0x2c8: {  	_ =	sfence.sel $0x180000  }
0x2c9: {  	[bflag:$0x0] =	sbarrier.arrive $0xFFFF  }
0x2ca: {  	_ =	strace $0x90000047  }
0x2cb: {  	s0 =	stileid.u32;
	[bflag:$0x2] =	sbarrier.arrive $0xFFFF  }
0x2cc: {  	p0 =	sne.s32 s0, $0x0;
	s0 =	rddreg [dreg:$0x2]  }
0x2cd: {  	s0 =	sadd.s32 @!p0 $0x100000, s0  }
0x2ce: {  	[sflag:s0] =	ssyncadd.tile.s32 @!p0 $0x1;
	_ =	shalt  }
.Lfunc_end2:
_tile_overlayer_lowered:
.L_overlay_start_2:
0x2cf: {  	(tag) =	ssettag $0x2  }
0x2d0: {  	s0 =	rddreg [dreg:$0x0];
	s2 =	stileid.u32  }
0x2d1: {  	s1 =	rddreg [dreg:$0x1];
	p0 =	sne.s32 s2, $0x0  }
0x2d2: {  	s3 =	rddreg [dreg:$0x2];
	[bflag:$0x3] =	sbarrier.arrive $0xFFFF;
	s2 =	simm.s32 @!p0 $0x1C0D  }
0x2d3: {  	[timem:s3], [sflag:s2] =	dma.local @!p0 [hbm:s0], s1  }
0x2d4: {  	s0 =	simm.s32 @!p0 $0xD  }
0x2d5: {  	_ =	swait.ge @!p0 [sflag:s0], s1  }
0x2d6: {  	s1 =	ssub.s32 @!p0 $0x0, s1;
	[sflag:s0] =	ssyncset.done @!p0 $0x0  }
0x2d7: {  	[sflag:s0] =	ssyncadd.s32 @!p0 s1  }
0x2d8: {  	[bflag:$0x3] =	sbarrier.arrive $0xFFFF  }
0x2d9: {  	_ =	shalt  }

// kernel: sparse-core-data-format-call.cloned.1.call-start
scs
called_computation_lowered:
.L_overlay_start_0:
0x0: {  	s2 =	sld [smem:$0x3FD9]  }
0x1: {  	s3 =	sld [smem:$0x3FFE];
	_ =	sdelay $0x1  }
0x2: {  	s1 =	srdreg.scid  }
0x3: {  	s0 =	sand.u32 $0x1, s1  }
0x4: {  	s18 =	sshll.u32 s0, $0xA;
	s2 =	sadd.s32 s3, s2  }
0x5: {  	s2 =	sadd.s32 s2, s18  }
0x6: {  	[smem:$0x3FC6] =	sst s2  }
0x7: {  	_ = 	snop  }
0x8: {  	s2 =	sld [smem:$0x3FD0];
	(tm) =	ssettm $0x1  }
0x9: {  	s19 =	sld [smem:$0x3FFB];
	_ =	sdelay $0x3  }
0xa: {  	_ =	strace s19  }
0xb: {  	s3 =	sld [smem:$0x3FFC];
	_ =	sdelay $0x3  }
0xc: {  	_ =	strace s3  }
0xd: {  	s3 =	sld [smem:$0x3FFD];
	_ =	sdelay $0x3  }
0xe: {  	_ =	strace s3  }
0xf: {  	_ =	strace $0x8FFFFFFF  }
0x10: {  	s20 =	sld [smem:$0x3FDB];
	_ =	sdelay $0x1  }
0x11: {  	s4 =	simm.s32 $_scs_section_size  }
0x12: {  	s5 =	simm.s32 $_size__tile_overlayer_lowered;
	s6 =	simm.s32 $_tile_overlayer_lowered  }
0x13: {  	s23 =	simm.s32 $0x1BFF;
	s22 =	sshll.u32 s6, $0x1;
	s3 =	sadd.s32 s4, s20  }
0x14: {  	s7 =	simm.s32 $0x0;
	s21 =	sshll.u32 s5, $0x1;
	s5 =	sadd.s32 s22, s3  }
0x15: {  	[timem:s7], [sflag:s23] =	dma.local [hbm:s5], s21  }
0x16: {  	_ =	swait.ge [sflag:s23], s21  }
0x17: {  	s4 =	ssub.s32 $0x0, s21;
	[sflag:s23] =	ssyncset.done $0x0  }
0x18: {  	[sflag:s23] =	ssyncadd.s32 s4;
	_ =	sdelay $0x1  }
0x19: {  	s24 =	simm.s32 $0x1B8B  }
0x1a: {  	_ =	swait.ge [sflag:s24], $0x1  }
0x1b: {  	[sflag:s24] =	ssyncset.done $0x0  }
0x1c: {  	s26 =	simm.s32 $0x1B8E;
	s25 =	sld [smem:$0x3FFE];
	[sflag:s24] =	ssyncadd.s32 $0xFFFFFFFF  }
0x1d: {  	s27 =	simm.s32 $execute0_lowered;
	[smem:$0x3FD2] =	sst s26  }
0x1e: {  	s5 =	sshll.u32 s27, $0x1;
	_ =	strace $0x80000049;
	[dreg:$0x1] =	wrdreg $0xFFFFFFFF  }
0x1f: {  	s28 =	simm.s32 $_size_execute0_lowered;
	s3 =	sadd.s32 s3, s5;
	[dreg:$0x0] =	wrdreg $0x0  }
0x20: {  	s5 =	sshll.u32 s28, $0x1;
	[dreg:$0x2] =	wrdreg s3  }
0x21: {  	[dreg:$0x3] =	wrdreg s5  }
0x22: {  	[dreg:$0x4] =	wrdreg $0xC0  }
0x23: {  	_ =	task [dreg:s7], $0x5FFFF  }
0x24: {  	[dreg:$0x1] =	wrdreg $0xFFFFFFFF  }
0x25: {  	[dreg:$0x0] =	wrdreg $0x60  }
0x26: {  	[dreg:$0x2] =	wrdreg s25  }
0x27: {  	[dreg:$0x3] =	wrdreg s2  }
0x28: {  	[dreg:$0x4] =	wrdreg $0x9  }
0x29: {  	_ =	task.clear_ibuf [dreg:s7], $0x5FFFF;
	_ =	strace $0x90000049  }
0x2a: {  	s29 =	simm.s32 $0x9;
	_ =	strace $0x8000004B  }
0x2b: {  	_ =	swait.ge [sflag:s29], $0x1  }
0x2c: {  	[sflag:s29] =	ssyncadd.s32 $0xFFFFFFFF  }
0x2d: {  	_ =	strace $0x9000004B  }
0x2e: {  	_ =	sfence  }
0x2f: {  	s30 =	sld [smem:$0x0];
	_ =	sdelay $0x2  }
0x30: {  	s31 =	sshll.u32 s1, $0xD;
	s1 =	sshrl.u32 s1, $0x2  }
0x31: {  	s3 =	sand.u32 $0x4000, s31;
	s1 =	sadd.s32 s1, s30  }
0x32: {  	s0 =	sor.u32 s3, s0;
	s1 =	sshll.u32 s1, $0x11  }
0x33: {  	s0 =	sor.u32 s1, s0  }
0x34: {  	s0 =	sadd.s32 $0x8F2B, s0  }
0x35: {  	[sflag:s0] =	ssyncadd.remote.s32 $0x1  }
0x36: {  	_ =	sfence.sel $0xFFFF  }
0x37: {  	[dreg:$0x0] =	wrdreg $0xFFFFFFFF;
	(pc) =	sbr.abs _section_cstart, $3  }
0x38: {  	[dreg:$0x1] =	wrdreg $0xFFFFFFFF  }
0x39: {  	_ =	task.clear_ibuf [dreg:s7], $0x2FFFF;
	_ =	strace $0x9FFFFFFF  }
0x3a: {  	(tm) =	ssettm $0x7FFFFFFF  }
0x3b: {  	_ =	shalt  }
tec
execute0_lowered:
.L_overlay_start_1:
0x0: {  	(tag) =	ssettag $0x1  }
0x1: {  	s0 =	srdreg.scid  }
0x2: {  	s1 =	sshll.u32 s0, $0x4  }
0x3: {  	s0 =	stileid.u32;
	s1 =	sand.u32 $0x10, s1  }
0x4: {  	s1 =	sor.u32 s0, s1  }
0x5: {  	s6 =	rddreg [dreg:$0x0];
	s4 =	simm.s32 $0x1;
	s2 =	sshll.u32 s1, $0x7  }
0x6: {  	s7 =	simm.s32 $0x2;
	s12 =	simm.s32 $0x0;
	s1 =	ssub.s32 $0x4000, s2  }
0x7: {  	s8 =	simm.s32 $0x20000;
	s13 =	simm.s32 $0x0;
	s3 =	sand.u32 $0xF80, s1  }
0x8: {  	s9 =	simm.s32 $0x0;
	s5 =	sshrl.u32 s1, $0xC;
	p0 =	sne.s32 s3, $0x0  }
.Ltmp0:
0x9: {  	s1 =	rddreg [dreg:$0x2];
	s4 =	simm.s32 @!p0 $0x0;
	(pc) =	sbr.rel .LBB1_1-.Ltmp0, $4  }
0xa: {  	s11 =	simm.s32 $0x0;
	s3 =	rddreg [dreg:$0x1];
	s5 =	sadd.s32 s4, s5  }
0xb: {  	_ =	strace $0x8000004A;
	s4 =	simm.s32 $0x1;
	s5 =	smul.u32 $0x32, s5  }
0xc: {  	s6 =	sadd.s32 $0xE00A00, s6;
	s10 =	smov.u32 s2;
	[sflag:s4] =	ssyncpa.u1 $0x0  }
0xd: {  	p0 =	por $0x0, $0x0;
	[sflag:s7] =	ssyncpa.u1 $0x0;
	s7 =	sor.u32 $0x1, s5  }
.LBB1_4:
0xe: {  	s16 =	sshll.u32 s13, $0x3;
	s17 =	sand.u32 $0x78, s13  }
0xf: {  	s30 =	sand.u32 $0x1F800, s13;
	s12 =	sshll.u32 s12, $0x11;
	s16 =	sand.u32 $0x3C00, s16  }
0x10: {  	[tilespmem:s15+$0x810 ss:$0x81] =	vst.msk $0xffff, v2;
	s31 =	sand.u32 $0x7, s13;
	s16 =	sor.u32 s17, s16;
	s17 =	sadd.s32 s3, s30  }
0x11: {  	[tilespmem:s15+$0x1020 ss:$0x81] =	vst.msk $0xffff, v0;
	s13 =	sshll.u32 s31, $0x12;
	s12 =	sadd.s32 s12, s17;
	s16 =	sshrl.u32 s16, $0x3  }
0x12: {  	[tilespmem:s15+$0x0 ss:$0x81] =	vst.msk $0xffff, v1;
	s13 =	sor.u32 $0x400, s13;
	s12 =	sadd.s32 s16, s12  }
0x13: {  	[hbm4b:s12+s13] =	stream.strided.scatter [tilespmem:s14], [sflag:$0x2], $0x2000, s8, s13, $0x20;
	[tilespmem:$0x8080] =	vst v63  }
.LBB1_5:
0x14: {  	s14 =	sadd.s32 $0x1, s9  }
0x15: {  	s12 =	sadd.s32 $0x1000, s10;
	s16 =	smov.u32 s10;
	p2 =	sgt.s32 s14, $0x31  }
0x16: {  	s16 =	smov.u32 @p2 s12  }
0x17: {  	s14 =	simm.s32 @p2 $0x0;
	p2 =	sgt.s32 s16, $0x3FFF  }
0x18: {  	s16 =	smov.u32 @p2 s2;
	p2 =	sne.s32 s11, s7  }
.Ltmp1:
0x19: {  	p1 =	slt.u32 s11, $0x2;
	(pc) =	sbr.rel @!p2 .LBB1_6-.Ltmp1, $4  }
0x1a: {  	s15 =	simm.s32 @!p1 $0x2  }
0x1b: {  	s13 =	smov.u32 s10;
	p0 =	por !p0, !p0;
	_ =	swait.ge @!p1 [sflag:s15], $0x2000  }
0x1c: {  	s12 =	smov.u32 s9;
	[sflag:s15] =	ssyncset.done @!p1 $0x0;
	s9 =	smov.u32 s14  }
0x1d: {  	s11 =	sadd.s32 $0x1, s11;
	[sflag:s15] =	ssyncadd.s32 @!p1 $0xFFFFE000;
	s10 =	smov.u32 s16  }
.LBB1_1:
0x1e: {  	p1 =	sge.u32 s11, s5  }
0x1f: {  	s14 =	sand.u32 @!p1 $0x1FFFFFF, s9  }
0x20: {  	s15 =	smulhi.u32 @!p1 $0x4924925, s14;
	_ =	sdelay $0x1  }
0x21: {  	s15 =	smul.u32 @!p1 $0x38, s15  }
0x22: {  	s16 =	sxor.u32 @!p1 $0xFFFFFFFF, s11;
	s17 =	smul.u32 @!p1 $0x380, s10  }
0x23: {  	s31 =	sadd.s32 $0xFFFFFFFF, s11;
	s16 =	sshll.u32 @!p1 s16, $0xD;
	s14 =	ssub.s32 @!p1 s14, s15  }
0x24: {  	s15 =	sand.u32 @!p1 $0x2000, s16;
	s16 =	sadd.s32 @!p1 s6, s17;
	s14 =	sshll.u32 @!p1 s14, $0x4  }
0x25: {  	s17 =	simm.s32 @!p1 $0x1C00;
	s14 =	sadd.s32 @!p1 s14, s16;
	s16 =	simm.s32 @!p1 $0x40  }
0x26: {  	[tilespmem:s15], [sflag:$0x1] =	stream.strided.gather @!p1 [hbm4b:s14+s16], $0x2000, s17, s16, $0x38;
	[tilespmem:$0x8080] =	vst v63  }
0x27: {  	p1 =	sge.u32 s31, s5  }
.Ltmp2:
0x28: {  	_ = 	snop;
	(pc) =	sbr.rel @p1 .LBB1_5-.Ltmp2, $1  }
0x29: {  	_ =	sdelay $0x3  }
0x2a: {  	s14 =	simm.s32 $0x1  }
0x2b: {  	_ =	swait.ge [sflag:s4], $0x2000;
	s14 =	simm.s32 @!p0 $0x0  }
0x2c: {  	[sflag:s4] =	ssyncset.done $0x0;
	s15 =	sshll.u32 s14, $0xD  }
0x2d: {  	[sflag:s4] =	ssyncadd.s32 $0xFFFFE000;
	s18 =	sor.u32 $0x20, s15  }
0x2e: {  	s14 =	smul.u32 $0x8100, s14;
	v3 =	vld [tilespmem:s18+$0x10]  }
0x2f: {  	s30 =	sand.u32 $0x1, s11;
	v2 =	vld [tilespmem:s18+$0xFFFFFFF0]  }
0x30: {  	s15 =	smul.u32 $0x8100, s30;
	s14 =	sshrl.u32 s14, $0x2;
	v0 =	vld [tilespmem:s18+$0x0]  }
0x31: {  	v1 =	vld [tilespmem:s18+$0xFFFFFFE0];
	s16 =	sor.u32 $0x4000, s14  }
0x32: {  	s31 =	sshrl.u32 s15, $0x2;
	s15 =	sadd.s32 $0x0, s16  }
0x33: {  	s17 =	simm.s32 $0x4;
	s18 =	sadd.s32 $0x40, s18;
	s14 =	sor.u32 $0x4000, s31;
	[tilespmem:s15+$0x1830 ss:$0x81] =	vst.msk $0xffff, v3  }
.LBB1_3:
0x34: {  	v3 =	vld [tilespmem:s18+$0x10];
	p1 =	sne.s32 s17, $0x1FC;
	[tilespmem:s15+$0x810 ss:$0x81] =	vst.msk $0xffff, v2;
	s19 =	smov.u32 s17;
	s17 =	sadd.s32 $0x4, s17  }
.Ltmp3:
0x35: {  	v2 =	vld [tilespmem:s18+$0xFFFFFFF0];
	[tilespmem:s15+$0x1020 ss:$0x81] =	vst.msk $0xffff, v0;
	(pc) =	sbr.rel @p1 .LBB1_3-.Ltmp3, $4  }
0x36: {  	v0 =	vld [tilespmem:s18+$0x0];
	[tilespmem:s15+$0x0 ss:$0x81] =	vst.msk $0xffff, v1  }
0x37: {  	s15 =	sshra.s32 s19, $0x2;
	v1 =	vld [tilespmem:s18+$0xFFFFFFE0]  }
0x38: {  	s15 =	sadd.s32 s15, s16  }
0x39: {  	s18 =	sadd.s32 $0x40, s18;
	[tilespmem:s15+$0x1830 ss:$0x81] =	vst.msk $0xffff, v3  }
.Ltmp4:
0x3a: {  	_ = 	snop;
	(pc) =	sbr.rel .LBB1_4-.Ltmp4, $1  }
0x3b: {  	_ =	sdelay $0x3  }
.LBB1_6:
0x3c: {  	_ =	sfence.sel $0x180000  }
0x3d: {  	s2 =	simm.s32 $0x1;
	[bflag:$0x0] =	sbarrier.arrive $0xFFFF  }
0x3e: {  	s31 =	simm.s32 $0x2;
	[sflag:s2] =	ssyncpa.u1 $0x1  }
0x3f: {  	[sflag:s31] =	ssyncpa.u1 $0x1  }
0x40: {  	p0 =	sne.s32 s0, $0x0;
	_ =	strace $0x9000004A  }
0x41: {  	s0 =	sadd.s32 @!p0 $0x100000, s1;
	[bflag:$0x2] =	sbarrier.arrive $0xFFFF  }
0x42: {  	[sflag:s0] =	ssyncadd.tile.s32 @!p0 $0x1;
	_ =	shalt  }
.Lfunc_end1:
_tile_overlayer_lowered:
.L_overlay_start_2:
0x43: {  	(tag) =	ssettag $0x2  }
0x44: {  	s0 =	rddreg [dreg:$0x0];
	s2 =	stileid.u32  }
0x45: {  	s1 =	rddreg [dreg:$0x1];
	p0 =	sne.s32 s2, $0x0  }
0x46: {  	s3 =	rddreg [dreg:$0x2];
	[bflag:$0x3] =	sbarrier.arrive $0xFFFF;
	s2 =	simm.s32 @!p0 $0x1C01  }
0x47: {  	[timem:s3], [sflag:s2] =	dma.local @!p0 [hbm:s0], s1  }
0x48: {  	s0 =	simm.s32 @!p0 $0x1  }
0x49: {  	_ =	swait.ge @!p0 [sflag:s0], s1  }
0x4a: {  	s1 =	ssub.s32 @!p0 $0x0, s1;
	[sflag:s0] =	ssyncset.done @!p0 $0x0  }
0x4b: {  	[sflag:s0] =	ssyncadd.s32 @!p0 s1  }
0x4c: {  	[bflag:$0x3] =	sbarrier.arrive $0xFFFF  }
0x4d: {  	_ =	shalt  }

</sc_bundles>
